<compile_context>
chip_gen: v7x
topology: tpu7x:2x2x1
jax: 0.10.2.dev20260603
libtpu: 0.0.44.dev20260713+nightly
codegen_flags: <defaults>
</compile_context>

<pallas_src>
import functools

import jax
import jax.numpy as jnp
from jax import lax
from jax.experimental import pallas as pl
from jax.experimental.pallas import tpu as pltpu
from jax.experimental.pallas import tpu_sc as plsc

_MAX_BOX = 100
_IOU_THRES = 0.5
_SCORE_THRES = 0.05
_NEG = -1e10
_L = 16
_KP = 112


def _rot(buf, v, sh):
    buf[pl.ds(0, _L)] = v
    buf[pl.ds(_L, _L)] = v
    return buf[pl.ds(sh, _L)]


def _argmax_bcast(key, idx, payloads, rotf, roti):
    for sh in (8, 4, 2, 1):
        pk = _rot(rotf, key, sh)
        pi = _rot(roti, idx, sh)
        take = (pk > key) | ((pk == key) & (pi < idx))
        key = jnp.where(take, pk, key)
        idx = jnp.where(take, pi, idx)
        payloads = [jnp.where(take, _rot(rotf, p, sh), p)
                    for p in payloads]
    return key, idx, payloads


def _nms_sc_body(C, RS, B, BP, H, W, NW,
                 sc_hbm, ro_hbm, dl_hbm,
                 sels_hbm, sy1_hbm, sx1_hbm, sy2_hbm, sx2_hbm,
                 sv, ry1, rx1, ry2, rx2, d0, d1, d2, d3,
                 y1v, x1v, y2v, x2v, a2v,
                 sel_s, sel_y1, sel_x1, sel_y2, sel_x2, rotf, roti):
    NB = BP // _L
    f32 = jnp.float32
    iota = lax.iota(jnp.int32, _L)
    wid = lax.axis_index("s") * 2 + lax.axis_index("c")

    def do_class(r):
        n = r // C
        pltpu.sync_copy(sc_hbm.at[pl.ds(r * BP, BP)], sv)
        pltpu.sync_copy(ro_hbm.at[pl.ds((n * 4 + 0) * BP, BP)], ry1)
        pltpu.sync_copy(ro_hbm.at[pl.ds((n * 4 + 1) * BP, BP)], rx1)
        pltpu.sync_copy(ro_hbm.at[pl.ds((n * 4 + 2) * BP, BP)], ry2)
        pltpu.sync_copy(ro_hbm.at[pl.ds((n * 4 + 3) * BP, BP)], rx2)
        pltpu.sync_copy(dl_hbm.at[pl.ds((r * 4 + 0) * BP, BP)], d0)
        pltpu.sync_copy(dl_hbm.at[pl.ds((r * 4 + 1) * BP, BP)], d1)
        pltpu.sync_copy(dl_hbm.at[pl.ds((r * 4 + 2) * BP, BP)], d2)
        pltpu.sync_copy(dl_hbm.at[pl.ds((r * 4 + 3) * BP, BP)], d3)

        def dec(i, carry):
            mx, mi, py1, px1, py2, px2 = carry
            sl = pl.ds(i * _L, _L)
            a = ry1[sl]
            b = rx1[sl]
            c2 = ry2[sl]
            e = rx2[sl]
            w0 = e - b + 1.0
            h0 = c2 - a + 1.0
            x0 = b + w0 / 2.0
            y0 = a + h0 / 2.0
            cx = (d0[sl] / 10.0) * w0 + x0
            cy = (d1[sl] / 10.0) * h0 + y0
            wwv = jnp.exp(d2[sl] / 5.0) * w0
            hhv = jnp.exp(d3[sl] / 5.0) * h0
            xx1 = jnp.clip(cx - 0.5 * wwv, 0.0, W - 1.0)
            yy1 = jnp.clip(cy - 0.5 * hhv, 0.0, H - 1.0)
            xx2 = jnp.clip(cx + 0.5 * wwv, 0.0, W - 1.0)
            yy2 = jnp.clip(cy + 0.5 * hhv, 0.0, H - 1.0)
            y1v[sl] = yy1
            x1v[sl] = xx1
            y2v[sl] = yy2
            x2v[sl] = xx2
            a2v[sl] = (yy2 - yy1) * (xx2 - xx1)
            s = sv[sl]
            gidx = jnp.broadcast_to(i * _L, (_L,)) + iota
            keep = (s > _SCORE_THRES) & (gidx < B)
            snew = jnp.where(keep, s, _NEG)
            sv[sl] = snew
            take = snew > mx
            return (jnp.where(take, snew, mx), jnp.where(take, gidx, mi),
                    jnp.where(take, yy1, py1), jnp.where(take, xx1, px1),
                    jnp.where(take, yy2, py2), jnp.where(take, xx2, px2))

        zf0 = jnp.zeros((_L,), f32)
        mx, mi, py1, px1, py2, px2 = lax.fori_loop(
            0, NB, dec,
            (jnp.full((_L,), -2e10, f32), jnp.zeros((_L,), jnp.int32),
             zf0, zf0, zf0, zf0))
        Mv0, giv0, (by10, bx10, by20, bx20) = _argmax_bcast(
            mx, mi, [py1, px1, py2, px2], rotf, roti)

        def step(k, carry):
            (Mv, giv, by1, bx1, by2, bx2,
             acc_s, acc_y1, acc_x1, acc_y2, acc_x2) = carry

            validv = Mv > (_NEG * 0.5)
            kmod = k - (k // _L) * _L
            hit = iota == jnp.broadcast_to(kmod, (_L,))
            acc_s2 = jnp.where(hit, jnp.where(validv, Mv, 0.0), acc_s)
            acc_y12 = jnp.where(hit, jnp.where(validv, by1, 0.0), acc_y1)
            acc_x12 = jnp.where(hit, jnp.where(validv, bx1, 0.0), acc_x1)
            acc_y22 = jnp.where(hit, jnp.where(validv, by2, 0.0), acc_y2)
            acc_x22 = jnp.where(hit, jnp.where(validv, bx2, 0.0), acc_x2)
            flush = (kmod == _L - 1) | (k == _MAX_BOX - 1)

            @pl.when(flush)
            def _():
                base = k - kmod
                sel_s[pl.ds(base, _L)] = acc_s2
                sel_y1[pl.ds(base, _L)] = acc_y12
                sel_x1[pl.ds(base, _L)] = acc_x12
                sel_y2[pl.ds(base, _L)] = acc_y22
                sel_x2[pl.ds(base, _L)] = acc_x22

            a1 = (by2 - by1) * (bx2 - bx1)

            def sweep4(i, c):
                slots = []
                for u in range(4):
                    mx, mi, py1, px1, py2, px2 = c[6 * u:6 * u + 6]
                    blk = i * 4 + u
                    sl = pl.ds(blk * _L, _L)
                    y1 = y1v[sl]
                    x1 = x1v[sl]
                    y2 = y2v[sl]
                    x2 = x2v[sl]
                    yA = jnp.maximum(by1, y1)
                    xA = jnp.maximum(bx1, x1)
                    yB = jnp.minimum(by2, y2)
                    xB = jnp.minimum(bx2, x2)
                    inter = (jnp.maximum(yB - yA, 0.0)
                             * jnp.maximum(xB - xA, 0.0))
                    iou = inter / (a1 + a2v[sl] - inter + 1e-8)
                    gidx = jnp.broadcast_to(blk * _L, (_L,)) + iota
                    s = sv[sl]
                    snew = jnp.where((iou > _IOU_THRES) | (gidx == giv),
                                     _NEG, s)
                    sv[sl] = snew
                    take = snew > mx
                    slots.extend(
                        (jnp.where(take, snew, mx),
                         jnp.where(take, gidx, mi),
                         jnp.where(take, y1, py1),
                         jnp.where(take, x1, px1),
                         jnp.where(take, y2, py2),
                         jnp.where(take, x2, px2)))
                return tuple(slots)

            zf = jnp.zeros((_L,), f32)
            init1 = (jnp.full((_L,), -2e10, f32),
                     jnp.zeros((_L,), jnp.int32), zf, zf, zf, zf)
            out4 = lax.fori_loop(0, NB // 4, sweep4, init1 * 4)

            def comb(sa, sb):
                take = ((sb[0] > sa[0])
                        | ((sb[0] == sa[0]) & (sb[1] < sa[1])))
                return tuple(jnp.where(take, b, a)
                             for a, b in zip(sa, sb))

            s01 = comb(out4[0:6], out4[6:12])
            s23 = comb(out4[12:18], out4[18:24])
            mx, mi, py1, px1, py2, px2 = comb(s01, s23)
            nMv, ngiv, (nby1, nbx1, nby2, nbx2) = _argmax_bcast(
                mx, mi, [py1, px1, py2, px2], rotf, roti)

            flvf = jnp.broadcast_to(jnp.where(flush, 1.0, 0.0), (_L,))
            keepf = 1.0 - flvf
            return (nMv, ngiv, nby1, nbx1, nby2, nbx2,
                    acc_s2 * keepf - flvf,
                    acc_y12 * keepf,
                    acc_x12 * keepf,
                    acc_y22 * keepf,
                    acc_x22 * keepf)

        lax.fori_loop(0, _MAX_BOX, step,
                      (Mv0, giv0, by10, bx10, by20, bx20,
                       jnp.full((_L,), -1.0, f32), zf0, zf0, zf0, zf0))

        pltpu.sync_copy(sel_s, sels_hbm.at[pl.ds(r * _KP, _KP)])
        pltpu.sync_copy(sel_y1, sy1_hbm.at[pl.ds(r * _KP, _KP)])
        pltpu.sync_copy(sel_x1, sx1_hbm.at[pl.ds(r * _KP, _KP)])
        pltpu.sync_copy(sel_y2, sy2_hbm.at[pl.ds(r * _KP, _KP)])
        pltpu.sync_copy(sel_x2, sx2_hbm.at[pl.ds(r * _KP, _KP)])

    for j in range(-(-RS // NW)):
        r = wid + NW * j

        @pl.when(r < RS)
        def _():
            do_class(r)


def _nms_sc_pair_body(C, RS, B, BP, H, W,
                      sc_hbm, ro_hbm, dl_hbm,
                      sels_hbm, sy1_hbm, sx1_hbm, sy2_hbm, sx2_hbm,
                      sv, ry1, rx1, ry2, rx2, d0, d1, d2, d3,
                      y1v, x1v, y2v, x2v, a2v,
                      sel_s, sel_y1, sel_x1, sel_y2, sel_x2,
                      rotf, roti, xf, xf2, xi, xi2, shf, shi):
    HB = BP // 4
    NBH = HB // _L
    f32 = jnp.float32
    iota = lax.iota(jnp.int32, _L)
    c = lax.axis_index("c")
    s = lax.axis_index("s")
    h = s - (s // 4) * 4
    r = c * (RS // 2) + s // 4
    n = r // C
    base = h * HB

    pltpu.sync_copy(sc_hbm.at[pl.ds(r * BP + base, HB)], sv)
    pltpu.sync_copy(ro_hbm.at[pl.ds((n * 4 + 0) * BP + base, HB)], ry1)
    pltpu.sync_copy(ro_hbm.at[pl.ds((n * 4 + 1) * BP + base, HB)], rx1)
    pltpu.sync_copy(ro_hbm.at[pl.ds((n * 4 + 2) * BP + base, HB)], ry2)
    pltpu.sync_copy(ro_hbm.at[pl.ds((n * 4 + 3) * BP + base, HB)], rx2)
    pltpu.sync_copy(dl_hbm.at[pl.ds((r * 4 + 0) * BP + base, HB)], d0)
    pltpu.sync_copy(dl_hbm.at[pl.ds((r * 4 + 1) * BP + base, HB)], d1)
    pltpu.sync_copy(dl_hbm.at[pl.ds((r * 4 + 2) * BP + base, HB)], d2)
    pltpu.sync_copy(dl_hbm.at[pl.ds((r * 4 + 3) * BP + base, HB)], d3)

    def exchange(kk, Mv, giv, by1, bx1, by2, bx2):
        buf = kk - (kk // 2) * 2
        xf[pl.ds(0, _L)] = Mv
        xf[pl.ds(_L, _L)] = by1
        xf[pl.ds(2 * _L, _L)] = bx1
        xf[pl.ds(3 * _L, _L)] = by2
        xf[pl.ds(4 * _L, _L)] = bx2
        xi[pl.ds(0, _L)] = giv
        slot = buf * 16 + s
        pltpu.sync_copy(xf, shf.at[pl.ds(slot * 5 * _L, 5 * _L)])
        pltpu.sync_copy(xi, shi.at[pl.ds(slot * _L, _L)])
        plsc.subcore_barrier()
        for dq in (1, 2, 3):
            pslot = buf * 16 + jnp.bitwise_xor(s, dq)
            pltpu.sync_copy(shf.at[pl.ds(pslot * 5 * _L, 5 * _L)], xf2)
            pltpu.sync_copy(shi.at[pl.ds(pslot * _L, _L)], xi2)
            pMv = xf2[pl.ds(0, _L)]
            pby1 = xf2[pl.ds(_L, _L)]
            pbx1 = xf2[pl.ds(2 * _L, _L)]
            pby2 = xf2[pl.ds(3 * _L, _L)]
            pbx2 = xf2[pl.ds(4 * _L, _L)]
            pgiv = xi2[pl.ds(0, _L)]
            take = (pMv > Mv) | ((pMv == Mv) & (pgiv < giv))
            Mv = jnp.where(take, pMv, Mv)
            giv = jnp.where(take, pgiv, giv)
            by1 = jnp.where(take, pby1, by1)
            bx1 = jnp.where(take, pbx1, bx1)
            by2 = jnp.where(take, pby2, by2)
            bx2 = jnp.where(take, pbx2, bx2)
        return (Mv, giv, by1, bx1, by2, bx2)

    def dec(i, carry):
        mx, mi, py1, px1, py2, px2 = carry
        sl = pl.ds(i * _L, _L)
        a = ry1[sl]
        b = rx1[sl]
        c2 = ry2[sl]
        e = rx2[sl]
        w0 = e - b + 1.0
        h0 = c2 - a + 1.0
        x0 = b + w0 / 2.0
        y0 = a + h0 / 2.0
        cx = (d0[sl] / 10.0) * w0 + x0
        cy = (d1[sl] / 10.0) * h0 + y0
        wwv = jnp.exp(d2[sl] / 5.0) * w0
        hhv = jnp.exp(d3[sl] / 5.0) * h0
        xx1 = jnp.clip(cx - 0.5 * wwv, 0.0, W - 1.0)
        yy1 = jnp.clip(cy - 0.5 * hhv, 0.0, H - 1.0)
        xx2 = jnp.clip(cx + 0.5 * wwv, 0.0, W - 1.0)
        yy2 = jnp.clip(cy + 0.5 * hhv, 0.0, H - 1.0)
        y1v[sl] = yy1
        x1v[sl] = xx1
        y2v[sl] = yy2
        x2v[sl] = xx2
        a2v[sl] = (yy2 - yy1) * (xx2 - xx1)
        sc = sv[sl]
        gidx = jnp.broadcast_to(base + i * _L, (_L,)) + iota
        keep = (sc > _SCORE_THRES) & (gidx < B)
        snew = jnp.where(keep, sc, _NEG)
        sv[sl] = snew
        take = snew > mx
        return (jnp.where(take, snew, mx), jnp.where(take, gidx, mi),
                jnp.where(take, yy1, py1), jnp.where(take, xx1, px1),
                jnp.where(take, yy2, py2), jnp.where(take, xx2, px2))

    zf0 = jnp.zeros((_L,), f32)
    mx, mi, py1, px1, py2, px2 = lax.fori_loop(
        0, NBH, dec,
        (jnp.full((_L,), -2e10, f32), jnp.zeros((_L,), jnp.int32),
         zf0, zf0, zf0, zf0))
    Mv0, giv0, (by10, bx10, by20, bx20) = _argmax_bcast(
        mx, mi, [py1, px1, py2, px2], rotf, roti)
    Mv0, giv0, by10, bx10, by20, bx20 = exchange(
        0, Mv0, giv0, by10, bx10, by20, bx20)

    def step(k, carry):
        (Mv, giv, by1, bx1, by2, bx2,
         acc_s, acc_y1, acc_x1, acc_y2, acc_x2) = carry

        validv = Mv > (_NEG * 0.5)
        kmod = k - (k // _L) * _L
        hit = iota == jnp.broadcast_to(kmod, (_L,))
        acc_s2 = jnp.where(hit, jnp.where(validv, Mv, 0.0), acc_s)
        acc_y12 = jnp.where(hit, jnp.where(validv, by1, 0.0), acc_y1)
        acc_x12 = jnp.where(hit, jnp.where(validv, bx1, 0.0), acc_x1)
        acc_y22 = jnp.where(hit, jnp.where(validv, by2, 0.0), acc_y2)
        acc_x22 = jnp.where(hit, jnp.where(validv, bx2, 0.0), acc_x2)
        flush = (kmod == _L - 1) | (k == _MAX_BOX - 1)

        @pl.when(flush)
        def _():
            fbase = k - kmod
            sel_s[pl.ds(fbase, _L)] = acc_s2
            sel_y1[pl.ds(fbase, _L)] = acc_y12
            sel_x1[pl.ds(fbase, _L)] = acc_x12
            sel_y2[pl.ds(fbase, _L)] = acc_y22
            sel_x2[pl.ds(fbase, _L)] = acc_x22

        a1 = (by2 - by1) * (bx2 - bx1)

        def sweep4(i, cc):
            slots = []
            for u in range(4):
                mx, mi, py1, px1, py2, px2 = cc[6 * u:6 * u + 6]
                blk = i * 4 + u
                sl = pl.ds(blk * _L, _L)
                y1 = y1v[sl]
                x1 = x1v[sl]
                y2 = y2v[sl]
                x2 = x2v[sl]
                yA = jnp.maximum(by1, y1)
                xA = jnp.maximum(bx1, x1)
                yB = jnp.minimum(by2, y2)
                xB = jnp.minimum(bx2, x2)
                inter = (jnp.maximum(yB - yA, 0.0)
                         * jnp.maximum(xB - xA, 0.0))
                iou = inter / (a1 + a2v[sl] - inter + 1e-8)
                gidx = jnp.broadcast_to(base + blk * _L, (_L,)) + iota
                sc = sv[sl]
                snew = jnp.where((iou > _IOU_THRES) | (gidx == giv),
                                 _NEG, sc)
                sv[sl] = snew
                take = snew > mx
                slots.extend(
                    (jnp.where(take, snew, mx),
                     jnp.where(take, gidx, mi),
                     jnp.where(take, y1, py1),
                     jnp.where(take, x1, px1),
                     jnp.where(take, y2, py2),
                     jnp.where(take, x2, px2)))
            return tuple(slots)

        zf = jnp.zeros((_L,), f32)
        init1 = (jnp.full((_L,), -2e10, f32),
                 jnp.zeros((_L,), jnp.int32), zf, zf, zf, zf)
        out4 = lax.fori_loop(0, NBH // 4, sweep4, init1 * 4)

        def comb(sa, sb):
            take = ((sb[0] > sa[0])
                    | ((sb[0] == sa[0]) & (sb[1] < sa[1])))
            return tuple(jnp.where(take, b, a) for a, b in zip(sa, sb))

        s01 = comb(out4[0:6], out4[6:12])
        s23 = comb(out4[12:18], out4[18:24])
        mx, mi, py1, px1, py2, px2 = comb(s01, s23)
        nMv, ngiv, (nby1, nbx1, nby2, nbx2) = _argmax_bcast(
            mx, mi, [py1, px1, py2, px2], rotf, roti)
        nMv, ngiv, nby1, nbx1, nby2, nbx2 = exchange(
            k + 1, nMv, ngiv, nby1, nbx1, nby2, nbx2)

        flvf = jnp.broadcast_to(jnp.where(flush, 1.0, 0.0), (_L,))
        keepf = 1.0 - flvf
        return (nMv, ngiv, nby1, nbx1, nby2, nbx2,
                acc_s2 * keepf - flvf,
                acc_y12 * keepf,
                acc_x12 * keepf,
                acc_y22 * keepf,
                acc_x22 * keepf)

    lax.fori_loop(0, _MAX_BOX, step,
                  (Mv0, giv0, by10, bx10, by20, bx20,
                   jnp.full((_L,), -1.0, f32), zf0, zf0, zf0, zf0))

    @pl.when(h == 0)
    def _():
        pltpu.sync_copy(sel_s, sels_hbm.at[pl.ds(r * _KP, _KP)])
        pltpu.sync_copy(sel_y1, sy1_hbm.at[pl.ds(r * _KP, _KP)])
        pltpu.sync_copy(sel_x1, sx1_hbm.at[pl.ds(r * _KP, _KP)])
        pltpu.sync_copy(sel_y2, sy2_hbm.at[pl.ds(r * _KP, _KP)])
        pltpu.sync_copy(sel_x2, sx2_hbm.at[pl.ds(r * _KP, _KP)])


def _nms_tc_body(H, W, B,
                 s_in, ry1, rx1, ry2, rx2, t0, t1, t2, t3,
                 oss, osy1, osx1, osy2, osx2,
                 sref, y1s, x1s, y2s, x2s, a2s):
    RT, BPT = s_in.shape
    f32 = jnp.float32

    w0 = rx2[...] - rx1[...] + 1.0
    h0 = ry2[...] - ry1[...] + 1.0
    x0 = rx1[...] + w0 / 2.0
    y0 = ry1[...] + h0 / 2.0
    cx = (t0[...] / 10.0) * w0 + x0
    cy = (t1[...] / 10.0) * h0 + y0
    ww = jnp.exp(t2[...] / 5.0) * w0
    hh = jnp.exp(t3[...] / 5.0) * h0
    xx1 = jnp.clip(cx - 0.5 * ww, 0.0, W - 1.0)
    yy1 = jnp.clip(cy - 0.5 * hh, 0.0, H - 1.0)
    xx2 = jnp.clip(cx + 0.5 * ww, 0.0, W - 1.0)
    yy2 = jnp.clip(cy + 0.5 * hh, 0.0, H - 1.0)
    y1s[...] = yy1
    x1s[...] = xx1
    y2s[...] = yy2
    x2s[...] = xx2
    a2s[...] = (yy2 - yy1) * (xx2 - xx1)

    lane = jax.lax.broadcasted_iota(jnp.int32, (RT, BPT), 1)
    s = s_in[...]
    sref[...] = jnp.where((lane < B) & (s > _SCORE_THRES), s, _NEG)

    lane128 = jax.lax.broadcasted_iota(jnp.int32, (RT, 128), 1)

    def nms_step(k, carry):
        ss, sy1, sx1, sy2, sx2 = carry
        s = sref[...]
        best = jnp.max(s, axis=1, keepdims=True)
        idx = jnp.min(jnp.where(s == best, lane, BPT), axis=1,
                      keepdims=True)
        eq = lane == idx
        eqf = eq.astype(f32)
        y1 = y1s[...]
        x1 = x1s[...]
        y2 = y2s[...]
        x2 = x2s[...]
        by1 = jnp.sum(y1 * eqf, axis=1, keepdims=True)
        bx1 = jnp.sum(x1 * eqf, axis=1, keepdims=True)
        by2 = jnp.sum(y2 * eqf, axis=1, keepdims=True)
        bx2 = jnp.sum(x2 * eqf, axis=1, keepdims=True)
        yA = jnp.maximum(by1, y1)
        xA = jnp.maximum(bx1, x1)
        yB = jnp.minimum(by2, y2)
        xB = jnp.minimum(bx2, x2)
        inter = jnp.maximum(yB - yA, 0.0) * jnp.maximum(xB - xA, 0.0)
        a1 = (by2 - by1) * (bx2 - bx1)
        iou = inter / (a1 + a2s[...] - inter + 1e-8)
        sref[...] = jnp.where((iou > _IOU_THRES) | eq, _NEG, s)
        valid = best > _NEG * 0.5
        hit = lane128 == k
        ss = jnp.where(hit, jnp.where(valid, best, 0.0), ss)
        sy1 = jnp.where(hit, jnp.where(valid, by1, 0.0), sy1)
        sx1 = jnp.where(hit, jnp.where(valid, bx1, 0.0), sx1)
        sy2 = jnp.where(hit, jnp.where(valid, by2, 0.0), sy2)
        sx2 = jnp.where(hit, jnp.where(valid, bx2, 0.0), sx2)
        return ss, sy1, sx1, sy2, sx2

    init = (jnp.full((RT, 128), -1.0, f32),
            jnp.zeros((RT, 128), f32), jnp.zeros((RT, 128), f32),
            jnp.zeros((RT, 128), f32), jnp.zeros((RT, 128), f32))
    ss, sy1, sx1, sy2, sx2 = jax.lax.fori_loop(0, _MAX_BOX, nms_step, init)
    oss[...] = ss
    osy1[...] = sy1
    osx1[...] = sx1
    osy2[...] = sy2
    osx2[...] = sx2


def _merge_sc_body(C, N,
                   sels_hbm, sy1_hbm, sx1_hbm, sy2_hbm, sx2_hbm,
                   oy1_hbm, ox1_hbm, oy2_hbm, ox2_hbm, osc_hbm, ocl_hbm,
                   ond_hbm,
                   msv, mby1, mbx1, mby2, mbx2,
                   vy1, vx1, vy2, vx2, vsc, vcl, vnd, rotf, roti):
    f32 = jnp.float32
    iota = lax.iota(jnp.int32, _L)
    NBK = C * _KP // _L
    wid = lax.axis_index("s") * 2 + lax.axis_index("c")

    @pl.when(wid < N)
    def _():
        n = wid
        CK = C * _KP
        pltpu.sync_copy(sels_hbm.at[pl.ds(n * CK, CK)], msv)
        pltpu.sync_copy(sy1_hbm.at[pl.ds(n * CK, CK)], mby1)
        pltpu.sync_copy(sx1_hbm.at[pl.ds(n * CK, CK)], mbx1)
        pltpu.sync_copy(sy2_hbm.at[pl.ds(n * CK, CK)], mby2)
        pltpu.sync_copy(sx2_hbm.at[pl.ds(n * CK, CK)], mbx2)

        def mstep(k, carry):
            (lastMv, lastPv, nd,
             ac_s, ac_y1, ac_x1, ac_y2, ac_x2, ac_cl) = carry

            NPB = _KP // _L

            def amax(t, c):
                mx, mp, p1, p2, p3, p4, p5 = c
                sl = pl.ds(t * _L, _L)
                v = msv[sl]
                pos = jnp.broadcast_to(t * _L, (_L,)) + iota
                row = t // NPB
                rowf = jnp.broadcast_to(row, (_L,)).astype(f32)
                elig = (v < lastMv) | ((v == lastMv) & (pos > lastPv))
                take = elig & (v > mx)
                return (jnp.where(take, v, mx), jnp.where(take, pos, mp),
                        jnp.where(take, mby1[sl], p1),
                        jnp.where(take, mbx1[sl], p2),
                        jnp.where(take, mby2[sl], p3),
                        jnp.where(take, mbx2[sl], p4),
                        jnp.where(take, rowf, p5))

            zf = jnp.zeros((_L,), f32)
            mx, mp, p1, p2, p3, p4, p5 = lax.fori_loop(
                0, NBK, amax,
                (jnp.full((_L,), -4.0, f32), jnp.zeros((_L,), jnp.int32),
                 zf, zf, zf, zf, zf))
            Mv, pickv, (by1, bx1, by2, bx2, clsv) = _argmax_bcast(
                mx, mp, [p1, p2, p3, p4, p5], rotf, roti)
            validv = Mv > 0.0
            kmod = k - (k // _L) * _L
            hit = iota == jnp.broadcast_to(kmod, (_L,))
            ac_s2 = jnp.where(hit, Mv, ac_s)
            ac_y12 = jnp.where(hit, jnp.where(validv, by1, 0.0), ac_y1)
            ac_x12 = jnp.where(hit, jnp.where(validv, bx1, 0.0), ac_x1)
            ac_y22 = jnp.where(hit, jnp.where(validv, by2, 0.0), ac_y2)
            ac_x22 = jnp.where(hit, jnp.where(validv, bx2, 0.0), ac_x2)
            ac_cl2 = jnp.where(hit, jnp.where(validv, clsv, 0.0), ac_cl)
            flush = (kmod == _L - 1) | (k == _MAX_BOX - 1)

            @pl.when(flush)
            def _():
                base = k - kmod
                vsc[pl.ds(base, _L)] = ac_s2
                vy1[pl.ds(base, _L)] = ac_y12
                vx1[pl.ds(base, _L)] = ac_x12
                vy2[pl.ds(base, _L)] = ac_y22
                vx2[pl.ds(base, _L)] = ac_x22
                vcl[pl.ds(base, _L)] = ac_cl2

            flvf = jnp.broadcast_to(jnp.where(flush, 1.0, 0.0), (_L,))
            keepf = 1.0 - flvf
            return (Mv, pickv, nd + jnp.where(Mv > 0.0, 1, 0),
                    ac_s2 * keepf,
                    ac_y12 * keepf,
                    ac_x12 * keepf,
                    ac_y22 * keepf,
                    ac_x22 * keepf,
                    ac_cl2 * keepf)

        zfm = jnp.zeros((_L,), f32)
        out_carry = lax.fori_loop(
            0, _MAX_BOX, mstep,
            (jnp.full((_L,), 3.4e38, f32), jnp.full((_L,), -1, jnp.int32),
             jnp.zeros((_L,), jnp.int32), zfm, zfm, zfm, zfm, zfm, zfm))
        nd = out_carry[2]

        vnd[...] = nd
        pltpu.sync_copy(vy1, oy1_hbm.at[pl.ds(n * _KP, _KP)])
        pltpu.sync_copy(vx1, ox1_hbm.at[pl.ds(n * _KP, _KP)])
        pltpu.sync_copy(vy2, oy2_hbm.at[pl.ds(n * _KP, _KP)])
        pltpu.sync_copy(vx2, ox2_hbm.at[pl.ds(n * _KP, _KP)])
        pltpu.sync_copy(vsc, osc_hbm.at[pl.ds(n * _KP, _KP)])
        pltpu.sync_copy(vcl, ocl_hbm.at[pl.ds(n * _KP, _KP)])
        pltpu.sync_copy(vnd, ond_hbm.at[pl.ds(n * _L, _L)])


def kernel(rois, rcnn_conf, rcnn_deltas, input_image):
    N, B = rois.shape[0], rois.shape[1]
    C = rcnn_conf.shape[2] - 1
    H = float(input_image.shape[2])
    W = float(input_image.shape[3])
    R = N * C
    BP = ((B + 16 * _L - 1) // (16 * _L)) * (16 * _L)
    padw = BP - B
    f = jnp.float32

    score_rb = jnp.transpose(rcnn_conf[:, :, :C], (0, 2, 1)).reshape(R, B)
    dd_rb = jnp.transpose(rcnn_deltas.reshape(N, B, C, 4),
                          (0, 2, 3, 1)).reshape(R, 4, B)
    ro_rb = jnp.transpose(rois, (0, 2, 1))

    NW = 32
    RS = min(R, NW // 4)
    RT = R - RS

    score_t = jnp.pad(score_rb, ((0, 0), (0, padw))).reshape(-1)
    ro_t = jnp.pad(ro_rb, ((0, 0), (0, 0), (0, padw))).reshape(-1)
    dl_t = jnp.pad(dd_rb, ((0, 0), (0, 0), (0, padw))).reshape(-1)

    mesh = plsc.VectorSubcoreMesh(core_axis_name="c", subcore_axis_name="s",
                                  num_cores=2, num_subcores=16)

    k1 = pl.kernel(
        functools.partial(_nms_sc_pair_body, C, RS, B, BP, H, W),
        out_type=[jax.ShapeDtypeStruct((RS * _KP,), f) for _ in range(5)],
        mesh=mesh,
        scratch_types=([pltpu.VMEM((BP // 4,), f) for _ in range(14)]
                       + [pltpu.VMEM((_KP,), f) for _ in range(5)]
                       + [pltpu.VMEM((2 * _L,), f),
                          pltpu.VMEM((2 * _L,), jnp.int32)]
                       + [pltpu.VMEM((5 * _L,), f), pltpu.VMEM((5 * _L,), f),
                          pltpu.VMEM((_L,), jnp.int32),
                          pltpu.VMEM((_L,), jnp.int32),
                          pltpu.VMEM_SHARED((2 * 16 * 5 * _L,), f),
                          pltpu.VMEM_SHARED((2 * 16 * _L,), jnp.int32)]),
    )
    sc_out = k1(score_t, ro_t, dl_t)

    BPT = ((B + 127) // 128) * 128
    padt = BPT - B

    def pt(x):
        return jnp.pad(x, ((0, 0), (0, padt)))

    rb_t = jnp.broadcast_to(rois[:, None, :, :], (N, C, B, 4))
    rb_t = rb_t.reshape(R, B, 4)[RS:]
    args_tc = [pt(score_rb[RS:]),
               pt(rb_t[:, :, 0]), pt(rb_t[:, :, 1]),
               pt(rb_t[:, :, 2]), pt(rb_t[:, :, 3]),
               pt(dd_rb[RS:, 0, :]), pt(dd_rb[RS:, 1, :]),
               pt(dd_rb[RS:, 2, :]), pt(dd_rb[RS:, 3, :])]
    tc_out = pl.pallas_call(
        functools.partial(_nms_tc_body, H, W, B),
        out_shape=[jax.ShapeDtypeStruct((RT, 128), f) for _ in range(5)],
        scratch_shapes=[pltpu.VMEM((RT, BPT), f) for _ in range(6)],
    )(*args_tc)

    merged_in = [
        jnp.concatenate([a.reshape(RS, _KP), b[:, :_KP]], axis=0).reshape(-1)
        for a, b in zip(sc_out, tc_out)]
    sels, sy1, sx1, sy2, sx2 = merged_in

    k2 = pl.kernel(
        functools.partial(_merge_sc_body, C, N),
        out_type=([jax.ShapeDtypeStruct((N * _KP,), f) for _ in range(6)]
                  + [jax.ShapeDtypeStruct((N * _L,), jnp.int32)]),
        mesh=mesh,
        scratch_types=([pltpu.VMEM((C * _KP,), f) for _ in range(5)]
                       + [pltpu.VMEM((_KP,), f) for _ in range(6)]
                       + [pltpu.VMEM((_L,), jnp.int32)]
                       + [pltpu.VMEM((2 * _L,), f),
                          pltpu.VMEM((2 * _L,), jnp.int32)]),
    )
    oy1, ox1, oy2, ox2, osc, ocl, ond = k2(sels, sy1, sx1, sy2, sx2)

    oy1 = oy1.reshape(N, _KP)
    ox1 = ox1.reshape(N, _KP)
    oy2 = oy2.reshape(N, _KP)
    ox2 = ox2.reshape(N, _KP)
    osc = osc.reshape(N, _KP)
    ocl = ocl.reshape(N, _KP)
    ond = ond.reshape(N, _L)

    nmsed_boxes = jnp.stack(
        [oy1[:, :_MAX_BOX], ox1[:, :_MAX_BOX],
         oy2[:, :_MAX_BOX], ox2[:, :_MAX_BOX]], axis=-1)
    return (nmsed_boxes, osc[:, :_MAX_BOX], ocl[:, :_MAX_BOX], ond[:, 0],
            rois)

# --- scband reference (transcript-rebuilt; emitter-appended) ---
"""Pipeline reference for scband-output-parser-20169166422203 (READ-ONLY COPY).

The authoritative reference and input builder live on the scoring server;
editing this copy changes nothing except your own understanding.
"""

import jax, jax.numpy as jnp
import numpy as np

MAX_BOX_NUM = 100
REGR_STD = (10.0, 10.0, 5.0, 5.0)
IOU_THRES = 0.5
SCORE_THRES = 0.05
NEG = -1e10


def setup_inputs(seed: int = 0):
    key = jax.random.key(seed)
    k1, k2, k3, k4 = jax.random.split(key, 4)
    N, B, C = 2, 5000, 20
    H, W = 800, 1333
    yx1 = jax.random.uniform(k1, (N, B, 2), dtype=jnp.float32) * jnp.array([0.8 * H, 0.8 * W], jnp.float32)
    hw = jax.random.uniform(k2, (N, B, 2), dtype=jnp.float32) * jnp.array([0.2 * H, 0.2 * W], jnp.float32) + 1.0
    rois = jnp.concatenate([yx1, yx1 + hw], axis=-1)
    u = jax.random.uniform(k3, (N, B, C + 1), dtype=jnp.float32)
    rcnn_conf = u / jnp.sum(u, axis=-1, keepdims=True)
    rcnn_deltas = jax.random.normal(k4, (N, B, C * 4), dtype=jnp.float32)
    input_image = jnp.zeros((N, 3, H, W), jnp.float32)
    return {"rois": rois, "rcnn_conf": rcnn_conf, "rcnn_deltas": rcnn_deltas, "input_image": input_image}


def _decode(rois, rcnn_deltas, image_h, image_w):
    N, B = rois.shape[0], rois.shape[1]
    r = rois[:, :, None, :]
    d = rcnn_deltas.reshape(N, B, -1, 4)
    y1 = r[..., 0]; x1 = r[..., 1]; y2 = r[..., 2]; x2 = r[..., 3]
    w0 = x2 - x1 + 1.0
    h0 = y2 - y1 + 1.0
    x0 = x1 + w0 / 2.0
    y0 = y1 + h0 / 2.0
    tx = d[..., 0] / REGR_STD[0]
    ty = d[..., 1] / REGR_STD[1]
    tw = d[..., 2] / REGR_STD[2]
    th = d[..., 3] / REGR_STD[3]
    cx = tx * w0 + x0
    cy = ty * h0 + y0
    ww = jnp.exp(tw) * w0
    hh = jnp.exp(th) * h0
    xx1 = jnp.clip(cx - 0.5 * ww, 0.0, image_w - 1.0)
    yy1 = jnp.clip(cy - 0.5 * hh, 0.0, image_h - 1.0)
    xx2 = jnp.clip(cx + 0.5 * ww, 0.0, image_w - 1.0)
    yy2 = jnp.clip(cy + 0.5 * hh, 0.0, image_h - 1.0)
    return jnp.stack([yy1, xx1, yy2, xx2], axis=-1)


def _iou_one_to_many(box, boxes):
    yA = jnp.maximum(box[0], boxes[:, 0])
    xA = jnp.maximum(box[1], boxes[:, 1])
    yB = jnp.minimum(box[2], boxes[:, 2])
    xB = jnp.minimum(box[3], boxes[:, 3])
    inter = jnp.maximum(yB - yA, 0.0) * jnp.maximum(xB - xA, 0.0)
    a1 = (box[2] - box[0]) * (box[3] - box[1])
    a2 = (boxes[:, 2] - boxes[:, 0]) * (boxes[:, 3] - boxes[:, 1])
    return inter / (a1 + a2 - inter + 1e-8)


def _nms_single_class(boxes, scores):
    s0 = jnp.where(scores > SCORE_THRES, scores, NEG)

    def step(s, _):
        idx = jnp.argmax(s)
        best = s[idx]
        valid = best > NEG * 0.5
        b = boxes[idx]
        out_b = jnp.where(valid, b, jnp.zeros((4,), boxes.dtype))
        out_s = jnp.where(valid, best, jnp.float32(0.0))
        ious = _iou_one_to_many(b, boxes)
        s = jnp.where(ious > IOU_THRES, NEG, s)
        s = s.at[idx].set(NEG)
        return s, (out_b, out_s)

    _, (sel_b, sel_s) = jax.lax.scan(step, s0, None, length=MAX_BOX_NUM)
    return sel_b, sel_s


def _combined_nms(boxes, scores):
    # boxes: [N, B, C, 4], scores: [N, B, C]
    per_class = jax.vmap(jax.vmap(_nms_single_class, in_axes=(1, 1)), in_axes=(0, 0))
    sel_b, sel_s = per_class(boxes, scores)  # [N, C, K, 4], [N, C, K]
    N, C = sel_s.shape[0], sel_s.shape[1]
    cls = jnp.broadcast_to(jnp.arange(C, dtype=jnp.float32)[None, :, None], sel_s.shape)
    flat_b = sel_b.reshape(N, C * MAX_BOX_NUM, 4)
    flat_s = sel_s.reshape(N, C * MAX_BOX_NUM)
    flat_c = cls.reshape(N, C * MAX_BOX_NUM)
    top_s, top_i = jax.lax.top_k(flat_s, MAX_BOX_NUM)
    nmsed_boxes = jnp.take_along_axis(flat_b, top_i[:, :, None], axis=1)
    nmsed_classes = jnp.take_along_axis(flat_c, top_i, axis=1)
    valid = top_s > 0.0
    nmsed_boxes = jnp.where(valid[:, :, None], nmsed_boxes, 0.0)
    nmsed_classes = jnp.where(valid, nmsed_classes, 0.0)
    num_dets = jnp.sum(valid.astype(jnp.int32), axis=1)
    return nmsed_boxes, top_s, nmsed_classes, num_dets


def reference(rois, rcnn_conf, rcnn_deltas, input_image):
    image_h = jnp.float32(input_image.shape[2])
    image_w = jnp.float32(input_image.shape[3])
    boxes = _decode(rois, rcnn_deltas, image_h, image_w)
    scores = rcnn_conf[:, :, :-1]
    nmsed_boxes, nmsed_scores, nmsed_classes, num_dets = _combined_nms(boxes, scores)
    return (nmsed_boxes, nmsed_scores, nmsed_classes, num_dets, rois)

if __name__ == "__main__":
    import jax
    _d = setup_inputs()
    print(jax.jit(kernel)(*tuple(_d.values())))

</pallas_src>

<mosaic_0001>
#map = affine_map<(d0, d1) -> (0)>
module attributes {stable_mosaic.version = 14 : i64} {
  func.func @_merge_sc_body(%arg0: i32, %arg1: i32, %arg2: memref<4480xf32, #tpu.memory_space<hbm>>, %arg3: memref<4480xf32, #tpu.memory_space<hbm>>, %arg4: memref<4480xf32, #tpu.memory_space<hbm>>, %arg5: memref<4480xf32, #tpu.memory_space<hbm>>, %arg6: memref<4480xf32, #tpu.memory_space<hbm>>, %arg7: memref<224xf32, #tpu.memory_space<hbm>>, %arg8: memref<224xf32, #tpu.memory_space<hbm>>, %arg9: memref<224xf32, #tpu.memory_space<hbm>>, %arg10: memref<224xf32, #tpu.memory_space<hbm>>, %arg11: memref<224xf32, #tpu.memory_space<hbm>>, %arg12: memref<224xf32, #tpu.memory_space<hbm>>, %arg13: memref<32xi32, #tpu.memory_space<hbm>>, %arg14: memref<2240xf32, #tpu.memory_space<vmem>>, %arg15: memref<2240xf32, #tpu.memory_space<vmem>>, %arg16: memref<2240xf32, #tpu.memory_space<vmem>>, %arg17: memref<2240xf32, #tpu.memory_space<vmem>>, %arg18: memref<2240xf32, #tpu.memory_space<vmem>>, %arg19: memref<112xf32, #tpu.memory_space<vmem>>, %arg20: memref<112xf32, #tpu.memory_space<vmem>>, %arg21: memref<112xf32, #tpu.memory_space<vmem>>, %arg22: memref<112xf32, #tpu.memory_space<vmem>>, %arg23: memref<112xf32, #tpu.memory_space<vmem>>, %arg24: memref<112xf32, #tpu.memory_space<vmem>>, %arg25: memref<16xi32, #tpu.memory_space<vmem>>, %arg26: memref<32xf32, #tpu.memory_space<vmem>>, %arg27: memref<32xi32, #tpu.memory_space<vmem>>) attributes {dimension_semantics = [#tpu.dimension_semantics<core_parallel>, #tpu.dimension_semantics<subcore_parallel>], iteration_bounds = array<i64: 2, 16>, scalar_prefetch = 0 : i64, scratch_operands = 14 : i64, tpu.core_type = #tpu.core_type<sc_vector_subcore>, window_params = [{transform_indices = #map}, {transform_indices = #map}, {transform_indices = #map}, {transform_indices = #map}, {transform_indices = #map}, {transform_indices = #map}, {transform_indices = #map}, {transform_indices = #map}, {transform_indices = #map}, {transform_indices = #map}, {transform_indices = #map}, {transform_indices = #map}]} {
    %iota3A = tpu.iota {dimensions = array<i32: 0>} : vector<16xi32>
    %mul3A = arith.constant 2 : i32
    %mul3A_0 = arith.muli %arg1, %mul3A : i32
    %add3A = arith.addi %mul3A_0, %arg0 : i32
    %lt3A = arith.constant 2 : i32
    %lt3A_1 = arith.cmpi slt, %add3A, %lt3A : i32
    %convert_element_type3A = arith.extui %lt3A_1 : i1 to i32
    %cond3A = arith.constant 0 : i32
    %cond3A_2 = arith.cmpi ne, %convert_element_type3A, %cond3A : i32
    scf.if %cond3A_2 {
      %mul3A_3 = arith.constant 2240 : i32
      %mul3A_4 = arith.muli %add3A, %mul3A_3 : i32
      "tpu.region"() ({
        %run_scoped3A = tpu.sem_alloc : memref<!tpu.dma_semaphore, #tpu.memory_space<semaphore_mem>>
        %dma_start3A = tpu.memref_slice %arg2[%mul3A_4] : memref<4480xf32, #tpu.memory_space<hbm>> -> memref<2240xf32, #tpu.memory_space<hbm>>
        %dma_start3A_42 = tpu.memref_slice %arg2[%mul3A_4] : memref<4480xf32, #tpu.memory_space<hbm>> -> memref<2240xf32, #tpu.memory_space<hbm>>
        tpu.enqueue_dma source(%dma_start3A_42 : memref<2240xf32, #tpu.memory_space<hbm>>) target(%arg14 : memref<2240xf32, #tpu.memory_space<vmem>>) target_semaphore(%run_scoped3A : memref<!tpu.dma_semaphore, #tpu.memory_space<semaphore_mem>>)
        %dma_wait3A = tpu.memref_slice %arg2[%mul3A_4] : memref<4480xf32, #tpu.memory_space<hbm>> -> memref<2240xf32, #tpu.memory_space<hbm>>
        %dma_wait3A_43 = tpu.memref_slice %arg2[%mul3A_4] : memref<4480xf32, #tpu.memory_space<hbm>> -> memref<2240xf32, #tpu.memory_space<hbm>>
        tpu.wait_dma2 semaphore(%run_scoped3A : memref<!tpu.dma_semaphore, #tpu.memory_space<semaphore_mem>>) src(%dma_wait3A_43 : memref<2240xf32, #tpu.memory_space<hbm>>) dst(%arg14 : memref<2240xf32, #tpu.memory_space<vmem>>)
        tpu.yield
      }) : () -> ()
      %mul3A_5 = arith.constant 2240 : i32
      %mul3A_6 = arith.muli %add3A, %mul3A_5 : i32
      "tpu.region"() ({
        %run_scoped3A = tpu.sem_alloc : memref<!tpu.dma_semaphore, #tpu.memory_space<semaphore_mem>>
        %dma_start3A = tpu.memref_slice %arg3[%mul3A_6] : memref<4480xf32, #tpu.memory_space<hbm>> -> memref<2240xf32, #tpu.memory_space<hbm>>
        %dma_start3A_42 = tpu.memref_slice %arg3[%mul3A_6] : memref<4480xf32, #tpu.memory_space<hbm>> -> memref<2240xf32, #tpu.memory_space<hbm>>
        tpu.enqueue_dma source(%dma_start3A_42 : memref<2240xf32, #tpu.memory_space<hbm>>) target(%arg15 : memref<2240xf32, #tpu.memory_space<vmem>>) target_semaphore(%run_scoped3A : memref<!tpu.dma_semaphore, #tpu.memory_space<semaphore_mem>>)
        %dma_wait3A = tpu.memref_slice %arg3[%mul3A_6] : memref<4480xf32, #tpu.memory_space<hbm>> -> memref<2240xf32, #tpu.memory_space<hbm>>
        %dma_wait3A_43 = tpu.memref_slice %arg3[%mul3A_6] : memref<4480xf32, #tpu.memory_space<hbm>> -> memref<2240xf32, #tpu.memory_space<hbm>>
        tpu.wait_dma2 semaphore(%run_scoped3A : memref<!tpu.dma_semaphore, #tpu.memory_space<semaphore_mem>>) src(%dma_wait3A_43 : memref<2240xf32, #tpu.memory_space<hbm>>) dst(%arg15 : memref<2240xf32, #tpu.memory_space<vmem>>)
        tpu.yield
      }) : () -> ()
      %mul3A_7 = arith.constant 2240 : i32
      %mul3A_8 = arith.muli %add3A, %mul3A_7 : i32
      "tpu.region"() ({
        %run_scoped3A = tpu.sem_alloc : memref<!tpu.dma_semaphore, #tpu.memory_space<semaphore_mem>>
        %dma_start3A = tpu.memref_slice %arg4[%mul3A_8] : memref<4480xf32, #tpu.memory_space<hbm>> -> memref<2240xf32, #tpu.memory_space<hbm>>
        %dma_start3A_42 = tpu.memref_slice %arg4[%mul3A_8] : memref<4480xf32, #tpu.memory_space<hbm>> -> memref<2240xf32, #tpu.memory_space<hbm>>
        tpu.enqueue_dma source(%dma_start3A_42 : memref<2240xf32, #tpu.memory_space<hbm>>) target(%arg16 : memref<2240xf32, #tpu.memory_space<vmem>>) target_semaphore(%run_scoped3A : memref<!tpu.dma_semaphore, #tpu.memory_space<semaphore_mem>>)
        %dma_wait3A = tpu.memref_slice %arg4[%mul3A_8] : memref<4480xf32, #tpu.memory_space<hbm>> -> memref<2240xf32, #tpu.memory_space<hbm>>
        %dma_wait3A_43 = tpu.memref_slice %arg4[%mul3A_8] : memref<4480xf32, #tpu.memory_space<hbm>> -> memref<2240xf32, #tpu.memory_space<hbm>>
        tpu.wait_dma2 semaphore(%run_scoped3A : memref<!tpu.dma_semaphore, #tpu.memory_space<semaphore_mem>>) src(%dma_wait3A_43 : memref<2240xf32, #tpu.memory_space<hbm>>) dst(%arg16 : memref<2240xf32, #tpu.memory_space<vmem>>)
        tpu.yield
      }) : () -> ()
      %mul3A_9 = arith.constant 2240 : i32
      %mul3A_10 = arith.muli %add3A, %mul3A_9 : i32
      "tpu.region"() ({
        %run_scoped3A = tpu.sem_alloc : memref<!tpu.dma_semaphore, #tpu.memory_space<semaphore_mem>>
        %dma_start3A = tpu.memref_slice %arg5[%mul3A_10] : memref<4480xf32, #tpu.memory_space<hbm>> -> memref<2240xf32, #tpu.memory_space<hbm>>
        %dma_start3A_42 = tpu.memref_slice %arg5[%mul3A_10] : memref<4480xf32, #tpu.memory_space<hbm>> -> memref<2240xf32, #tpu.memory_space<hbm>>
        tpu.enqueue_dma source(%dma_start3A_42 : memref<2240xf32, #tpu.memory_space<hbm>>) target(%arg17 : memref<2240xf32, #tpu.memory_space<vmem>>) target_semaphore(%run_scoped3A : memref<!tpu.dma_semaphore, #tpu.memory_space<semaphore_mem>>)
        %dma_wait3A = tpu.memref_slice %arg5[%mul3A_10] : memref<4480xf32, #tpu.memory_space<hbm>> -> memref<2240xf32, #tpu.memory_space<hbm>>
        %dma_wait3A_43 = tpu.memref_slice %arg5[%mul3A_10] : memref<4480xf32, #tpu.memory_space<hbm>> -> memref<2240xf32, #tpu.memory_space<hbm>>
        tpu.wait_dma2 semaphore(%run_scoped3A : memref<!tpu.dma_semaphore, #tpu.memory_space<semaphore_mem>>) src(%dma_wait3A_43 : memref<2240xf32, #tpu.memory_space<hbm>>) dst(%arg17 : memref<2240xf32, #tpu.memory_space<vmem>>)
        tpu.yield
      }) : () -> ()
      %mul3A_11 = arith.constant 2240 : i32
      %mul3A_12 = arith.muli %add3A, %mul3A_11 : i32
      "tpu.region"() ({
        %run_scoped3A = tpu.sem_alloc : memref<!tpu.dma_semaphore, #tpu.memory_space<semaphore_mem>>
        %dma_start3A = tpu.memref_slice %arg6[%mul3A_12] : memref<4480xf32, #tpu.memory_space<hbm>> -> memref<2240xf32, #tpu.memory_space<hbm>>
        %dma_start3A_42 = tpu.memref_slice %arg6[%mul3A_12] : memref<4480xf32, #tpu.memory_space<hbm>> -> memref<2240xf32, #tpu.memory_space<hbm>>
        tpu.enqueue_dma source(%dma_start3A_42 : memref<2240xf32, #tpu.memory_space<hbm>>) target(%arg18 : memref<2240xf32, #tpu.memory_space<vmem>>) target_semaphore(%run_scoped3A : memref<!tpu.dma_semaphore, #tpu.memory_space<semaphore_mem>>)
        %dma_wait3A = tpu.memref_slice %arg6[%mul3A_12] : memref<4480xf32, #tpu.memory_space<hbm>> -> memref<2240xf32, #tpu.memory_space<hbm>>
        %dma_wait3A_43 = tpu.memref_slice %arg6[%mul3A_12] : memref<4480xf32, #tpu.memory_space<hbm>> -> memref<2240xf32, #tpu.memory_space<hbm>>
        tpu.wait_dma2 semaphore(%run_scoped3A : memref<!tpu.dma_semaphore, #tpu.memory_space<semaphore_mem>>) src(%dma_wait3A_43 : memref<2240xf32, #tpu.memory_space<hbm>>) dst(%arg18 : memref<2240xf32, #tpu.memory_space<vmem>>)
        tpu.yield
      }) : () -> ()
      %broadcast_in_dim3A = arith.constant 0.000000e+00 : f32
      %broadcast_in_dim3A_13 = vector.broadcast %broadcast_in_dim3A : f32 to vector<16xf32>
      %broadcast_in_dim3A_14 = arith.constant 3.400000e+38 : f32
      %broadcast_in_dim3A_15 = vector.broadcast %broadcast_in_dim3A_14 : f32 to vector<16xf32>
      %broadcast_in_dim3A_16 = arith.constant -1 : i32
      %broadcast_in_dim3A_17 = vector.broadcast %broadcast_in_dim3A_16 : i32 to vector<16xi32>
      %broadcast_in_dim3A_18 = arith.constant 0 : i32
      %broadcast_in_dim3A_19 = vector.broadcast %broadcast_in_dim3A_18 : i32 to vector<16xi32>
      %scan3A = arith.constant 0 : i32
      %scan3A_20 = arith.constant 100 : i32
      %scan3A_21 = arith.addi %scan3A, %scan3A_20 : i32
      %scan3A_22 = arith.constant 1 : i32
      %scan3A_23:9 = scf.for %scan3A_42 = %scan3A to %scan3A_21 step %scan3A_22 iter_args(%scan3A_43 = %broadcast_in_dim3A_15, %scan3A_44 = %broadcast_in_dim3A_17, %scan3A_45 = %broadcast_in_dim3A_19, %scan3A_46 = %broadcast_in_dim3A_13, %scan3A_47 = %broadcast_in_dim3A_13, %scan3A_48 = %broadcast_in_dim3A_13, %scan3A_49 = %broadcast_in_dim3A_13, %scan3A_50 = %broadcast_in_dim3A_13, %scan3A_51 = %broadcast_in_dim3A_13) -> (vector<16xf32>, vector<16xi32>, vector<16xi32>, vector<16xf32>, vector<16xf32>, vector<16xf32>, vector<16xf32>, vector<16xf32>, vector<16xf32>)  : i32 {
        %broadcast_in_dim3A_52 = arith.constant 0.000000e+00 : f32
        %broadcast_in_dim3A_53 = vector.broadcast %broadcast_in_dim3A_52 : f32 to vector<16xf32>
        %broadcast_in_dim3A_54 = arith.constant -4.000000e+00 : f32
        %broadcast_in_dim3A_55 = vector.broadcast %broadcast_in_dim3A_54 : f32 to vector<16xf32>
        %broadcast_in_dim3A_56 = arith.constant 0 : i32
        %broadcast_in_dim3A_57 = vector.broadcast %broadcast_in_dim3A_56 : i32 to vector<16xi32>
        %scan3A_58 = arith.constant 0 : i32
        %scan3A_59 = arith.constant 140 : i32
        %scan3A_60 = arith.addi %scan3A_58, %scan3A_59 : i32
        %scan3A_61 = arith.constant 1 : i32
        %scan3A_62:7 = scf.for %scan3A_491 = %scan3A_58 to %scan3A_60 step %scan3A_61 iter_args(%scan3A_492 = %broadcast_in_dim3A_55, %scan3A_493 = %broadcast_in_dim3A_57, %scan3A_494 = %broadcast_in_dim3A_53, %scan3A_495 = %broadcast_in_dim3A_53, %scan3A_496 = %broadcast_in_dim3A_53, %scan3A_497 = %broadcast_in_dim3A_53, %scan3A_498 = %broadcast_in_dim3A_53) -> (vector<16xf32>, vector<16xi32>, vector<16xf32>, vector<16xf32>, vector<16xf32>, vector<16xf32>, vector<16xf32>)  : i32 {
          %mul3A_499 = arith.constant 16 : i32
          %mul3A_500 = arith.muli %scan3A_491, %mul3A_499 : i32
          %get3A_501 = arith.index_cast %mul3A_500 : i32 to index
          %get3A_502 = tpu.vector_load %arg14[%get3A_501] {strides = array<i32>} : memref<2240xf32, #tpu.memory_space<vmem>>, vector<16xf32>,
          %get3A_503 = vector.shape_cast %get3A_502 : vector<16xf32> to vector<16xf32>
          %mul3A_504 = arith.constant 16 : i32
          %mul3A_505 = arith.muli %scan3A_491, %mul3A_504 : i32
          %broadcast_in_dim3A_506 = vector.broadcast %mul3A_505 : i32 to vector<16xi32>
          %add3A_507 = arith.addi %broadcast_in_dim3A_506, %iota3A : vector<16xi32>
          %jit3A_508 = arith.constant 7 : i32
          %div3A_509 = arith.divsi %scan3A_491, %jit3A_508 : i32
          %sign3A_510 = arith.constant 0 : i32
          %sign3A_511 = arith.cmpi sgt, %scan3A_491, %sign3A_510 : i32
          %sign3A_512 = arith.extui %sign3A_511 : i1 to i32
          %sign3A_513 = arith.constant 0 : i32
          %sign3A_514 = arith.cmpi slt, %scan3A_491, %sign3A_513 : i32
          %sign3A_515 = arith.extui %sign3A_514 : i1 to i32
          %sign3A_516 = arith.subi %sign3A_512, %sign3A_515 : i32
          %sign3A_517 = arith.constant 0 : i32
          %sign3A_518 = arith.cmpi sgt, %jit3A_508, %sign3A_517 : i32
          %sign3A_519 = arith.extui %sign3A_518 : i1 to i32
          %sign3A_520 = arith.constant 0 : i32
          %sign3A_521 = arith.cmpi slt, %jit3A_508, %sign3A_520 : i32
          %sign3A_522 = arith.extui %sign3A_521 : i1 to i32
          %sign3A_523 = arith.subi %sign3A_519, %sign3A_522 : i32
          %ne3A_524 = arith.cmpi ne, %sign3A_516, %sign3A_523 : i32
          %rem3A_525 = arith.remsi %scan3A_491, %jit3A_508 : i32
          %ne3A_526 = arith.constant 0 : i32
          %ne3A_527 = arith.cmpi ne, %rem3A_525, %ne3A_526 : i32
          %and3A_528 = arith.andi %ne3A_524, %ne3A_527 : i1
          %sub3A_529 = arith.constant 1 : i32
          %sub3A_530 = arith.subi %div3A_509, %sub3A_529 : i32
          %select_n3A_531 = arith.select %and3A_528, %sub3A_530, %div3A_509 : i32
          %broadcast_in_dim3A_532 = vector.broadcast %select_n3A_531 : i32 to vector<16xi32>
          %convert_element_type3A_533 = arith.sitofp %broadcast_in_dim3A_532 : vector<16xi32> to vector<16xf32>
          %lt3A_534 = arith.cmpf olt, %get3A_503, %scan3A_43 : vector<16xf32>
          %eq3A_535 = arith.cmpf oeq, %get3A_503, %scan3A_43 : vector<16xf32>
          %gt3A_536 = arith.cmpi sgt, %add3A_507, %scan3A_44 : vector<16xi32>
          %and3A_537 = arith.andi %eq3A_535, %gt3A_536 : vector<16xi1>
          %or3A_538 = arith.ori %lt3A_534, %and3A_537 : vector<16xi1>
          %gt3A_539 = arith.cmpf ogt, %get3A_503, %scan3A_492 : vector<16xf32>
          %and3A_540 = arith.andi %or3A_538, %gt3A_539 : vector<16xi1>
          %select_n3A_541 = arith.select %and3A_540, %get3A_503, %scan3A_492 : vector<16xi1>, vector<16xf32>
          %select_n3A_542 = arith.select %and3A_540, %add3A_507, %scan3A_493 : vector<16xi1>, vector<16xi32>
          %get3A_543 = arith.index_cast %mul3A_500 : i32 to index
          %get3A_544 = tpu.vector_load %arg15[%get3A_543] {strides = array<i32>} : memref<2240xf32, #tpu.memory_space<vmem>>, vector<16xf32>,
          %get3A_545 = vector.shape_cast %get3A_544 : vector<16xf32> to vector<16xf32>
          %select_n3A_546 = arith.select %and3A_540, %get3A_545, %scan3A_494 : vector<16xi1>, vector<16xf32>
          %get3A_547 = arith.index_cast %mul3A_500 : i32 to index
          %get3A_548 = tpu.vector_load %arg16[%get3A_547] {strides = array<i32>} : memref<2240xf32, #tpu.memory_space<vmem>>, vector<16xf32>,
          %get3A_549 = vector.shape_cast %get3A_548 : vector<16xf32> to vector<16xf32>
          %select_n3A_550 = arith.select %and3A_540, %get3A_549, %scan3A_495 : vector<16xi1>, vector<16xf32>
          %get3A_551 = arith.index_cast %mul3A_500 : i32 to index
          %get3A_552 = tpu.vector_load %arg17[%get3A_551] {strides = array<i32>} : memref<2240xf32, #tpu.memory_space<vmem>>, vector<16xf32>,
          %get3A_553 = vector.shape_cast %get3A_552 : vector<16xf32> to vector<16xf32>
          %select_n3A_554 = arith.select %and3A_540, %get3A_553, %scan3A_496 : vector<16xi1>, vector<16xf32>
          %get3A_555 = arith.index_cast %mul3A_500 : i32 to index
          %get3A_556 = tpu.vector_load %arg18[%get3A_555] {strides = array<i32>} : memref<2240xf32, #tpu.memory_space<vmem>>, vector<16xf32>,
          %get3A_557 = vector.shape_cast %get3A_556 : vector<16xf32> to vector<16xf32>
          %select_n3A_558 = arith.select %and3A_540, %get3A_557, %scan3A_497 : vector<16xi1>, vector<16xf32>
          %select_n3A_559 = arith.select %and3A_540, %convert_element_type3A_533, %scan3A_498 : vector<16xi1>, vector<16xf32>
          scf.yield %select_n3A_541, %select_n3A_542, %select_n3A_546, %select_n3A_550, %select_n3A_554, %select_n3A_558, %select_n3A_559 : vector<16xf32>, vector<16xi32>, vector<16xf32>, vector<16xf32>, vector<16xf32>, vector<16xf32>, vector<16xf32>
        }
        %scan3A_63 = arith.constant 140 : i32
        %swap3A_64 = arith.constant 0 : index
        %swap3A_65 = tpu.vector_load %arg26[%swap3A_64] {strides = array<i32>} : memref<32xf32, #tpu.memory_space<vmem>>, vector<16xf32>,
        %swap3A_66 = vector.shape_cast %swap3A_65 : vector<16xf32> to vector<16xf32>
        %swap3A_67 = vector.shape_cast %scan3A_62#0 : vector<16xf32> to vector<16xf32>
        tpu.vector_store %arg26[%swap3A_64], %swap3A_67 {strides = array<i32>} : memref<32xf32, #tpu.memory_space<vmem>>, vector<16xf32>,
        %swap3A_68 = arith.constant 16 : index
        %swap3A_69 = tpu.vector_load %arg26[%swap3A_68] {strides = array<i32>} : memref<32xf32, #tpu.memory_space<vmem>>, vector<16xf32>,
        %swap3A_70 = vector.shape_cast %swap3A_69 : vector<16xf32> to vector<16xf32>
        %swap3A_71 = vector.shape_cast %scan3A_62#0 : vector<16xf32> to vector<16xf32>
        tpu.vector_store %arg26[%swap3A_68], %swap3A_71 {strides = array<i32>} : memref<32xf32, #tpu.memory_space<vmem>>, vector<16xf32>,
        %get3A = arith.constant 8 : index
        %get3A_72 = tpu.vector_load %arg26[%get3A] {strides = array<i32>} : memref<32xf32, #tpu.memory_space<vmem>>, vector<16xf32>,
        %get3A_73 = vector.shape_cast %get3A_72 : vector<16xf32> to vector<16xf32>
        %swap3A_74 = arith.constant 0 : index
        %swap3A_75 = tpu.vector_load %arg27[%swap3A_74] {strides = array<i32>} : memref<32xi32, #tpu.memory_space<vmem>>, vector<16xi32>,
        %swap3A_76 = vector.shape_cast %swap3A_75 : vector<16xi32> to vector<16xi32>
        %swap3A_77 = vector.shape_cast %scan3A_62#1 : vector<16xi32> to vector<16xi32>
        tpu.vector_store %arg27[%swap3A_74], %swap3A_77 {strides = array<i32>} : memref<32xi32, #tpu.memory_space<vmem>>, vector<16xi32>,
        %swap3A_78 = arith.constant 16 : index
        %swap3A_79 = tpu.vector_load %arg27[%swap3A_78] {strides = array<i32>} : memref<32xi32, #tpu.memory_space<vmem>>, vector<16xi32>,
        %swap3A_80 = vector.shape_cast %swap3A_79 : vector<16xi32> to vector<16xi32>
        %swap3A_81 = vector.shape_cast %scan3A_62#1 : vector<16xi32> to vector<16xi32>
        tpu.vector_store %arg27[%swap3A_78], %swap3A_81 {strides = array<i32>} : memref<32xi32, #tpu.memory_space<vmem>>, vector<16xi32>,
        %get3A_82 = arith.constant 8 : index
        %get3A_83 = tpu.vector_load %arg27[%get3A_82] {strides = array<i32>} : memref<32xi32, #tpu.memory_space<vmem>>, vector<16xi32>,
        %get3A_84 = vector.shape_cast %get3A_83 : vector<16xi32> to vector<16xi32>
        %gt3A = arith.cmpf ogt, %get3A_73, %scan3A_62#0 : vector<16xf32>
        %eq3A = arith.cmpf oeq, %get3A_73, %scan3A_62#0 : vector<16xf32>
        %lt3A_85 = arith.cmpi slt, %get3A_84, %scan3A_62#1 : vector<16xi32>
        %and3A = arith.andi %eq3A, %lt3A_85 : vector<16xi1>
        %or3A = arith.ori %gt3A, %and3A : vector<16xi1>
        %select_n3A = arith.select %or3A, %get3A_73, %scan3A_62#0 : vector<16xi1>, vector<16xf32>
        %select_n3A_86 = arith.select %or3A, %get3A_84, %scan3A_62#1 : vector<16xi1>, vector<16xi32>
        %swap3A_87 = arith.constant 0 : index
        %swap3A_88 = tpu.vector_load %arg26[%swap3A_87] {strides = array<i32>} : memref<32xf32, #tpu.memory_space<vmem>>, vector<16xf32>,
        %swap3A_89 = vector.shape_cast %swap3A_88 : vector<16xf32> to vector<16xf32>
        %swap3A_90 = vector.shape_cast %scan3A_62#2 : vector<16xf32> to vector<16xf32>
        tpu.vector_store %arg26[%swap3A_87], %swap3A_90 {strides = array<i32>} : memref<32xf32, #tpu.memory_space<vmem>>, vector<16xf32>,
        %swap3A_91 = arith.constant 16 : index
        %swap3A_92 = tpu.vector_load %arg26[%swap3A_91] {strides = array<i32>} : memref<32xf32, #tpu.memory_space<vmem>>, vector<16xf32>,
        %swap3A_93 = vector.shape_cast %swap3A_92 : vector<16xf32> to vector<16xf32>
        %swap3A_94 = vector.shape_cast %scan3A_62#2 : vector<16xf32> to vector<16xf32>
        tpu.vector_store %arg26[%swap3A_91], %swap3A_94 {strides = array<i32>} : memref<32xf32, #tpu.memory_space<vmem>>, vector<16xf32>,
        %get3A_95 = arith.constant 8 : index
        %get3A_96 = tpu.vector_load %arg26[%get3A_95] {strides = array<i32>} : memref<32xf32, #tpu.memory_space<vmem>>, vector<16xf32>,
        %get3A_97 = vector.shape_cast %get3A_96 : vector<16xf32> to vector<16xf32>
        %select_n3A_98 = arith.select %or3A, %get3A_97, %scan3A_62#2 : vector<16xi1>, vector<16xf32>
        %swap3A_99 = arith.constant 0 : index
        %swap3A_100 = tpu.vector_load %arg26[%swap3A_99] {strides = array<i32>} : memref<32xf32, #tpu.memory_space<vmem>>, vector<16xf32>,
        %swap3A_101 = vector.shape_cast %swap3A_100 : vector<16xf32> to vector<16xf32>
        %swap3A_102 = vector.shape_cast %scan3A_62#3 : vector<16xf32> to vector<16xf32>
        tpu.vector_store %arg26[%swap3A_99], %swap3A_102 {strides = array<i32>} : memref<32xf32, #tpu.memory_space<vmem>>, vector<16xf32>,
        %swap3A_103 = arith.constant 16 : index
        %swap3A_104 = tpu.vector_load %arg26[%swap3A_103] {strides = array<i32>} : memref<32xf32, #tpu.memory_space<vmem>>, vector<16xf32>,
        %swap3A_105 = vector.shape_cast %swap3A_104 : vector<16xf32> to vector<16xf32>
        %swap3A_106 = vector.shape_cast %scan3A_62#3 : vector<16xf32> to vector<16xf32>
        tpu.vector_store %arg26[%swap3A_103], %swap3A_106 {strides = array<i32>} : memref<32xf32, #tpu.memory_space<vmem>>, vector<16xf32>,
        %get3A_107 = arith.constant 8 : index
        %get3A_108 = tpu.vector_load %arg26[%get3A_107] {strides = array<i32>} : memref<32xf32, #tpu.memory_space<vmem>>, vector<16xf32>,
        %get3A_109 = vector.shape_cast %get3A_108 : vector<16xf32> to vector<16xf32>
        %select_n3A_110 = arith.select %or3A, %get3A_109, %scan3A_62#3 : vector<16xi1>, vector<16xf32>
        %swap3A_111 = arith.constant 0 : index
        %swap3A_112 = tpu.vector_load %arg26[%swap3A_111] {strides = array<i32>} : memref<32xf32, #tpu.memory_space<vmem>>, vector<16xf32>,
        %swap3A_113 = vector.shape_cast %swap3A_112 : vector<16xf32> to vector<16xf32>
        %swap3A_114 = vector.shape_cast %scan3A_62#4 : vector<16xf32> to vector<16xf32>
        tpu.vector_store %arg26[%swap3A_111], %swap3A_114 {strides = array<i32>} : memref<32xf32, #tpu.memory_space<vmem>>, vector<16xf32>,
        %swap3A_115 = arith.constant 16 : index
        %swap3A_116 = tpu.vector_load %arg26[%swap3A_115] {strides = array<i32>} : memref<32xf32, #tpu.memory_space<vmem>>, vector<16xf32>,
        %swap3A_117 = vector.shape_cast %swap3A_116 : vector<16xf32> to vector<16xf32>
        %swap3A_118 = vector.shape_cast %scan3A_62#4 : vector<16xf32> to vector<16xf32>
        tpu.vector_store %arg26[%swap3A_115], %swap3A_118 {strides = array<i32>} : memref<32xf32, #tpu.memory_space<vmem>>, vector<16xf32>,
        %get3A_119 = arith.constant 8 : index
        %get3A_120 = tpu.vector_load %arg26[%get3A_119] {strides = array<i32>} : memref<32xf32, #tpu.memory_space<vmem>>, vector<16xf32>,
        %get3A_121 = vector.shape_cast %get3A_120 : vector<16xf32> to vector<16xf32>
        %select_n3A_122 = arith.select %or3A, %get3A_121, %scan3A_62#4 : vector<16xi1>, vector<16xf32>
        %swap3A_123 = arith.constant 0 : index
        %swap3A_124 = tpu.vector_load %arg26[%swap3A_123] {strides = array<i32>} : memref<32xf32, #tpu.memory_space<vmem>>, vector<16xf32>,
        %swap3A_125 = vector.shape_cast %swap3A_124 : vector<16xf32> to vector<16xf32>
        %swap3A_126 = vector.shape_cast %scan3A_62#5 : vector<16xf32> to vector<16xf32>
        tpu.vector_store %arg26[%swap3A_123], %swap3A_126 {strides = array<i32>} : memref<32xf32, #tpu.memory_space<vmem>>, vector<16xf32>,
        %swap3A_127 = arith.constant 16 : index
        %swap3A_128 = tpu.vector_load %arg26[%swap3A_127] {strides = array<i32>} : memref<32xf32, #tpu.memory_space<vmem>>, vector<16xf32>,
        %swap3A_129 = vector.shape_cast %swap3A_128 : vector<16xf32> to vector<16xf32>
        %swap3A_130 = vector.shape_cast %scan3A_62#5 : vector<16xf32> to vector<16xf32>
        tpu.vector_store %arg26[%swap3A_127], %swap3A_130 {strides = array<i32>} : memref<32xf32, #tpu.memory_space<vmem>>, vector<16xf32>,
        %get3A_131 = arith.constant 8 : index
        %get3A_132 = tpu.vector_load %arg26[%get3A_131] {strides = array<i32>} : memref<32xf32, #tpu.memory_space<vmem>>, vector<16xf32>,
        %get3A_133 = vector.shape_cast %get3A_132 : vector<16xf32> to vector<16xf32>
        %select_n3A_134 = arith.select %or3A, %get3A_133, %scan3A_62#5 : vector<16xi1>, vector<16xf32>
        %swap3A_135 = arith.constant 0 : index
        %swap3A_136 = tpu.vector_load %arg26[%swap3A_135] {strides = array<i32>} : memref<32xf32, #tpu.memory_space<vmem>>, vector<16xf32>,
        %swap3A_137 = vector.shape_cast %swap3A_136 : vector<16xf32> to vector<16xf32>
        %swap3A_138 = vector.shape_cast %scan3A_62#6 : vector<16xf32> to vector<16xf32>
        tpu.vector_store %arg26[%swap3A_135], %swap3A_138 {strides = array<i32>} : memref<32xf32, #tpu.memory_space<vmem>>, vector<16xf32>,
        %swap3A_139 = arith.constant 16 : index
        %swap3A_140 = tpu.vector_load %arg26[%swap3A_139] {strides = array<i32>} : memref<32xf32, #tpu.memory_space<vmem>>, vector<16xf32>,
        %swap3A_141 = vector.shape_cast %swap3A_140 : vector<16xf32> to vector<16xf32>
        %swap3A_142 = vector.shape_cast %scan3A_62#6 : vector<16xf32> to vector<16xf32>
        tpu.vector_store %arg26[%swap3A_139], %swap3A_142 {strides = array<i32>} : memref<32xf32, #tpu.memory_space<vmem>>, vector<16xf32>,
        %get3A_143 = arith.constant 8 : index
        %get3A_144 = tpu.vector_load %arg26[%get3A_143] {strides = array<i32>} : memref<32xf32, #tpu.memory_space<vmem>>, vector<16xf32>,
        %get3A_145 = vector.shape_cast %get3A_144 : vector<16xf32> to vector<16xf32>
        %select_n3A_146 = arith.select %or3A, %get3A_145, %scan3A_62#6 : vector<16xi1>, vector<16xf32>
        %swap3A_147 = arith.constant 0 : index
        %swap3A_148 = tpu.vector_load %arg26[%swap3A_147] {strides = array<i32>} : memref<32xf32, #tpu.memory_space<vmem>>, vector<16xf32>,
        %swap3A_149 = vector.shape_cast %swap3A_148 : vector<16xf32> to vector<16xf32>
        %swap3A_150 = vector.shape_cast %select_n3A : vector<16xf32> to vector<16xf32>
        tpu.vector_store %arg26[%swap3A_147], %swap3A_150 {strides = array<i32>} : memref<32xf32, #tpu.memory_space<vmem>>, vector<16xf32>,
        %swap3A_151 = arith.constant 16 : index
        %swap3A_152 = tpu.vector_load %arg26[%swap3A_151] {strides = array<i32>} : memref<32xf32, #tpu.memory_space<vmem>>, vector<16xf32>,
        %swap3A_153 = vector.shape_cast %swap3A_152 : vector<16xf32> to vector<16xf32>
        %swap3A_154 = vector.shape_cast %select_n3A : vector<16xf32> to vector<16xf32>
        tpu.vector_store %arg26[%swap3A_151], %swap3A_154 {strides = array<i32>} : memref<32xf32, #tpu.memory_space<vmem>>, vector<16xf32>,
        %get3A_155 = arith.constant 4 : index
        %get3A_156 = tpu.vector_load %arg26[%get3A_155] {strides = array<i32>} : memref<32xf32, #tpu.memory_space<vmem>>, vector<16xf32>,
        %get3A_157 = vector.shape_cast %get3A_156 : vector<16xf32> to vector<16xf32>
        %swap3A_158 = arith.constant 0 : index
        %swap3A_159 = tpu.vector_load %arg27[%swap3A_158] {strides = array<i32>} : memref<32xi32, #tpu.memory_space<vmem>>, vector<16xi32>,
        %swap3A_160 = vector.shape_cast %swap3A_159 : vector<16xi32> to vector<16xi32>
        %swap3A_161 = vector.shape_cast %select_n3A_86 : vector<16xi32> to vector<16xi32>
        tpu.vector_store %arg27[%swap3A_158], %swap3A_161 {strides = array<i32>} : memref<32xi32, #tpu.memory_space<vmem>>, vector<16xi32>,
        %swap3A_162 = arith.constant 16 : index
        %swap3A_163 = tpu.vector_load %arg27[%swap3A_162] {strides = array<i32>} : memref<32xi32, #tpu.memory_space<vmem>>, vector<16xi32>,
        %swap3A_164 = vector.shape_cast %swap3A_163 : vector<16xi32> to vector<16xi32>
        %swap3A_165 = vector.shape_cast %select_n3A_86 : vector<16xi32> to vector<16xi32>
        tpu.vector_store %arg27[%swap3A_162], %swap3A_165 {strides = array<i32>} : memref<32xi32, #tpu.memory_space<vmem>>, vector<16xi32>,
        %get3A_166 = arith.constant 4 : index
        %get3A_167 = tpu.vector_load %arg27[%get3A_166] {strides = array<i32>} : memref<32xi32, #tpu.memory_space<vmem>>, vector<16xi32>,
        %get3A_168 = vector.shape_cast %get3A_167 : vector<16xi32> to vector<16xi32>
        %gt3A_169 = arith.cmpf ogt, %get3A_157, %select_n3A : vector<16xf32>
        %eq3A_170 = arith.cmpf oeq, %get3A_157, %select_n3A : vector<16xf32>
        %lt3A_171 = arith.cmpi slt, %get3A_168, %select_n3A_86 : vector<16xi32>
        %and3A_172 = arith.andi %eq3A_170, %lt3A_171 : vector<16xi1>
        %or3A_173 = arith.ori %gt3A_169, %and3A_172 : vector<16xi1>
        %select_n3A_174 = arith.select %or3A_173, %get3A_157, %select_n3A : vector<16xi1>, vector<16xf32>
        %select_n3A_175 = arith.select %or3A_173, %get3A_168, %select_n3A_86 : vector<16xi1>, vector<16xi32>
        %swap3A_176 = arith.constant 0 : index
        %swap3A_177 = tpu.vector_load %arg26[%swap3A_176] {strides = array<i32>} : memref<32xf32, #tpu.memory_space<vmem>>, vector<16xf32>,
        %swap3A_178 = vector.shape_cast %swap3A_177 : vector<16xf32> to vector<16xf32>
        %swap3A_179 = vector.shape_cast %select_n3A_98 : vector<16xf32> to vector<16xf32>
        tpu.vector_store %arg26[%swap3A_176], %swap3A_179 {strides = array<i32>} : memref<32xf32, #tpu.memory_space<vmem>>, vector<16xf32>,
        %swap3A_180 = arith.constant 16 : index
        %swap3A_181 = tpu.vector_load %arg26[%swap3A_180] {strides = array<i32>} : memref<32xf32, #tpu.memory_space<vmem>>, vector<16xf32>,
        %swap3A_182 = vector.shape_cast %swap3A_181 : vector<16xf32> to vector<16xf32>
        %swap3A_183 = vector.shape_cast %select_n3A_98 : vector<16xf32> to vector<16xf32>
        tpu.vector_store %arg26[%swap3A_180], %swap3A_183 {strides = array<i32>} : memref<32xf32, #tpu.memory_space<vmem>>, vector<16xf32>,
        %get3A_184 = arith.constant 4 : index
        %get3A_185 = tpu.vector_load %arg26[%get3A_184] {strides = array<i32>} : memref<32xf32, #tpu.memory_space<vmem>>, vector<16xf32>,
        %get3A_186 = vector.shape_cast %get3A_185 : vector<16xf32> to vector<16xf32>
        %select_n3A_187 = arith.select %or3A_173, %get3A_186, %select_n3A_98 : vector<16xi1>, vector<16xf32>
        %swap3A_188 = arith.constant 0 : index
        %swap3A_189 = tpu.vector_load %arg26[%swap3A_188] {strides = array<i32>} : memref<32xf32, #tpu.memory_space<vmem>>, vector<16xf32>,
        %swap3A_190 = vector.shape_cast %swap3A_189 : vector<16xf32> to vector<16xf32>
        %swap3A_191 = vector.shape_cast %select_n3A_110 : vector<16xf32> to vector<16xf32>
        tpu.vector_store %arg26[%swap3A_188], %swap3A_191 {strides = array<i32>} : memref<32xf32, #tpu.memory_space<vmem>>, vector<16xf32>,
        %swap3A_192 = arith.constant 16 : index
        %swap3A_193 = tpu.vector_load %arg26[%swap3A_192] {strides = array<i32>} : memref<32xf32, #tpu.memory_space<vmem>>, vector<16xf32>,
        %swap3A_194 = vector.shape_cast %swap3A_193 : vector<16xf32> to vector<16xf32>
        %swap3A_195 = vector.shape_cast %select_n3A_110 : vector<16xf32> to vector<16xf32>
        tpu.vector_store %arg26[%swap3A_192], %swap3A_195 {strides = array<i32>} : memref<32xf32, #tpu.memory_space<vmem>>, vector<16xf32>,
        %get3A_196 = arith.constant 4 : index
        %get3A_197 = tpu.vector_load %arg26[%get3A_196] {strides = array<i32>} : memref<32xf32, #tpu.memory_space<vmem>>, vector<16xf32>,
        %get3A_198 = vector.shape_cast %get3A_197 : vector<16xf32> to vector<16xf32>
        %select_n3A_199 = arith.select %or3A_173, %get3A_198, %select_n3A_110 : vector<16xi1>, vector<16xf32>
        %swap3A_200 = arith.constant 0 : index
        %swap3A_201 = tpu.vector_load %arg26[%swap3A_200] {strides = array<i32>} : memref<32xf32, #tpu.memory_space<vmem>>, vector<16xf32>,
        %swap3A_202 = vector.shape_cast %swap3A_201 : vector<16xf32> to vector<16xf32>
        %swap3A_203 = vector.shape_cast %select_n3A_122 : vector<16xf32> to vector<16xf32>
        tpu.vector_store %arg26[%swap3A_200], %swap3A_203 {strides = array<i32>} : memref<32xf32, #tpu.memory_space<vmem>>, vector<16xf32>,
        %swap3A_204 = arith.constant 16 : index
        %swap3A_205 = tpu.vector_load %arg26[%swap3A_204] {strides = array<i32>} : memref<32xf32, #tpu.memory_space<vmem>>, vector<16xf32>,
        %swap3A_206 = vector.shape_cast %swap3A_205 : vector<16xf32> to vector<16xf32>
        %swap3A_207 = vector.shape_cast %select_n3A_122 : vector<16xf32> to vector<16xf32>
        tpu.vector_store %arg26[%swap3A_204], %swap3A_207 {strides = array<i32>} : memref<32xf32, #tpu.memory_space<vmem>>, vector<16xf32>,
        %get3A_208 = arith.constant 4 : index
        %get3A_209 = tpu.vector_load %arg26[%get3A_208] {strides = array<i32>} : memref<32xf32, #tpu.memory_space<vmem>>, vector<16xf32>,
        %get3A_210 = vector.shape_cast %get3A_209 : vector<16xf32> to vector<16xf32>
        %select_n3A_211 = arith.select %or3A_173, %get3A_210, %select_n3A_122 : vector<16xi1>, vector<16xf32>
        %swap3A_212 = arith.constant 0 : index
        %swap3A_213 = tpu.vector_load %arg26[%swap3A_212] {strides = array<i32>} : memref<32xf32, #tpu.memory_space<vmem>>, vector<16xf32>,
        %swap3A_214 = vector.shape_cast %swap3A_213 : vector<16xf32> to vector<16xf32>
        %swap3A_215 = vector.shape_cast %select_n3A_134 : vector<16xf32> to vector<16xf32>
        tpu.vector_store %arg26[%swap3A_212], %swap3A_215 {strides = array<i32>} : memref<32xf32, #tpu.memory_space<vmem>>, vector<16xf32>,
        %swap3A_216 = arith.constant 16 : index
        %swap3A_217 = tpu.vector_load %arg26[%swap3A_216] {strides = array<i32>} : memref<32xf32, #tpu.memory_space<vmem>>, vector<16xf32>,
        %swap3A_218 = vector.shape_cast %swap3A_217 : vector<16xf32> to vector<16xf32>
        %swap3A_219 = vector.shape_cast %select_n3A_134 : vector<16xf32> to vector<16xf32>
        tpu.vector_store %arg26[%swap3A_216], %swap3A_219 {strides = array<i32>} : memref<32xf32, #tpu.memory_space<vmem>>, vector<16xf32>,
        %get3A_220 = arith.constant 4 : index
        %get3A_221 = tpu.vector_load %arg26[%get3A_220] {strides = array<i32>} : memref<32xf32, #tpu.memory_space<vmem>>, vector<16xf32>,
        %get3A_222 = vector.shape_cast %get3A_221 : vector<16xf32> to vector<16xf32>
        %select_n3A_223 = arith.select %or3A_173, %get3A_222, %select_n3A_134 : vector<16xi1>, vector<16xf32>
        %swap3A_224 = arith.constant 0 : index
        %swap3A_225 = tpu.vector_load %arg26[%swap3A_224] {strides = array<i32>} : memref<32xf32, #tpu.memory_space<vmem>>, vector<16xf32>,
        %swap3A_226 = vector.shape_cast %swap3A_225 : vector<16xf32> to vector<16xf32>
        %swap3A_227 = vector.shape_cast %select_n3A_146 : vector<16xf32> to vector<16xf32>
        tpu.vector_store %arg26[%swap3A_224], %swap3A_227 {strides = array<i32>} : memref<32xf32, #tpu.memory_space<vmem>>, vector<16xf32>,
        %swap3A_228 = arith.constant 16 : index
        %swap3A_229 = tpu.vector_load %arg26[%swap3A_228] {strides = array<i32>} : memref<32xf32, #tpu.memory_space<vmem>>, vector<16xf32>,
        %swap3A_230 = vector.shape_cast %swap3A_229 : vector<16xf32> to vector<16xf32>
        %swap3A_231 = vector.shape_cast %select_n3A_146 : vector<16xf32> to vector<16xf32>
        tpu.vector_store %arg26[%swap3A_228], %swap3A_231 {strides = array<i32>} : memref<32xf32, #tpu.memory_space<vmem>>, vector<16xf32>,
        %get3A_232 = arith.constant 4 : index
        %get3A_233 = tpu.vector_load %arg26[%get3A_232] {strides = array<i32>} : memref<32xf32, #tpu.memory_space<vmem>>, vector<16xf32>,
        %get3A_234 = vector.shape_cast %get3A_233 : vector<16xf32> to vector<16xf32>
        %select_n3A_235 = arith.select %or3A_173, %get3A_234, %select_n3A_146 : vector<16xi1>, vector<16xf32>
        %swap3A_236 = arith.constant 0 : index
        %swap3A_237 = tpu.vector_load %arg26[%swap3A_236] {strides = array<i32>} : memref<32xf32, #tpu.memory_space<vmem>>, vector<16xf32>,
        %swap3A_238 = vector.shape_cast %swap3A_237 : vector<16xf32> to vector<16xf32>
        %swap3A_239 = vector.shape_cast %select_n3A_174 : vector<16xf32> to vector<16xf32>
        tpu.vector_store %arg26[%swap3A_236], %swap3A_239 {strides = array<i32>} : memref<32xf32, #tpu.memory_space<vmem>>, vector<16xf32>,
        %swap3A_240 = arith.constant 16 : index
        %swap3A_241 = tpu.vector_load %arg26[%swap3A_240] {strides = array<i32>} : memref<32xf32, #tpu.memory_space<vmem>>, vector<16xf32>,
        %swap3A_242 = vector.shape_cast %swap3A_241 : vector<16xf32> to vector<16xf32>
        %swap3A_243 = vector.shape_cast %select_n3A_174 : vector<16xf32> to vector<16xf32>
        tpu.vector_store %arg26[%swap3A_240], %swap3A_243 {strides = array<i32>} : memref<32xf32, #tpu.memory_space<vmem>>, vector<16xf32>,
        %get3A_244 = arith.constant 2 : index
        %get3A_245 = tpu.vector_load %arg26[%get3A_244] {strides = array<i32>} : memref<32xf32, #tpu.memory_space<vmem>>, vector<16xf32>,
        %get3A_246 = vector.shape_cast %get3A_245 : vector<16xf32> to vector<16xf32>
        %swap3A_247 = arith.constant 0 : index
        %swap3A_248 = tpu.vector_load %arg27[%swap3A_247] {strides = array<i32>} : memref<32xi32, #tpu.memory_space<vmem>>, vector<16xi32>,
        %swap3A_249 = vector.shape_cast %swap3A_248 : vector<16xi32> to vector<16xi32>
        %swap3A_250 = vector.shape_cast %select_n3A_175 : vector<16xi32> to vector<16xi32>
        tpu.vector_store %arg27[%swap3A_247], %swap3A_250 {strides = array<i32>} : memref<32xi32, #tpu.memory_space<vmem>>, vector<16xi32>,
        %swap3A_251 = arith.constant 16 : index
        %swap3A_252 = tpu.vector_load %arg27[%swap3A_251] {strides = array<i32>} : memref<32xi32, #tpu.memory_space<vmem>>, vector<16xi32>,
        %swap3A_253 = vector.shape_cast %swap3A_252 : vector<16xi32> to vector<16xi32>
        %swap3A_254 = vector.shape_cast %select_n3A_175 : vector<16xi32> to vector<16xi32>
        tpu.vector_store %arg27[%swap3A_251], %swap3A_254 {strides = array<i32>} : memref<32xi32, #tpu.memory_space<vmem>>, vector<16xi32>,
        %get3A_255 = arith.constant 2 : index
        %get3A_256 = tpu.vector_load %arg27[%get3A_255] {strides = array<i32>} : memref<32xi32, #tpu.memory_space<vmem>>, vector<16xi32>,
        %get3A_257 = vector.shape_cast %get3A_256 : vector<16xi32> to vector<16xi32>
        %gt3A_258 = arith.cmpf ogt, %get3A_246, %select_n3A_174 : vector<16xf32>
        %eq3A_259 = arith.cmpf oeq, %get3A_246, %select_n3A_174 : vector<16xf32>
        %lt3A_260 = arith.cmpi slt, %get3A_257, %select_n3A_175 : vector<16xi32>
        %and3A_261 = arith.andi %eq3A_259, %lt3A_260 : vector<16xi1>
        %or3A_262 = arith.ori %gt3A_258, %and3A_261 : vector<16xi1>
        %select_n3A_263 = arith.select %or3A_262, %get3A_246, %select_n3A_174 : vector<16xi1>, vector<16xf32>
        %select_n3A_264 = arith.select %or3A_262, %get3A_257, %select_n3A_175 : vector<16xi1>, vector<16xi32>
        %swap3A_265 = arith.constant 0 : index
        %swap3A_266 = tpu.vector_load %arg26[%swap3A_265] {strides = array<i32>} : memref<32xf32, #tpu.memory_space<vmem>>, vector<16xf32>,
        %swap3A_267 = vector.shape_cast %swap3A_266 : vector<16xf32> to vector<16xf32>
        %swap3A_268 = vector.shape_cast %select_n3A_187 : vector<16xf32> to vector<16xf32>
        tpu.vector_store %arg26[%swap3A_265], %swap3A_268 {strides = array<i32>} : memref<32xf32, #tpu.memory_space<vmem>>, vector<16xf32>,
        %swap3A_269 = arith.constant 16 : index
        %swap3A_270 = tpu.vector_load %arg26[%swap3A_269] {strides = array<i32>} : memref<32xf32, #tpu.memory_space<vmem>>, vector<16xf32>,
        %swap3A_271 = vector.shape_cast %swap3A_270 : vector<16xf32> to vector<16xf32>
        %swap3A_272 = vector.shape_cast %select_n3A_187 : vector<16xf32> to vector<16xf32>
        tpu.vector_store %arg26[%swap3A_269], %swap3A_272 {strides = array<i32>} : memref<32xf32, #tpu.memory_space<vmem>>, vector<16xf32>,
        %get3A_273 = arith.constant 2 : index
        %get3A_274 = tpu.vector_load %arg26[%get3A_273] {strides = array<i32>} : memref<32xf32, #tpu.memory_space<vmem>>, vector<16xf32>,
        %get3A_275 = vector.shape_cast %get3A_274 : vector<16xf32> to vector<16xf32>
        %select_n3A_276 = arith.select %or3A_262, %get3A_275, %select_n3A_187 : vector<16xi1>, vector<16xf32>
        %swap3A_277 = arith.constant 0 : index
        %swap3A_278 = tpu.vector_load %arg26[%swap3A_277] {strides = array<i32>} : memref<32xf32, #tpu.memory_space<vmem>>, vector<16xf32>,
        %swap3A_279 = vector.shape_cast %swap3A_278 : vector<16xf32> to vector<16xf32>
        %swap3A_280 = vector.shape_cast %select_n3A_199 : vector<16xf32> to vector<16xf32>
        tpu.vector_store %arg26[%swap3A_277], %swap3A_280 {strides = array<i32>} : memref<32xf32, #tpu.memory_space<vmem>>, vector<16xf32>,
        %swap3A_281 = arith.constant 16 : index
        %swap3A_282 = tpu.vector_load %arg26[%swap3A_281] {strides = array<i32>} : memref<32xf32, #tpu.memory_space<vmem>>, vector<16xf32>,
        %swap3A_283 = vector.shape_cast %swap3A_282 : vector<16xf32> to vector<16xf32>
        %swap3A_284 = vector.shape_cast %select_n3A_199 : vector<16xf32> to vector<16xf32>
        tpu.vector_store %arg26[%swap3A_281], %swap3A_284 {strides = array<i32>} : memref<32xf32, #tpu.memory_space<vmem>>, vector<16xf32>,
        %get3A_285 = arith.constant 2 : index
        %get3A_286 = tpu.vector_load %arg26[%get3A_285] {strides = array<i32>} : memref<32xf32, #tpu.memory_space<vmem>>, vector<16xf32>,
        %get3A_287 = vector.shape_cast %get3A_286 : vector<16xf32> to vector<16xf32>
        %select_n3A_288 = arith.select %or3A_262, %get3A_287, %select_n3A_199 : vector<16xi1>, vector<16xf32>
        %swap3A_289 = arith.constant 0 : index
        %swap3A_290 = tpu.vector_load %arg26[%swap3A_289] {strides = array<i32>} : memref<32xf32, #tpu.memory_space<vmem>>, vector<16xf32>,
        %swap3A_291 = vector.shape_cast %swap3A_290 : vector<16xf32> to vector<16xf32>
        %swap3A_292 = vector.shape_cast %select_n3A_211 : vector<16xf32> to vector<16xf32>
        tpu.vector_store %arg26[%swap3A_289], %swap3A_292 {strides = array<i32>} : memref<32xf32, #tpu.memory_space<vmem>>, vector<16xf32>,
        %swap3A_293 = arith.constant 16 : index
        %swap3A_294 = tpu.vector_load %arg26[%swap3A_293] {strides = array<i32>} : memref<32xf32, #tpu.memory_space<vmem>>, vector<16xf32>,
        %swap3A_295 = vector.shape_cast %swap3A_294 : vector<16xf32> to vector<16xf32>
        %swap3A_296 = vector.shape_cast %select_n3A_211 : vector<16xf32> to vector<16xf32>
        tpu.vector_store %arg26[%swap3A_293], %swap3A_296 {strides = array<i32>} : memref<32xf32, #tpu.memory_space<vmem>>, vector<16xf32>,
        %get3A_297 = arith.constant 2 : index
        %get3A_298 = tpu.vector_load %arg26[%get3A_297] {strides = array<i32>} : memref<32xf32, #tpu.memory_space<vmem>>, vector<16xf32>,
        %get3A_299 = vector.shape_cast %get3A_298 : vector<16xf32> to vector<16xf32>
        %select_n3A_300 = arith.select %or3A_262, %get3A_299, %select_n3A_211 : vector<16xi1>, vector<16xf32>
        %swap3A_301 = arith.constant 0 : index
        %swap3A_302 = tpu.vector_load %arg26[%swap3A_301] {strides = array<i32>} : memref<32xf32, #tpu.memory_space<vmem>>, vector<16xf32>,
        %swap3A_303 = vector.shape_cast %swap3A_302 : vector<16xf32> to vector<16xf32>
        %swap3A_304 = vector.shape_cast %select_n3A_223 : vector<16xf32> to vector<16xf32>
        tpu.vector_store %arg26[%swap3A_301], %swap3A_304 {strides = array<i32>} : memref<32xf32, #tpu.memory_space<vmem>>, vector<16xf32>,
        %swap3A_305 = arith.constant 16 : index
        %swap3A_306 = tpu.vector_load %arg26[%swap3A_305] {strides = array<i32>} : memref<32xf32, #tpu.memory_space<vmem>>, vector<16xf32>,
        %swap3A_307 = vector.shape_cast %swap3A_306 : vector<16xf32> to vector<16xf32>
        %swap3A_308 = vector.shape_cast %select_n3A_223 : vector<16xf32> to vector<16xf32>
        tpu.vector_store %arg26[%swap3A_305], %swap3A_308 {strides = array<i32>} : memref<32xf32, #tpu.memory_space<vmem>>, vector<16xf32>,
        %get3A_309 = arith.constant 2 : index
        %get3A_310 = tpu.vector_load %arg26[%get3A_309] {strides = array<i32>} : memref<32xf32, #tpu.memory_space<vmem>>, vector<16xf32>,
        %get3A_311 = vector.shape_cast %get3A_310 : vector<16xf32> to vector<16xf32>
        %select_n3A_312 = arith.select %or3A_262, %get3A_311, %select_n3A_223 : vector<16xi1>, vector<16xf32>
        %swap3A_313 = arith.constant 0 : index
        %swap3A_314 = tpu.vector_load %arg26[%swap3A_313] {strides = array<i32>} : memref<32xf32, #tpu.memory_space<vmem>>, vector<16xf32>,
        %swap3A_315 = vector.shape_cast %swap3A_314 : vector<16xf32> to vector<16xf32>
        %swap3A_316 = vector.shape_cast %select_n3A_235 : vector<16xf32> to vector<16xf32>
        tpu.vector_store %arg26[%swap3A_313], %swap3A_316 {strides = array<i32>} : memref<32xf32, #tpu.memory_space<vmem>>, vector<16xf32>,
        %swap3A_317 = arith.constant 16 : index
        %swap3A_318 = tpu.vector_load %arg26[%swap3A_317] {strides = array<i32>} : memref<32xf32, #tpu.memory_space<vmem>>, vector<16xf32>,
        %swap3A_319 = vector.shape_cast %swap3A_318 : vector<16xf32> to vector<16xf32>
        %swap3A_320 = vector.shape_cast %select_n3A_235 : vector<16xf32> to vector<16xf32>
        tpu.vector_store %arg26[%swap3A_317], %swap3A_320 {strides = array<i32>} : memref<32xf32, #tpu.memory_space<vmem>>, vector<16xf32>,
        %get3A_321 = arith.constant 2 : index
        %get3A_322 = tpu.vector_load %arg26[%get3A_321] {strides = array<i32>} : memref<32xf32, #tpu.memory_space<vmem>>, vector<16xf32>,
        %get3A_323 = vector.shape_cast %get3A_322 : vector<16xf32> to vector<16xf32>
        %select_n3A_324 = arith.select %or3A_262, %get3A_323, %select_n3A_235 : vector<16xi1>, vector<16xf32>
        %swap3A_325 = arith.constant 0 : index
        %swap3A_326 = tpu.vector_load %arg26[%swap3A_325] {strides = array<i32>} : memref<32xf32, #tpu.memory_space<vmem>>, vector<16xf32>,
        %swap3A_327 = vector.shape_cast %swap3A_326 : vector<16xf32> to vector<16xf32>
        %swap3A_328 = vector.shape_cast %select_n3A_263 : vector<16xf32> to vector<16xf32>
        tpu.vector_store %arg26[%swap3A_325], %swap3A_328 {strides = array<i32>} : memref<32xf32, #tpu.memory_space<vmem>>, vector<16xf32>,
        %swap3A_329 = arith.constant 16 : index
        %swap3A_330 = tpu.vector_load %arg26[%swap3A_329] {strides = array<i32>} : memref<32xf32, #tpu.memory_space<vmem>>, vector<16xf32>,
        %swap3A_331 = vector.shape_cast %swap3A_330 : vector<16xf32> to vector<16xf32>
        %swap3A_332 = vector.shape_cast %select_n3A_263 : vector<16xf32> to vector<16xf32>
        tpu.vector_store %arg26[%swap3A_329], %swap3A_332 {strides = array<i32>} : memref<32xf32, #tpu.memory_space<vmem>>, vector<16xf32>,
        %get3A_333 = arith.constant 1 : index
        %get3A_334 = tpu.vector_load %arg26[%get3A_333] {strides = array<i32>} : memref<32xf32, #tpu.memory_space<vmem>>, vector<16xf32>,
        %get3A_335 = vector.shape_cast %get3A_334 : vector<16xf32> to vector<16xf32>
        %swap3A_336 = arith.constant 0 : index
        %swap3A_337 = tpu.vector_load %arg27[%swap3A_336] {strides = array<i32>} : memref<32xi32, #tpu.memory_space<vmem>>, vector<16xi32>,
        %swap3A_338 = vector.shape_cast %swap3A_337 : vector<16xi32> to vector<16xi32>
        %swap3A_339 = vector.shape_cast %select_n3A_264 : vector<16xi32> to vector<16xi32>
        tpu.vector_store %arg27[%swap3A_336], %swap3A_339 {strides = array<i32>} : memref<32xi32, #tpu.memory_space<vmem>>, vector<16xi32>,
        %swap3A_340 = arith.constant 16 : index
        %swap3A_341 = tpu.vector_load %arg27[%swap3A_340] {strides = array<i32>} : memref<32xi32, #tpu.memory_space<vmem>>, vector<16xi32>,
        %swap3A_342 = vector.shape_cast %swap3A_341 : vector<16xi32> to vector<16xi32>
        %swap3A_343 = vector.shape_cast %select_n3A_264 : vector<16xi32> to vector<16xi32>
        tpu.vector_store %arg27[%swap3A_340], %swap3A_343 {strides = array<i32>} : memref<32xi32, #tpu.memory_space<vmem>>, vector<16xi32>,
        %get3A_344 = arith.constant 1 : index
        %get3A_345 = tpu.vector_load %arg27[%get3A_344] {strides = array<i32>} : memref<32xi32, #tpu.memory_space<vmem>>, vector<16xi32>,
        %get3A_346 = vector.shape_cast %get3A_345 : vector<16xi32> to vector<16xi32>
        %gt3A_347 = arith.cmpf ogt, %get3A_335, %select_n3A_263 : vector<16xf32>
        %eq3A_348 = arith.cmpf oeq, %get3A_335, %select_n3A_263 : vector<16xf32>
        %lt3A_349 = arith.cmpi slt, %get3A_346, %select_n3A_264 : vector<16xi32>
        %and3A_350 = arith.andi %eq3A_348, %lt3A_349 : vector<16xi1>
        %or3A_351 = arith.ori %gt3A_347, %and3A_350 : vector<16xi1>
        %select_n3A_352 = arith.select %or3A_351, %get3A_335, %select_n3A_263 : vector<16xi1>, vector<16xf32>
        %select_n3A_353 = arith.select %or3A_351, %get3A_346, %select_n3A_264 : vector<16xi1>, vector<16xi32>
        %swap3A_354 = arith.constant 0 : index
        %swap3A_355 = tpu.vector_load %arg26[%swap3A_354] {strides = array<i32>} : memref<32xf32, #tpu.memory_space<vmem>>, vector<16xf32>,
        %swap3A_356 = vector.shape_cast %swap3A_355 : vector<16xf32> to vector<16xf32>
        %swap3A_357 = vector.shape_cast %select_n3A_276 : vector<16xf32> to vector<16xf32>
        tpu.vector_store %arg26[%swap3A_354], %swap3A_357 {strides = array<i32>} : memref<32xf32, #tpu.memory_space<vmem>>, vector<16xf32>,
        %swap3A_358 = arith.constant 16 : index
        %swap3A_359 = tpu.vector_load %arg26[%swap3A_358] {strides = array<i32>} : memref<32xf32, #tpu.memory_space<vmem>>, vector<16xf32>,
        %swap3A_360 = vector.shape_cast %swap3A_359 : vector<16xf32> to vector<16xf32>
        %swap3A_361 = vector.shape_cast %select_n3A_276 : vector<16xf32> to vector<16xf32>
        tpu.vector_store %arg26[%swap3A_358], %swap3A_361 {strides = array<i32>} : memref<32xf32, #tpu.memory_space<vmem>>, vector<16xf32>,
        %get3A_362 = arith.constant 1 : index
        %get3A_363 = tpu.vector_load %arg26[%get3A_362] {strides = array<i32>} : memref<32xf32, #tpu.memory_space<vmem>>, vector<16xf32>,
        %get3A_364 = vector.shape_cast %get3A_363 : vector<16xf32> to vector<16xf32>
        %select_n3A_365 = arith.select %or3A_351, %get3A_364, %select_n3A_276 : vector<16xi1>, vector<16xf32>
        %swap3A_366 = arith.constant 0 : index
        %swap3A_367 = tpu.vector_load %arg26[%swap3A_366] {strides = array<i32>} : memref<32xf32, #tpu.memory_space<vmem>>, vector<16xf32>,
        %swap3A_368 = vector.shape_cast %swap3A_367 : vector<16xf32> to vector<16xf32>
        %swap3A_369 = vector.shape_cast %select_n3A_288 : vector<16xf32> to vector<16xf32>
        tpu.vector_store %arg26[%swap3A_366], %swap3A_369 {strides = array<i32>} : memref<32xf32, #tpu.memory_space<vmem>>, vector<16xf32>,
        %swap3A_370 = arith.constant 16 : index
        %swap3A_371 = tpu.vector_load %arg26[%swap3A_370] {strides = array<i32>} : memref<32xf32, #tpu.memory_space<vmem>>, vector<16xf32>,
        %swap3A_372 = vector.shape_cast %swap3A_371 : vector<16xf32> to vector<16xf32>
        %swap3A_373 = vector.shape_cast %select_n3A_288 : vector<16xf32> to vector<16xf32>
        tpu.vector_store %arg26[%swap3A_370], %swap3A_373 {strides = array<i32>} : memref<32xf32, #tpu.memory_space<vmem>>, vector<16xf32>,
        %get3A_374 = arith.constant 1 : index
        %get3A_375 = tpu.vector_load %arg26[%get3A_374] {strides = array<i32>} : memref<32xf32, #tpu.memory_space<vmem>>, vector<16xf32>,
        %get3A_376 = vector.shape_cast %get3A_375 : vector<16xf32> to vector<16xf32>
        %select_n3A_377 = arith.select %or3A_351, %get3A_376, %select_n3A_288 : vector<16xi1>, vector<16xf32>
        %swap3A_378 = arith.constant 0 : index
        %swap3A_379 = tpu.vector_load %arg26[%swap3A_378] {strides = array<i32>} : memref<32xf32, #tpu.memory_space<vmem>>, vector<16xf32>,
        %swap3A_380 = vector.shape_cast %swap3A_379 : vector<16xf32> to vector<16xf32>
        %swap3A_381 = vector.shape_cast %select_n3A_300 : vector<16xf32> to vector<16xf32>
        tpu.vector_store %arg26[%swap3A_378], %swap3A_381 {strides = array<i32>} : memref<32xf32, #tpu.memory_space<vmem>>, vector<16xf32>,
        %swap3A_382 = arith.constant 16 : index
        %swap3A_383 = tpu.vector_load %arg26[%swap3A_382] {strides = array<i32>} : memref<32xf32, #tpu.memory_space<vmem>>, vector<16xf32>,
        %swap3A_384 = vector.shape_cast %swap3A_383 : vector<16xf32> to vector<16xf32>
        %swap3A_385 = vector.shape_cast %select_n3A_300 : vector<16xf32> to vector<16xf32>
        tpu.vector_store %arg26[%swap3A_382], %swap3A_385 {strides = array<i32>} : memref<32xf32, #tpu.memory_space<vmem>>, vector<16xf32>,
        %get3A_386 = arith.constant 1 : index
        %get3A_387 = tpu.vector_load %arg26[%get3A_386] {strides = array<i32>} : memref<32xf32, #tpu.memory_space<vmem>>, vector<16xf32>,
        %get3A_388 = vector.shape_cast %get3A_387 : vector<16xf32> to vector<16xf32>
        %select_n3A_389 = arith.select %or3A_351, %get3A_388, %select_n3A_300 : vector<16xi1>, vector<16xf32>
        %swap3A_390 = arith.constant 0 : index
        %swap3A_391 = tpu.vector_load %arg26[%swap3A_390] {strides = array<i32>} : memref<32xf32, #tpu.memory_space<vmem>>, vector<16xf32>,
        %swap3A_392 = vector.shape_cast %swap3A_391 : vector<16xf32> to vector<16xf32>
        %swap3A_393 = vector.shape_cast %select_n3A_312 : vector<16xf32> to vector<16xf32>
        tpu.vector_store %arg26[%swap3A_390], %swap3A_393 {strides = array<i32>} : memref<32xf32, #tpu.memory_space<vmem>>, vector<16xf32>,
        %swap3A_394 = arith.constant 16 : index
        %swap3A_395 = tpu.vector_load %arg26[%swap3A_394] {strides = array<i32>} : memref<32xf32, #tpu.memory_space<vmem>>, vector<16xf32>,
        %swap3A_396 = vector.shape_cast %swap3A_395 : vector<16xf32> to vector<16xf32>
        %swap3A_397 = vector.shape_cast %select_n3A_312 : vector<16xf32> to vector<16xf32>
        tpu.vector_store %arg26[%swap3A_394], %swap3A_397 {strides = array<i32>} : memref<32xf32, #tpu.memory_space<vmem>>, vector<16xf32>,
        %get3A_398 = arith.constant 1 : index
        %get3A_399 = tpu.vector_load %arg26[%get3A_398] {strides = array<i32>} : memref<32xf32, #tpu.memory_space<vmem>>, vector<16xf32>,
        %get3A_400 = vector.shape_cast %get3A_399 : vector<16xf32> to vector<16xf32>
        %select_n3A_401 = arith.select %or3A_351, %get3A_400, %select_n3A_312 : vector<16xi1>, vector<16xf32>
        %swap3A_402 = arith.constant 0 : index
        %swap3A_403 = tpu.vector_load %arg26[%swap3A_402] {strides = array<i32>} : memref<32xf32, #tpu.memory_space<vmem>>, vector<16xf32>,
        %swap3A_404 = vector.shape_cast %swap3A_403 : vector<16xf32> to vector<16xf32>
        %swap3A_405 = vector.shape_cast %select_n3A_324 : vector<16xf32> to vector<16xf32>
        tpu.vector_store %arg26[%swap3A_402], %swap3A_405 {strides = array<i32>} : memref<32xf32, #tpu.memory_space<vmem>>, vector<16xf32>,
        %swap3A_406 = arith.constant 16 : index
        %swap3A_407 = tpu.vector_load %arg26[%swap3A_406] {strides = array<i32>} : memref<32xf32, #tpu.memory_space<vmem>>, vector<16xf32>,
        %swap3A_408 = vector.shape_cast %swap3A_407 : vector<16xf32> to vector<16xf32>
        %swap3A_409 = vector.shape_cast %select_n3A_324 : vector<16xf32> to vector<16xf32>
        tpu.vector_store %arg26[%swap3A_406], %swap3A_409 {strides = array<i32>} : memref<32xf32, #tpu.memory_space<vmem>>, vector<16xf32>,
        %get3A_410 = arith.constant 1 : index
        %get3A_411 = tpu.vector_load %arg26[%get3A_410] {strides = array<i32>} : memref<32xf32, #tpu.memory_space<vmem>>, vector<16xf32>,
        %get3A_412 = vector.shape_cast %get3A_411 : vector<16xf32> to vector<16xf32>
        %select_n3A_413 = arith.select %or3A_351, %get3A_412, %select_n3A_324 : vector<16xi1>, vector<16xf32>
        %gt3A_414 = arith.constant 0.000000e+00 : f32
        %gt3A_415 = vector.broadcast %gt3A_414 : f32 to vector<16xf32>
        %gt3A_416 = arith.cmpf ogt, %select_n3A_352, %gt3A_415 : vector<16xf32>
        %jit3A = arith.constant 16 : i32
        %div3A = arith.divsi %scan3A_42, %jit3A : i32
        %sign3A = arith.constant 0 : i32
        %sign3A_417 = arith.cmpi sgt, %scan3A_42, %sign3A : i32
        %sign3A_418 = arith.extui %sign3A_417 : i1 to i32
        %sign3A_419 = arith.constant 0 : i32
        %sign3A_420 = arith.cmpi slt, %scan3A_42, %sign3A_419 : i32
        %sign3A_421 = arith.extui %sign3A_420 : i1 to i32
        %sign3A_422 = arith.subi %sign3A_418, %sign3A_421 : i32
        %sign3A_423 = arith.constant 0 : i32
        %sign3A_424 = arith.cmpi sgt, %jit3A, %sign3A_423 : i32
        %sign3A_425 = arith.extui %sign3A_424 : i1 to i32
        %sign3A_426 = arith.constant 0 : i32
        %sign3A_427 = arith.cmpi slt, %jit3A, %sign3A_426 : i32
        %sign3A_428 = arith.extui %sign3A_427 : i1 to i32
        %sign3A_429 = arith.subi %sign3A_425, %sign3A_428 : i32
        %ne3A = arith.cmpi ne, %sign3A_422, %sign3A_429 : i32
        %rem3A = arith.remsi %scan3A_42, %jit3A : i32
        %ne3A_430 = arith.constant 0 : i32
        %ne3A_431 = arith.cmpi ne, %rem3A, %ne3A_430 : i32
        %and3A_432 = arith.andi %ne3A, %ne3A_431 : i1
        %sub3A = arith.constant 1 : i32
        %sub3A_433 = arith.subi %div3A, %sub3A : i32
        %select_n3A_434 = arith.select %and3A_432, %sub3A_433, %div3A : i32
        %mul3A_435 = arith.constant 16 : i32
        %mul3A_436 = arith.muli %select_n3A_434, %mul3A_435 : i32
        %sub3A_437 = arith.subi %scan3A_42, %mul3A_436 : i32
        %broadcast_in_dim3A_438 = vector.broadcast %sub3A_437 : i32 to vector<16xi32>
        %eq3A_439 = arith.cmpi eq, %iota3A, %broadcast_in_dim3A_438 : vector<16xi32>
        %select_n3A_440 = arith.select %eq3A_439, %select_n3A_352, %scan3A_46 : vector<16xi1>, vector<16xf32>
        %jit3A_441 = arith.constant 0.000000e+00 : f32
        %broadcast_in_dim3A_442 = vector.broadcast %jit3A_441 : f32 to vector<16xf32>
        %select_n3A_443 = arith.select %gt3A_416, %select_n3A_365, %broadcast_in_dim3A_442 : vector<16xi1>, vector<16xf32>
        %select_n3A_444 = arith.select %eq3A_439, %select_n3A_443, %scan3A_47 : vector<16xi1>, vector<16xf32>
        %jit3A_445 = arith.constant 0.000000e+00 : f32
        %broadcast_in_dim3A_446 = vector.broadcast %jit3A_445 : f32 to vector<16xf32>
        %select_n3A_447 = arith.select %gt3A_416, %select_n3A_377, %broadcast_in_dim3A_446 : vector<16xi1>, vector<16xf32>
        %select_n3A_448 = arith.select %eq3A_439, %select_n3A_447, %scan3A_48 : vector<16xi1>, vector<16xf32>
        %jit3A_449 = arith.constant 0.000000e+00 : f32
        %broadcast_in_dim3A_450 = vector.broadcast %jit3A_449 : f32 to vector<16xf32>
        %select_n3A_451 = arith.select %gt3A_416, %select_n3A_389, %broadcast_in_dim3A_450 : vector<16xi1>, vector<16xf32>
        %select_n3A_452 = arith.select %eq3A_439, %select_n3A_451, %scan3A_49 : vector<16xi1>, vector<16xf32>
        %jit3A_453 = arith.constant 0.000000e+00 : f32
        %broadcast_in_dim3A_454 = vector.broadcast %jit3A_453 : f32 to vector<16xf32>
        %select_n3A_455 = arith.select %gt3A_416, %select_n3A_401, %broadcast_in_dim3A_454 : vector<16xi1>, vector<16xf32>
        %select_n3A_456 = arith.select %eq3A_439, %select_n3A_455, %scan3A_50 : vector<16xi1>, vector<16xf32>
        %jit3A_457 = arith.constant 0.000000e+00 : f32
        %broadcast_in_dim3A_458 = vector.broadcast %jit3A_457 : f32 to vector<16xf32>
        %select_n3A_459 = arith.select %gt3A_416, %select_n3A_413, %broadcast_in_dim3A_458 : vector<16xi1>, vector<16xf32>
        %select_n3A_460 = arith.select %eq3A_439, %select_n3A_459, %scan3A_51 : vector<16xi1>, vector<16xf32>
        %eq3A_461 = arith.constant 15 : i32
        %eq3A_462 = arith.cmpi eq, %sub3A_437, %eq3A_461 : i32
        %eq3A_463 = arith.constant 99 : i32
        %eq3A_464 = arith.cmpi eq, %scan3A_42, %eq3A_463 : i32
        %or3A_465 = arith.ori %eq3A_462, %eq3A_464 : i1
        %convert_element_type3A_466 = arith.extui %or3A_465 : i1 to i32
        %cond3A_467 = arith.constant 0 : i32
        %cond3A_468 = arith.cmpi ne, %convert_element_type3A_466, %cond3A_467 : i32
        scf.if %cond3A_468 {
          %sub3A_491 = arith.subi %scan3A_42, %sub3A_437 : i32
          %swap3A_492 = arith.index_cast %sub3A_491 : i32 to index
          %swap3A_493 = tpu.vector_load %arg23[%swap3A_492] {strides = array<i32>} : memref<112xf32, #tpu.memory_space<vmem>>, vector<16xf32>,
          %swap3A_494 = vector.shape_cast %swap3A_493 : vector<16xf32> to vector<16xf32>
          %swap3A_495 = vector.shape_cast %select_n3A_440 : vector<16xf32> to vector<16xf32>
          tpu.vector_store %arg23[%swap3A_492], %swap3A_495 {strides = array<i32>} : memref<112xf32, #tpu.memory_space<vmem>>, vector<16xf32>,
          %swap3A_496 = arith.index_cast %sub3A_491 : i32 to index
          %swap3A_497 = tpu.vector_load %arg19[%swap3A_496] {strides = array<i32>} : memref<112xf32, #tpu.memory_space<vmem>>, vector<16xf32>,
          %swap3A_498 = vector.shape_cast %swap3A_497 : vector<16xf32> to vector<16xf32>
          %swap3A_499 = vector.shape_cast %select_n3A_444 : vector<16xf32> to vector<16xf32>
          tpu.vector_store %arg19[%swap3A_496], %swap3A_499 {strides = array<i32>} : memref<112xf32, #tpu.memory_space<vmem>>, vector<16xf32>,
          %swap3A_500 = arith.index_cast %sub3A_491 : i32 to index
          %swap3A_501 = tpu.vector_load %arg20[%swap3A_500] {strides = array<i32>} : memref<112xf32, #tpu.memory_space<vmem>>, vector<16xf32>,
          %swap3A_502 = vector.shape_cast %swap3A_501 : vector<16xf32> to vector<16xf32>
          %swap3A_503 = vector.shape_cast %select_n3A_448 : vector<16xf32> to vector<16xf32>
          tpu.vector_store %arg20[%swap3A_500], %swap3A_503 {strides = array<i32>} : memref<112xf32, #tpu.memory_space<vmem>>, vector<16xf32>,
          %swap3A_504 = arith.index_cast %sub3A_491 : i32 to index
          %swap3A_505 = tpu.vector_load %arg21[%swap3A_504] {strides = array<i32>} : memref<112xf32, #tpu.memory_space<vmem>>, vector<16xf32>,
          %swap3A_506 = vector.shape_cast %swap3A_505 : vector<16xf32> to vector<16xf32>
          %swap3A_507 = vector.shape_cast %select_n3A_452 : vector<16xf32> to vector<16xf32>
          tpu.vector_store %arg21[%swap3A_504], %swap3A_507 {strides = array<i32>} : memref<112xf32, #tpu.memory_space<vmem>>, vector<16xf32>,
          %swap3A_508 = arith.index_cast %sub3A_491 : i32 to index
          %swap3A_509 = tpu.vector_load %arg22[%swap3A_508] {strides = array<i32>} : memref<112xf32, #tpu.memory_space<vmem>>, vector<16xf32>,
          %swap3A_510 = vector.shape_cast %swap3A_509 : vector<16xf32> to vector<16xf32>
          %swap3A_511 = vector.shape_cast %select_n3A_456 : vector<16xf32> to vector<16xf32>
          tpu.vector_store %arg22[%swap3A_508], %swap3A_511 {strides = array<i32>} : memref<112xf32, #tpu.memory_space<vmem>>, vector<16xf32>,
          %swap3A_512 = arith.index_cast %sub3A_491 : i32 to index
          %swap3A_513 = tpu.vector_load %arg24[%swap3A_512] {strides = array<i32>} : memref<112xf32, #tpu.memory_space<vmem>>, vector<16xf32>,
          %swap3A_514 = vector.shape_cast %swap3A_513 : vector<16xf32> to vector<16xf32>
          %swap3A_515 = vector.shape_cast %select_n3A_460 : vector<16xf32> to vector<16xf32>
          tpu.vector_store %arg24[%swap3A_512], %swap3A_515 {strides = array<i32>} : memref<112xf32, #tpu.memory_space<vmem>>, vector<16xf32>,
        } else {
        }
        %jit3A_469 = arith.constant 1.000000e+00 : f32
        %jit3A_470 = arith.constant 0.000000e+00 : f32
        %select_n3A_471 = arith.select %or3A_465, %jit3A_469, %jit3A_470 : f32
        %broadcast_in_dim3A_472 = vector.broadcast %select_n3A_471 : f32 to vector<16xf32>
        %sub3A_473 = arith.constant 1.000000e+00 : f32
        %sub3A_474 = vector.broadcast %sub3A_473 : f32 to vector<16xf32>
        %sub3A_475 = arith.subf %sub3A_474, %broadcast_in_dim3A_472 : vector<16xf32>
        %gt3A_476 = arith.constant 0.000000e+00 : f32
        %gt3A_477 = vector.broadcast %gt3A_476 : f32 to vector<16xf32>
        %gt3A_478 = arith.cmpf ogt, %select_n3A_352, %gt3A_477 : vector<16xf32>
        %jit3A_479 = arith.constant 1 : i32
        %jit3A_480 = arith.constant 0 : i32
        %broadcast_in_dim3A_481 = vector.broadcast %jit3A_479 : i32 to vector<16xi32>
        %broadcast_in_dim3A_482 = vector.broadcast %jit3A_480 : i32 to vector<16xi32>
        %select_n3A_483 = arith.select %gt3A_478, %broadcast_in_dim3A_481, %broadcast_in_dim3A_482 : vector<16xi1>, vector<16xi32>
        %add3A_484 = arith.addi %scan3A_45, %select_n3A_483 : vector<16xi32>
        %mul3A_485 = arith.mulf %select_n3A_440, %sub3A_475 : vector<16xf32>
        %mul3A_486 = arith.mulf %select_n3A_444, %sub3A_475 : vector<16xf32>
        %mul3A_487 = arith.mulf %select_n3A_448, %sub3A_475 : vector<16xf32>
        %mul3A_488 = arith.mulf %select_n3A_452, %sub3A_475 : vector<16xf32>
        %mul3A_489 = arith.mulf %select_n3A_456, %sub3A_475 : vector<16xf32>
        %mul3A_490 = arith.mulf %select_n3A_460, %sub3A_475 : vector<16xf32>
        scf.yield %select_n3A_352, %select_n3A_353, %add3A_484, %mul3A_485, %mul3A_486, %mul3A_487, %mul3A_488, %mul3A_489, %mul3A_490 : vector<16xf32>, vector<16xi32>, vector<16xi32>, vector<16xf32>, vector<16xf32>, vector<16xf32>, vector<16xf32>, vector<16xf32>, vector<16xf32>
      }
      %scan3A_24 = arith.constant 100 : i32
      %swap3A = arith.constant 0 : index
      %swap3A_25 = tpu.vector_load %arg25[%swap3A] {strides = array<i32>} : memref<16xi32, #tpu.memory_space<vmem>>, vector<16xi32>,
      %swap3A_26 = vector.shape_cast %swap3A_25 : vector<16xi32> to vector<16xi32>
      %swap3A_27 = vector.shape_cast %scan3A_23#2 : vector<16xi32> to vector<16xi32>
      tpu.vector_store %arg25[%swap3A], %swap3A_27 {strides = array<i32>} : memref<16xi32, #tpu.memory_space<vmem>>, vector<16xi32>,
      %mul3A_28 = arith.constant 112 : i32
      %mul3A_29 = arith.muli %add3A, %mul3A_28 : i32
      "tpu.region"() ({
        %run_scoped3A = tpu.sem_alloc : memref<!tpu.dma_semaphore, #tpu.memory_space<semaphore_mem>>
        %dma_start3A = tpu.memref_slice %arg7[%mul3A_29] : memref<224xf32, #tpu.memory_space<hbm>> -> memref<112xf32, #tpu.memory_space<hbm>>
        %dma_start3A_42 = tpu.memref_slice %arg7[%mul3A_29] : memref<224xf32, #tpu.memory_space<hbm>> -> memref<112xf32, #tpu.memory_space<hbm>>
        tpu.enqueue_dma source(%arg19 : memref<112xf32, #tpu.memory_space<vmem>>) target(%dma_start3A_42 : memref<112xf32, #tpu.memory_space<hbm>>) target_semaphore(%run_scoped3A : memref<!tpu.dma_semaphore, #tpu.memory_space<semaphore_mem>>)
        %dma_wait3A = tpu.memref_slice %arg7[%mul3A_29] : memref<224xf32, #tpu.memory_space<hbm>> -> memref<112xf32, #tpu.memory_space<hbm>>
        %dma_wait3A_43 = tpu.memref_slice %arg7[%mul3A_29] : memref<224xf32, #tpu.memory_space<hbm>> -> memref<112xf32, #tpu.memory_space<hbm>>
        tpu.wait_dma2 semaphore(%run_scoped3A : memref<!tpu.dma_semaphore, #tpu.memory_space<semaphore_mem>>) src(%arg19 : memref<112xf32, #tpu.memory_space<vmem>>) dst(%dma_wait3A_43 : memref<112xf32, #tpu.memory_space<hbm>>)
        tpu.yield
      }) : () -> ()
      %mul3A_30 = arith.constant 112 : i32
      %mul3A_31 = arith.muli %add3A, %mul3A_30 : i32
      "tpu.region"() ({
        %run_scoped3A = tpu.sem_alloc : memref<!tpu.dma_semaphore, #tpu.memory_space<semaphore_mem>>
        %dma_start3A = tpu.memref_slice %arg8[%mul3A_31] : memref<224xf32, #tpu.memory_space<hbm>> -> memref<112xf32, #tpu.memory_space<hbm>>
        %dma_start3A_42 = tpu.memref_slice %arg8[%mul3A_31] : memref<224xf32, #tpu.memory_space<hbm>> -> memref<112xf32, #tpu.memory_space<hbm>>
        tpu.enqueue_dma source(%arg20 : memref<112xf32, #tpu.memory_space<vmem>>) target(%dma_start3A_42 : memref<112xf32, #tpu.memory_space<hbm>>) target_semaphore(%run_scoped3A : memref<!tpu.dma_semaphore, #tpu.memory_space<semaphore_mem>>)
        %dma_wait3A = tpu.memref_slice %arg8[%mul3A_31] : memref<224xf32, #tpu.memory_space<hbm>> -> memref<112xf32, #tpu.memory_space<hbm>>
        %dma_wait3A_43 = tpu.memref_slice %arg8[%mul3A_31] : memref<224xf32, #tpu.memory_space<hbm>> -> memref<112xf32, #tpu.memory_space<hbm>>
        tpu.wait_dma2 semaphore(%run_scoped3A : memref<!tpu.dma_semaphore, #tpu.memory_space<semaphore_mem>>) src(%arg20 : memref<112xf32, #tpu.memory_space<vmem>>) dst(%dma_wait3A_43 : memref<112xf32, #tpu.memory_space<hbm>>)
        tpu.yield
      }) : () -> ()
      %mul3A_32 = arith.constant 112 : i32
      %mul3A_33 = arith.muli %add3A, %mul3A_32 : i32
      "tpu.region"() ({
        %run_scoped3A = tpu.sem_alloc : memref<!tpu.dma_semaphore, #tpu.memory_space<semaphore_mem>>
        %dma_start3A = tpu.memref_slice %arg9[%mul3A_33] : memref<224xf32, #tpu.memory_space<hbm>> -> memref<112xf32, #tpu.memory_space<hbm>>
        %dma_start3A_42 = tpu.memref_slice %arg9[%mul3A_33] : memref<224xf32, #tpu.memory_space<hbm>> -> memref<112xf32, #tpu.memory_space<hbm>>
        tpu.enqueue_dma source(%arg21 : memref<112xf32, #tpu.memory_space<vmem>>) target(%dma_start3A_42 : memref<112xf32, #tpu.memory_space<hbm>>) target_semaphore(%run_scoped3A : memref<!tpu.dma_semaphore, #tpu.memory_space<semaphore_mem>>)
        %dma_wait3A = tpu.memref_slice %arg9[%mul3A_33] : memref<224xf32, #tpu.memory_space<hbm>> -> memref<112xf32, #tpu.memory_space<hbm>>
        %dma_wait3A_43 = tpu.memref_slice %arg9[%mul3A_33] : memref<224xf32, #tpu.memory_space<hbm>> -> memref<112xf32, #tpu.memory_space<hbm>>
        tpu.wait_dma2 semaphore(%run_scoped3A : memref<!tpu.dma_semaphore, #tpu.memory_space<semaphore_mem>>) src(%arg21 : memref<112xf32, #tpu.memory_space<vmem>>) dst(%dma_wait3A_43 : memref<112xf32, #tpu.memory_space<hbm>>)
        tpu.yield
      }) : () -> ()
      %mul3A_34 = arith.constant 112 : i32
      %mul3A_35 = arith.muli %add3A, %mul3A_34 : i32
      "tpu.region"() ({
        %run_scoped3A = tpu.sem_alloc : memref<!tpu.dma_semaphore, #tpu.memory_space<semaphore_mem>>
        %dma_start3A = tpu.memref_slice %arg10[%mul3A_35] : memref<224xf32, #tpu.memory_space<hbm>> -> memref<112xf32, #tpu.memory_space<hbm>>
        %dma_start3A_42 = tpu.memref_slice %arg10[%mul3A_35] : memref<224xf32, #tpu.memory_space<hbm>> -> memref<112xf32, #tpu.memory_space<hbm>>
        tpu.enqueue_dma source(%arg22 : memref<112xf32, #tpu.memory_space<vmem>>) target(%dma_start3A_42 : memref<112xf32, #tpu.memory_space<hbm>>) target_semaphore(%run_scoped3A : memref<!tpu.dma_semaphore, #tpu.memory_space<semaphore_mem>>)
        %dma_wait3A = tpu.memref_slice %arg10[%mul3A_35] : memref<224xf32, #tpu.memory_space<hbm>> -> memref<112xf32, #tpu.memory_space<hbm>>
        %dma_wait3A_43 = tpu.memref_slice %arg10[%mul3A_35] : memref<224xf32, #tpu.memory_space<hbm>> -> memref<112xf32, #tpu.memory_space<hbm>>
        tpu.wait_dma2 semaphore(%run_scoped3A : memref<!tpu.dma_semaphore, #tpu.memory_space<semaphore_mem>>) src(%arg22 : memref<112xf32, #tpu.memory_space<vmem>>) dst(%dma_wait3A_43 : memref<112xf32, #tpu.memory_space<hbm>>)
        tpu.yield
      }) : () -> ()
      %mul3A_36 = arith.constant 112 : i32
      %mul3A_37 = arith.muli %add3A, %mul3A_36 : i32
      "tpu.region"() ({
        %run_scoped3A = tpu.sem_alloc : memref<!tpu.dma_semaphore, #tpu.memory_space<semaphore_mem>>
        %dma_start3A = tpu.memref_slice %arg11[%mul3A_37] : memref<224xf32, #tpu.memory_space<hbm>> -> memref<112xf32, #tpu.memory_space<hbm>>
        %dma_start3A_42 = tpu.memref_slice %arg11[%mul3A_37] : memref<224xf32, #tpu.memory_space<hbm>> -> memref<112xf32, #tpu.memory_space<hbm>>
        tpu.enqueue_dma source(%arg23 : memref<112xf32, #tpu.memory_space<vmem>>) target(%dma_start3A_42 : memref<112xf32, #tpu.memory_space<hbm>>) target_semaphore(%run_scoped3A : memref<!tpu.dma_semaphore, #tpu.memory_space<semaphore_mem>>)
        %dma_wait3A = tpu.memref_slice %arg11[%mul3A_37] : memref<224xf32, #tpu.memory_space<hbm>> -> memref<112xf32, #tpu.memory_space<hbm>>
        %dma_wait3A_43 = tpu.memref_slice %arg11[%mul3A_37] : memref<224xf32, #tpu.memory_space<hbm>> -> memref<112xf32, #tpu.memory_space<hbm>>
        tpu.wait_dma2 semaphore(%run_scoped3A : memref<!tpu.dma_semaphore, #tpu.memory_space<semaphore_mem>>) src(%arg23 : memref<112xf32, #tpu.memory_space<vmem>>) dst(%dma_wait3A_43 : memref<112xf32, #tpu.memory_space<hbm>>)
        tpu.yield
      }) : () -> ()
      %mul3A_38 = arith.constant 112 : i32
      %mul3A_39 = arith.muli %add3A, %mul3A_38 : i32
      "tpu.region"() ({
        %run_scoped3A = tpu.sem_alloc : memref<!tpu.dma_semaphore, #tpu.memory_space<semaphore_mem>>
        %dma_start3A = tpu.memref_slice %arg12[%mul3A_39] : memref<224xf32, #tpu.memory_space<hbm>> -> memref<112xf32, #tpu.memory_space<hbm>>
        %dma_start3A_42 = tpu.memref_slice %arg12[%mul3A_39] : memref<224xf32, #tpu.memory_space<hbm>> -> memref<112xf32, #tpu.memory_space<hbm>>
        tpu.enqueue_dma source(%arg24 : memref<112xf32, #tpu.memory_space<vmem>>) target(%dma_start3A_42 : memref<112xf32, #tpu.memory_space<hbm>>) target_semaphore(%run_scoped3A : memref<!tpu.dma_semaphore, #tpu.memory_space<semaphore_mem>>)
        %dma_wait3A = tpu.memref_slice %arg12[%mul3A_39] : memref<224xf32, #tpu.memory_space<hbm>> -> memref<112xf32, #tpu.memory_space<hbm>>
        %dma_wait3A_43 = tpu.memref_slice %arg12[%mul3A_39] : memref<224xf32, #tpu.memory_space<hbm>> -> memref<112xf32, #tpu.memory_space<hbm>>
        tpu.wait_dma2 semaphore(%run_scoped3A : memref<!tpu.dma_semaphore, #tpu.memory_space<semaphore_mem>>) src(%arg24 : memref<112xf32, #tpu.memory_space<vmem>>) dst(%dma_wait3A_43 : memref<112xf32, #tpu.memory_space<hbm>>)
        tpu.yield
      }) : () -> ()
      %mul3A_40 = arith.constant 16 : i32
      %mul3A_41 = arith.muli %add3A, %mul3A_40 : i32
      "tpu.region"() ({
        %run_scoped3A = tpu.sem_alloc : memref<!tpu.dma_semaphore, #tpu.memory_space<semaphore_mem>>
        %dma_start3A = tpu.memref_slice %arg13[%mul3A_41] : memref<32xi32, #tpu.memory_space<hbm>> -> memref<16xi32, #tpu.memory_space<hbm>>
        %dma_start3A_42 = tpu.memref_slice %arg13[%mul3A_41] : memref<32xi32, #tpu.memory_space<hbm>> -> memref<16xi32, #tpu.memory_space<hbm>>
        tpu.enqueue_dma source(%arg25 : memref<16xi32, #tpu.memory_space<vmem>>) target(%dma_start3A_42 : memref<16xi32, #tpu.memory_space<hbm>>) target_semaphore(%run_scoped3A : memref<!tpu.dma_semaphore, #tpu.memory_space<semaphore_mem>>)
        %dma_wait3A = tpu.memref_slice %arg13[%mul3A_41] : memref<32xi32, #tpu.memory_space<hbm>> -> memref<16xi32, #tpu.memory_space<hbm>>
        %dma_wait3A_43 = tpu.memref_slice %arg13[%mul3A_41] : memref<32xi32, #tpu.memory_space<hbm>> -> memref<16xi32, #tpu.memory_space<hbm>>
        tpu.wait_dma2 semaphore(%run_scoped3A : memref<!tpu.dma_semaphore, #tpu.memory_space<semaphore_mem>>) src(%arg25 : memref<16xi32, #tpu.memory_space<vmem>>) dst(%dma_wait3A_43 : memref<16xi32, #tpu.memory_space<hbm>>)
        tpu.yield
      }) : () -> ()
    } else {
    }
    return
  }
}

#map = affine_map<(d0, d1) -> (0)>
module attributes {stable_mosaic.version = 14 : i64} {
  func.func @_nms_sc_pair_body(%arg0: i32, %arg1: i32, %arg2: memref<204800xf32, #tpu.memory_space<hbm>>, %arg3: memref<40960xf32, #tpu.memory_space<hbm>>, %arg4: memref<819200xf32, #tpu.memory_space<hbm>>, %arg5: memref<896xf32, #tpu.memory_space<hbm>>, %arg6: memref<896xf32, #tpu.memory_space<hbm>>, %arg7: memref<896xf32, #tpu.memory_space<hbm>>, %arg8: memref<896xf32, #tpu.memory_space<hbm>>, %arg9: memref<896xf32, #tpu.memory_space<hbm>>, %arg10: memref<1280xf32, #tpu.memory_space<vmem>>, %arg11: memref<1280xf32, #tpu.memory_space<vmem>>, %arg12: memref<1280xf32, #tpu.memory_space<vmem>>, %arg13: memref<1280xf32, #tpu.memory_space<vmem>>, %arg14: memref<1280xf32, #tpu.memory_space<vmem>>, %arg15: memref<1280xf32, #tpu.memory_space<vmem>>, %arg16: memref<1280xf32, #tpu.memory_space<vmem>>, %arg17: memref<1280xf32, #tpu.memory_space<vmem>>, %arg18: memref<1280xf32, #tpu.memory_space<vmem>>, %arg19: memref<1280xf32, #tpu.memory_space<vmem>>, %arg20: memref<1280xf32, #tpu.memory_space<vmem>>, %arg21: memref<1280xf32, #tpu.memory_space<vmem>>, %arg22: memref<1280xf32, #tpu.memory_space<vmem>>, %arg23: memref<1280xf32, #tpu.memory_space<vmem>>, %arg24: memref<112xf32, #tpu.memory_space<vmem>>, %arg25: memref<112xf32, #tpu.memory_space<vmem>>, %arg26: memref<112xf32, #tpu.memory_space<vmem>>, %arg27: memref<112xf32, #tpu.memory_space<vmem>>, %arg28: memref<112xf32, #tpu.memory_space<vmem>>, %arg29: memref<32xf32, #tpu.memory_space<vmem>>, %arg30: memref<32xi32, #tpu.memory_space<vmem>>, %arg31: memref<80xf32, #tpu.memory_space<vmem>>, %arg32: memref<80xf32, #tpu.memory_space<vmem>>, %arg33: memref<16xi32, #tpu.memory_space<vmem>>, %arg34: memref<16xi32, #tpu.memory_space<vmem>>, %arg35: memref<2560xf32, #tpu.memory_space<vmem_shared>>, %arg36: memref<512xi32, #tpu.memory_space<vmem_shared>>) attributes {dimension_semantics = [#tpu.dimension_semantics<core_parallel>, #tpu.dimension_semantics<subcore_parallel>], iteration_bounds = array<i64: 2, 16>, scalar_prefetch = 0 : i64, scratch_operands = 27 : i64, tpu.core_type = #tpu.core_type<sc_vector_subcore>, window_params = [{transform_indices = #map}, {transform_indices = #map}, {transform_indices = #map}, {transform_indices = #map}, {transform_indices = #map}, {transform_indices = #map}, {transform_indices = #map}, {transform_indices = #map}]} {
    %iota3A = tpu.iota {dimensions = array<i32: 0>} : vector<16xi32>
    %jit3A = arith.constant 4 : i32
    %div3A = arith.divsi %arg1, %jit3A : i32
    %sign3A = arith.constant 0 : i32
    %sign3A_0 = arith.cmpi sgt, %arg1, %sign3A : i32
    %sign3A_1 = arith.extui %sign3A_0 : i1 to i32
    %sign3A_2 = arith.constant 0 : i32
    %sign3A_3 = arith.cmpi slt, %arg1, %sign3A_2 : i32
    %sign3A_4 = arith.extui %sign3A_3 : i1 to i32
    %sign3A_5 = arith.subi %sign3A_1, %sign3A_4 : i32
    %sign3A_6 = arith.constant 0 : i32
    %sign3A_7 = arith.cmpi sgt, %jit3A, %sign3A_6 : i32
    %sign3A_8 = arith.extui %sign3A_7 : i1 to i32
    %sign3A_9 = arith.constant 0 : i32
    %sign3A_10 = arith.cmpi slt, %jit3A, %sign3A_9 : i32
    %sign3A_11 = arith.extui %sign3A_10 : i1 to i32
    %sign3A_12 = arith.subi %sign3A_8, %sign3A_11 : i32
    %ne3A = arith.cmpi ne, %sign3A_5, %sign3A_12 : i32
    %rem3A = arith.remsi %arg1, %jit3A : i32
    %ne3A_13 = arith.constant 0 : i32
    %ne3A_14 = arith.cmpi ne, %rem3A, %ne3A_13 : i32
    %and3A = arith.andi %ne3A, %ne3A_14 : i1
    %sub3A = arith.constant 1 : i32
    %sub3A_15 = arith.subi %div3A, %sub3A : i32
    %select_n3A = arith.select %and3A, %sub3A_15, %div3A : i32
    %mul3A = arith.constant 4 : i32
    %mul3A_16 = arith.muli %select_n3A, %mul3A : i32
    %sub3A_17 = arith.subi %arg1, %mul3A_16 : i32
    %mul3A_18 = arith.constant 4 : i32
    %mul3A_19 = arith.muli %arg0, %mul3A_18 : i32
    %jit3A_20 = arith.constant 4 : i32
    %div3A_21 = arith.divsi %arg1, %jit3A_20 : i32
    %sign3A_22 = arith.constant 0 : i32
    %sign3A_23 = arith.cmpi sgt, %arg1, %sign3A_22 : i32
    %sign3A_24 = arith.extui %sign3A_23 : i1 to i32
    %sign3A_25 = arith.constant 0 : i32
    %sign3A_26 = arith.cmpi slt, %arg1, %sign3A_25 : i32
    %sign3A_27 = arith.extui %sign3A_26 : i1 to i32
    %sign3A_28 = arith.subi %sign3A_24, %sign3A_27 : i32
    %sign3A_29 = arith.constant 0 : i32
    %sign3A_30 = arith.cmpi sgt, %jit3A_20, %sign3A_29 : i32
    %sign3A_31 = arith.extui %sign3A_30 : i1 to i32
    %sign3A_32 = arith.constant 0 : i32
    %sign3A_33 = arith.cmpi slt, %jit3A_20, %sign3A_32 : i32
    %sign3A_34 = arith.extui %sign3A_33 : i1 to i32
    %sign3A_35 = arith.subi %sign3A_31, %sign3A_34 : i32
    %ne3A_36 = arith.cmpi ne, %sign3A_28, %sign3A_35 : i32
    %rem3A_37 = arith.remsi %arg1, %jit3A_20 : i32
    %ne3A_38 = arith.constant 0 : i32
    %ne3A_39 = arith.cmpi ne, %rem3A_37, %ne3A_38 : i32
    %and3A_40 = arith.andi %ne3A_36, %ne3A_39 : i1
    %sub3A_41 = arith.constant 1 : i32
    %sub3A_42 = arith.subi %div3A_21, %sub3A_41 : i32
    %select_n3A_43 = arith.select %and3A_40, %sub3A_42, %div3A_21 : i32
    %add3A = arith.addi %mul3A_19, %select_n3A_43 : i32
    %jit3A_44 = arith.constant 20 : i32
    %div3A_45 = arith.divsi %add3A, %jit3A_44 : i32
    %sign3A_46 = arith.constant 0 : i32
    %sign3A_47 = arith.cmpi sgt, %add3A, %sign3A_46 : i32
    %sign3A_48 = arith.extui %sign3A_47 : i1 to i32
    %sign3A_49 = arith.constant 0 : i32
    %sign3A_50 = arith.cmpi slt, %add3A, %sign3A_49 : i32
    %sign3A_51 = arith.extui %sign3A_50 : i1 to i32
    %sign3A_52 = arith.subi %sign3A_48, %sign3A_51 : i32
    %sign3A_53 = arith.constant 0 : i32
    %sign3A_54 = arith.cmpi sgt, %jit3A_44, %sign3A_53 : i32
    %sign3A_55 = arith.extui %sign3A_54 : i1 to i32
    %sign3A_56 = arith.constant 0 : i32
    %sign3A_57 = arith.cmpi slt, %jit3A_44, %sign3A_56 : i32
    %sign3A_58 = arith.extui %sign3A_57 : i1 to i32
    %sign3A_59 = arith.subi %sign3A_55, %sign3A_58 : i32
    %ne3A_60 = arith.cmpi ne, %sign3A_52, %sign3A_59 : i32
    %rem3A_61 = arith.remsi %add3A, %jit3A_44 : i32
    %ne3A_62 = arith.constant 0 : i32
    %ne3A_63 = arith.cmpi ne, %rem3A_61, %ne3A_62 : i32
    %and3A_64 = arith.andi %ne3A_60, %ne3A_63 : i1
    %sub3A_65 = arith.constant 1 : i32
    %sub3A_66 = arith.subi %div3A_45, %sub3A_65 : i32
    %select_n3A_67 = arith.select %and3A_64, %sub3A_66, %div3A_45 : i32
    %mul3A_68 = arith.constant 1280 : i32
    %mul3A_69 = arith.muli %sub3A_17, %mul3A_68 : i32
    %mul3A_70 = arith.constant 5120 : i32
    %mul3A_71 = arith.muli %add3A, %mul3A_70 : i32
    %add3A_72 = arith.addi %mul3A_71, %mul3A_69 : i32
    "tpu.region"() ({
      %run_scoped3A = tpu.sem_alloc : memref<!tpu.dma_semaphore, #tpu.memory_space<semaphore_mem>>
      %dma_start3A = tpu.memref_slice %arg2[%add3A_72] : memref<204800xf32, #tpu.memory_space<hbm>> -> memref<1280xf32, #tpu.memory_space<hbm>>
      %dma_start3A_600 = tpu.memref_slice %arg2[%add3A_72] : memref<204800xf32, #tpu.memory_space<hbm>> -> memref<1280xf32, #tpu.memory_space<hbm>>
      tpu.enqueue_dma source(%dma_start3A_600 : memref<1280xf32, #tpu.memory_space<hbm>>) target(%arg10 : memref<1280xf32, #tpu.memory_space<vmem>>) target_semaphore(%run_scoped3A : memref<!tpu.dma_semaphore, #tpu.memory_space<semaphore_mem>>)
      %dma_wait3A = tpu.memref_slice %arg2[%add3A_72] : memref<204800xf32, #tpu.memory_space<hbm>> -> memref<1280xf32, #tpu.memory_space<hbm>>
      %dma_wait3A_601 = tpu.memref_slice %arg2[%add3A_72] : memref<204800xf32, #tpu.memory_space<hbm>> -> memref<1280xf32, #tpu.memory_space<hbm>>
      tpu.wait_dma2 semaphore(%run_scoped3A : memref<!tpu.dma_semaphore, #tpu.memory_space<semaphore_mem>>) src(%dma_wait3A_601 : memref<1280xf32, #tpu.memory_space<hbm>>) dst(%arg10 : memref<1280xf32, #tpu.memory_space<vmem>>)
      tpu.yield
    }) : () -> ()
    %mul3A_73 = arith.constant 4 : i32
    %mul3A_74 = arith.muli %select_n3A_67, %mul3A_73 : i32
    %add3A_75 = arith.constant 0 : i32
    %add3A_76 = arith.addi %mul3A_74, %add3A_75 : i32
    %mul3A_77 = arith.constant 5120 : i32
    %mul3A_78 = arith.muli %add3A_76, %mul3A_77 : i32
    %add3A_79 = arith.addi %mul3A_78, %mul3A_69 : i32
    "tpu.region"() ({
      %run_scoped3A = tpu.sem_alloc : memref<!tpu.dma_semaphore, #tpu.memory_space<semaphore_mem>>
      %dma_start3A = tpu.memref_slice %arg3[%add3A_79] : memref<40960xf32, #tpu.memory_space<hbm>> -> memref<1280xf32, #tpu.memory_space<hbm>>
      %dma_start3A_600 = tpu.memref_slice %arg3[%add3A_79] : memref<40960xf32, #tpu.memory_space<hbm>> -> memref<1280xf32, #tpu.memory_space<hbm>>
      tpu.enqueue_dma source(%dma_start3A_600 : memref<1280xf32, #tpu.memory_space<hbm>>) target(%arg11 : memref<1280xf32, #tpu.memory_space<vmem>>) target_semaphore(%run_scoped3A : memref<!tpu.dma_semaphore, #tpu.memory_space<semaphore_mem>>)
      %dma_wait3A = tpu.memref_slice %arg3[%add3A_79] : memref<40960xf32, #tpu.memory_space<hbm>> -> memref<1280xf32, #tpu.memory_space<hbm>>
      %dma_wait3A_601 = tpu.memref_slice %arg3[%add3A_79] : memref<40960xf32, #tpu.memory_space<hbm>> -> memref<1280xf32, #tpu.memory_space<hbm>>
      tpu.wait_dma2 semaphore(%run_scoped3A : memref<!tpu.dma_semaphore, #tpu.memory_space<semaphore_mem>>) src(%dma_wait3A_601 : memref<1280xf32, #tpu.memory_space<hbm>>) dst(%arg11 : memref<1280xf32, #tpu.memory_space<vmem>>)
      tpu.yield
    }) : () -> ()
    %mul3A_80 = arith.constant 4 : i32
    %mul3A_81 = arith.muli %select_n3A_67, %mul3A_80 : i32
    %add3A_82 = arith.constant 1 : i32
    %add3A_83 = arith.addi %mul3A_81, %add3A_82 : i32
    %mul3A_84 = arith.constant 5120 : i32
    %mul3A_85 = arith.muli %add3A_83, %mul3A_84 : i32
    %add3A_86 = arith.addi %mul3A_85, %mul3A_69 : i32
    "tpu.region"() ({
      %run_scoped3A = tpu.sem_alloc : memref<!tpu.dma_semaphore, #tpu.memory_space<semaphore_mem>>
      %dma_start3A = tpu.memref_slice %arg3[%add3A_86] : memref<40960xf32, #tpu.memory_space<hbm>> -> memref<1280xf32, #tpu.memory_space<hbm>>
      %dma_start3A_600 = tpu.memref_slice %arg3[%add3A_86] : memref<40960xf32, #tpu.memory_space<hbm>> -> memref<1280xf32, #tpu.memory_space<hbm>>
      tpu.enqueue_dma source(%dma_start3A_600 : memref<1280xf32, #tpu.memory_space<hbm>>) target(%arg12 : memref<1280xf32, #tpu.memory_space<vmem>>) target_semaphore(%run_scoped3A : memref<!tpu.dma_semaphore, #tpu.memory_space<semaphore_mem>>)
      %dma_wait3A = tpu.memref_slice %arg3[%add3A_86] : memref<40960xf32, #tpu.memory_space<hbm>> -> memref<1280xf32, #tpu.memory_space<hbm>>
      %dma_wait3A_601 = tpu.memref_slice %arg3[%add3A_86] : memref<40960xf32, #tpu.memory_space<hbm>> -> memref<1280xf32, #tpu.memory_space<hbm>>
      tpu.wait_dma2 semaphore(%run_scoped3A : memref<!tpu.dma_semaphore, #tpu.memory_space<semaphore_mem>>) src(%dma_wait3A_601 : memref<1280xf32, #tpu.memory_space<hbm>>) dst(%arg12 : memref<1280xf32, #tpu.memory_space<vmem>>)
      tpu.yield
    }) : () -> ()
    %mul3A_87 = arith.constant 4 : i32
    %mul3A_88 = arith.muli %select_n3A_67, %mul3A_87 : i32
    %add3A_89 = arith.constant 2 : i32
    %add3A_90 = arith.addi %mul3A_88, %add3A_89 : i32
    %mul3A_91 = arith.constant 5120 : i32
    %mul3A_92 = arith.muli %add3A_90, %mul3A_91 : i32
    %add3A_93 = arith.addi %mul3A_92, %mul3A_69 : i32
    "tpu.region"() ({
      %run_scoped3A = tpu.sem_alloc : memref<!tpu.dma_semaphore, #tpu.memory_space<semaphore_mem>>
      %dma_start3A = tpu.memref_slice %arg3[%add3A_93] : memref<40960xf32, #tpu.memory_space<hbm>> -> memref<1280xf32, #tpu.memory_space<hbm>>
      %dma_start3A_600 = tpu.memref_slice %arg3[%add3A_93] : memref<40960xf32, #tpu.memory_space<hbm>> -> memref<1280xf32, #tpu.memory_space<hbm>>
      tpu.enqueue_dma source(%dma_start3A_600 : memref<1280xf32, #tpu.memory_space<hbm>>) target(%arg13 : memref<1280xf32, #tpu.memory_space<vmem>>) target_semaphore(%run_scoped3A : memref<!tpu.dma_semaphore, #tpu.memory_space<semaphore_mem>>)
      %dma_wait3A = tpu.memref_slice %arg3[%add3A_93] : memref<40960xf32, #tpu.memory_space<hbm>> -> memref<1280xf32, #tpu.memory_space<hbm>>
      %dma_wait3A_601 = tpu.memref_slice %arg3[%add3A_93] : memref<40960xf32, #tpu.memory_space<hbm>> -> memref<1280xf32, #tpu.memory_space<hbm>>
      tpu.wait_dma2 semaphore(%run_scoped3A : memref<!tpu.dma_semaphore, #tpu.memory_space<semaphore_mem>>) src(%dma_wait3A_601 : memref<1280xf32, #tpu.memory_space<hbm>>) dst(%arg13 : memref<1280xf32, #tpu.memory_space<vmem>>)
      tpu.yield
    }) : () -> ()
    %mul3A_94 = arith.constant 4 : i32
    %mul3A_95 = arith.muli %select_n3A_67, %mul3A_94 : i32
    %add3A_96 = arith.constant 3 : i32
    %add3A_97 = arith.addi %mul3A_95, %add3A_96 : i32
    %mul3A_98 = arith.constant 5120 : i32
    %mul3A_99 = arith.muli %add3A_97, %mul3A_98 : i32
    %add3A_100 = arith.addi %mul3A_99, %mul3A_69 : i32
    "tpu.region"() ({
      %run_scoped3A = tpu.sem_alloc : memref<!tpu.dma_semaphore, #tpu.memory_space<semaphore_mem>>
      %dma_start3A = tpu.memref_slice %arg3[%add3A_100] : memref<40960xf32, #tpu.memory_space<hbm>> -> memref<1280xf32, #tpu.memory_space<hbm>>
      %dma_start3A_600 = tpu.memref_slice %arg3[%add3A_100] : memref<40960xf32, #tpu.memory_space<hbm>> -> memref<1280xf32, #tpu.memory_space<hbm>>
      tpu.enqueue_dma source(%dma_start3A_600 : memref<1280xf32, #tpu.memory_space<hbm>>) target(%arg14 : memref<1280xf32, #tpu.memory_space<vmem>>) target_semaphore(%run_scoped3A : memref<!tpu.dma_semaphore, #tpu.memory_space<semaphore_mem>>)
      %dma_wait3A = tpu.memref_slice %arg3[%add3A_100] : memref<40960xf32, #tpu.memory_space<hbm>> -> memref<1280xf32, #tpu.memory_space<hbm>>
      %dma_wait3A_601 = tpu.memref_slice %arg3[%add3A_100] : memref<40960xf32, #tpu.memory_space<hbm>> -> memref<1280xf32, #tpu.memory_space<hbm>>
      tpu.wait_dma2 semaphore(%run_scoped3A : memref<!tpu.dma_semaphore, #tpu.memory_space<semaphore_mem>>) src(%dma_wait3A_601 : memref<1280xf32, #tpu.memory_space<hbm>>) dst(%arg14 : memref<1280xf32, #tpu.memory_space<vmem>>)
      tpu.yield
    }) : () -> ()
    %mul3A_101 = arith.constant 4 : i32
    %mul3A_102 = arith.muli %add3A, %mul3A_101 : i32
    %add3A_103 = arith.constant 0 : i32
    %add3A_104 = arith.addi %mul3A_102, %add3A_103 : i32
    %mul3A_105 = arith.constant 5120 : i32
    %mul3A_106 = arith.muli %add3A_104, %mul3A_105 : i32
    %add3A_107 = arith.addi %mul3A_106, %mul3A_69 : i32
    "tpu.region"() ({
      %run_scoped3A = tpu.sem_alloc : memref<!tpu.dma_semaphore, #tpu.memory_space<semaphore_mem>>
      %dma_start3A = tpu.memref_slice %arg4[%add3A_107] : memref<819200xf32, #tpu.memory_space<hbm>> -> memref<1280xf32, #tpu.memory_space<hbm>>
      %dma_start3A_600 = tpu.memref_slice %arg4[%add3A_107] : memref<819200xf32, #tpu.memory_space<hbm>> -> memref<1280xf32, #tpu.memory_space<hbm>>
      tpu.enqueue_dma source(%dma_start3A_600 : memref<1280xf32, #tpu.memory_space<hbm>>) target(%arg15 : memref<1280xf32, #tpu.memory_space<vmem>>) target_semaphore(%run_scoped3A : memref<!tpu.dma_semaphore, #tpu.memory_space<semaphore_mem>>)
      %dma_wait3A = tpu.memref_slice %arg4[%add3A_107] : memref<819200xf32, #tpu.memory_space<hbm>> -> memref<1280xf32, #tpu.memory_space<hbm>>
      %dma_wait3A_601 = tpu.memref_slice %arg4[%add3A_107] : memref<819200xf32, #tpu.memory_space<hbm>> -> memref<1280xf32, #tpu.memory_space<hbm>>
      tpu.wait_dma2 semaphore(%run_scoped3A : memref<!tpu.dma_semaphore, #tpu.memory_space<semaphore_mem>>) src(%dma_wait3A_601 : memref<1280xf32, #tpu.memory_space<hbm>>) dst(%arg15 : memref<1280xf32, #tpu.memory_space<vmem>>)
      tpu.yield
    }) : () -> ()
    %mul3A_108 = arith.constant 4 : i32
    %mul3A_109 = arith.muli %add3A, %mul3A_108 : i32
    %add3A_110 = arith.constant 1 : i32
    %add3A_111 = arith.addi %mul3A_109, %add3A_110 : i32
    %mul3A_112 = arith.constant 5120 : i32
    %mul3A_113 = arith.muli %add3A_111, %mul3A_112 : i32
    %add3A_114 = arith.addi %mul3A_113, %mul3A_69 : i32
    "tpu.region"() ({
      %run_scoped3A = tpu.sem_alloc : memref<!tpu.dma_semaphore, #tpu.memory_space<semaphore_mem>>
      %dma_start3A = tpu.memref_slice %arg4[%add3A_114] : memref<819200xf32, #tpu.memory_space<hbm>> -> memref<1280xf32, #tpu.memory_space<hbm>>
      %dma_start3A_600 = tpu.memref_slice %arg4[%add3A_114] : memref<819200xf32, #tpu.memory_space<hbm>> -> memref<1280xf32, #tpu.memory_space<hbm>>
      tpu.enqueue_dma source(%dma_start3A_600 : memref<1280xf32, #tpu.memory_space<hbm>>) target(%arg16 : memref<1280xf32, #tpu.memory_space<vmem>>) target_semaphore(%run_scoped3A : memref<!tpu.dma_semaphore, #tpu.memory_space<semaphore_mem>>)
      %dma_wait3A = tpu.memref_slice %arg4[%add3A_114] : memref<819200xf32, #tpu.memory_space<hbm>> -> memref<1280xf32, #tpu.memory_space<hbm>>
      %dma_wait3A_601 = tpu.memref_slice %arg4[%add3A_114] : memref<819200xf32, #tpu.memory_space<hbm>> -> memref<1280xf32, #tpu.memory_space<hbm>>
      tpu.wait_dma2 semaphore(%run_scoped3A : memref<!tpu.dma_semaphore, #tpu.memory_space<semaphore_mem>>) src(%dma_wait3A_601 : memref<1280xf32, #tpu.memory_space<hbm>>) dst(%arg16 : memref<1280xf32, #tpu.memory_space<vmem>>)
      tpu.yield
    }) : () -> ()
    %mul3A_115 = arith.constant 4 : i32
    %mul3A_116 = arith.muli %add3A, %mul3A_115 : i32
    %add3A_117 = arith.constant 2 : i32
    %add3A_118 = arith.addi %mul3A_116, %add3A_117 : i32
    %mul3A_119 = arith.constant 5120 : i32
    %mul3A_120 = arith.muli %add3A_118, %mul3A_119 : i32
    %add3A_121 = arith.addi %mul3A_120, %mul3A_69 : i32
    "tpu.region"() ({
      %run_scoped3A = tpu.sem_alloc : memref<!tpu.dma_semaphore, #tpu.memory_space<semaphore_mem>>
      %dma_start3A = tpu.memref_slice %arg4[%add3A_121] : memref<819200xf32, #tpu.memory_space<hbm>> -> memref<1280xf32, #tpu.memory_space<hbm>>
      %dma_start3A_600 = tpu.memref_slice %arg4[%add3A_121] : memref<819200xf32, #tpu.memory_space<hbm>> -> memref<1280xf32, #tpu.memory_space<hbm>>
      tpu.enqueue_dma source(%dma_start3A_600 : memref<1280xf32, #tpu.memory_space<hbm>>) target(%arg17 : memref<1280xf32, #tpu.memory_space<vmem>>) target_semaphore(%run_scoped3A : memref<!tpu.dma_semaphore, #tpu.memory_space<semaphore_mem>>)
      %dma_wait3A = tpu.memref_slice %arg4[%add3A_121] : memref<819200xf32, #tpu.memory_space<hbm>> -> memref<1280xf32, #tpu.memory_space<hbm>>
      %dma_wait3A_601 = tpu.memref_slice %arg4[%add3A_121] : memref<819200xf32, #tpu.memory_space<hbm>> -> memref<1280xf32, #tpu.memory_space<hbm>>
      tpu.wait_dma2 semaphore(%run_scoped3A : memref<!tpu.dma_semaphore, #tpu.memory_space<semaphore_mem>>) src(%dma_wait3A_601 : memref<1280xf32, #tpu.memory_space<hbm>>) dst(%arg17 : memref<1280xf32, #tpu.memory_space<vmem>>)
      tpu.yield
    }) : () -> ()
    %mul3A_122 = arith.constant 4 : i32
    %mul3A_123 = arith.muli %add3A, %mul3A_122 : i32
    %add3A_124 = arith.constant 3 : i32
    %add3A_125 = arith.addi %mul3A_123, %add3A_124 : i32
    %mul3A_126 = arith.constant 5120 : i32
    %mul3A_127 = arith.muli %add3A_125, %mul3A_126 : i32
    %add3A_128 = arith.addi %mul3A_127, %mul3A_69 : i32
    "tpu.region"() ({
      %run_scoped3A = tpu.sem_alloc : memref<!tpu.dma_semaphore, #tpu.memory_space<semaphore_mem>>
      %dma_start3A = tpu.memref_slice %arg4[%add3A_128] : memref<819200xf32, #tpu.memory_space<hbm>> -> memref<1280xf32, #tpu.memory_space<hbm>>
      %dma_start3A_600 = tpu.memref_slice %arg4[%add3A_128] : memref<819200xf32, #tpu.memory_space<hbm>> -> memref<1280xf32, #tpu.memory_space<hbm>>
      tpu.enqueue_dma source(%dma_start3A_600 : memref<1280xf32, #tpu.memory_space<hbm>>) target(%arg18 : memref<1280xf32, #tpu.memory_space<vmem>>) target_semaphore(%run_scoped3A : memref<!tpu.dma_semaphore, #tpu.memory_space<semaphore_mem>>)
      %dma_wait3A = tpu.memref_slice %arg4[%add3A_128] : memref<819200xf32, #tpu.memory_space<hbm>> -> memref<1280xf32, #tpu.memory_space<hbm>>
      %dma_wait3A_601 = tpu.memref_slice %arg4[%add3A_128] : memref<819200xf32, #tpu.memory_space<hbm>> -> memref<1280xf32, #tpu.memory_space<hbm>>
      tpu.wait_dma2 semaphore(%run_scoped3A : memref<!tpu.dma_semaphore, #tpu.memory_space<semaphore_mem>>) src(%dma_wait3A_601 : memref<1280xf32, #tpu.memory_space<hbm>>) dst(%arg18 : memref<1280xf32, #tpu.memory_space<vmem>>)
      tpu.yield
    }) : () -> ()
    %broadcast_in_dim3A = arith.constant 0.000000e+00 : f32
    %broadcast_in_dim3A_129 = vector.broadcast %broadcast_in_dim3A : f32 to vector<16xf32>
    %broadcast_in_dim3A_130 = arith.constant -2.000000e+10 : f32
    %broadcast_in_dim3A_131 = vector.broadcast %broadcast_in_dim3A_130 : f32 to vector<16xf32>
    %broadcast_in_dim3A_132 = arith.constant 0 : i32
    %broadcast_in_dim3A_133 = vector.broadcast %broadcast_in_dim3A_132 : i32 to vector<16xi32>
    %scan3A = arith.constant 0 : i32
    %scan3A_134 = arith.constant 80 : i32
    %scan3A_135 = arith.addi %scan3A, %scan3A_134 : i32
    %scan3A_136 = arith.constant 1 : i32
    %scan3A_137:6 = scf.for %scan3A_600 = %scan3A to %scan3A_135 step %scan3A_136 iter_args(%scan3A_601 = %broadcast_in_dim3A_131, %scan3A_602 = %broadcast_in_dim3A_133, %scan3A_603 = %broadcast_in_dim3A_129, %scan3A_604 = %broadcast_in_dim3A_129, %scan3A_605 = %broadcast_in_dim3A_129, %scan3A_606 = %broadcast_in_dim3A_129) -> (vector<16xf32>, vector<16xi32>, vector<16xf32>, vector<16xf32>, vector<16xf32>, vector<16xf32>)  : i32 {
      %mul3A_607 = arith.constant 16 : i32
      %mul3A_608 = arith.muli %scan3A_600, %mul3A_607 : i32
      %get3A_609 = arith.index_cast %mul3A_608 : i32 to index
      %get3A_610 = tpu.vector_load %arg11[%get3A_609] {strides = array<i32>} : memref<1280xf32, #tpu.memory_space<vmem>>, vector<16xf32>,
      %get3A_611 = vector.shape_cast %get3A_610 : vector<16xf32> to vector<16xf32>
      %get3A_612 = arith.index_cast %mul3A_608 : i32 to index
      %get3A_613 = tpu.vector_load %arg12[%get3A_612] {strides = array<i32>} : memref<1280xf32, #tpu.memory_space<vmem>>, vector<16xf32>,
      %get3A_614 = vector.shape_cast %get3A_613 : vector<16xf32> to vector<16xf32>
      %get3A_615 = arith.index_cast %mul3A_608 : i32 to index
      %get3A_616 = tpu.vector_load %arg13[%get3A_615] {strides = array<i32>} : memref<1280xf32, #tpu.memory_space<vmem>>, vector<16xf32>,
      %get3A_617 = vector.shape_cast %get3A_616 : vector<16xf32> to vector<16xf32>
      %get3A_618 = arith.index_cast %mul3A_608 : i32 to index
      %get3A_619 = tpu.vector_load %arg14[%get3A_618] {strides = array<i32>} : memref<1280xf32, #tpu.memory_space<vmem>>, vector<16xf32>,
      %get3A_620 = vector.shape_cast %get3A_619 : vector<16xf32> to vector<16xf32>
      %sub3A_621 = arith.subf %get3A_620, %get3A_614 : vector<16xf32>
      %add3A_622 = arith.constant 1.000000e+00 : f32
      %add3A_623 = vector.broadcast %add3A_622 : f32 to vector<16xf32>
      %add3A_624 = arith.addf %sub3A_621, %add3A_623 : vector<16xf32>
      %sub3A_625 = arith.subf %get3A_617, %get3A_611 : vector<16xf32>
      %add3A_626 = arith.constant 1.000000e+00 : f32
      %add3A_627 = vector.broadcast %add3A_626 : f32 to vector<16xf32>
      %add3A_628 = arith.addf %sub3A_625, %add3A_627 : vector<16xf32>
      %div3A_629 = arith.constant 2.000000e+00 : f32
      %div3A_630 = vector.broadcast %div3A_629 : f32 to vector<16xf32>
      %div3A_631 = arith.divf %add3A_624, %div3A_630 : vector<16xf32>
      %add3A_632 = arith.addf %get3A_614, %div3A_631 : vector<16xf32>
      %div3A_633 = arith.constant 2.000000e+00 : f32
      %div3A_634 = vector.broadcast %div3A_633 : f32 to vector<16xf32>
      %div3A_635 = arith.divf %add3A_628, %div3A_634 : vector<16xf32>
      %add3A_636 = arith.addf %get3A_611, %div3A_635 : vector<16xf32>
      %get3A_637 = arith.index_cast %mul3A_608 : i32 to index
      %get3A_638 = tpu.vector_load %arg15[%get3A_637] {strides = array<i32>} : memref<1280xf32, #tpu.memory_space<vmem>>, vector<16xf32>,
      %get3A_639 = vector.shape_cast %get3A_638 : vector<16xf32> to vector<16xf32>
      %div3A_640 = arith.constant 1.000000e+01 : f32
      %div3A_641 = vector.broadcast %div3A_640 : f32 to vector<16xf32>
      %div3A_642 = arith.divf %get3A_639, %div3A_641 : vector<16xf32>
      %mul3A_643 = arith.mulf %div3A_642, %add3A_624 : vector<16xf32>
      %add3A_644 = arith.addf %mul3A_643, %add3A_632 : vector<16xf32>
      %get3A_645 = arith.index_cast %mul3A_608 : i32 to index
      %get3A_646 = tpu.vector_load %arg16[%get3A_645] {strides = array<i32>} : memref<1280xf32, #tpu.memory_space<vmem>>, vector<16xf32>,
      %get3A_647 = vector.shape_cast %get3A_646 : vector<16xf32> to vector<16xf32>
      %div3A_648 = arith.constant 1.000000e+01 : f32
      %div3A_649 = vector.broadcast %div3A_648 : f32 to vector<16xf32>
      %div3A_650 = arith.divf %get3A_647, %div3A_649 : vector<16xf32>
      %mul3A_651 = arith.mulf %div3A_650, %add3A_628 : vector<16xf32>
      %add3A_652 = arith.addf %mul3A_651, %add3A_636 : vector<16xf32>
      %get3A_653 = arith.index_cast %mul3A_608 : i32 to index
      %get3A_654 = tpu.vector_load %arg17[%get3A_653] {strides = array<i32>} : memref<1280xf32, #tpu.memory_space<vmem>>, vector<16xf32>,
      %get3A_655 = vector.shape_cast %get3A_654 : vector<16xf32> to vector<16xf32>
      %div3A_656 = arith.constant 5.000000e+00 : f32
      %div3A_657 = vector.broadcast %div3A_656 : f32 to vector<16xf32>
      %div3A_658 = arith.divf %get3A_655, %div3A_657 : vector<16xf32>
      %exp3A = math.exp %div3A_658 : vector<16xf32>
      %mul3A_659 = arith.mulf %exp3A, %add3A_624 : vector<16xf32>
      %get3A_660 = arith.index_cast %mul3A_608 : i32 to index
      %get3A_661 = tpu.vector_load %arg18[%get3A_660] {strides = array<i32>} : memref<1280xf32, #tpu.memory_space<vmem>>, vector<16xf32>,
      %get3A_662 = vector.shape_cast %get3A_661 : vector<16xf32> to vector<16xf32>
      %div3A_663 = arith.constant 5.000000e+00 : f32
      %div3A_664 = vector.broadcast %div3A_663 : f32 to vector<16xf32>
      %div3A_665 = arith.divf %get3A_662, %div3A_664 : vector<16xf32>
      %exp3A_666 = math.exp %div3A_665 : vector<16xf32>
      %mul3A_667 = arith.mulf %exp3A_666, %add3A_628 : vector<16xf32>
      %mul3A_668 = arith.constant 5.000000e-01 : f32
      %mul3A_669 = vector.broadcast %mul3A_668 : f32 to vector<16xf32>
      %mul3A_670 = arith.mulf %mul3A_669, %mul3A_659 : vector<16xf32>
      %sub3A_671 = arith.subf %add3A_644, %mul3A_670 : vector<16xf32>
      %jit3A_672 = arith.constant 0.000000e+00 : f32
      %jit3A_673 = arith.constant 1.332000e+03 : f32
      %max3A = vector.broadcast %jit3A_672 : f32 to vector<16xf32>
      %max3A_674 = arith.maximumf %max3A, %sub3A_671 : vector<16xf32>
      %min3A = vector.broadcast %jit3A_673 : f32 to vector<16xf32>
      %min3A_675 = arith.minimumf %min3A, %max3A_674 : vector<16xf32>
      %mul3A_676 = arith.constant 5.000000e-01 : f32
      %mul3A_677 = vector.broadcast %mul3A_676 : f32 to vector<16xf32>
      %mul3A_678 = arith.mulf %mul3A_677, %mul3A_667 : vector<16xf32>
      %sub3A_679 = arith.subf %add3A_652, %mul3A_678 : vector<16xf32>
      %jit3A_680 = arith.constant 0.000000e+00 : f32
      %jit3A_681 = arith.constant 7.990000e+02 : f32
      %max3A_682 = vector.broadcast %jit3A_680 : f32 to vector<16xf32>
      %max3A_683 = arith.maximumf %max3A_682, %sub3A_679 : vector<16xf32>
      %min3A_684 = vector.broadcast %jit3A_681 : f32 to vector<16xf32>
      %min3A_685 = arith.minimumf %min3A_684, %max3A_683 : vector<16xf32>
      %mul3A_686 = arith.constant 5.000000e-01 : f32
      %mul3A_687 = vector.broadcast %mul3A_686 : f32 to vector<16xf32>
      %mul3A_688 = arith.mulf %mul3A_687, %mul3A_659 : vector<16xf32>
      %add3A_689 = arith.addf %add3A_644, %mul3A_688 : vector<16xf32>
      %jit3A_690 = arith.constant 0.000000e+00 : f32
      %jit3A_691 = arith.constant 1.332000e+03 : f32
      %max3A_692 = vector.broadcast %jit3A_690 : f32 to vector<16xf32>
      %max3A_693 = arith.maximumf %max3A_692, %add3A_689 : vector<16xf32>
      %min3A_694 = vector.broadcast %jit3A_691 : f32 to vector<16xf32>
      %min3A_695 = arith.minimumf %min3A_694, %max3A_693 : vector<16xf32>
      %mul3A_696 = arith.constant 5.000000e-01 : f32
      %mul3A_697 = vector.broadcast %mul3A_696 : f32 to vector<16xf32>
      %mul3A_698 = arith.mulf %mul3A_697, %mul3A_667 : vector<16xf32>
      %add3A_699 = arith.addf %add3A_652, %mul3A_698 : vector<16xf32>
      %jit3A_700 = arith.constant 0.000000e+00 : f32
      %jit3A_701 = arith.constant 7.990000e+02 : f32
      %max3A_702 = vector.broadcast %jit3A_700 : f32 to vector<16xf32>
      %max3A_703 = arith.maximumf %max3A_702, %add3A_699 : vector<16xf32>
      %min3A_704 = vector.broadcast %jit3A_701 : f32 to vector<16xf32>
      %min3A_705 = arith.minimumf %min3A_704, %max3A_703 : vector<16xf32>
      %swap3A_706 = arith.index_cast %mul3A_608 : i32 to index
      %swap3A_707 = tpu.vector_load %arg19[%swap3A_706] {strides = array<i32>} : memref<1280xf32, #tpu.memory_space<vmem>>, vector<16xf32>,
      %swap3A_708 = vector.shape_cast %swap3A_707 : vector<16xf32> to vector<16xf32>
      %swap3A_709 = vector.shape_cast %min3A_685 : vector<16xf32> to vector<16xf32>
      tpu.vector_store %arg19[%swap3A_706], %swap3A_709 {strides = array<i32>} : memref<1280xf32, #tpu.memory_space<vmem>>, vector<16xf32>,
      %swap3A_710 = arith.index_cast %mul3A_608 : i32 to index
      %swap3A_711 = tpu.vector_load %arg20[%swap3A_710] {strides = array<i32>} : memref<1280xf32, #tpu.memory_space<vmem>>, vector<16xf32>,
      %swap3A_712 = vector.shape_cast %swap3A_711 : vector<16xf32> to vector<16xf32>
      %swap3A_713 = vector.shape_cast %min3A_675 : vector<16xf32> to vector<16xf32>
      tpu.vector_store %arg20[%swap3A_710], %swap3A_713 {strides = array<i32>} : memref<1280xf32, #tpu.memory_space<vmem>>, vector<16xf32>,
      %swap3A_714 = arith.index_cast %mul3A_608 : i32 to index
      %swap3A_715 = tpu.vector_load %arg21[%swap3A_714] {strides = array<i32>} : memref<1280xf32, #tpu.memory_space<vmem>>, vector<16xf32>,
      %swap3A_716 = vector.shape_cast %swap3A_715 : vector<16xf32> to vector<16xf32>
      %swap3A_717 = vector.shape_cast %min3A_705 : vector<16xf32> to vector<16xf32>
      tpu.vector_store %arg21[%swap3A_714], %swap3A_717 {strides = array<i32>} : memref<1280xf32, #tpu.memory_space<vmem>>, vector<16xf32>,
      %swap3A_718 = arith.index_cast %mul3A_608 : i32 to index
      %swap3A_719 = tpu.vector_load %arg22[%swap3A_718] {strides = array<i32>} : memref<1280xf32, #tpu.memory_space<vmem>>, vector<16xf32>,
      %swap3A_720 = vector.shape_cast %swap3A_719 : vector<16xf32> to vector<16xf32>
      %swap3A_721 = vector.shape_cast %min3A_695 : vector<16xf32> to vector<16xf32>
      tpu.vector_store %arg22[%swap3A_718], %swap3A_721 {strides = array<i32>} : memref<1280xf32, #tpu.memory_space<vmem>>, vector<16xf32>,
      %sub3A_722 = arith.subf %min3A_705, %min3A_685 : vector<16xf32>
      %sub3A_723 = arith.subf %min3A_695, %min3A_675 : vector<16xf32>
      %mul3A_724 = arith.mulf %sub3A_722, %sub3A_723 : vector<16xf32>
      %swap3A_725 = arith.index_cast %mul3A_608 : i32 to index
      %swap3A_726 = tpu.vector_load %arg23[%swap3A_725] {strides = array<i32>} : memref<1280xf32, #tpu.memory_space<vmem>>, vector<16xf32>,
      %swap3A_727 = vector.shape_cast %swap3A_726 : vector<16xf32> to vector<16xf32>
      %swap3A_728 = vector.shape_cast %mul3A_724 : vector<16xf32> to vector<16xf32>
      tpu.vector_store %arg23[%swap3A_725], %swap3A_728 {strides = array<i32>} : memref<1280xf32, #tpu.memory_space<vmem>>, vector<16xf32>,
      %get3A_729 = arith.index_cast %mul3A_608 : i32 to index
      %get3A_730 = tpu.vector_load %arg10[%get3A_729] {strides = array<i32>} : memref<1280xf32, #tpu.memory_space<vmem>>, vector<16xf32>,
      %get3A_731 = vector.shape_cast %get3A_730 : vector<16xf32> to vector<16xf32>
      %mul3A_732 = arith.constant 16 : i32
      %mul3A_733 = arith.muli %scan3A_600, %mul3A_732 : i32
      %add3A_734 = arith.addi %mul3A_69, %mul3A_733 : i32
      %broadcast_in_dim3A_735 = vector.broadcast %add3A_734 : i32 to vector<16xi32>
      %add3A_736 = arith.addi %broadcast_in_dim3A_735, %iota3A : vector<16xi32>
      %gt3A_737 = arith.constant 5.000000e-02 : f32
      %gt3A_738 = vector.broadcast %gt3A_737 : f32 to vector<16xf32>
      %gt3A_739 = arith.cmpf ogt, %get3A_731, %gt3A_738 : vector<16xf32>
      %lt3A_740 = arith.constant 5000 : i32
      %lt3A_741 = vector.broadcast %lt3A_740 : i32 to vector<16xi32>
      %lt3A_742 = arith.cmpi slt, %add3A_736, %lt3A_741 : vector<16xi32>
      %and3A_743 = arith.andi %gt3A_739, %lt3A_742 : vector<16xi1>
      %jit3A_744 = arith.constant -1.000000e+10 : f32
      %broadcast_in_dim3A_745 = vector.broadcast %jit3A_744 : f32 to vector<16xf32>
      %select_n3A_746 = arith.select %and3A_743, %get3A_731, %broadcast_in_dim3A_745 : vector<16xi1>, vector<16xf32>
      %swap3A_747 = arith.index_cast %mul3A_608 : i32 to index
      %swap3A_748 = tpu.vector_load %arg10[%swap3A_747] {strides = array<i32>} : memref<1280xf32, #tpu.memory_space<vmem>>, vector<16xf32>,
      %swap3A_749 = vector.shape_cast %swap3A_748 : vector<16xf32> to vector<16xf32>
      %swap3A_750 = vector.shape_cast %select_n3A_746 : vector<16xf32> to vector<16xf32>
      tpu.vector_store %arg10[%swap3A_747], %swap3A_750 {strides = array<i32>} : memref<1280xf32, #tpu.memory_space<vmem>>, vector<16xf32>,
      %gt3A_751 = arith.cmpf ogt, %select_n3A_746, %scan3A_601 : vector<16xf32>
      %select_n3A_752 = arith.select %gt3A_751, %select_n3A_746, %scan3A_601 : vector<16xi1>, vector<16xf32>
      %select_n3A_753 = arith.select %gt3A_751, %add3A_736, %scan3A_602 : vector<16xi1>, vector<16xi32>
      %select_n3A_754 = arith.select %gt3A_751, %min3A_685, %scan3A_603 : vector<16xi1>, vector<16xf32>
      %select_n3A_755 = arith.select %gt3A_751, %min3A_675, %scan3A_604 : vector<16xi1>, vector<16xf32>
      %select_n3A_756 = arith.select %gt3A_751, %min3A_705, %scan3A_605 : vector<16xi1>, vector<16xf32>
      %select_n3A_757 = arith.select %gt3A_751, %min3A_695, %scan3A_606 : vector<16xi1>, vector<16xf32>
      scf.yield %select_n3A_752, %select_n3A_753, %select_n3A_754, %select_n3A_755, %select_n3A_756, %select_n3A_757 : vector<16xf32>, vector<16xi32>, vector<16xf32>, vector<16xf32>, vector<16xf32>, vector<16xf32>
    }
    %scan3A_138 = arith.constant 80 : i32
    %swap3A = arith.constant 0 : index
    %swap3A_139 = tpu.vector_load %arg29[%swap3A] {strides = array<i32>} : memref<32xf32, #tpu.memory_space<vmem>>, vector<16xf32>,
    %swap3A_140 = vector.shape_cast %swap3A_139 : vector<16xf32> to vector<16xf32>
    %swap3A_141 = vector.shape_cast %scan3A_137#0 : vector<16xf32> to vector<16xf32>
    tpu.vector_store %arg29[%swap3A], %swap3A_141 {strides = array<i32>} : memref<32xf32, #tpu.memory_space<vmem>>, vector<16xf32>,
    %swap3A_142 = arith.constant 16 : index
    %swap3A_143 = tpu.vector_load %arg29[%swap3A_142] {strides = array<i32>} : memref<32xf32, #tpu.memory_space<vmem>>, vector<16xf32>,
    %swap3A_144 = vector.shape_cast %swap3A_143 : vector<16xf32> to vector<16xf32>
    %swap3A_145 = vector.shape_cast %scan3A_137#0 : vector<16xf32> to vector<16xf32>
    tpu.vector_store %arg29[%swap3A_142], %swap3A_145 {strides = array<i32>} : memref<32xf32, #tpu.memory_space<vmem>>, vector<16xf32>,
    %get3A = arith.constant 8 : index
    %get3A_146 = tpu.vector_load %arg29[%get3A] {strides = array<i32>} : memref<32xf32, #tpu.memory_space<vmem>>, vector<16xf32>,
    %get3A_147 = vector.shape_cast %get3A_146 : vector<16xf32> to vector<16xf32>
    %swap3A_148 = arith.constant 0 : index
    %swap3A_149 = tpu.vector_load %arg30[%swap3A_148] {strides = array<i32>} : memref<32xi32, #tpu.memory_space<vmem>>, vector<16xi32>,
    %swap3A_150 = vector.shape_cast %swap3A_149 : vector<16xi32> to vector<16xi32>
    %swap3A_151 = vector.shape_cast %scan3A_137#1 : vector<16xi32> to vector<16xi32>
    tpu.vector_store %arg30[%swap3A_148], %swap3A_151 {strides = array<i32>} : memref<32xi32, #tpu.memory_space<vmem>>, vector<16xi32>,
    %swap3A_152 = arith.constant 16 : index
    %swap3A_153 = tpu.vector_load %arg30[%swap3A_152] {strides = array<i32>} : memref<32xi32, #tpu.memory_space<vmem>>, vector<16xi32>,
    %swap3A_154 = vector.shape_cast %swap3A_153 : vector<16xi32> to vector<16xi32>
    %swap3A_155 = vector.shape_cast %scan3A_137#1 : vector<16xi32> to vector<16xi32>
    tpu.vector_store %arg30[%swap3A_152], %swap3A_155 {strides = array<i32>} : memref<32xi32, #tpu.memory_space<vmem>>, vector<16xi32>,
    %get3A_156 = arith.constant 8 : index
    %get3A_157 = tpu.vector_load %arg30[%get3A_156] {strides = array<i32>} : memref<32xi32, #tpu.memory_space<vmem>>, vector<16xi32>,
    %get3A_158 = vector.shape_cast %get3A_157 : vector<16xi32> to vector<16xi32>
    %gt3A = arith.cmpf ogt, %get3A_147, %scan3A_137#0 : vector<16xf32>
    %eq3A = arith.cmpf oeq, %get3A_147, %scan3A_137#0 : vector<16xf32>
    %lt3A = arith.cmpi slt, %get3A_158, %scan3A_137#1 : vector<16xi32>
    %and3A_159 = arith.andi %eq3A, %lt3A : vector<16xi1>
    %or3A = arith.ori %gt3A, %and3A_159 : vector<16xi1>
    %select_n3A_160 = arith.select %or3A, %get3A_147, %scan3A_137#0 : vector<16xi1>, vector<16xf32>
    %select_n3A_161 = arith.select %or3A, %get3A_158, %scan3A_137#1 : vector<16xi1>, vector<16xi32>
    %swap3A_162 = arith.constant 0 : index
    %swap3A_163 = tpu.vector_load %arg29[%swap3A_162] {strides = array<i32>} : memref<32xf32, #tpu.memory_space<vmem>>, vector<16xf32>,
    %swap3A_164 = vector.shape_cast %swap3A_163 : vector<16xf32> to vector<16xf32>
    %swap3A_165 = vector.shape_cast %scan3A_137#2 : vector<16xf32> to vector<16xf32>
    tpu.vector_store %arg29[%swap3A_162], %swap3A_165 {strides = array<i32>} : memref<32xf32, #tpu.memory_space<vmem>>, vector<16xf32>,
    %swap3A_166 = arith.constant 16 : index
    %swap3A_167 = tpu.vector_load %arg29[%swap3A_166] {strides = array<i32>} : memref<32xf32, #tpu.memory_space<vmem>>, vector<16xf32>,
    %swap3A_168 = vector.shape_cast %swap3A_167 : vector<16xf32> to vector<16xf32>
    %swap3A_169 = vector.shape_cast %scan3A_137#2 : vector<16xf32> to vector<16xf32>
    tpu.vector_store %arg29[%swap3A_166], %swap3A_169 {strides = array<i32>} : memref<32xf32, #tpu.memory_space<vmem>>, vector<16xf32>,
    %get3A_170 = arith.constant 8 : index
    %get3A_171 = tpu.vector_load %arg29[%get3A_170] {strides = array<i32>} : memref<32xf32, #tpu.memory_space<vmem>>, vector<16xf32>,
    %get3A_172 = vector.shape_cast %get3A_171 : vector<16xf32> to vector<16xf32>
    %select_n3A_173 = arith.select %or3A, %get3A_172, %scan3A_137#2 : vector<16xi1>, vector<16xf32>
    %swap3A_174 = arith.constant 0 : index
    %swap3A_175 = tpu.vector_load %arg29[%swap3A_174] {strides = array<i32>} : memref<32xf32, #tpu.memory_space<vmem>>, vector<16xf32>,
    %swap3A_176 = vector.shape_cast %swap3A_175 : vector<16xf32> to vector<16xf32>
    %swap3A_177 = vector.shape_cast %scan3A_137#3 : vector<16xf32> to vector<16xf32>
    tpu.vector_store %arg29[%swap3A_174], %swap3A_177 {strides = array<i32>} : memref<32xf32, #tpu.memory_space<vmem>>, vector<16xf32>,
    %swap3A_178 = arith.constant 16 : index
    %swap3A_179 = tpu.vector_load %arg29[%swap3A_178] {strides = array<i32>} : memref<32xf32, #tpu.memory_space<vmem>>, vector<16xf32>,
    %swap3A_180 = vector.shape_cast %swap3A_179 : vector<16xf32> to vector<16xf32>
    %swap3A_181 = vector.shape_cast %scan3A_137#3 : vector<16xf32> to vector<16xf32>
    tpu.vector_store %arg29[%swap3A_178], %swap3A_181 {strides = array<i32>} : memref<32xf32, #tpu.memory_space<vmem>>, vector<16xf32>,
    %get3A_182 = arith.constant 8 : index
    %get3A_183 = tpu.vector_load %arg29[%get3A_182] {strides = array<i32>} : memref<32xf32, #tpu.memory_space<vmem>>, vector<16xf32>,
    %get3A_184 = vector.shape_cast %get3A_183 : vector<16xf32> to vector<16xf32>
    %select_n3A_185 = arith.select %or3A, %get3A_184, %scan3A_137#3 : vector<16xi1>, vector<16xf32>
    %swap3A_186 = arith.constant 0 : index
    %swap3A_187 = tpu.vector_load %arg29[%swap3A_186] {strides = array<i32>} : memref<32xf32, #tpu.memory_space<vmem>>, vector<16xf32>,
    %swap3A_188 = vector.shape_cast %swap3A_187 : vector<16xf32> to vector<16xf32>
    %swap3A_189 = vector.shape_cast %scan3A_137#4 : vector<16xf32> to vector<16xf32>
    tpu.vector_store %arg29[%swap3A_186], %swap3A_189 {strides = array<i32>} : memref<32xf32, #tpu.memory_space<vmem>>, vector<16xf32>,
    %swap3A_190 = arith.constant 16 : index
    %swap3A_191 = tpu.vector_load %arg29[%swap3A_190] {strides = array<i32>} : memref<32xf32, #tpu.memory_space<vmem>>, vector<16xf32>,
    %swap3A_192 = vector.shape_cast %swap3A_191 : vector<16xf32> to vector<16xf32>
    %swap3A_193 = vector.shape_cast %scan3A_137#4 : vector<16xf32> to vector<16xf32>
    tpu.vector_store %arg29[%swap3A_190], %swap3A_193 {strides = array<i32>} : memref<32xf32, #tpu.memory_space<vmem>>, vector<16xf32>,
    %get3A_194 = arith.constant 8 : index
    %get3A_195 = tpu.vector_load %arg29[%get3A_194] {strides = array<i32>} : memref<32xf32, #tpu.memory_space<vmem>>, vector<16xf32>,
    %get3A_196 = vector.shape_cast %get3A_195 : vector<16xf32> to vector<16xf32>
    %select_n3A_197 = arith.select %or3A, %get3A_196, %scan3A_137#4 : vector<16xi1>, vector<16xf32>
    %swap3A_198 = arith.constant 0 : index
    %swap3A_199 = tpu.vector_load %arg29[%swap3A_198] {strides = array<i32>} : memref<32xf32, #tpu.memory_space<vmem>>, vector<16xf32>,
    %swap3A_200 = vector.shape_cast %swap3A_199 : vector<16xf32> to vector<16xf32>
    %swap3A_201 = vector.shape_cast %scan3A_137#5 : vector<16xf32> to vector<16xf32>
    tpu.vector_store %arg29[%swap3A_198], %swap3A_201 {strides = array<i32>} : memref<32xf32, #tpu.memory_space<vmem>>, vector<16xf32>,
    %swap3A_202 = arith.constant 16 : index
    %swap3A_203 = tpu.vector_load %arg29[%swap3A_202] {strides = array<i32>} : memref<32xf32, #tpu.memory_space<vmem>>, vector<16xf32>,
    %swap3A_204 = vector.shape_cast %swap3A_203 : vector<16xf32> to vector<16xf32>
    %swap3A_205 = vector.shape_cast %scan3A_137#5 : vector<16xf32> to vector<16xf32>
    tpu.vector_store %arg29[%swap3A_202], %swap3A_205 {strides = array<i32>} : memref<32xf32, #tpu.memory_space<vmem>>, vector<16xf32>,
    %get3A_206 = arith.constant 8 : index
    %get3A_207 = tpu.vector_load %arg29[%get3A_206] {strides = array<i32>} : memref<32xf32, #tpu.memory_space<vmem>>, vector<16xf32>,
    %get3A_208 = vector.shape_cast %get3A_207 : vector<16xf32> to vector<16xf32>
    %select_n3A_209 = arith.select %or3A, %get3A_208, %scan3A_137#5 : vector<16xi1>, vector<16xf32>
    %swap3A_210 = arith.constant 0 : index
    %swap3A_211 = tpu.vector_load %arg29[%swap3A_210] {strides = array<i32>} : memref<32xf32, #tpu.memory_space<vmem>>, vector<16xf32>,
    %swap3A_212 = vector.shape_cast %swap3A_211 : vector<16xf32> to vector<16xf32>
    %swap3A_213 = vector.shape_cast %select_n3A_160 : vector<16xf32> to vector<16xf32>
    tpu.vector_store %arg29[%swap3A_210], %swap3A_213 {strides = array<i32>} : memref<32xf32, #tpu.memory_space<vmem>>, vector<16xf32>,
    %swap3A_214 = arith.constant 16 : index
    %swap3A_215 = tpu.vector_load %arg29[%swap3A_214] {strides = array<i32>} : memref<32xf32, #tpu.memory_space<vmem>>, vector<16xf32>,
    %swap3A_216 = vector.shape_cast %swap3A_215 : vector<16xf32> to vector<16xf32>
    %swap3A_217 = vector.shape_cast %select_n3A_160 : vector<16xf32> to vector<16xf32>
    tpu.vector_store %arg29[%swap3A_214], %swap3A_217 {strides = array<i32>} : memref<32xf32, #tpu.memory_space<vmem>>, vector<16xf32>,
    %get3A_218 = arith.constant 4 : index
    %get3A_219 = tpu.vector_load %arg29[%get3A_218] {strides = array<i32>} : memref<32xf32, #tpu.memory_space<vmem>>, vector<16xf32>,
    %get3A_220 = vector.shape_cast %get3A_219 : vector<16xf32> to vector<16xf32>
    %swap3A_221 = arith.constant 0 : index
    %swap3A_222 = tpu.vector_load %arg30[%swap3A_221] {strides = array<i32>} : memref<32xi32, #tpu.memory_space<vmem>>, vector<16xi32>,
    %swap3A_223 = vector.shape_cast %swap3A_222 : vector<16xi32> to vector<16xi32>
    %swap3A_224 = vector.shape_cast %select_n3A_161 : vector<16xi32> to vector<16xi32>
    tpu.vector_store %arg30[%swap3A_221], %swap3A_224 {strides = array<i32>} : memref<32xi32, #tpu.memory_space<vmem>>, vector<16xi32>,
    %swap3A_225 = arith.constant 16 : index
    %swap3A_226 = tpu.vector_load %arg30[%swap3A_225] {strides = array<i32>} : memref<32xi32, #tpu.memory_space<vmem>>, vector<16xi32>,
    %swap3A_227 = vector.shape_cast %swap3A_226 : vector<16xi32> to vector<16xi32>
    %swap3A_228 = vector.shape_cast %select_n3A_161 : vector<16xi32> to vector<16xi32>
    tpu.vector_store %arg30[%swap3A_225], %swap3A_228 {strides = array<i32>} : memref<32xi32, #tpu.memory_space<vmem>>, vector<16xi32>,
    %get3A_229 = arith.constant 4 : index
    %get3A_230 = tpu.vector_load %arg30[%get3A_229] {strides = array<i32>} : memref<32xi32, #tpu.memory_space<vmem>>, vector<16xi32>,
    %get3A_231 = vector.shape_cast %get3A_230 : vector<16xi32> to vector<16xi32>
    %gt3A_232 = arith.cmpf ogt, %get3A_220, %select_n3A_160 : vector<16xf32>
    %eq3A_233 = arith.cmpf oeq, %get3A_220, %select_n3A_160 : vector<16xf32>
    %lt3A_234 = arith.cmpi slt, %get3A_231, %select_n3A_161 : vector<16xi32>
    %and3A_235 = arith.andi %eq3A_233, %lt3A_234 : vector<16xi1>
    %or3A_236 = arith.ori %gt3A_232, %and3A_235 : vector<16xi1>
    %select_n3A_237 = arith.select %or3A_236, %get3A_220, %select_n3A_160 : vector<16xi1>, vector<16xf32>
    %select_n3A_238 = arith.select %or3A_236, %get3A_231, %select_n3A_161 : vector<16xi1>, vector<16xi32>
    %swap3A_239 = arith.constant 0 : index
    %swap3A_240 = tpu.vector_load %arg29[%swap3A_239] {strides = array<i32>} : memref<32xf32, #tpu.memory_space<vmem>>, vector<16xf32>,
    %swap3A_241 = vector.shape_cast %swap3A_240 : vector<16xf32> to vector<16xf32>
    %swap3A_242 = vector.shape_cast %select_n3A_173 : vector<16xf32> to vector<16xf32>
    tpu.vector_store %arg29[%swap3A_239], %swap3A_242 {strides = array<i32>} : memref<32xf32, #tpu.memory_space<vmem>>, vector<16xf32>,
    %swap3A_243 = arith.constant 16 : index
    %swap3A_244 = tpu.vector_load %arg29[%swap3A_243] {strides = array<i32>} : memref<32xf32, #tpu.memory_space<vmem>>, vector<16xf32>,
    %swap3A_245 = vector.shape_cast %swap3A_244 : vector<16xf32> to vector<16xf32>
    %swap3A_246 = vector.shape_cast %select_n3A_173 : vector<16xf32> to vector<16xf32>
    tpu.vector_store %arg29[%swap3A_243], %swap3A_246 {strides = array<i32>} : memref<32xf32, #tpu.memory_space<vmem>>, vector<16xf32>,
    %get3A_247 = arith.constant 4 : index
    %get3A_248 = tpu.vector_load %arg29[%get3A_247] {strides = array<i32>} : memref<32xf32, #tpu.memory_space<vmem>>, vector<16xf32>,
    %get3A_249 = vector.shape_cast %get3A_248 : vector<16xf32> to vector<16xf32>
    %select_n3A_250 = arith.select %or3A_236, %get3A_249, %select_n3A_173 : vector<16xi1>, vector<16xf32>
    %swap3A_251 = arith.constant 0 : index
    %swap3A_252 = tpu.vector_load %arg29[%swap3A_251] {strides = array<i32>} : memref<32xf32, #tpu.memory_space<vmem>>, vector<16xf32>,
    %swap3A_253 = vector.shape_cast %swap3A_252 : vector<16xf32> to vector<16xf32>
    %swap3A_254 = vector.shape_cast %select_n3A_185 : vector<16xf32> to vector<16xf32>
    tpu.vector_store %arg29[%swap3A_251], %swap3A_254 {strides = array<i32>} : memref<32xf32, #tpu.memory_space<vmem>>, vector<16xf32>,
    %swap3A_255 = arith.constant 16 : index
    %swap3A_256 = tpu.vector_load %arg29[%swap3A_255] {strides = array<i32>} : memref<32xf32, #tpu.memory_space<vmem>>, vector<16xf32>,
    %swap3A_257 = vector.shape_cast %swap3A_256 : vector<16xf32> to vector<16xf32>
    %swap3A_258 = vector.shape_cast %select_n3A_185 : vector<16xf32> to vector<16xf32>
    tpu.vector_store %arg29[%swap3A_255], %swap3A_258 {strides = array<i32>} : memref<32xf32, #tpu.memory_space<vmem>>, vector<16xf32>,
    %get3A_259 = arith.constant 4 : index
    %get3A_260 = tpu.vector_load %arg29[%get3A_259] {strides = array<i32>} : memref<32xf32, #tpu.memory_space<vmem>>, vector<16xf32>,
    %get3A_261 = vector.shape_cast %get3A_260 : vector<16xf32> to vector<16xf32>
    %select_n3A_262 = arith.select %or3A_236, %get3A_261, %select_n3A_185 : vector<16xi1>, vector<16xf32>
    %swap3A_263 = arith.constant 0 : index
    %swap3A_264 = tpu.vector_load %arg29[%swap3A_263] {strides = array<i32>} : memref<32xf32, #tpu.memory_space<vmem>>, vector<16xf32>,
    %swap3A_265 = vector.shape_cast %swap3A_264 : vector<16xf32> to vector<16xf32>
    %swap3A_266 = vector.shape_cast %select_n3A_197 : vector<16xf32> to vector<16xf32>
    tpu.vector_store %arg29[%swap3A_263], %swap3A_266 {strides = array<i32>} : memref<32xf32, #tpu.memory_space<vmem>>, vector<16xf32>,
    %swap3A_267 = arith.constant 16 : index
    %swap3A_268 = tpu.vector_load %arg29[%swap3A_267] {strides = array<i32>} : memref<32xf32, #tpu.memory_space<vmem>>, vector<16xf32>,
    %swap3A_269 = vector.shape_cast %swap3A_268 : vector<16xf32> to vector<16xf32>
    %swap3A_270 = vector.shape_cast %select_n3A_197 : vector<16xf32> to vector<16xf32>
    tpu.vector_store %arg29[%swap3A_267], %swap3A_270 {strides = array<i32>} : memref<32xf32, #tpu.memory_space<vmem>>, vector<16xf32>,
    %get3A_271 = arith.constant 4 : index
    %get3A_272 = tpu.vector_load %arg29[%get3A_271] {strides = array<i32>} : memref<32xf32, #tpu.memory_space<vmem>>, vector<16xf32>,
    %get3A_273 = vector.shape_cast %get3A_272 : vector<16xf32> to vector<16xf32>
    %select_n3A_274 = arith.select %or3A_236, %get3A_273, %select_n3A_197 : vector<16xi1>, vector<16xf32>
    %swap3A_275 = arith.constant 0 : index
    %swap3A_276 = tpu.vector_load %arg29[%swap3A_275] {strides = array<i32>} : memref<32xf32, #tpu.memory_space<vmem>>, vector<16xf32>,
    %swap3A_277 = vector.shape_cast %swap3A_276 : vector<16xf32> to vector<16xf32>
    %swap3A_278 = vector.shape_cast %select_n3A_209 : vector<16xf32> to vector<16xf32>
    tpu.vector_store %arg29[%swap3A_275], %swap3A_278 {strides = array<i32>} : memref<32xf32, #tpu.memory_space<vmem>>, vector<16xf32>,
    %swap3A_279 = arith.constant 16 : index
    %swap3A_280 = tpu.vector_load %arg29[%swap3A_279] {strides = array<i32>} : memref<32xf32, #tpu.memory_space<vmem>>, vector<16xf32>,
    %swap3A_281 = vector.shape_cast %swap3A_280 : vector<16xf32> to vector<16xf32>
    %swap3A_282 = vector.shape_cast %select_n3A_209 : vector<16xf32> to vector<16xf32>
    tpu.vector_store %arg29[%swap3A_279], %swap3A_282 {strides = array<i32>} : memref<32xf32, #tpu.memory_space<vmem>>, vector<16xf32>,
    %get3A_283 = arith.constant 4 : index
    %get3A_284 = tpu.vector_load %arg29[%get3A_283] {strides = array<i32>} : memref<32xf32, #tpu.memory_space<vmem>>, vector<16xf32>,
    %get3A_285 = vector.shape_cast %get3A_284 : vector<16xf32> to vector<16xf32>
    %select_n3A_286 = arith.select %or3A_236, %get3A_285, %select_n3A_209 : vector<16xi1>, vector<16xf32>
    %swap3A_287 = arith.constant 0 : index
    %swap3A_288 = tpu.vector_load %arg29[%swap3A_287] {strides = array<i32>} : memref<32xf32, #tpu.memory_space<vmem>>, vector<16xf32>,
    %swap3A_289 = vector.shape_cast %swap3A_288 : vector<16xf32> to vector<16xf32>
    %swap3A_290 = vector.shape_cast %select_n3A_237 : vector<16xf32> to vector<16xf32>
    tpu.vector_store %arg29[%swap3A_287], %swap3A_290 {strides = array<i32>} : memref<32xf32, #tpu.memory_space<vmem>>, vector<16xf32>,
    %swap3A_291 = arith.constant 16 : index
    %swap3A_292 = tpu.vector_load %arg29[%swap3A_291] {strides = array<i32>} : memref<32xf32, #tpu.memory_space<vmem>>, vector<16xf32>,
    %swap3A_293 = vector.shape_cast %swap3A_292 : vector<16xf32> to vector<16xf32>
    %swap3A_294 = vector.shape_cast %select_n3A_237 : vector<16xf32> to vector<16xf32>
    tpu.vector_store %arg29[%swap3A_291], %swap3A_294 {strides = array<i32>} : memref<32xf32, #tpu.memory_space<vmem>>, vector<16xf32>,
    %get3A_295 = arith.constant 2 : index
    %get3A_296 = tpu.vector_load %arg29[%get3A_295] {strides = array<i32>} : memref<32xf32, #tpu.memory_space<vmem>>, vector<16xf32>,
    %get3A_297 = vector.shape_cast %get3A_296 : vector<16xf32> to vector<16xf32>
    %swap3A_298 = arith.constant 0 : index
    %swap3A_299 = tpu.vector_load %arg30[%swap3A_298] {strides = array<i32>} : memref<32xi32, #tpu.memory_space<vmem>>, vector<16xi32>,
    %swap3A_300 = vector.shape_cast %swap3A_299 : vector<16xi32> to vector<16xi32>
    %swap3A_301 = vector.shape_cast %select_n3A_238 : vector<16xi32> to vector<16xi32>
    tpu.vector_store %arg30[%swap3A_298], %swap3A_301 {strides = array<i32>} : memref<32xi32, #tpu.memory_space<vmem>>, vector<16xi32>,
    %swap3A_302 = arith.constant 16 : index
    %swap3A_303 = tpu.vector_load %arg30[%swap3A_302] {strides = array<i32>} : memref<32xi32, #tpu.memory_space<vmem>>, vector<16xi32>,
    %swap3A_304 = vector.shape_cast %swap3A_303 : vector<16xi32> to vector<16xi32>
    %swap3A_305 = vector.shape_cast %select_n3A_238 : vector<16xi32> to vector<16xi32>
    tpu.vector_store %arg30[%swap3A_302], %swap3A_305 {strides = array<i32>} : memref<32xi32, #tpu.memory_space<vmem>>, vector<16xi32>,
    %get3A_306 = arith.constant 2 : index
    %get3A_307 = tpu.vector_load %arg30[%get3A_306] {strides = array<i32>} : memref<32xi32, #tpu.memory_space<vmem>>, vector<16xi32>,
    %get3A_308 = vector.shape_cast %get3A_307 : vector<16xi32> to vector<16xi32>
    %gt3A_309 = arith.cmpf ogt, %get3A_297, %select_n3A_237 : vector<16xf32>
    %eq3A_310 = arith.cmpf oeq, %get3A_297, %select_n3A_237 : vector<16xf32>
    %lt3A_311 = arith.cmpi slt, %get3A_308, %select_n3A_238 : vector<16xi32>
    %and3A_312 = arith.andi %eq3A_310, %lt3A_311 : vector<16xi1>
    %or3A_313 = arith.ori %gt3A_309, %and3A_312 : vector<16xi1>
    %select_n3A_314 = arith.select %or3A_313, %get3A_297, %select_n3A_237 : vector<16xi1>, vector<16xf32>
    %select_n3A_315 = arith.select %or3A_313, %get3A_308, %select_n3A_238 : vector<16xi1>, vector<16xi32>
    %swap3A_316 = arith.constant 0 : index
    %swap3A_317 = tpu.vector_load %arg29[%swap3A_316] {strides = array<i32>} : memref<32xf32, #tpu.memory_space<vmem>>, vector<16xf32>,
    %swap3A_318 = vector.shape_cast %swap3A_317 : vector<16xf32> to vector<16xf32>
    %swap3A_319 = vector.shape_cast %select_n3A_250 : vector<16xf32> to vector<16xf32>
    tpu.vector_store %arg29[%swap3A_316], %swap3A_319 {strides = array<i32>} : memref<32xf32, #tpu.memory_space<vmem>>, vector<16xf32>,
    %swap3A_320 = arith.constant 16 : index
    %swap3A_321 = tpu.vector_load %arg29[%swap3A_320] {strides = array<i32>} : memref<32xf32, #tpu.memory_space<vmem>>, vector<16xf32>,
    %swap3A_322 = vector.shape_cast %swap3A_321 : vector<16xf32> to vector<16xf32>
    %swap3A_323 = vector.shape_cast %select_n3A_250 : vector<16xf32> to vector<16xf32>
    tpu.vector_store %arg29[%swap3A_320], %swap3A_323 {strides = array<i32>} : memref<32xf32, #tpu.memory_space<vmem>>, vector<16xf32>,
    %get3A_324 = arith.constant 2 : index
    %get3A_325 = tpu.vector_load %arg29[%get3A_324] {strides = array<i32>} : memref<32xf32, #tpu.memory_space<vmem>>, vector<16xf32>,
    %get3A_326 = vector.shape_cast %get3A_325 : vector<16xf32> to vector<16xf32>
    %select_n3A_327 = arith.select %or3A_313, %get3A_326, %select_n3A_250 : vector<16xi1>, vector<16xf32>
    %swap3A_328 = arith.constant 0 : index
    %swap3A_329 = tpu.vector_load %arg29[%swap3A_328] {strides = array<i32>} : memref<32xf32, #tpu.memory_space<vmem>>, vector<16xf32>,
    %swap3A_330 = vector.shape_cast %swap3A_329 : vector<16xf32> to vector<16xf32>
    %swap3A_331 = vector.shape_cast %select_n3A_262 : vector<16xf32> to vector<16xf32>
    tpu.vector_store %arg29[%swap3A_328], %swap3A_331 {strides = array<i32>} : memref<32xf32, #tpu.memory_space<vmem>>, vector<16xf32>,
    %swap3A_332 = arith.constant 16 : index
    %swap3A_333 = tpu.vector_load %arg29[%swap3A_332] {strides = array<i32>} : memref<32xf32, #tpu.memory_space<vmem>>, vector<16xf32>,
    %swap3A_334 = vector.shape_cast %swap3A_333 : vector<16xf32> to vector<16xf32>
    %swap3A_335 = vector.shape_cast %select_n3A_262 : vector<16xf32> to vector<16xf32>
    tpu.vector_store %arg29[%swap3A_332], %swap3A_335 {strides = array<i32>} : memref<32xf32, #tpu.memory_space<vmem>>, vector<16xf32>,
    %get3A_336 = arith.constant 2 : index
    %get3A_337 = tpu.vector_load %arg29[%get3A_336] {strides = array<i32>} : memref<32xf32, #tpu.memory_space<vmem>>, vector<16xf32>,
    %get3A_338 = vector.shape_cast %get3A_337 : vector<16xf32> to vector<16xf32>
    %select_n3A_339 = arith.select %or3A_313, %get3A_338, %select_n3A_262 : vector<16xi1>, vector<16xf32>
    %swap3A_340 = arith.constant 0 : index
    %swap3A_341 = tpu.vector_load %arg29[%swap3A_340] {strides = array<i32>} : memref<32xf32, #tpu.memory_space<vmem>>, vector<16xf32>,
    %swap3A_342 = vector.shape_cast %swap3A_341 : vector<16xf32> to vector<16xf32>
    %swap3A_343 = vector.shape_cast %select_n3A_274 : vector<16xf32> to vector<16xf32>
    tpu.vector_store %arg29[%swap3A_340], %swap3A_343 {strides = array<i32>} : memref<32xf32, #tpu.memory_space<vmem>>, vector<16xf32>,
    %swap3A_344 = arith.constant 16 : index
    %swap3A_345 = tpu.vector_load %arg29[%swap3A_344] {strides = array<i32>} : memref<32xf32, #tpu.memory_space<vmem>>, vector<16xf32>,
    %swap3A_346 = vector.shape_cast %swap3A_345 : vector<16xf32> to vector<16xf32>
    %swap3A_347 = vector.shape_cast %select_n3A_274 : vector<16xf32> to vector<16xf32>
    tpu.vector_store %arg29[%swap3A_344], %swap3A_347 {strides = array<i32>} : memref<32xf32, #tpu.memory_space<vmem>>, vector<16xf32>,
    %get3A_348 = arith.constant 2 : index
    %get3A_349 = tpu.vector_load %arg29[%get3A_348] {strides = array<i32>} : memref<32xf32, #tpu.memory_space<vmem>>, vector<16xf32>,
    %get3A_350 = vector.shape_cast %get3A_349 : vector<16xf32> to vector<16xf32>
    %select_n3A_351 = arith.select %or3A_313, %get3A_350, %select_n3A_274 : vector<16xi1>, vector<16xf32>
    %swap3A_352 = arith.constant 0 : index
    %swap3A_353 = tpu.vector_load %arg29[%swap3A_352] {strides = array<i32>} : memref<32xf32, #tpu.memory_space<vmem>>, vector<16xf32>,
    %swap3A_354 = vector.shape_cast %swap3A_353 : vector<16xf32> to vector<16xf32>
    %swap3A_355 = vector.shape_cast %select_n3A_286 : vector<16xf32> to vector<16xf32>
    tpu.vector_store %arg29[%swap3A_352], %swap3A_355 {strides = array<i32>} : memref<32xf32, #tpu.memory_space<vmem>>, vector<16xf32>,
    %swap3A_356 = arith.constant 16 : index
    %swap3A_357 = tpu.vector_load %arg29[%swap3A_356] {strides = array<i32>} : memref<32xf32, #tpu.memory_space<vmem>>, vector<16xf32>,
    %swap3A_358 = vector.shape_cast %swap3A_357 : vector<16xf32> to vector<16xf32>
    %swap3A_359 = vector.shape_cast %select_n3A_286 : vector<16xf32> to vector<16xf32>
    tpu.vector_store %arg29[%swap3A_356], %swap3A_359 {strides = array<i32>} : memref<32xf32, #tpu.memory_space<vmem>>, vector<16xf32>,
    %get3A_360 = arith.constant 2 : index
    %get3A_361 = tpu.vector_load %arg29[%get3A_360] {strides = array<i32>} : memref<32xf32, #tpu.memory_space<vmem>>, vector<16xf32>,
    %get3A_362 = vector.shape_cast %get3A_361 : vector<16xf32> to vector<16xf32>
    %select_n3A_363 = arith.select %or3A_313, %get3A_362, %select_n3A_286 : vector<16xi1>, vector<16xf32>
    %swap3A_364 = arith.constant 0 : index
    %swap3A_365 = tpu.vector_load %arg29[%swap3A_364] {strides = array<i32>} : memref<32xf32, #tpu.memory_space<vmem>>, vector<16xf32>,
    %swap3A_366 = vector.shape_cast %swap3A_365 : vector<16xf32> to vector<16xf32>
    %swap3A_367 = vector.shape_cast %select_n3A_314 : vector<16xf32> to vector<16xf32>
    tpu.vector_store %arg29[%swap3A_364], %swap3A_367 {strides = array<i32>} : memref<32xf32, #tpu.memory_space<vmem>>, vector<16xf32>,
    %swap3A_368 = arith.constant 16 : index
    %swap3A_369 = tpu.vector_load %arg29[%swap3A_368] {strides = array<i32>} : memref<32xf32, #tpu.memory_space<vmem>>, vector<16xf32>,
    %swap3A_370 = vector.shape_cast %swap3A_369 : vector<16xf32> to vector<16xf32>
    %swap3A_371 = vector.shape_cast %select_n3A_314 : vector<16xf32> to vector<16xf32>
    tpu.vector_store %arg29[%swap3A_368], %swap3A_371 {strides = array<i32>} : memref<32xf32, #tpu.memory_space<vmem>>, vector<16xf32>,
    %get3A_372 = arith.constant 1 : index
    %get3A_373 = tpu.vector_load %arg29[%get3A_372] {strides = array<i32>} : memref<32xf32, #tpu.memory_space<vmem>>, vector<16xf32>,
    %get3A_374 = vector.shape_cast %get3A_373 : vector<16xf32> to vector<16xf32>
    %swap3A_375 = arith.constant 0 : index
    %swap3A_376 = tpu.vector_load %arg30[%swap3A_375] {strides = array<i32>} : memref<32xi32, #tpu.memory_space<vmem>>, vector<16xi32>,
    %swap3A_377 = vector.shape_cast %swap3A_376 : vector<16xi32> to vector<16xi32>
    %swap3A_378 = vector.shape_cast %select_n3A_315 : vector<16xi32> to vector<16xi32>
    tpu.vector_store %arg30[%swap3A_375], %swap3A_378 {strides = array<i32>} : memref<32xi32, #tpu.memory_space<vmem>>, vector<16xi32>,
    %swap3A_379 = arith.constant 16 : index
    %swap3A_380 = tpu.vector_load %arg30[%swap3A_379] {strides = array<i32>} : memref<32xi32, #tpu.memory_space<vmem>>, vector<16xi32>,
    %swap3A_381 = vector.shape_cast %swap3A_380 : vector<16xi32> to vector<16xi32>
    %swap3A_382 = vector.shape_cast %select_n3A_315 : vector<16xi32> to vector<16xi32>
    tpu.vector_store %arg30[%swap3A_379], %swap3A_382 {strides = array<i32>} : memref<32xi32, #tpu.memory_space<vmem>>, vector<16xi32>,
    %get3A_383 = arith.constant 1 : index
    %get3A_384 = tpu.vector_load %arg30[%get3A_383] {strides = array<i32>} : memref<32xi32, #tpu.memory_space<vmem>>, vector<16xi32>,
    %get3A_385 = vector.shape_cast %get3A_384 : vector<16xi32> to vector<16xi32>
    %gt3A_386 = arith.cmpf ogt, %get3A_374, %select_n3A_314 : vector<16xf32>
    %eq3A_387 = arith.cmpf oeq, %get3A_374, %select_n3A_314 : vector<16xf32>
    %lt3A_388 = arith.cmpi slt, %get3A_385, %select_n3A_315 : vector<16xi32>
    %and3A_389 = arith.andi %eq3A_387, %lt3A_388 : vector<16xi1>
    %or3A_390 = arith.ori %gt3A_386, %and3A_389 : vector<16xi1>
    %select_n3A_391 = arith.select %or3A_390, %get3A_374, %select_n3A_314 : vector<16xi1>, vector<16xf32>
    %select_n3A_392 = arith.select %or3A_390, %get3A_385, %select_n3A_315 : vector<16xi1>, vector<16xi32>
    %swap3A_393 = arith.constant 0 : index
    %swap3A_394 = tpu.vector_load %arg29[%swap3A_393] {strides = array<i32>} : memref<32xf32, #tpu.memory_space<vmem>>, vector<16xf32>,
    %swap3A_395 = vector.shape_cast %swap3A_394 : vector<16xf32> to vector<16xf32>
    %swap3A_396 = vector.shape_cast %select_n3A_327 : vector<16xf32> to vector<16xf32>
    tpu.vector_store %arg29[%swap3A_393], %swap3A_396 {strides = array<i32>} : memref<32xf32, #tpu.memory_space<vmem>>, vector<16xf32>,
    %swap3A_397 = arith.constant 16 : index
    %swap3A_398 = tpu.vector_load %arg29[%swap3A_397] {strides = array<i32>} : memref<32xf32, #tpu.memory_space<vmem>>, vector<16xf32>,
    %swap3A_399 = vector.shape_cast %swap3A_398 : vector<16xf32> to vector<16xf32>
    %swap3A_400 = vector.shape_cast %select_n3A_327 : vector<16xf32> to vector<16xf32>
    tpu.vector_store %arg29[%swap3A_397], %swap3A_400 {strides = array<i32>} : memref<32xf32, #tpu.memory_space<vmem>>, vector<16xf32>,
    %get3A_401 = arith.constant 1 : index
    %get3A_402 = tpu.vector_load %arg29[%get3A_401] {strides = array<i32>} : memref<32xf32, #tpu.memory_space<vmem>>, vector<16xf32>,
    %get3A_403 = vector.shape_cast %get3A_402 : vector<16xf32> to vector<16xf32>
    %select_n3A_404 = arith.select %or3A_390, %get3A_403, %select_n3A_327 : vector<16xi1>, vector<16xf32>
    %swap3A_405 = arith.constant 0 : index
    %swap3A_406 = tpu.vector_load %arg29[%swap3A_405] {strides = array<i32>} : memref<32xf32, #tpu.memory_space<vmem>>, vector<16xf32>,
    %swap3A_407 = vector.shape_cast %swap3A_406 : vector<16xf32> to vector<16xf32>
    %swap3A_408 = vector.shape_cast %select_n3A_339 : vector<16xf32> to vector<16xf32>
    tpu.vector_store %arg29[%swap3A_405], %swap3A_408 {strides = array<i32>} : memref<32xf32, #tpu.memory_space<vmem>>, vector<16xf32>,
    %swap3A_409 = arith.constant 16 : index
    %swap3A_410 = tpu.vector_load %arg29[%swap3A_409] {strides = array<i32>} : memref<32xf32, #tpu.memory_space<vmem>>, vector<16xf32>,
    %swap3A_411 = vector.shape_cast %swap3A_410 : vector<16xf32> to vector<16xf32>
    %swap3A_412 = vector.shape_cast %select_n3A_339 : vector<16xf32> to vector<16xf32>
    tpu.vector_store %arg29[%swap3A_409], %swap3A_412 {strides = array<i32>} : memref<32xf32, #tpu.memory_space<vmem>>, vector<16xf32>,
    %get3A_413 = arith.constant 1 : index
    %get3A_414 = tpu.vector_load %arg29[%get3A_413] {strides = array<i32>} : memref<32xf32, #tpu.memory_space<vmem>>, vector<16xf32>,
    %get3A_415 = vector.shape_cast %get3A_414 : vector<16xf32> to vector<16xf32>
    %select_n3A_416 = arith.select %or3A_390, %get3A_415, %select_n3A_339 : vector<16xi1>, vector<16xf32>
    %swap3A_417 = arith.constant 0 : index
    %swap3A_418 = tpu.vector_load %arg29[%swap3A_417] {strides = array<i32>} : memref<32xf32, #tpu.memory_space<vmem>>, vector<16xf32>,
    %swap3A_419 = vector.shape_cast %swap3A_418 : vector<16xf32> to vector<16xf32>
    %swap3A_420 = vector.shape_cast %select_n3A_351 : vector<16xf32> to vector<16xf32>
    tpu.vector_store %arg29[%swap3A_417], %swap3A_420 {strides = array<i32>} : memref<32xf32, #tpu.memory_space<vmem>>, vector<16xf32>,
    %swap3A_421 = arith.constant 16 : index
    %swap3A_422 = tpu.vector_load %arg29[%swap3A_421] {strides = array<i32>} : memref<32xf32, #tpu.memory_space<vmem>>, vector<16xf32>,
    %swap3A_423 = vector.shape_cast %swap3A_422 : vector<16xf32> to vector<16xf32>
    %swap3A_424 = vector.shape_cast %select_n3A_351 : vector<16xf32> to vector<16xf32>
    tpu.vector_store %arg29[%swap3A_421], %swap3A_424 {strides = array<i32>} : memref<32xf32, #tpu.memory_space<vmem>>, vector<16xf32>,
    %get3A_425 = arith.constant 1 : index
    %get3A_426 = tpu.vector_load %arg29[%get3A_425] {strides = array<i32>} : memref<32xf32, #tpu.memory_space<vmem>>, vector<16xf32>,
    %get3A_427 = vector.shape_cast %get3A_426 : vector<16xf32> to vector<16xf32>
    %select_n3A_428 = arith.select %or3A_390, %get3A_427, %select_n3A_351 : vector<16xi1>, vector<16xf32>
    %swap3A_429 = arith.constant 0 : index
    %swap3A_430 = tpu.vector_load %arg29[%swap3A_429] {strides = array<i32>} : memref<32xf32, #tpu.memory_space<vmem>>, vector<16xf32>,
    %swap3A_431 = vector.shape_cast %swap3A_430 : vector<16xf32> to vector<16xf32>
    %swap3A_432 = vector.shape_cast %select_n3A_363 : vector<16xf32> to vector<16xf32>
    tpu.vector_store %arg29[%swap3A_429], %swap3A_432 {strides = array<i32>} : memref<32xf32, #tpu.memory_space<vmem>>, vector<16xf32>,
    %swap3A_433 = arith.constant 16 : index
    %swap3A_434 = tpu.vector_load %arg29[%swap3A_433] {strides = array<i32>} : memref<32xf32, #tpu.memory_space<vmem>>, vector<16xf32>,
    %swap3A_435 = vector.shape_cast %swap3A_434 : vector<16xf32> to vector<16xf32>
    %swap3A_436 = vector.shape_cast %select_n3A_363 : vector<16xf32> to vector<16xf32>
    tpu.vector_store %arg29[%swap3A_433], %swap3A_436 {strides = array<i32>} : memref<32xf32, #tpu.memory_space<vmem>>, vector<16xf32>,
    %get3A_437 = arith.constant 1 : index
    %get3A_438 = tpu.vector_load %arg29[%get3A_437] {strides = array<i32>} : memref<32xf32, #tpu.memory_space<vmem>>, vector<16xf32>,
    %get3A_439 = vector.shape_cast %get3A_438 : vector<16xf32> to vector<16xf32>
    %select_n3A_440 = arith.select %or3A_390, %get3A_439, %select_n3A_363 : vector<16xi1>, vector<16xf32>
    %swap3A_441 = arith.constant 0 : index
    %swap3A_442 = tpu.vector_load %arg31[%swap3A_441] {strides = array<i32>} : memref<80xf32, #tpu.memory_space<vmem>>, vector<16xf32>,
    %swap3A_443 = vector.shape_cast %swap3A_442 : vector<16xf32> to vector<16xf32>
    %swap3A_444 = vector.shape_cast %select_n3A_391 : vector<16xf32> to vector<16xf32>
    tpu.vector_store %arg31[%swap3A_441], %swap3A_444 {strides = array<i32>} : memref<80xf32, #tpu.memory_space<vmem>>, vector<16xf32>,
    %swap3A_445 = arith.constant 16 : index
    %swap3A_446 = tpu.vector_load %arg31[%swap3A_445] {strides = array<i32>} : memref<80xf32, #tpu.memory_space<vmem>>, vector<16xf32>,
    %swap3A_447 = vector.shape_cast %swap3A_446 : vector<16xf32> to vector<16xf32>
    %swap3A_448 = vector.shape_cast %select_n3A_404 : vector<16xf32> to vector<16xf32>
    tpu.vector_store %arg31[%swap3A_445], %swap3A_448 {strides = array<i32>} : memref<80xf32, #tpu.memory_space<vmem>>, vector<16xf32>,
    %swap3A_449 = arith.constant 32 : index
    %swap3A_450 = tpu.vector_load %arg31[%swap3A_449] {strides = array<i32>} : memref<80xf32, #tpu.memory_space<vmem>>, vector<16xf32>,
    %swap3A_451 = vector.shape_cast %swap3A_450 : vector<16xf32> to vector<16xf32>
    %swap3A_452 = vector.shape_cast %select_n3A_416 : vector<16xf32> to vector<16xf32>
    tpu.vector_store %arg31[%swap3A_449], %swap3A_452 {strides = array<i32>} : memref<80xf32, #tpu.memory_space<vmem>>, vector<16xf32>,
    %swap3A_453 = arith.constant 48 : index
    %swap3A_454 = tpu.vector_load %arg31[%swap3A_453] {strides = array<i32>} : memref<80xf32, #tpu.memory_space<vmem>>, vector<16xf32>,
    %swap3A_455 = vector.shape_cast %swap3A_454 : vector<16xf32> to vector<16xf32>
    %swap3A_456 = vector.shape_cast %select_n3A_428 : vector<16xf32> to vector<16xf32>
    tpu.vector_store %arg31[%swap3A_453], %swap3A_456 {strides = array<i32>} : memref<80xf32, #tpu.memory_space<vmem>>, vector<16xf32>,
    %swap3A_457 = arith.constant 64 : index
    %swap3A_458 = tpu.vector_load %arg31[%swap3A_457] {strides = array<i32>} : memref<80xf32, #tpu.memory_space<vmem>>, vector<16xf32>,
    %swap3A_459 = vector.shape_cast %swap3A_458 : vector<16xf32> to vector<16xf32>
    %swap3A_460 = vector.shape_cast %select_n3A_440 : vector<16xf32> to vector<16xf32>
    tpu.vector_store %arg31[%swap3A_457], %swap3A_460 {strides = array<i32>} : memref<80xf32, #tpu.memory_space<vmem>>, vector<16xf32>,
    %swap3A_461 = arith.constant 0 : index
    %swap3A_462 = tpu.vector_load %arg33[%swap3A_461] {strides = array<i32>} : memref<16xi32, #tpu.memory_space<vmem>>, vector<16xi32>,
    %swap3A_463 = vector.shape_cast %swap3A_462 : vector<16xi32> to vector<16xi32>
    %swap3A_464 = vector.shape_cast %select_n3A_392 : vector<16xi32> to vector<16xi32>
    tpu.vector_store %arg33[%swap3A_461], %swap3A_464 {strides = array<i32>} : memref<16xi32, #tpu.memory_space<vmem>>, vector<16xi32>,
    %add3A_465 = arith.constant 0 : i32
    %add3A_466 = arith.addi %add3A_465, %arg1 : i32
    %mul3A_467 = arith.constant 5 : i32
    %mul3A_468 = arith.muli %add3A_466, %mul3A_467 : i32
    %mul3A_469 = arith.constant 16 : i32
    %mul3A_470 = arith.muli %mul3A_468, %mul3A_469 : i32
    "tpu.region"() ({
      %run_scoped3A = tpu.sem_alloc : memref<!tpu.dma_semaphore, #tpu.memory_space<semaphore_mem>>
      %dma_start3A = tpu.memref_slice %arg35[%mul3A_470] : memref<2560xf32, #tpu.memory_space<vmem_shared>> -> memref<80xf32, #tpu.memory_space<vmem_shared>>
      %dma_start3A_600 = tpu.memref_slice %arg35[%mul3A_470] : memref<2560xf32, #tpu.memory_space<vmem_shared>> -> memref<80xf32, #tpu.memory_space<vmem_shared>>
      tpu.enqueue_dma source(%arg31 : memref<80xf32, #tpu.memory_space<vmem>>) target(%dma_start3A_600 : memref<80xf32, #tpu.memory_space<vmem_shared>>) target_semaphore(%run_scoped3A : memref<!tpu.dma_semaphore, #tpu.memory_space<semaphore_mem>>)
      %dma_wait3A = tpu.memref_slice %arg35[%mul3A_470] : memref<2560xf32, #tpu.memory_space<vmem_shared>> -> memref<80xf32, #tpu.memory_space<vmem_shared>>
      %dma_wait3A_601 = tpu.memref_slice %arg35[%mul3A_470] : memref<2560xf32, #tpu.memory_space<vmem_shared>> -> memref<80xf32, #tpu.memory_space<vmem_shared>>
      tpu.wait_dma2 semaphore(%run_scoped3A : memref<!tpu.dma_semaphore, #tpu.memory_space<semaphore_mem>>) src(%arg31 : memref<80xf32, #tpu.memory_space<vmem>>) dst(%dma_wait3A_601 : memref<80xf32, #tpu.memory_space<vmem_shared>>)
      tpu.yield
    }) : () -> ()
    %mul3A_471 = arith.constant 16 : i32
    %mul3A_472 = arith.muli %add3A_466, %mul3A_471 : i32
    "tpu.region"() ({
      %run_scoped3A = tpu.sem_alloc : memref<!tpu.dma_semaphore, #tpu.memory_space<semaphore_mem>>
      %dma_start3A = tpu.memref_slice %arg36[%mul3A_472] : memref<512xi32, #tpu.memory_space<vmem_shared>> -> memref<16xi32, #tpu.memory_space<vmem_shared>>
      %dma_start3A_600 = tpu.memref_slice %arg36[%mul3A_472] : memref<512xi32, #tpu.memory_space<vmem_shared>> -> memref<16xi32, #tpu.memory_space<vmem_shared>>
      tpu.enqueue_dma source(%arg33 : memref<16xi32, #tpu.memory_space<vmem>>) target(%dma_start3A_600 : memref<16xi32, #tpu.memory_space<vmem_shared>>) target_semaphore(%run_scoped3A : memref<!tpu.dma_semaphore, #tpu.memory_space<semaphore_mem>>)
      %dma_wait3A = tpu.memref_slice %arg36[%mul3A_472] : memref<512xi32, #tpu.memory_space<vmem_shared>> -> memref<16xi32, #tpu.memory_space<vmem_shared>>
      %dma_wait3A_601 = tpu.memref_slice %arg36[%mul3A_472] : memref<512xi32, #tpu.memory_space<vmem_shared>> -> memref<16xi32, #tpu.memory_space<vmem_shared>>
      tpu.wait_dma2 semaphore(%run_scoped3A : memref<!tpu.dma_semaphore, #tpu.memory_space<semaphore_mem>>) src(%arg33 : memref<16xi32, #tpu.memory_space<vmem>>) dst(%dma_wait3A_601 : memref<16xi32, #tpu.memory_space<vmem_shared>>)
      tpu.yield
    }) : () -> ()
    %barrier3A = arith.constant 0 : index
    tpu.barrier barrier_id(%barrier3A)
    %xor3A = arith.constant 1 : i32
    %xor3A_473 = arith.xori %arg1, %xor3A : i32
    %add3A_474 = arith.constant 0 : i32
    %add3A_475 = arith.addi %add3A_474, %xor3A_473 : i32
    %mul3A_476 = arith.constant 5 : i32
    %mul3A_477 = arith.muli %add3A_475, %mul3A_476 : i32
    %mul3A_478 = arith.constant 16 : i32
    %mul3A_479 = arith.muli %mul3A_477, %mul3A_478 : i32
    "tpu.region"() ({
      %run_scoped3A = tpu.sem_alloc : memref<!tpu.dma_semaphore, #tpu.memory_space<semaphore_mem>>
      %dma_start3A = tpu.memref_slice %arg35[%mul3A_479] : memref<2560xf32, #tpu.memory_space<vmem_shared>> -> memref<80xf32, #tpu.memory_space<vmem_shared>>
      %dma_start3A_600 = tpu.memref_slice %arg35[%mul3A_479] : memref<2560xf32, #tpu.memory_space<vmem_shared>> -> memref<80xf32, #tpu.memory_space<vmem_shared>>
      tpu.enqueue_dma source(%dma_start3A_600 : memref<80xf32, #tpu.memory_space<vmem_shared>>) target(%arg32 : memref<80xf32, #tpu.memory_space<vmem>>) target_semaphore(%run_scoped3A : memref<!tpu.dma_semaphore, #tpu.memory_space<semaphore_mem>>)
      %dma_wait3A = tpu.memref_slice %arg35[%mul3A_479] : memref<2560xf32, #tpu.memory_space<vmem_shared>> -> memref<80xf32, #tpu.memory_space<vmem_shared>>
      %dma_wait3A_601 = tpu.memref_slice %arg35[%mul3A_479] : memref<2560xf32, #tpu.memory_space<vmem_shared>> -> memref<80xf32, #tpu.memory_space<vmem_shared>>
      tpu.wait_dma2 semaphore(%run_scoped3A : memref<!tpu.dma_semaphore, #tpu.memory_space<semaphore_mem>>) src(%dma_wait3A_601 : memref<80xf32, #tpu.memory_space<vmem_shared>>) dst(%arg32 : memref<80xf32, #tpu.memory_space<vmem>>)
      tpu.yield
    }) : () -> ()
    %mul3A_480 = arith.constant 16 : i32
    %mul3A_481 = arith.muli %add3A_475, %mul3A_480 : i32
    "tpu.region"() ({
      %run_scoped3A = tpu.sem_alloc : memref<!tpu.dma_semaphore, #tpu.memory_space<semaphore_mem>>
      %dma_start3A = tpu.memref_slice %arg36[%mul3A_481] : memref<512xi32, #tpu.memory_space<vmem_shared>> -> memref<16xi32, #tpu.memory_space<vmem_shared>>
      %dma_start3A_600 = tpu.memref_slice %arg36[%mul3A_481] : memref<512xi32, #tpu.memory_space<vmem_shared>> -> memref<16xi32, #tpu.memory_space<vmem_shared>>
      tpu.enqueue_dma source(%dma_start3A_600 : memref<16xi32, #tpu.memory_space<vmem_shared>>) target(%arg34 : memref<16xi32, #tpu.memory_space<vmem>>) target_semaphore(%run_scoped3A : memref<!tpu.dma_semaphore, #tpu.memory_space<semaphore_mem>>)
      %dma_wait3A = tpu.memref_slice %arg36[%mul3A_481] : memref<512xi32, #tpu.memory_space<vmem_shared>> -> memref<16xi32, #tpu.memory_space<vmem_shared>>
      %dma_wait3A_601 = tpu.memref_slice %arg36[%mul3A_481] : memref<512xi32, #tpu.memory_space<vmem_shared>> -> memref<16xi32, #tpu.memory_space<vmem_shared>>
      tpu.wait_dma2 semaphore(%run_scoped3A : memref<!tpu.dma_semaphore, #tpu.memory_space<semaphore_mem>>) src(%dma_wait3A_601 : memref<16xi32, #tpu.memory_space<vmem_shared>>) dst(%arg34 : memref<16xi32, #tpu.memory_space<vmem>>)
      tpu.yield
    }) : () -> ()
    %get3A_482 = arith.constant 0 : index
    %get3A_483 = tpu.vector_load %arg32[%get3A_482] {strides = array<i32>} : memref<80xf32, #tpu.memory_space<vmem>>, vector<16xf32>,
    %get3A_484 = vector.shape_cast %get3A_483 : vector<16xf32> to vector<16xf32>
    %get3A_485 = arith.constant 16 : index
    %get3A_486 = tpu.vector_load %arg32[%get3A_485] {strides = array<i32>} : memref<80xf32, #tpu.memory_space<vmem>>, vector<16xf32>,
    %get3A_487 = vector.shape_cast %get3A_486 : vector<16xf32> to vector<16xf32>
    %get3A_488 = arith.constant 32 : index
    %get3A_489 = tpu.vector_load %arg32[%get3A_488] {strides = array<i32>} : memref<80xf32, #tpu.memory_space<vmem>>, vector<16xf32>,
    %get3A_490 = vector.shape_cast %get3A_489 : vector<16xf32> to vector<16xf32>
    %get3A_491 = arith.constant 48 : index
    %get3A_492 = tpu.vector_load %arg32[%get3A_491] {strides = array<i32>} : memref<80xf32, #tpu.memory_space<vmem>>, vector<16xf32>,
    %get3A_493 = vector.shape_cast %get3A_492 : vector<16xf32> to vector<16xf32>
    %get3A_494 = arith.constant 64 : index
    %get3A_495 = tpu.vector_load %arg32[%get3A_494] {strides = array<i32>} : memref<80xf32, #tpu.memory_space<vmem>>, vector<16xf32>,
    %get3A_496 = vector.shape_cast %get3A_495 : vector<16xf32> to vector<16xf32>
    %get3A_497 = arith.constant 0 : index
    %get3A_498 = tpu.vector_load %arg34[%get3A_497] {strides = array<i32>} : memref<16xi32, #tpu.memory_space<vmem>>, vector<16xi32>,
    %get3A_499 = vector.shape_cast %get3A_498 : vector<16xi32> to vector<16xi32>
    %gt3A_500 = arith.cmpf ogt, %get3A_484, %select_n3A_391 : vector<16xf32>
    %eq3A_501 = arith.cmpf oeq, %get3A_484, %select_n3A_391 : vector<16xf32>
    %lt3A_502 = arith.cmpi slt, %get3A_499, %select_n3A_392 : vector<16xi32>
    %and3A_503 = arith.andi %eq3A_501, %lt3A_502 : vector<16xi1>
    %or3A_504 = arith.ori %gt3A_500, %and3A_503 : vector<16xi1>
    %select_n3A_505 = arith.select %or3A_504, %get3A_484, %select_n3A_391 : vector<16xi1>, vector<16xf32>
    %select_n3A_506 = arith.select %or3A_504, %get3A_499, %select_n3A_392 : vector<16xi1>, vector<16xi32>
    %select_n3A_507 = arith.select %or3A_504, %get3A_487, %select_n3A_404 : vector<16xi1>, vector<16xf32>
    %select_n3A_508 = arith.select %or3A_504, %get3A_490, %select_n3A_416 : vector<16xi1>, vector<16xf32>
    %select_n3A_509 = arith.select %or3A_504, %get3A_493, %select_n3A_428 : vector<16xi1>, vector<16xf32>
    %select_n3A_510 = arith.select %or3A_504, %get3A_496, %select_n3A_440 : vector<16xi1>, vector<16xf32>
    %xor3A_511 = arith.constant 2 : i32
    %xor3A_512 = arith.xori %arg1, %xor3A_511 : i32
    %add3A_513 = arith.constant 0 : i32
    %add3A_514 = arith.addi %add3A_513, %xor3A_512 : i32
    %mul3A_515 = arith.constant 5 : i32
    %mul3A_516 = arith.muli %add3A_514, %mul3A_515 : i32
    %mul3A_517 = arith.constant 16 : i32
    %mul3A_518 = arith.muli %mul3A_516, %mul3A_517 : i32
    "tpu.region"() ({
      %run_scoped3A = tpu.sem_alloc : memref<!tpu.dma_semaphore, #tpu.memory_space<semaphore_mem>>
      %dma_start3A = tpu.memref_slice %arg35[%mul3A_518] : memref<2560xf32, #tpu.memory_space<vmem_shared>> -> memref<80xf32, #tpu.memory_space<vmem_shared>>
      %dma_start3A_600 = tpu.memref_slice %arg35[%mul3A_518] : memref<2560xf32, #tpu.memory_space<vmem_shared>> -> memref<80xf32, #tpu.memory_space<vmem_shared>>
      tpu.enqueue_dma source(%dma_start3A_600 : memref<80xf32, #tpu.memory_space<vmem_shared>>) target(%arg32 : memref<80xf32, #tpu.memory_space<vmem>>) target_semaphore(%run_scoped3A : memref<!tpu.dma_semaphore, #tpu.memory_space<semaphore_mem>>)
      %dma_wait3A = tpu.memref_slice %arg35[%mul3A_518] : memref<2560xf32, #tpu.memory_space<vmem_shared>> -> memref<80xf32, #tpu.memory_space<vmem_shared>>
      %dma_wait3A_601 = tpu.memref_slice %arg35[%mul3A_518] : memref<2560xf32, #tpu.memory_space<vmem_shared>> -> memref<80xf32, #tpu.memory_space<vmem_shared>>
      tpu.wait_dma2 semaphore(%run_scoped3A : memref<!tpu.dma_semaphore, #tpu.memory_space<semaphore_mem>>) src(%dma_wait3A_601 : memref<80xf32, #tpu.memory_space<vmem_shared>>) dst(%arg32 : memref<80xf32, #tpu.memory_space<vmem>>)
      tpu.yield
    }) : () -> ()
    %mul3A_519 = arith.constant 16 : i32
    %mul3A_520 = arith.muli %add3A_514, %mul3A_519 : i32
    "tpu.region"() ({
      %run_scoped3A = tpu.sem_alloc : memref<!tpu.dma_semaphore, #tpu.memory_space<semaphore_mem>>
      %dma_start3A = tpu.memref_slice %arg36[%mul3A_520] : memref<512xi32, #tpu.memory_space<vmem_shared>> -> memref<16xi32, #tpu.memory_space<vmem_shared>>
      %dma_start3A_600 = tpu.memref_slice %arg36[%mul3A_520] : memref<512xi32, #tpu.memory_space<vmem_shared>> -> memref<16xi32, #tpu.memory_space<vmem_shared>>
      tpu.enqueue_dma source(%dma_start3A_600 : memref<16xi32, #tpu.memory_space<vmem_shared>>) target(%arg34 : memref<16xi32, #tpu.memory_space<vmem>>) target_semaphore(%run_scoped3A : memref<!tpu.dma_semaphore, #tpu.memory_space<semaphore_mem>>)
      %dma_wait3A = tpu.memref_slice %arg36[%mul3A_520] : memref<512xi32, #tpu.memory_space<vmem_shared>> -> memref<16xi32, #tpu.memory_space<vmem_shared>>
      %dma_wait3A_601 = tpu.memref_slice %arg36[%mul3A_520] : memref<512xi32, #tpu.memory_space<vmem_shared>> -> memref<16xi32, #tpu.memory_space<vmem_shared>>
      tpu.wait_dma2 semaphore(%run_scoped3A : memref<!tpu.dma_semaphore, #tpu.memory_space<semaphore_mem>>) src(%dma_wait3A_601 : memref<16xi32, #tpu.memory_space<vmem_shared>>) dst(%arg34 : memref<16xi32, #tpu.memory_space<vmem>>)
      tpu.yield
    }) : () -> ()
    %get3A_521 = arith.constant 0 : index
    %get3A_522 = tpu.vector_load %arg32[%get3A_521] {strides = array<i32>} : memref<80xf32, #tpu.memory_space<vmem>>, vector<16xf32>,
    %get3A_523 = vector.shape_cast %get3A_522 : vector<16xf32> to vector<16xf32>
    %get3A_524 = arith.constant 16 : index
    %get3A_525 = tpu.vector_load %arg32[%get3A_524] {strides = array<i32>} : memref<80xf32, #tpu.memory_space<vmem>>, vector<16xf32>,
    %get3A_526 = vector.shape_cast %get3A_525 : vector<16xf32> to vector<16xf32>
    %get3A_527 = arith.constant 32 : index
    %get3A_528 = tpu.vector_load %arg32[%get3A_527] {strides = array<i32>} : memref<80xf32, #tpu.memory_space<vmem>>, vector<16xf32>,
    %get3A_529 = vector.shape_cast %get3A_528 : vector<16xf32> to vector<16xf32>
    %get3A_530 = arith.constant 48 : index
    %get3A_531 = tpu.vector_load %arg32[%get3A_530] {strides = array<i32>} : memref<80xf32, #tpu.memory_space<vmem>>, vector<16xf32>,
    %get3A_532 = vector.shape_cast %get3A_531 : vector<16xf32> to vector<16xf32>
    %get3A_533 = arith.constant 64 : index
    %get3A_534 = tpu.vector_load %arg32[%get3A_533] {strides = array<i32>} : memref<80xf32, #tpu.memory_space<vmem>>, vector<16xf32>,
    %get3A_535 = vector.shape_cast %get3A_534 : vector<16xf32> to vector<16xf32>
    %get3A_536 = arith.constant 0 : index
    %get3A_537 = tpu.vector_load %arg34[%get3A_536] {strides = array<i32>} : memref<16xi32, #tpu.memory_space<vmem>>, vector<16xi32>,
    %get3A_538 = vector.shape_cast %get3A_537 : vector<16xi32> to vector<16xi32>
    %gt3A_539 = arith.cmpf ogt, %get3A_523, %select_n3A_505 : vector<16xf32>
    %eq3A_540 = arith.cmpf oeq, %get3A_523, %select_n3A_505 : vector<16xf32>
    %lt3A_541 = arith.cmpi slt, %get3A_538, %select_n3A_506 : vector<16xi32>
    %and3A_542 = arith.andi %eq3A_540, %lt3A_541 : vector<16xi1>
    %or3A_543 = arith.ori %gt3A_539, %and3A_542 : vector<16xi1>
    %select_n3A_544 = arith.select %or3A_543, %get3A_523, %select_n3A_505 : vector<16xi1>, vector<16xf32>
    %select_n3A_545 = arith.select %or3A_543, %get3A_538, %select_n3A_506 : vector<16xi1>, vector<16xi32>
    %select_n3A_546 = arith.select %or3A_543, %get3A_526, %select_n3A_507 : vector<16xi1>, vector<16xf32>
    %select_n3A_547 = arith.select %or3A_543, %get3A_529, %select_n3A_508 : vector<16xi1>, vector<16xf32>
    %select_n3A_548 = arith.select %or3A_543, %get3A_532, %select_n3A_509 : vector<16xi1>, vector<16xf32>
    %select_n3A_549 = arith.select %or3A_543, %get3A_535, %select_n3A_510 : vector<16xi1>, vector<16xf32>
    %xor3A_550 = arith.constant 3 : i32
    %xor3A_551 = arith.xori %arg1, %xor3A_550 : i32
    %add3A_552 = arith.constant 0 : i32
    %add3A_553 = arith.addi %add3A_552, %xor3A_551 : i32
    %mul3A_554 = arith.constant 5 : i32
    %mul3A_555 = arith.muli %add3A_553, %mul3A_554 : i32
    %mul3A_556 = arith.constant 16 : i32
    %mul3A_557 = arith.muli %mul3A_555, %mul3A_556 : i32
    "tpu.region"() ({
      %run_scoped3A = tpu.sem_alloc : memref<!tpu.dma_semaphore, #tpu.memory_space<semaphore_mem>>
      %dma_start3A = tpu.memref_slice %arg35[%mul3A_557] : memref<2560xf32, #tpu.memory_space<vmem_shared>> -> memref<80xf32, #tpu.memory_space<vmem_shared>>
      %dma_start3A_600 = tpu.memref_slice %arg35[%mul3A_557] : memref<2560xf32, #tpu.memory_space<vmem_shared>> -> memref<80xf32, #tpu.memory_space<vmem_shared>>
      tpu.enqueue_dma source(%dma_start3A_600 : memref<80xf32, #tpu.memory_space<vmem_shared>>) target(%arg32 : memref<80xf32, #tpu.memory_space<vmem>>) target_semaphore(%run_scoped3A : memref<!tpu.dma_semaphore, #tpu.memory_space<semaphore_mem>>)
      %dma_wait3A = tpu.memref_slice %arg35[%mul3A_557] : memref<2560xf32, #tpu.memory_space<vmem_shared>> -> memref<80xf32, #tpu.memory_space<vmem_shared>>
      %dma_wait3A_601 = tpu.memref_slice %arg35[%mul3A_557] : memref<2560xf32, #tpu.memory_space<vmem_shared>> -> memref<80xf32, #tpu.memory_space<vmem_shared>>
      tpu.wait_dma2 semaphore(%run_scoped3A : memref<!tpu.dma_semaphore, #tpu.memory_space<semaphore_mem>>) src(%dma_wait3A_601 : memref<80xf32, #tpu.memory_space<vmem_shared>>) dst(%arg32 : memref<80xf32, #tpu.memory_space<vmem>>)
      tpu.yield
    }) : () -> ()
    %mul3A_558 = arith.constant 16 : i32
    %mul3A_559 = arith.muli %add3A_553, %mul3A_558 : i32
    "tpu.region"() ({
      %run_scoped3A = tpu.sem_alloc : memref<!tpu.dma_semaphore, #tpu.memory_space<semaphore_mem>>
      %dma_start3A = tpu.memref_slice %arg36[%mul3A_559] : memref<512xi32, #tpu.memory_space<vmem_shared>> -> memref<16xi32, #tpu.memory_space<vmem_shared>>
      %dma_start3A_600 = tpu.memref_slice %arg36[%mul3A_559] : memref<512xi32, #tpu.memory_space<vmem_shared>> -> memref<16xi32, #tpu.memory_space<vmem_shared>>
      tpu.enqueue_dma source(%dma_start3A_600 : memref<16xi32, #tpu.memory_space<vmem_shared>>) target(%arg34 : memref<16xi32, #tpu.memory_space<vmem>>) target_semaphore(%run_scoped3A : memref<!tpu.dma_semaphore, #tpu.memory_space<semaphore_mem>>)
      %dma_wait3A = tpu.memref_slice %arg36[%mul3A_559] : memref<512xi32, #tpu.memory_space<vmem_shared>> -> memref<16xi32, #tpu.memory_space<vmem_shared>>
      %dma_wait3A_601 = tpu.memref_slice %arg36[%mul3A_559] : memref<512xi32, #tpu.memory_space<vmem_shared>> -> memref<16xi32, #tpu.memory_space<vmem_shared>>
      tpu.wait_dma2 semaphore(%run_scoped3A : memref<!tpu.dma_semaphore, #tpu.memory_space<semaphore_mem>>) src(%dma_wait3A_601 : memref<16xi32, #tpu.memory_space<vmem_shared>>) dst(%arg34 : memref<16xi32, #tpu.memory_space<vmem>>)
      tpu.yield
    }) : () -> ()
    %get3A_560 = arith.constant 0 : index
    %get3A_561 = tpu.vector_load %arg32[%get3A_560] {strides = array<i32>} : memref<80xf32, #tpu.memory_space<vmem>>, vector<16xf32>,
    %get3A_562 = vector.shape_cast %get3A_561 : vector<16xf32> to vector<16xf32>
    %get3A_563 = arith.constant 16 : index
    %get3A_564 = tpu.vector_load %arg32[%get3A_563] {strides = array<i32>} : memref<80xf32, #tpu.memory_space<vmem>>, vector<16xf32>,
    %get3A_565 = vector.shape_cast %get3A_564 : vector<16xf32> to vector<16xf32>
    %get3A_566 = arith.constant 32 : index
    %get3A_567 = tpu.vector_load %arg32[%get3A_566] {strides = array<i32>} : memref<80xf32, #tpu.memory_space<vmem>>, vector<16xf32>,
    %get3A_568 = vector.shape_cast %get3A_567 : vector<16xf32> to vector<16xf32>
    %get3A_569 = arith.constant 48 : index
    %get3A_570 = tpu.vector_load %arg32[%get3A_569] {strides = array<i32>} : memref<80xf32, #tpu.memory_space<vmem>>, vector<16xf32>,
    %get3A_571 = vector.shape_cast %get3A_570 : vector<16xf32> to vector<16xf32>
    %get3A_572 = arith.constant 64 : index
    %get3A_573 = tpu.vector_load %arg32[%get3A_572] {strides = array<i32>} : memref<80xf32, #tpu.memory_space<vmem>>, vector<16xf32>,
    %get3A_574 = vector.shape_cast %get3A_573 : vector<16xf32> to vector<16xf32>
    %get3A_575 = arith.constant 0 : index
    %get3A_576 = tpu.vector_load %arg34[%get3A_575] {strides = array<i32>} : memref<16xi32, #tpu.memory_space<vmem>>, vector<16xi32>,
    %get3A_577 = vector.shape_cast %get3A_576 : vector<16xi32> to vector<16xi32>
    %gt3A_578 = arith.cmpf ogt, %get3A_562, %select_n3A_544 : vector<16xf32>
    %eq3A_579 = arith.cmpf oeq, %get3A_562, %select_n3A_544 : vector<16xf32>
    %lt3A_580 = arith.cmpi slt, %get3A_577, %select_n3A_545 : vector<16xi32>
    %and3A_581 = arith.andi %eq3A_579, %lt3A_580 : vector<16xi1>
    %or3A_582 = arith.ori %gt3A_578, %and3A_581 : vector<16xi1>
    %select_n3A_583 = arith.select %or3A_582, %get3A_562, %select_n3A_544 : vector<16xi1>, vector<16xf32>
    %select_n3A_584 = arith.select %or3A_582, %get3A_577, %select_n3A_545 : vector<16xi1>, vector<16xi32>
    %select_n3A_585 = arith.select %or3A_582, %get3A_565, %select_n3A_546 : vector<16xi1>, vector<16xf32>
    %select_n3A_586 = arith.select %or3A_582, %get3A_568, %select_n3A_547 : vector<16xi1>, vector<16xf32>
    %select_n3A_587 = arith.select %or3A_582, %get3A_571, %select_n3A_548 : vector<16xi1>, vector<16xf32>
    %select_n3A_588 = arith.select %or3A_582, %get3A_574, %select_n3A_549 : vector<16xi1>, vector<16xf32>
    %broadcast_in_dim3A_589 = arith.constant -1.000000e+00 : f32
    %broadcast_in_dim3A_590 = vector.broadcast %broadcast_in_dim3A_589 : f32 to vector<16xf32>
    %scan3A_591 = arith.constant 0 : i32
    %scan3A_592 = arith.constant 100 : i32
    %scan3A_593 = arith.addi %scan3A_591, %scan3A_592 : i32
    %scan3A_594 = arith.constant 1 : i32
    %scan3A_595:11 = scf.for %scan3A_600 = %scan3A_591 to %scan3A_593 step %scan3A_594 iter_args(%scan3A_601 = %select_n3A_583, %scan3A_602 = %select_n3A_584, %scan3A_603 = %select_n3A_585, %scan3A_604 = %select_n3A_586, %scan3A_605 = %select_n3A_587, %scan3A_606 = %select_n3A_588, %scan3A_607 = %broadcast_in_dim3A_590, %scan3A_608 = %broadcast_in_dim3A_129, %scan3A_609 = %broadcast_in_dim3A_129, %scan3A_610 = %broadcast_in_dim3A_129, %scan3A_611 = %broadcast_in_dim3A_129) -> (vector<16xf32>, vector<16xi32>, vector<16xf32>, vector<16xf32>, vector<16xf32>, vector<16xf32>, vector<16xf32>, vector<16xf32>, vector<16xf32>, vector<16xf32>, vector<16xf32>)  : i32 {
      %gt3A_612 = arith.constant -5.000000e+09 : f32
      %gt3A_613 = vector.broadcast %gt3A_612 : f32 to vector<16xf32>
      %gt3A_614 = arith.cmpf ogt, %scan3A_601, %gt3A_613 : vector<16xf32>
      %jit3A_615 = arith.constant 16 : i32
      %div3A_616 = arith.divsi %scan3A_600, %jit3A_615 : i32
      %sign3A_617 = arith.constant 0 : i32
      %sign3A_618 = arith.cmpi sgt, %scan3A_600, %sign3A_617 : i32
      %sign3A_619 = arith.extui %sign3A_618 : i1 to i32
      %sign3A_620 = arith.constant 0 : i32
      %sign3A_621 = arith.cmpi slt, %scan3A_600, %sign3A_620 : i32
      %sign3A_622 = arith.extui %sign3A_621 : i1 to i32
      %sign3A_623 = arith.subi %sign3A_619, %sign3A_622 : i32
      %sign3A_624 = arith.constant 0 : i32
      %sign3A_625 = arith.cmpi sgt, %jit3A_615, %sign3A_624 : i32
      %sign3A_626 = arith.extui %sign3A_625 : i1 to i32
      %sign3A_627 = arith.constant 0 : i32
      %sign3A_628 = arith.cmpi slt, %jit3A_615, %sign3A_627 : i32
      %sign3A_629 = arith.extui %sign3A_628 : i1 to i32
      %sign3A_630 = arith.subi %sign3A_626, %sign3A_629 : i32
      %ne3A_631 = arith.cmpi ne, %sign3A_623, %sign3A_630 : i32
      %rem3A_632 = arith.remsi %scan3A_600, %jit3A_615 : i32
      %ne3A_633 = arith.constant 0 : i32
      %ne3A_634 = arith.cmpi ne, %rem3A_632, %ne3A_633 : i32
      %and3A_635 = arith.andi %ne3A_631, %ne3A_634 : i1
      %sub3A_636 = arith.constant 1 : i32
      %sub3A_637 = arith.subi %div3A_616, %sub3A_636 : i32
      %select_n3A_638 = arith.select %and3A_635, %sub3A_637, %div3A_616 : i32
      %mul3A_639 = arith.constant 16 : i32
      %mul3A_640 = arith.muli %select_n3A_638, %mul3A_639 : i32
      %sub3A_641 = arith.subi %scan3A_600, %mul3A_640 : i32
      %broadcast_in_dim3A_642 = vector.broadcast %sub3A_641 : i32 to vector<16xi32>
      %eq3A_643 = arith.cmpi eq, %iota3A, %broadcast_in_dim3A_642 : vector<16xi32>
      %jit3A_644 = arith.constant 0.000000e+00 : f32
      %broadcast_in_dim3A_645 = vector.broadcast %jit3A_644 : f32 to vector<16xf32>
      %select_n3A_646 = arith.select %gt3A_614, %scan3A_601, %broadcast_in_dim3A_645 : vector<16xi1>, vector<16xf32>
      %select_n3A_647 = arith.select %eq3A_643, %select_n3A_646, %scan3A_607 : vector<16xi1>, vector<16xf32>
      %jit3A_648 = arith.constant 0.000000e+00 : f32
      %broadcast_in_dim3A_649 = vector.broadcast %jit3A_648 : f32 to vector<16xf32>
      %select_n3A_650 = arith.select %gt3A_614, %scan3A_603, %broadcast_in_dim3A_649 : vector<16xi1>, vector<16xf32>
      %select_n3A_651 = arith.select %eq3A_643, %select_n3A_650, %scan3A_608 : vector<16xi1>, vector<16xf32>
      %jit3A_652 = arith.constant 0.000000e+00 : f32
      %broadcast_in_dim3A_653 = vector.broadcast %jit3A_652 : f32 to vector<16xf32>
      %select_n3A_654 = arith.select %gt3A_614, %scan3A_604, %broadcast_in_dim3A_653 : vector<16xi1>, vector<16xf32>
      %select_n3A_655 = arith.select %eq3A_643, %select_n3A_654, %scan3A_609 : vector<16xi1>, vector<16xf32>
      %jit3A_656 = arith.constant 0.000000e+00 : f32
      %broadcast_in_dim3A_657 = vector.broadcast %jit3A_656 : f32 to vector<16xf32>
      %select_n3A_658 = arith.select %gt3A_614, %scan3A_605, %broadcast_in_dim3A_657 : vector<16xi1>, vector<16xf32>
      %select_n3A_659 = arith.select %eq3A_643, %select_n3A_658, %scan3A_610 : vector<16xi1>, vector<16xf32>
      %jit3A_660 = arith.constant 0.000000e+00 : f32
      %broadcast_in_dim3A_661 = vector.broadcast %jit3A_660 : f32 to vector<16xf32>
      %select_n3A_662 = arith.select %gt3A_614, %scan3A_606, %broadcast_in_dim3A_661 : vector<16xi1>, vector<16xf32>
      %select_n3A_663 = arith.select %eq3A_643, %select_n3A_662, %scan3A_611 : vector<16xi1>, vector<16xf32>
      %eq3A_664 = arith.constant 15 : i32
      %eq3A_665 = arith.cmpi eq, %sub3A_641, %eq3A_664 : i32
      %eq3A_666 = arith.constant 99 : i32
      %eq3A_667 = arith.cmpi eq, %scan3A_600, %eq3A_666 : i32
      %or3A_668 = arith.ori %eq3A_665, %eq3A_667 : i1
      %convert_element_type3A_669 = arith.extui %or3A_668 : i1 to i32
      %cond3A_670 = arith.constant 0 : i32
      %cond3A_671 = arith.cmpi ne, %convert_element_type3A_669, %cond3A_670 : i32
      scf.if %cond3A_671 {
        %sub3A_1224 = arith.subi %scan3A_600, %sub3A_641 : i32
        %swap3A_1225 = arith.index_cast %sub3A_1224 : i32 to index
        %swap3A_1226 = tpu.vector_load %arg24[%swap3A_1225] {strides = array<i32>} : memref<112xf32, #tpu.memory_space<vmem>>, vector<16xf32>,
        %swap3A_1227 = vector.shape_cast %swap3A_1226 : vector<16xf32> to vector<16xf32>
        %swap3A_1228 = vector.shape_cast %select_n3A_647 : vector<16xf32> to vector<16xf32>
        tpu.vector_store %arg24[%swap3A_1225], %swap3A_1228 {strides = array<i32>} : memref<112xf32, #tpu.memory_space<vmem>>, vector<16xf32>,
        %swap3A_1229 = arith.index_cast %sub3A_1224 : i32 to index
        %swap3A_1230 = tpu.vector_load %arg25[%swap3A_1229] {strides = array<i32>} : memref<112xf32, #tpu.memory_space<vmem>>, vector<16xf32>,
        %swap3A_1231 = vector.shape_cast %swap3A_1230 : vector<16xf32> to vector<16xf32>
        %swap3A_1232 = vector.shape_cast %select_n3A_651 : vector<16xf32> to vector<16xf32>
        tpu.vector_store %arg25[%swap3A_1229], %swap3A_1232 {strides = array<i32>} : memref<112xf32, #tpu.memory_space<vmem>>, vector<16xf32>,
        %swap3A_1233 = arith.index_cast %sub3A_1224 : i32 to index
        %swap3A_1234 = tpu.vector_load %arg26[%swap3A_1233] {strides = array<i32>} : memref<112xf32, #tpu.memory_space<vmem>>, vector<16xf32>,
        %swap3A_1235 = vector.shape_cast %swap3A_1234 : vector<16xf32> to vector<16xf32>
        %swap3A_1236 = vector.shape_cast %select_n3A_655 : vector<16xf32> to vector<16xf32>
        tpu.vector_store %arg26[%swap3A_1233], %swap3A_1236 {strides = array<i32>} : memref<112xf32, #tpu.memory_space<vmem>>, vector<16xf32>,
        %swap3A_1237 = arith.index_cast %sub3A_1224 : i32 to index
        %swap3A_1238 = tpu.vector_load %arg27[%swap3A_1237] {strides = array<i32>} : memref<112xf32, #tpu.memory_space<vmem>>, vector<16xf32>,
        %swap3A_1239 = vector.shape_cast %swap3A_1238 : vector<16xf32> to vector<16xf32>
        %swap3A_1240 = vector.shape_cast %select_n3A_659 : vector<16xf32> to vector<16xf32>
        tpu.vector_store %arg27[%swap3A_1237], %swap3A_1240 {strides = array<i32>} : memref<112xf32, #tpu.memory_space<vmem>>, vector<16xf32>,
        %swap3A_1241 = arith.index_cast %sub3A_1224 : i32 to index
        %swap3A_1242 = tpu.vector_load %arg28[%swap3A_1241] {strides = array<i32>} : memref<112xf32, #tpu.memory_space<vmem>>, vector<16xf32>,
        %swap3A_1243 = vector.shape_cast %swap3A_1242 : vector<16xf32> to vector<16xf32>
        %swap3A_1244 = vector.shape_cast %select_n3A_663 : vector<16xf32> to vector<16xf32>
        tpu.vector_store %arg28[%swap3A_1241], %swap3A_1244 {strides = array<i32>} : memref<112xf32, #tpu.memory_space<vmem>>, vector<16xf32>,
      } else {
      }
      %sub3A_672 = arith.subf %scan3A_605, %scan3A_603 : vector<16xf32>
      %sub3A_673 = arith.subf %scan3A_606, %scan3A_604 : vector<16xf32>
      %mul3A_674 = arith.mulf %sub3A_672, %sub3A_673 : vector<16xf32>
      %broadcast_in_dim3A_675 = arith.constant 0.000000e+00 : f32
      %broadcast_in_dim3A_676 = vector.broadcast %broadcast_in_dim3A_675 : f32 to vector<16xf32>
      %broadcast_in_dim3A_677 = arith.constant -2.000000e+10 : f32
      %broadcast_in_dim3A_678 = vector.broadcast %broadcast_in_dim3A_677 : f32 to vector<16xf32>
      %broadcast_in_dim3A_679 = arith.constant 0 : i32
      %broadcast_in_dim3A_680 = vector.broadcast %broadcast_in_dim3A_679 : i32 to vector<16xi32>
      %scan3A_681 = arith.constant 0 : i32
      %scan3A_682 = arith.constant 20 : i32
      %scan3A_683 = arith.addi %scan3A_681, %scan3A_682 : i32
      %scan3A_684 = arith.constant 1 : i32
      %scan3A_685:24 = scf.for %scan3A_1224 = %scan3A_681 to %scan3A_683 step %scan3A_684 iter_args(%scan3A_1225 = %broadcast_in_dim3A_678, %scan3A_1226 = %broadcast_in_dim3A_680, %scan3A_1227 = %broadcast_in_dim3A_676, %scan3A_1228 = %broadcast_in_dim3A_676, %scan3A_1229 = %broadcast_in_dim3A_676, %scan3A_1230 = %broadcast_in_dim3A_676, %scan3A_1231 = %broadcast_in_dim3A_678, %scan3A_1232 = %broadcast_in_dim3A_680, %scan3A_1233 = %broadcast_in_dim3A_676, %scan3A_1234 = %broadcast_in_dim3A_676, %scan3A_1235 = %broadcast_in_dim3A_676, %scan3A_1236 = %broadcast_in_dim3A_676, %scan3A_1237 = %broadcast_in_dim3A_678, %scan3A_1238 = %broadcast_in_dim3A_680, %scan3A_1239 = %broadcast_in_dim3A_676, %scan3A_1240 = %broadcast_in_dim3A_676, %scan3A_1241 = %broadcast_in_dim3A_676, %scan3A_1242 = %broadcast_in_dim3A_676, %scan3A_1243 = %broadcast_in_dim3A_678, %scan3A_1244 = %broadcast_in_dim3A_680, %scan3A_1245 = %broadcast_in_dim3A_676, %scan3A_1246 = %broadcast_in_dim3A_676, %scan3A_1247 = %broadcast_in_dim3A_676, %scan3A_1248 = %broadcast_in_dim3A_676) -> (vector<16xf32>, vector<16xi32>, vector<16xf32>, vector<16xf32>, vector<16xf32>, vector<16xf32>, vector<16xf32>, vector<16xi32>, vector<16xf32>, vector<16xf32>, vector<16xf32>, vector<16xf32>, vector<16xf32>, vector<16xi32>, vector<16xf32>, vector<16xf32>, vector<16xf32>, vector<16xf32>, vector<16xf32>, vector<16xi32>, vector<16xf32>, vector<16xf32>, vector<16xf32>, vector<16xf32>)  : i32 {
        %mul3A_1249 = arith.constant 4 : i32
        %mul3A_1250 = arith.muli %scan3A_1224, %mul3A_1249 : i32
        %add3A_1251 = arith.constant 0 : i32
        %add3A_1252 = arith.addi %mul3A_1250, %add3A_1251 : i32
        %mul3A_1253 = arith.constant 16 : i32
        %mul3A_1254 = arith.muli %add3A_1252, %mul3A_1253 : i32
        %get3A_1255 = arith.index_cast %mul3A_1254 : i32 to index
        %get3A_1256 = tpu.vector_load %arg19[%get3A_1255] {strides = array<i32>} : memref<1280xf32, #tpu.memory_space<vmem>>, vector<16xf32>,
        %get3A_1257 = vector.shape_cast %get3A_1256 : vector<16xf32> to vector<16xf32>
        %get3A_1258 = arith.index_cast %mul3A_1254 : i32 to index
        %get3A_1259 = tpu.vector_load %arg20[%get3A_1258] {strides = array<i32>} : memref<1280xf32, #tpu.memory_space<vmem>>, vector<16xf32>,
        %get3A_1260 = vector.shape_cast %get3A_1259 : vector<16xf32> to vector<16xf32>
        %get3A_1261 = arith.index_cast %mul3A_1254 : i32 to index
        %get3A_1262 = tpu.vector_load %arg21[%get3A_1261] {strides = array<i32>} : memref<1280xf32, #tpu.memory_space<vmem>>, vector<16xf32>,
        %get3A_1263 = vector.shape_cast %get3A_1262 : vector<16xf32> to vector<16xf32>
        %get3A_1264 = arith.index_cast %mul3A_1254 : i32 to index
        %get3A_1265 = tpu.vector_load %arg22[%get3A_1264] {strides = array<i32>} : memref<1280xf32, #tpu.memory_space<vmem>>, vector<16xf32>,
        %get3A_1266 = vector.shape_cast %get3A_1265 : vector<16xf32> to vector<16xf32>
        %max3A = arith.maximumf %scan3A_603, %get3A_1257 : vector<16xf32>
        %max3A_1267 = arith.maximumf %scan3A_604, %get3A_1260 : vector<16xf32>
        %min3A = arith.minimumf %scan3A_605, %get3A_1263 : vector<16xf32>
        %min3A_1268 = arith.minimumf %scan3A_606, %get3A_1266 : vector<16xf32>
        %sub3A_1269 = arith.subf %min3A, %max3A : vector<16xf32>
        %max3A_1270 = arith.constant 0.000000e+00 : f32
        %max3A_1271 = vector.broadcast %max3A_1270 : f32 to vector<16xf32>
        %max3A_1272 = arith.maximumf %sub3A_1269, %max3A_1271 : vector<16xf32>
        %sub3A_1273 = arith.subf %min3A_1268, %max3A_1267 : vector<16xf32>
        %max3A_1274 = arith.constant 0.000000e+00 : f32
        %max3A_1275 = vector.broadcast %max3A_1274 : f32 to vector<16xf32>
        %max3A_1276 = arith.maximumf %sub3A_1273, %max3A_1275 : vector<16xf32>
        %mul3A_1277 = arith.mulf %max3A_1272, %max3A_1276 : vector<16xf32>
        %get3A_1278 = arith.index_cast %mul3A_1254 : i32 to index
        %get3A_1279 = tpu.vector_load %arg23[%get3A_1278] {strides = array<i32>} : memref<1280xf32, #tpu.memory_space<vmem>>, vector<16xf32>,
        %get3A_1280 = vector.shape_cast %get3A_1279 : vector<16xf32> to vector<16xf32>
        %add3A_1281 = arith.addf %mul3A_674, %get3A_1280 : vector<16xf32>
        %sub3A_1282 = arith.subf %add3A_1281, %mul3A_1277 : vector<16xf32>
        %add3A_1283 = arith.constant 9.99999993E-9 : f32
        %add3A_1284 = vector.broadcast %add3A_1283 : f32 to vector<16xf32>
        %add3A_1285 = arith.addf %sub3A_1282, %add3A_1284 : vector<16xf32>
        %div3A_1286 = arith.divf %mul3A_1277, %add3A_1285 : vector<16xf32>
        %mul3A_1287 = arith.constant 16 : i32
        %mul3A_1288 = arith.muli %add3A_1252, %mul3A_1287 : i32
        %add3A_1289 = arith.addi %mul3A_69, %mul3A_1288 : i32
        %broadcast_in_dim3A_1290 = vector.broadcast %add3A_1289 : i32 to vector<16xi32>
        %add3A_1291 = arith.addi %broadcast_in_dim3A_1290, %iota3A : vector<16xi32>
        %get3A_1292 = arith.index_cast %mul3A_1254 : i32 to index
        %get3A_1293 = tpu.vector_load %arg10[%get3A_1292] {strides = array<i32>} : memref<1280xf32, #tpu.memory_space<vmem>>, vector<16xf32>,
        %get3A_1294 = vector.shape_cast %get3A_1293 : vector<16xf32> to vector<16xf32>
        %gt3A_1295 = arith.constant 5.000000e-01 : f32
        %gt3A_1296 = vector.broadcast %gt3A_1295 : f32 to vector<16xf32>
        %gt3A_1297 = arith.cmpf ogt, %div3A_1286, %gt3A_1296 : vector<16xf32>
        %eq3A_1298 = arith.cmpi eq, %add3A_1291, %scan3A_602 : vector<16xi32>
        %or3A_1299 = arith.ori %gt3A_1297, %eq3A_1298 : vector<16xi1>
        %jit3A_1300 = arith.constant -1.000000e+10 : f32
        %broadcast_in_dim3A_1301 = vector.broadcast %jit3A_1300 : f32 to vector<16xf32>
        %select_n3A_1302 = arith.select %or3A_1299, %broadcast_in_dim3A_1301, %get3A_1294 : vector<16xi1>, vector<16xf32>
        %swap3A_1303 = arith.index_cast %mul3A_1254 : i32 to index
        %swap3A_1304 = tpu.vector_load %arg10[%swap3A_1303] {strides = array<i32>} : memref<1280xf32, #tpu.memory_space<vmem>>, vector<16xf32>,
        %swap3A_1305 = vector.shape_cast %swap3A_1304 : vector<16xf32> to vector<16xf32>
        %swap3A_1306 = vector.shape_cast %select_n3A_1302 : vector<16xf32> to vector<16xf32>
        tpu.vector_store %arg10[%swap3A_1303], %swap3A_1306 {strides = array<i32>} : memref<1280xf32, #tpu.memory_space<vmem>>, vector<16xf32>,
        %gt3A_1307 = arith.cmpf ogt, %select_n3A_1302, %scan3A_1225 : vector<16xf32>
        %select_n3A_1308 = arith.select %gt3A_1307, %select_n3A_1302, %scan3A_1225 : vector<16xi1>, vector<16xf32>
        %select_n3A_1309 = arith.select %gt3A_1307, %add3A_1291, %scan3A_1226 : vector<16xi1>, vector<16xi32>
        %select_n3A_1310 = arith.select %gt3A_1307, %get3A_1257, %scan3A_1227 : vector<16xi1>, vector<16xf32>
        %select_n3A_1311 = arith.select %gt3A_1307, %get3A_1260, %scan3A_1228 : vector<16xi1>, vector<16xf32>
        %select_n3A_1312 = arith.select %gt3A_1307, %get3A_1263, %scan3A_1229 : vector<16xi1>, vector<16xf32>
        %select_n3A_1313 = arith.select %gt3A_1307, %get3A_1266, %scan3A_1230 : vector<16xi1>, vector<16xf32>
        %mul3A_1314 = arith.constant 4 : i32
        %mul3A_1315 = arith.muli %scan3A_1224, %mul3A_1314 : i32
        %add3A_1316 = arith.constant 1 : i32
        %add3A_1317 = arith.addi %mul3A_1315, %add3A_1316 : i32
        %mul3A_1318 = arith.constant 16 : i32
        %mul3A_1319 = arith.muli %add3A_1317, %mul3A_1318 : i32
        %get3A_1320 = arith.index_cast %mul3A_1319 : i32 to index
        %get3A_1321 = tpu.vector_load %arg19[%get3A_1320] {strides = array<i32>} : memref<1280xf32, #tpu.memory_space<vmem>>, vector<16xf32>,
        %get3A_1322 = vector.shape_cast %get3A_1321 : vector<16xf32> to vector<16xf32>
        %get3A_1323 = arith.index_cast %mul3A_1319 : i32 to index
        %get3A_1324 = tpu.vector_load %arg20[%get3A_1323] {strides = array<i32>} : memref<1280xf32, #tpu.memory_space<vmem>>, vector<16xf32>,
        %get3A_1325 = vector.shape_cast %get3A_1324 : vector<16xf32> to vector<16xf32>
        %get3A_1326 = arith.index_cast %mul3A_1319 : i32 to index
        %get3A_1327 = tpu.vector_load %arg21[%get3A_1326] {strides = array<i32>} : memref<1280xf32, #tpu.memory_space<vmem>>, vector<16xf32>,
        %get3A_1328 = vector.shape_cast %get3A_1327 : vector<16xf32> to vector<16xf32>
        %get3A_1329 = arith.index_cast %mul3A_1319 : i32 to index
        %get3A_1330 = tpu.vector_load %arg22[%get3A_1329] {strides = array<i32>} : memref<1280xf32, #tpu.memory_space<vmem>>, vector<16xf32>,
        %get3A_1331 = vector.shape_cast %get3A_1330 : vector<16xf32> to vector<16xf32>
        %max3A_1332 = arith.maximumf %scan3A_603, %get3A_1322 : vector<16xf32>
        %max3A_1333 = arith.maximumf %scan3A_604, %get3A_1325 : vector<16xf32>
        %min3A_1334 = arith.minimumf %scan3A_605, %get3A_1328 : vector<16xf32>
        %min3A_1335 = arith.minimumf %scan3A_606, %get3A_1331 : vector<16xf32>
        %sub3A_1336 = arith.subf %min3A_1334, %max3A_1332 : vector<16xf32>
        %max3A_1337 = arith.constant 0.000000e+00 : f32
        %max3A_1338 = vector.broadcast %max3A_1337 : f32 to vector<16xf32>
        %max3A_1339 = arith.maximumf %sub3A_1336, %max3A_1338 : vector<16xf32>
        %sub3A_1340 = arith.subf %min3A_1335, %max3A_1333 : vector<16xf32>
        %max3A_1341 = arith.constant 0.000000e+00 : f32
        %max3A_1342 = vector.broadcast %max3A_1341 : f32 to vector<16xf32>
        %max3A_1343 = arith.maximumf %sub3A_1340, %max3A_1342 : vector<16xf32>
        %mul3A_1344 = arith.mulf %max3A_1339, %max3A_1343 : vector<16xf32>
        %get3A_1345 = arith.index_cast %mul3A_1319 : i32 to index
        %get3A_1346 = tpu.vector_load %arg23[%get3A_1345] {strides = array<i32>} : memref<1280xf32, #tpu.memory_space<vmem>>, vector<16xf32>,
        %get3A_1347 = vector.shape_cast %get3A_1346 : vector<16xf32> to vector<16xf32>
        %add3A_1348 = arith.addf %mul3A_674, %get3A_1347 : vector<16xf32>
        %sub3A_1349 = arith.subf %add3A_1348, %mul3A_1344 : vector<16xf32>
        %add3A_1350 = arith.constant 9.99999993E-9 : f32
        %add3A_1351 = vector.broadcast %add3A_1350 : f32 to vector<16xf32>
        %add3A_1352 = arith.addf %sub3A_1349, %add3A_1351 : vector<16xf32>
        %div3A_1353 = arith.divf %mul3A_1344, %add3A_1352 : vector<16xf32>
        %mul3A_1354 = arith.constant 16 : i32
        %mul3A_1355 = arith.muli %add3A_1317, %mul3A_1354 : i32
        %add3A_1356 = arith.addi %mul3A_69, %mul3A_1355 : i32
        %broadcast_in_dim3A_1357 = vector.broadcast %add3A_1356 : i32 to vector<16xi32>
        %add3A_1358 = arith.addi %broadcast_in_dim3A_1357, %iota3A : vector<16xi32>
        %get3A_1359 = arith.index_cast %mul3A_1319 : i32 to index
        %get3A_1360 = tpu.vector_load %arg10[%get3A_1359] {strides = array<i32>} : memref<1280xf32, #tpu.memory_space<vmem>>, vector<16xf32>,
        %get3A_1361 = vector.shape_cast %get3A_1360 : vector<16xf32> to vector<16xf32>
        %gt3A_1362 = arith.constant 5.000000e-01 : f32
        %gt3A_1363 = vector.broadcast %gt3A_1362 : f32 to vector<16xf32>
        %gt3A_1364 = arith.cmpf ogt, %div3A_1353, %gt3A_1363 : vector<16xf32>
        %eq3A_1365 = arith.cmpi eq, %add3A_1358, %scan3A_602 : vector<16xi32>
        %or3A_1366 = arith.ori %gt3A_1364, %eq3A_1365 : vector<16xi1>
        %jit3A_1367 = arith.constant -1.000000e+10 : f32
        %broadcast_in_dim3A_1368 = vector.broadcast %jit3A_1367 : f32 to vector<16xf32>
        %select_n3A_1369 = arith.select %or3A_1366, %broadcast_in_dim3A_1368, %get3A_1361 : vector<16xi1>, vector<16xf32>
        %swap3A_1370 = arith.index_cast %mul3A_1319 : i32 to index
        %swap3A_1371 = tpu.vector_load %arg10[%swap3A_1370] {strides = array<i32>} : memref<1280xf32, #tpu.memory_space<vmem>>, vector<16xf32>,
        %swap3A_1372 = vector.shape_cast %swap3A_1371 : vector<16xf32> to vector<16xf32>
        %swap3A_1373 = vector.shape_cast %select_n3A_1369 : vector<16xf32> to vector<16xf32>
        tpu.vector_store %arg10[%swap3A_1370], %swap3A_1373 {strides = array<i32>} : memref<1280xf32, #tpu.memory_space<vmem>>, vector<16xf32>,
        %gt3A_1374 = arith.cmpf ogt, %select_n3A_1369, %scan3A_1231 : vector<16xf32>
        %select_n3A_1375 = arith.select %gt3A_1374, %select_n3A_1369, %scan3A_1231 : vector<16xi1>, vector<16xf32>
        %select_n3A_1376 = arith.select %gt3A_1374, %add3A_1358, %scan3A_1232 : vector<16xi1>, vector<16xi32>
        %select_n3A_1377 = arith.select %gt3A_1374, %get3A_1322, %scan3A_1233 : vector<16xi1>, vector<16xf32>
        %select_n3A_1378 = arith.select %gt3A_1374, %get3A_1325, %scan3A_1234 : vector<16xi1>, vector<16xf32>
        %select_n3A_1379 = arith.select %gt3A_1374, %get3A_1328, %scan3A_1235 : vector<16xi1>, vector<16xf32>
        %select_n3A_1380 = arith.select %gt3A_1374, %get3A_1331, %scan3A_1236 : vector<16xi1>, vector<16xf32>
        %mul3A_1381 = arith.constant 4 : i32
        %mul3A_1382 = arith.muli %scan3A_1224, %mul3A_1381 : i32
        %add3A_1383 = arith.constant 2 : i32
        %add3A_1384 = arith.addi %mul3A_1382, %add3A_1383 : i32
        %mul3A_1385 = arith.constant 16 : i32
        %mul3A_1386 = arith.muli %add3A_1384, %mul3A_1385 : i32
        %get3A_1387 = arith.index_cast %mul3A_1386 : i32 to index
        %get3A_1388 = tpu.vector_load %arg19[%get3A_1387] {strides = array<i32>} : memref<1280xf32, #tpu.memory_space<vmem>>, vector<16xf32>,
        %get3A_1389 = vector.shape_cast %get3A_1388 : vector<16xf32> to vector<16xf32>
        %get3A_1390 = arith.index_cast %mul3A_1386 : i32 to index
        %get3A_1391 = tpu.vector_load %arg20[%get3A_1390] {strides = array<i32>} : memref<1280xf32, #tpu.memory_space<vmem>>, vector<16xf32>,
        %get3A_1392 = vector.shape_cast %get3A_1391 : vector<16xf32> to vector<16xf32>
        %get3A_1393 = arith.index_cast %mul3A_1386 : i32 to index
        %get3A_1394 = tpu.vector_load %arg21[%get3A_1393] {strides = array<i32>} : memref<1280xf32, #tpu.memory_space<vmem>>, vector<16xf32>,
        %get3A_1395 = vector.shape_cast %get3A_1394 : vector<16xf32> to vector<16xf32>
        %get3A_1396 = arith.index_cast %mul3A_1386 : i32 to index
        %get3A_1397 = tpu.vector_load %arg22[%get3A_1396] {strides = array<i32>} : memref<1280xf32, #tpu.memory_space<vmem>>, vector<16xf32>,
        %get3A_1398 = vector.shape_cast %get3A_1397 : vector<16xf32> to vector<16xf32>
        %max3A_1399 = arith.maximumf %scan3A_603, %get3A_1389 : vector<16xf32>
        %max3A_1400 = arith.maximumf %scan3A_604, %get3A_1392 : vector<16xf32>
        %min3A_1401 = arith.minimumf %scan3A_605, %get3A_1395 : vector<16xf32>
        %min3A_1402 = arith.minimumf %scan3A_606, %get3A_1398 : vector<16xf32>
        %sub3A_1403 = arith.subf %min3A_1401, %max3A_1399 : vector<16xf32>
        %max3A_1404 = arith.constant 0.000000e+00 : f32
        %max3A_1405 = vector.broadcast %max3A_1404 : f32 to vector<16xf32>
        %max3A_1406 = arith.maximumf %sub3A_1403, %max3A_1405 : vector<16xf32>
        %sub3A_1407 = arith.subf %min3A_1402, %max3A_1400 : vector<16xf32>
        %max3A_1408 = arith.constant 0.000000e+00 : f32
        %max3A_1409 = vector.broadcast %max3A_1408 : f32 to vector<16xf32>
        %max3A_1410 = arith.maximumf %sub3A_1407, %max3A_1409 : vector<16xf32>
        %mul3A_1411 = arith.mulf %max3A_1406, %max3A_1410 : vector<16xf32>
        %get3A_1412 = arith.index_cast %mul3A_1386 : i32 to index
        %get3A_1413 = tpu.vector_load %arg23[%get3A_1412] {strides = array<i32>} : memref<1280xf32, #tpu.memory_space<vmem>>, vector<16xf32>,
        %get3A_1414 = vector.shape_cast %get3A_1413 : vector<16xf32> to vector<16xf32>
        %add3A_1415 = arith.addf %mul3A_674, %get3A_1414 : vector<16xf32>
        %sub3A_1416 = arith.subf %add3A_1415, %mul3A_1411 : vector<16xf32>
        %add3A_1417 = arith.constant 9.99999993E-9 : f32
        %add3A_1418 = vector.broadcast %add3A_1417 : f32 to vector<16xf32>
        %add3A_1419 = arith.addf %sub3A_1416, %add3A_1418 : vector<16xf32>
        %div3A_1420 = arith.divf %mul3A_1411, %add3A_1419 : vector<16xf32>
        %mul3A_1421 = arith.constant 16 : i32
        %mul3A_1422 = arith.muli %add3A_1384, %mul3A_1421 : i32
        %add3A_1423 = arith.addi %mul3A_69, %mul3A_1422 : i32
        %broadcast_in_dim3A_1424 = vector.broadcast %add3A_1423 : i32 to vector<16xi32>
        %add3A_1425 = arith.addi %broadcast_in_dim3A_1424, %iota3A : vector<16xi32>
        %get3A_1426 = arith.index_cast %mul3A_1386 : i32 to index
        %get3A_1427 = tpu.vector_load %arg10[%get3A_1426] {strides = array<i32>} : memref<1280xf32, #tpu.memory_space<vmem>>, vector<16xf32>,
        %get3A_1428 = vector.shape_cast %get3A_1427 : vector<16xf32> to vector<16xf32>
        %gt3A_1429 = arith.constant 5.000000e-01 : f32
        %gt3A_1430 = vector.broadcast %gt3A_1429 : f32 to vector<16xf32>
        %gt3A_1431 = arith.cmpf ogt, %div3A_1420, %gt3A_1430 : vector<16xf32>
        %eq3A_1432 = arith.cmpi eq, %add3A_1425, %scan3A_602 : vector<16xi32>
        %or3A_1433 = arith.ori %gt3A_1431, %eq3A_1432 : vector<16xi1>
        %jit3A_1434 = arith.constant -1.000000e+10 : f32
        %broadcast_in_dim3A_1435 = vector.broadcast %jit3A_1434 : f32 to vector<16xf32>
        %select_n3A_1436 = arith.select %or3A_1433, %broadcast_in_dim3A_1435, %get3A_1428 : vector<16xi1>, vector<16xf32>
        %swap3A_1437 = arith.index_cast %mul3A_1386 : i32 to index
        %swap3A_1438 = tpu.vector_load %arg10[%swap3A_1437] {strides = array<i32>} : memref<1280xf32, #tpu.memory_space<vmem>>, vector<16xf32>,
        %swap3A_1439 = vector.shape_cast %swap3A_1438 : vector<16xf32> to vector<16xf32>
        %swap3A_1440 = vector.shape_cast %select_n3A_1436 : vector<16xf32> to vector<16xf32>
        tpu.vector_store %arg10[%swap3A_1437], %swap3A_1440 {strides = array<i32>} : memref<1280xf32, #tpu.memory_space<vmem>>, vector<16xf32>,
        %gt3A_1441 = arith.cmpf ogt, %select_n3A_1436, %scan3A_1237 : vector<16xf32>
        %select_n3A_1442 = arith.select %gt3A_1441, %select_n3A_1436, %scan3A_1237 : vector<16xi1>, vector<16xf32>
        %select_n3A_1443 = arith.select %gt3A_1441, %add3A_1425, %scan3A_1238 : vector<16xi1>, vector<16xi32>
        %select_n3A_1444 = arith.select %gt3A_1441, %get3A_1389, %scan3A_1239 : vector<16xi1>, vector<16xf32>
        %select_n3A_1445 = arith.select %gt3A_1441, %get3A_1392, %scan3A_1240 : vector<16xi1>, vector<16xf32>
        %select_n3A_1446 = arith.select %gt3A_1441, %get3A_1395, %scan3A_1241 : vector<16xi1>, vector<16xf32>
        %select_n3A_1447 = arith.select %gt3A_1441, %get3A_1398, %scan3A_1242 : vector<16xi1>, vector<16xf32>
        %mul3A_1448 = arith.constant 4 : i32
        %mul3A_1449 = arith.muli %scan3A_1224, %mul3A_1448 : i32
        %add3A_1450 = arith.constant 3 : i32
        %add3A_1451 = arith.addi %mul3A_1449, %add3A_1450 : i32
        %mul3A_1452 = arith.constant 16 : i32
        %mul3A_1453 = arith.muli %add3A_1451, %mul3A_1452 : i32
        %get3A_1454 = arith.index_cast %mul3A_1453 : i32 to index
        %get3A_1455 = tpu.vector_load %arg19[%get3A_1454] {strides = array<i32>} : memref<1280xf32, #tpu.memory_space<vmem>>, vector<16xf32>,
        %get3A_1456 = vector.shape_cast %get3A_1455 : vector<16xf32> to vector<16xf32>
        %get3A_1457 = arith.index_cast %mul3A_1453 : i32 to index
        %get3A_1458 = tpu.vector_load %arg20[%get3A_1457] {strides = array<i32>} : memref<1280xf32, #tpu.memory_space<vmem>>, vector<16xf32>,
        %get3A_1459 = vector.shape_cast %get3A_1458 : vector<16xf32> to vector<16xf32>
        %get3A_1460 = arith.index_cast %mul3A_1453 : i32 to index
        %get3A_1461 = tpu.vector_load %arg21[%get3A_1460] {strides = array<i32>} : memref<1280xf32, #tpu.memory_space<vmem>>, vector<16xf32>,
        %get3A_1462 = vector.shape_cast %get3A_1461 : vector<16xf32> to vector<16xf32>
        %get3A_1463 = arith.index_cast %mul3A_1453 : i32 to index
        %get3A_1464 = tpu.vector_load %arg22[%get3A_1463] {strides = array<i32>} : memref<1280xf32, #tpu.memory_space<vmem>>, vector<16xf32>,
        %get3A_1465 = vector.shape_cast %get3A_1464 : vector<16xf32> to vector<16xf32>
        %max3A_1466 = arith.maximumf %scan3A_603, %get3A_1456 : vector<16xf32>
        %max3A_1467 = arith.maximumf %scan3A_604, %get3A_1459 : vector<16xf32>
        %min3A_1468 = arith.minimumf %scan3A_605, %get3A_1462 : vector<16xf32>
        %min3A_1469 = arith.minimumf %scan3A_606, %get3A_1465 : vector<16xf32>
        %sub3A_1470 = arith.subf %min3A_1468, %max3A_1466 : vector<16xf32>
        %max3A_1471 = arith.constant 0.000000e+00 : f32
        %max3A_1472 = vector.broadcast %max3A_1471 : f32 to vector<16xf32>
        %max3A_1473 = arith.maximumf %sub3A_1470, %max3A_1472 : vector<16xf32>
        %sub3A_1474 = arith.subf %min3A_1469, %max3A_1467 : vector<16xf32>
        %max3A_1475 = arith.constant 0.000000e+00 : f32
        %max3A_1476 = vector.broadcast %max3A_1475 : f32 to vector<16xf32>
        %max3A_1477 = arith.maximumf %sub3A_1474, %max3A_1476 : vector<16xf32>
        %mul3A_1478 = arith.mulf %max3A_1473, %max3A_1477 : vector<16xf32>
        %get3A_1479 = arith.index_cast %mul3A_1453 : i32 to index
        %get3A_1480 = tpu.vector_load %arg23[%get3A_1479] {strides = array<i32>} : memref<1280xf32, #tpu.memory_space<vmem>>, vector<16xf32>,
        %get3A_1481 = vector.shape_cast %get3A_1480 : vector<16xf32> to vector<16xf32>
        %add3A_1482 = arith.addf %mul3A_674, %get3A_1481 : vector<16xf32>
        %sub3A_1483 = arith.subf %add3A_1482, %mul3A_1478 : vector<16xf32>
        %add3A_1484 = arith.constant 9.99999993E-9 : f32
        %add3A_1485 = vector.broadcast %add3A_1484 : f32 to vector<16xf32>
        %add3A_1486 = arith.addf %sub3A_1483, %add3A_1485 : vector<16xf32>
        %div3A_1487 = arith.divf %mul3A_1478, %add3A_1486 : vector<16xf32>
        %mul3A_1488 = arith.constant 16 : i32
        %mul3A_1489 = arith.muli %add3A_1451, %mul3A_1488 : i32
        %add3A_1490 = arith.addi %mul3A_69, %mul3A_1489 : i32
        %broadcast_in_dim3A_1491 = vector.broadcast %add3A_1490 : i32 to vector<16xi32>
        %add3A_1492 = arith.addi %broadcast_in_dim3A_1491, %iota3A : vector<16xi32>
        %get3A_1493 = arith.index_cast %mul3A_1453 : i32 to index
        %get3A_1494 = tpu.vector_load %arg10[%get3A_1493] {strides = array<i32>} : memref<1280xf32, #tpu.memory_space<vmem>>, vector<16xf32>,
        %get3A_1495 = vector.shape_cast %get3A_1494 : vector<16xf32> to vector<16xf32>
        %gt3A_1496 = arith.constant 5.000000e-01 : f32
        %gt3A_1497 = vector.broadcast %gt3A_1496 : f32 to vector<16xf32>
        %gt3A_1498 = arith.cmpf ogt, %div3A_1487, %gt3A_1497 : vector<16xf32>
        %eq3A_1499 = arith.cmpi eq, %add3A_1492, %scan3A_602 : vector<16xi32>
        %or3A_1500 = arith.ori %gt3A_1498, %eq3A_1499 : vector<16xi1>
        %jit3A_1501 = arith.constant -1.000000e+10 : f32
        %broadcast_in_dim3A_1502 = vector.broadcast %jit3A_1501 : f32 to vector<16xf32>
        %select_n3A_1503 = arith.select %or3A_1500, %broadcast_in_dim3A_1502, %get3A_1495 : vector<16xi1>, vector<16xf32>
        %swap3A_1504 = arith.index_cast %mul3A_1453 : i32 to index
        %swap3A_1505 = tpu.vector_load %arg10[%swap3A_1504] {strides = array<i32>} : memref<1280xf32, #tpu.memory_space<vmem>>, vector<16xf32>,
        %swap3A_1506 = vector.shape_cast %swap3A_1505 : vector<16xf32> to vector<16xf32>
        %swap3A_1507 = vector.shape_cast %select_n3A_1503 : vector<16xf32> to vector<16xf32>
        tpu.vector_store %arg10[%swap3A_1504], %swap3A_1507 {strides = array<i32>} : memref<1280xf32, #tpu.memory_space<vmem>>, vector<16xf32>,
        %gt3A_1508 = arith.cmpf ogt, %select_n3A_1503, %scan3A_1243 : vector<16xf32>
        %select_n3A_1509 = arith.select %gt3A_1508, %select_n3A_1503, %scan3A_1243 : vector<16xi1>, vector<16xf32>
        %select_n3A_1510 = arith.select %gt3A_1508, %add3A_1492, %scan3A_1244 : vector<16xi1>, vector<16xi32>
        %select_n3A_1511 = arith.select %gt3A_1508, %get3A_1456, %scan3A_1245 : vector<16xi1>, vector<16xf32>
        %select_n3A_1512 = arith.select %gt3A_1508, %get3A_1459, %scan3A_1246 : vector<16xi1>, vector<16xf32>
        %select_n3A_1513 = arith.select %gt3A_1508, %get3A_1462, %scan3A_1247 : vector<16xi1>, vector<16xf32>
        %select_n3A_1514 = arith.select %gt3A_1508, %get3A_1465, %scan3A_1248 : vector<16xi1>, vector<16xf32>
        scf.yield %select_n3A_1308, %select_n3A_1309, %select_n3A_1310, %select_n3A_1311, %select_n3A_1312, %select_n3A_1313, %select_n3A_1375, %select_n3A_1376, %select_n3A_1377, %select_n3A_1378, %select_n3A_1379, %select_n3A_1380, %select_n3A_1442, %select_n3A_1443, %select_n3A_1444, %select_n3A_1445, %select_n3A_1446, %select_n3A_1447, %select_n3A_1509, %select_n3A_1510, %select_n3A_1511, %select_n3A_1512, %select_n3A_1513, %select_n3A_1514 : vector<16xf32>, vector<16xi32>, vector<16xf32>, vector<16xf32>, vector<16xf32>, vector<16xf32>, vector<16xf32>, vector<16xi32>, vector<16xf32>, vector<16xf32>, vector<16xf32>, vector<16xf32>, vector<16xf32>, vector<16xi32>, vector<16xf32>, vector<16xf32>, vector<16xf32>, vector<16xf32>, vector<16xf32>, vector<16xi32>, vector<16xf32>, vector<16xf32>, vector<16xf32>, vector<16xf32>
      }
      %scan3A_686 = arith.constant 20 : i32
      %gt3A_687 = arith.cmpf ogt, %scan3A_685#6, %scan3A_685#0 : vector<16xf32>
      %eq3A_688 = arith.cmpf oeq, %scan3A_685#6, %scan3A_685#0 : vector<16xf32>
      %lt3A_689 = arith.cmpi slt, %scan3A_685#7, %scan3A_685#1 : vector<16xi32>
      %and3A_690 = arith.andi %eq3A_688, %lt3A_689 : vector<16xi1>
      %or3A_691 = arith.ori %gt3A_687, %and3A_690 : vector<16xi1>
      %select_n3A_692 = arith.select %or3A_691, %scan3A_685#6, %scan3A_685#0 : vector<16xi1>, vector<16xf32>
      %select_n3A_693 = arith.select %or3A_691, %scan3A_685#7, %scan3A_685#1 : vector<16xi1>, vector<16xi32>
      %select_n3A_694 = arith.select %or3A_691, %scan3A_685#8, %scan3A_685#2 : vector<16xi1>, vector<16xf32>
      %select_n3A_695 = arith.select %or3A_691, %scan3A_685#9, %scan3A_685#3 : vector<16xi1>, vector<16xf32>
      %select_n3A_696 = arith.select %or3A_691, %scan3A_685#10, %scan3A_685#4 : vector<16xi1>, vector<16xf32>
      %select_n3A_697 = arith.select %or3A_691, %scan3A_685#11, %scan3A_685#5 : vector<16xi1>, vector<16xf32>
      %gt3A_698 = arith.cmpf ogt, %scan3A_685#18, %scan3A_685#12 : vector<16xf32>
      %eq3A_699 = arith.cmpf oeq, %scan3A_685#18, %scan3A_685#12 : vector<16xf32>
      %lt3A_700 = arith.cmpi slt, %scan3A_685#19, %scan3A_685#13 : vector<16xi32>
      %and3A_701 = arith.andi %eq3A_699, %lt3A_700 : vector<16xi1>
      %or3A_702 = arith.ori %gt3A_698, %and3A_701 : vector<16xi1>
      %select_n3A_703 = arith.select %or3A_702, %scan3A_685#18, %scan3A_685#12 : vector<16xi1>, vector<16xf32>
      %select_n3A_704 = arith.select %or3A_702, %scan3A_685#19, %scan3A_685#13 : vector<16xi1>, vector<16xi32>
      %select_n3A_705 = arith.select %or3A_702, %scan3A_685#20, %scan3A_685#14 : vector<16xi1>, vector<16xf32>
      %select_n3A_706 = arith.select %or3A_702, %scan3A_685#21, %scan3A_685#15 : vector<16xi1>, vector<16xf32>
      %select_n3A_707 = arith.select %or3A_702, %scan3A_685#22, %scan3A_685#16 : vector<16xi1>, vector<16xf32>
      %select_n3A_708 = arith.select %or3A_702, %scan3A_685#23, %scan3A_685#17 : vector<16xi1>, vector<16xf32>
      %gt3A_709 = arith.cmpf ogt, %select_n3A_703, %select_n3A_692 : vector<16xf32>
      %eq3A_710 = arith.cmpf oeq, %select_n3A_703, %select_n3A_692 : vector<16xf32>
      %lt3A_711 = arith.cmpi slt, %select_n3A_704, %select_n3A_693 : vector<16xi32>
      %and3A_712 = arith.andi %eq3A_710, %lt3A_711 : vector<16xi1>
      %or3A_713 = arith.ori %gt3A_709, %and3A_712 : vector<16xi1>
      %select_n3A_714 = arith.select %or3A_713, %select_n3A_703, %select_n3A_692 : vector<16xi1>, vector<16xf32>
      %select_n3A_715 = arith.select %or3A_713, %select_n3A_704, %select_n3A_693 : vector<16xi1>, vector<16xi32>
      %select_n3A_716 = arith.select %or3A_713, %select_n3A_705, %select_n3A_694 : vector<16xi1>, vector<16xf32>
      %select_n3A_717 = arith.select %or3A_713, %select_n3A_706, %select_n3A_695 : vector<16xi1>, vector<16xf32>
      %select_n3A_718 = arith.select %or3A_713, %select_n3A_707, %select_n3A_696 : vector<16xi1>, vector<16xf32>
      %select_n3A_719 = arith.select %or3A_713, %select_n3A_708, %select_n3A_697 : vector<16xi1>, vector<16xf32>
      %swap3A_720 = arith.constant 0 : index
      %swap3A_721 = tpu.vector_load %arg29[%swap3A_720] {strides = array<i32>} : memref<32xf32, #tpu.memory_space<vmem>>, vector<16xf32>,
      %swap3A_722 = vector.shape_cast %swap3A_721 : vector<16xf32> to vector<16xf32>
      %swap3A_723 = vector.shape_cast %select_n3A_714 : vector<16xf32> to vector<16xf32>
      tpu.vector_store %arg29[%swap3A_720], %swap3A_723 {strides = array<i32>} : memref<32xf32, #tpu.memory_space<vmem>>, vector<16xf32>,
      %swap3A_724 = arith.constant 16 : index
      %swap3A_725 = tpu.vector_load %arg29[%swap3A_724] {strides = array<i32>} : memref<32xf32, #tpu.memory_space<vmem>>, vector<16xf32>,
      %swap3A_726 = vector.shape_cast %swap3A_725 : vector<16xf32> to vector<16xf32>
      %swap3A_727 = vector.shape_cast %select_n3A_714 : vector<16xf32> to vector<16xf32>
      tpu.vector_store %arg29[%swap3A_724], %swap3A_727 {strides = array<i32>} : memref<32xf32, #tpu.memory_space<vmem>>, vector<16xf32>,
      %get3A_728 = arith.constant 8 : index
      %get3A_729 = tpu.vector_load %arg29[%get3A_728] {strides = array<i32>} : memref<32xf32, #tpu.memory_space<vmem>>, vector<16xf32>,
      %get3A_730 = vector.shape_cast %get3A_729 : vector<16xf32> to vector<16xf32>
      %swap3A_731 = arith.constant 0 : index
      %swap3A_732 = tpu.vector_load %arg30[%swap3A_731] {strides = array<i32>} : memref<32xi32, #tpu.memory_space<vmem>>, vector<16xi32>,
      %swap3A_733 = vector.shape_cast %swap3A_732 : vector<16xi32> to vector<16xi32>
      %swap3A_734 = vector.shape_cast %select_n3A_715 : vector<16xi32> to vector<16xi32>
      tpu.vector_store %arg30[%swap3A_731], %swap3A_734 {strides = array<i32>} : memref<32xi32, #tpu.memory_space<vmem>>, vector<16xi32>,
      %swap3A_735 = arith.constant 16 : index
      %swap3A_736 = tpu.vector_load %arg30[%swap3A_735] {strides = array<i32>} : memref<32xi32, #tpu.memory_space<vmem>>, vector<16xi32>,
      %swap3A_737 = vector.shape_cast %swap3A_736 : vector<16xi32> to vector<16xi32>
      %swap3A_738 = vector.shape_cast %select_n3A_715 : vector<16xi32> to vector<16xi32>
      tpu.vector_store %arg30[%swap3A_735], %swap3A_738 {strides = array<i32>} : memref<32xi32, #tpu.memory_space<vmem>>, vector<16xi32>,
      %get3A_739 = arith.constant 8 : index
      %get3A_740 = tpu.vector_load %arg30[%get3A_739] {strides = array<i32>} : memref<32xi32, #tpu.memory_space<vmem>>, vector<16xi32>,
      %get3A_741 = vector.shape_cast %get3A_740 : vector<16xi32> to vector<16xi32>
      %gt3A_742 = arith.cmpf ogt, %get3A_730, %select_n3A_714 : vector<16xf32>
      %eq3A_743 = arith.cmpf oeq, %get3A_730, %select_n3A_714 : vector<16xf32>
      %lt3A_744 = arith.cmpi slt, %get3A_741, %select_n3A_715 : vector<16xi32>
      %and3A_745 = arith.andi %eq3A_743, %lt3A_744 : vector<16xi1>
      %or3A_746 = arith.ori %gt3A_742, %and3A_745 : vector<16xi1>
      %select_n3A_747 = arith.select %or3A_746, %get3A_730, %select_n3A_714 : vector<16xi1>, vector<16xf32>
      %select_n3A_748 = arith.select %or3A_746, %get3A_741, %select_n3A_715 : vector<16xi1>, vector<16xi32>
      %swap3A_749 = arith.constant 0 : index
      %swap3A_750 = tpu.vector_load %arg29[%swap3A_749] {strides = array<i32>} : memref<32xf32, #tpu.memory_space<vmem>>, vector<16xf32>,
      %swap3A_751 = vector.shape_cast %swap3A_750 : vector<16xf32> to vector<16xf32>
      %swap3A_752 = vector.shape_cast %select_n3A_716 : vector<16xf32> to vector<16xf32>
      tpu.vector_store %arg29[%swap3A_749], %swap3A_752 {strides = array<i32>} : memref<32xf32, #tpu.memory_space<vmem>>, vector<16xf32>,
      %swap3A_753 = arith.constant 16 : index
      %swap3A_754 = tpu.vector_load %arg29[%swap3A_753] {strides = array<i32>} : memref<32xf32, #tpu.memory_space<vmem>>, vector<16xf32>,
      %swap3A_755 = vector.shape_cast %swap3A_754 : vector<16xf32> to vector<16xf32>
      %swap3A_756 = vector.shape_cast %select_n3A_716 : vector<16xf32> to vector<16xf32>
      tpu.vector_store %arg29[%swap3A_753], %swap3A_756 {strides = array<i32>} : memref<32xf32, #tpu.memory_space<vmem>>, vector<16xf32>,
      %get3A_757 = arith.constant 8 : index
      %get3A_758 = tpu.vector_load %arg29[%get3A_757] {strides = array<i32>} : memref<32xf32, #tpu.memory_space<vmem>>, vector<16xf32>,
      %get3A_759 = vector.shape_cast %get3A_758 : vector<16xf32> to vector<16xf32>
      %select_n3A_760 = arith.select %or3A_746, %get3A_759, %select_n3A_716 : vector<16xi1>, vector<16xf32>
      %swap3A_761 = arith.constant 0 : index
      %swap3A_762 = tpu.vector_load %arg29[%swap3A_761] {strides = array<i32>} : memref<32xf32, #tpu.memory_space<vmem>>, vector<16xf32>,
      %swap3A_763 = vector.shape_cast %swap3A_762 : vector<16xf32> to vector<16xf32>
      %swap3A_764 = vector.shape_cast %select_n3A_717 : vector<16xf32> to vector<16xf32>
      tpu.vector_store %arg29[%swap3A_761], %swap3A_764 {strides = array<i32>} : memref<32xf32, #tpu.memory_space<vmem>>, vector<16xf32>,
      %swap3A_765 = arith.constant 16 : index
      %swap3A_766 = tpu.vector_load %arg29[%swap3A_765] {strides = array<i32>} : memref<32xf32, #tpu.memory_space<vmem>>, vector<16xf32>,
      %swap3A_767 = vector.shape_cast %swap3A_766 : vector<16xf32> to vector<16xf32>
      %swap3A_768 = vector.shape_cast %select_n3A_717 : vector<16xf32> to vector<16xf32>
      tpu.vector_store %arg29[%swap3A_765], %swap3A_768 {strides = array<i32>} : memref<32xf32, #tpu.memory_space<vmem>>, vector<16xf32>,
      %get3A_769 = arith.constant 8 : index
      %get3A_770 = tpu.vector_load %arg29[%get3A_769] {strides = array<i32>} : memref<32xf32, #tpu.memory_space<vmem>>, vector<16xf32>,
      %get3A_771 = vector.shape_cast %get3A_770 : vector<16xf32> to vector<16xf32>
      %select_n3A_772 = arith.select %or3A_746, %get3A_771, %select_n3A_717 : vector<16xi1>, vector<16xf32>
      %swap3A_773 = arith.constant 0 : index
      %swap3A_774 = tpu.vector_load %arg29[%swap3A_773] {strides = array<i32>} : memref<32xf32, #tpu.memory_space<vmem>>, vector<16xf32>,
      %swap3A_775 = vector.shape_cast %swap3A_774 : vector<16xf32> to vector<16xf32>
      %swap3A_776 = vector.shape_cast %select_n3A_718 : vector<16xf32> to vector<16xf32>
      tpu.vector_store %arg29[%swap3A_773], %swap3A_776 {strides = array<i32>} : memref<32xf32, #tpu.memory_space<vmem>>, vector<16xf32>,
      %swap3A_777 = arith.constant 16 : index
      %swap3A_778 = tpu.vector_load %arg29[%swap3A_777] {strides = array<i32>} : memref<32xf32, #tpu.memory_space<vmem>>, vector<16xf32>,
      %swap3A_779 = vector.shape_cast %swap3A_778 : vector<16xf32> to vector<16xf32>
      %swap3A_780 = vector.shape_cast %select_n3A_718 : vector<16xf32> to vector<16xf32>
      tpu.vector_store %arg29[%swap3A_777], %swap3A_780 {strides = array<i32>} : memref<32xf32, #tpu.memory_space<vmem>>, vector<16xf32>,
      %get3A_781 = arith.constant 8 : index
      %get3A_782 = tpu.vector_load %arg29[%get3A_781] {strides = array<i32>} : memref<32xf32, #tpu.memory_space<vmem>>, vector<16xf32>,
      %get3A_783 = vector.shape_cast %get3A_782 : vector<16xf32> to vector<16xf32>
      %select_n3A_784 = arith.select %or3A_746, %get3A_783, %select_n3A_718 : vector<16xi1>, vector<16xf32>
      %swap3A_785 = arith.constant 0 : index
      %swap3A_786 = tpu.vector_load %arg29[%swap3A_785] {strides = array<i32>} : memref<32xf32, #tpu.memory_space<vmem>>, vector<16xf32>,
      %swap3A_787 = vector.shape_cast %swap3A_786 : vector<16xf32> to vector<16xf32>
      %swap3A_788 = vector.shape_cast %select_n3A_719 : vector<16xf32> to vector<16xf32>
      tpu.vector_store %arg29[%swap3A_785], %swap3A_788 {strides = array<i32>} : memref<32xf32, #tpu.memory_space<vmem>>, vector<16xf32>,
      %swap3A_789 = arith.constant 16 : index
      %swap3A_790 = tpu.vector_load %arg29[%swap3A_789] {strides = array<i32>} : memref<32xf32, #tpu.memory_space<vmem>>, vector<16xf32>,
      %swap3A_791 = vector.shape_cast %swap3A_790 : vector<16xf32> to vector<16xf32>
      %swap3A_792 = vector.shape_cast %select_n3A_719 : vector<16xf32> to vector<16xf32>
      tpu.vector_store %arg29[%swap3A_789], %swap3A_792 {strides = array<i32>} : memref<32xf32, #tpu.memory_space<vmem>>, vector<16xf32>,
      %get3A_793 = arith.constant 8 : index
      %get3A_794 = tpu.vector_load %arg29[%get3A_793] {strides = array<i32>} : memref<32xf32, #tpu.memory_space<vmem>>, vector<16xf32>,
      %get3A_795 = vector.shape_cast %get3A_794 : vector<16xf32> to vector<16xf32>
      %select_n3A_796 = arith.select %or3A_746, %get3A_795, %select_n3A_719 : vector<16xi1>, vector<16xf32>
      %swap3A_797 = arith.constant 0 : index
      %swap3A_798 = tpu.vector_load %arg29[%swap3A_797] {strides = array<i32>} : memref<32xf32, #tpu.memory_space<vmem>>, vector<16xf32>,
      %swap3A_799 = vector.shape_cast %swap3A_798 : vector<16xf32> to vector<16xf32>
      %swap3A_800 = vector.shape_cast %select_n3A_747 : vector<16xf32> to vector<16xf32>
      tpu.vector_store %arg29[%swap3A_797], %swap3A_800 {strides = array<i32>} : memref<32xf32, #tpu.memory_space<vmem>>, vector<16xf32>,
      %swap3A_801 = arith.constant 16 : index
      %swap3A_802 = tpu.vector_load %arg29[%swap3A_801] {strides = array<i32>} : memref<32xf32, #tpu.memory_space<vmem>>, vector<16xf32>,
      %swap3A_803 = vector.shape_cast %swap3A_802 : vector<16xf32> to vector<16xf32>
      %swap3A_804 = vector.shape_cast %select_n3A_747 : vector<16xf32> to vector<16xf32>
      tpu.vector_store %arg29[%swap3A_801], %swap3A_804 {strides = array<i32>} : memref<32xf32, #tpu.memory_space<vmem>>, vector<16xf32>,
      %get3A_805 = arith.constant 4 : index
      %get3A_806 = tpu.vector_load %arg29[%get3A_805] {strides = array<i32>} : memref<32xf32, #tpu.memory_space<vmem>>, vector<16xf32>,
      %get3A_807 = vector.shape_cast %get3A_806 : vector<16xf32> to vector<16xf32>
      %swap3A_808 = arith.constant 0 : index
      %swap3A_809 = tpu.vector_load %arg30[%swap3A_808] {strides = array<i32>} : memref<32xi32, #tpu.memory_space<vmem>>, vector<16xi32>,
      %swap3A_810 = vector.shape_cast %swap3A_809 : vector<16xi32> to vector<16xi32>
      %swap3A_811 = vector.shape_cast %select_n3A_748 : vector<16xi32> to vector<16xi32>
      tpu.vector_store %arg30[%swap3A_808], %swap3A_811 {strides = array<i32>} : memref<32xi32, #tpu.memory_space<vmem>>, vector<16xi32>,
      %swap3A_812 = arith.constant 16 : index
      %swap3A_813 = tpu.vector_load %arg30[%swap3A_812] {strides = array<i32>} : memref<32xi32, #tpu.memory_space<vmem>>, vector<16xi32>,
      %swap3A_814 = vector.shape_cast %swap3A_813 : vector<16xi32> to vector<16xi32>
      %swap3A_815 = vector.shape_cast %select_n3A_748 : vector<16xi32> to vector<16xi32>
      tpu.vector_store %arg30[%swap3A_812], %swap3A_815 {strides = array<i32>} : memref<32xi32, #tpu.memory_space<vmem>>, vector<16xi32>,
      %get3A_816 = arith.constant 4 : index
      %get3A_817 = tpu.vector_load %arg30[%get3A_816] {strides = array<i32>} : memref<32xi32, #tpu.memory_space<vmem>>, vector<16xi32>,
      %get3A_818 = vector.shape_cast %get3A_817 : vector<16xi32> to vector<16xi32>
      %gt3A_819 = arith.cmpf ogt, %get3A_807, %select_n3A_747 : vector<16xf32>
      %eq3A_820 = arith.cmpf oeq, %get3A_807, %select_n3A_747 : vector<16xf32>
      %lt3A_821 = arith.cmpi slt, %get3A_818, %select_n3A_748 : vector<16xi32>
      %and3A_822 = arith.andi %eq3A_820, %lt3A_821 : vector<16xi1>
      %or3A_823 = arith.ori %gt3A_819, %and3A_822 : vector<16xi1>
      %select_n3A_824 = arith.select %or3A_823, %get3A_807, %select_n3A_747 : vector<16xi1>, vector<16xf32>
      %select_n3A_825 = arith.select %or3A_823, %get3A_818, %select_n3A_748 : vector<16xi1>, vector<16xi32>
      %swap3A_826 = arith.constant 0 : index
      %swap3A_827 = tpu.vector_load %arg29[%swap3A_826] {strides = array<i32>} : memref<32xf32, #tpu.memory_space<vmem>>, vector<16xf32>,
      %swap3A_828 = vector.shape_cast %swap3A_827 : vector<16xf32> to vector<16xf32>
      %swap3A_829 = vector.shape_cast %select_n3A_760 : vector<16xf32> to vector<16xf32>
      tpu.vector_store %arg29[%swap3A_826], %swap3A_829 {strides = array<i32>} : memref<32xf32, #tpu.memory_space<vmem>>, vector<16xf32>,
      %swap3A_830 = arith.constant 16 : index
      %swap3A_831 = tpu.vector_load %arg29[%swap3A_830] {strides = array<i32>} : memref<32xf32, #tpu.memory_space<vmem>>, vector<16xf32>,
      %swap3A_832 = vector.shape_cast %swap3A_831 : vector<16xf32> to vector<16xf32>
      %swap3A_833 = vector.shape_cast %select_n3A_760 : vector<16xf32> to vector<16xf32>
      tpu.vector_store %arg29[%swap3A_830], %swap3A_833 {strides = array<i32>} : memref<32xf32, #tpu.memory_space<vmem>>, vector<16xf32>,
      %get3A_834 = arith.constant 4 : index
      %get3A_835 = tpu.vector_load %arg29[%get3A_834] {strides = array<i32>} : memref<32xf32, #tpu.memory_space<vmem>>, vector<16xf32>,
      %get3A_836 = vector.shape_cast %get3A_835 : vector<16xf32> to vector<16xf32>
      %select_n3A_837 = arith.select %or3A_823, %get3A_836, %select_n3A_760 : vector<16xi1>, vector<16xf32>
      %swap3A_838 = arith.constant 0 : index
      %swap3A_839 = tpu.vector_load %arg29[%swap3A_838] {strides = array<i32>} : memref<32xf32, #tpu.memory_space<vmem>>, vector<16xf32>,
      %swap3A_840 = vector.shape_cast %swap3A_839 : vector<16xf32> to vector<16xf32>
      %swap3A_841 = vector.shape_cast %select_n3A_772 : vector<16xf32> to vector<16xf32>
      tpu.vector_store %arg29[%swap3A_838], %swap3A_841 {strides = array<i32>} : memref<32xf32, #tpu.memory_space<vmem>>, vector<16xf32>,
      %swap3A_842 = arith.constant 16 : index
      %swap3A_843 = tpu.vector_load %arg29[%swap3A_842] {strides = array<i32>} : memref<32xf32, #tpu.memory_space<vmem>>, vector<16xf32>,
      %swap3A_844 = vector.shape_cast %swap3A_843 : vector<16xf32> to vector<16xf32>
      %swap3A_845 = vector.shape_cast %select_n3A_772 : vector<16xf32> to vector<16xf32>
      tpu.vector_store %arg29[%swap3A_842], %swap3A_845 {strides = array<i32>} : memref<32xf32, #tpu.memory_space<vmem>>, vector<16xf32>,
      %get3A_846 = arith.constant 4 : index
      %get3A_847 = tpu.vector_load %arg29[%get3A_846] {strides = array<i32>} : memref<32xf32, #tpu.memory_space<vmem>>, vector<16xf32>,
      %get3A_848 = vector.shape_cast %get3A_847 : vector<16xf32> to vector<16xf32>
      %select_n3A_849 = arith.select %or3A_823, %get3A_848, %select_n3A_772 : vector<16xi1>, vector<16xf32>
      %swap3A_850 = arith.constant 0 : index
      %swap3A_851 = tpu.vector_load %arg29[%swap3A_850] {strides = array<i32>} : memref<32xf32, #tpu.memory_space<vmem>>, vector<16xf32>,
      %swap3A_852 = vector.shape_cast %swap3A_851 : vector<16xf32> to vector<16xf32>
      %swap3A_853 = vector.shape_cast %select_n3A_784 : vector<16xf32> to vector<16xf32>
      tpu.vector_store %arg29[%swap3A_850], %swap3A_853 {strides = array<i32>} : memref<32xf32, #tpu.memory_space<vmem>>, vector<16xf32>,
      %swap3A_854 = arith.constant 16 : index
      %swap3A_855 = tpu.vector_load %arg29[%swap3A_854] {strides = array<i32>} : memref<32xf32, #tpu.memory_space<vmem>>, vector<16xf32>,
      %swap3A_856 = vector.shape_cast %swap3A_855 : vector<16xf32> to vector<16xf32>
      %swap3A_857 = vector.shape_cast %select_n3A_784 : vector<16xf32> to vector<16xf32>
      tpu.vector_store %arg29[%swap3A_854], %swap3A_857 {strides = array<i32>} : memref<32xf32, #tpu.memory_space<vmem>>, vector<16xf32>,
      %get3A_858 = arith.constant 4 : index
      %get3A_859 = tpu.vector_load %arg29[%get3A_858] {strides = array<i32>} : memref<32xf32, #tpu.memory_space<vmem>>, vector<16xf32>,
      %get3A_860 = vector.shape_cast %get3A_859 : vector<16xf32> to vector<16xf32>
      %select_n3A_861 = arith.select %or3A_823, %get3A_860, %select_n3A_784 : vector<16xi1>, vector<16xf32>
      %swap3A_862 = arith.constant 0 : index
      %swap3A_863 = tpu.vector_load %arg29[%swap3A_862] {strides = array<i32>} : memref<32xf32, #tpu.memory_space<vmem>>, vector<16xf32>,
      %swap3A_864 = vector.shape_cast %swap3A_863 : vector<16xf32> to vector<16xf32>
      %swap3A_865 = vector.shape_cast %select_n3A_796 : vector<16xf32> to vector<16xf32>
      tpu.vector_store %arg29[%swap3A_862], %swap3A_865 {strides = array<i32>} : memref<32xf32, #tpu.memory_space<vmem>>, vector<16xf32>,
      %swap3A_866 = arith.constant 16 : index
      %swap3A_867 = tpu.vector_load %arg29[%swap3A_866] {strides = array<i32>} : memref<32xf32, #tpu.memory_space<vmem>>, vector<16xf32>,
      %swap3A_868 = vector.shape_cast %swap3A_867 : vector<16xf32> to vector<16xf32>
      %swap3A_869 = vector.shape_cast %select_n3A_796 : vector<16xf32> to vector<16xf32>
      tpu.vector_store %arg29[%swap3A_866], %swap3A_869 {strides = array<i32>} : memref<32xf32, #tpu.memory_space<vmem>>, vector<16xf32>,
      %get3A_870 = arith.constant 4 : index
      %get3A_871 = tpu.vector_load %arg29[%get3A_870] {strides = array<i32>} : memref<32xf32, #tpu.memory_space<vmem>>, vector<16xf32>,
      %get3A_872 = vector.shape_cast %get3A_871 : vector<16xf32> to vector<16xf32>
      %select_n3A_873 = arith.select %or3A_823, %get3A_872, %select_n3A_796 : vector<16xi1>, vector<16xf32>
      %swap3A_874 = arith.constant 0 : index
      %swap3A_875 = tpu.vector_load %arg29[%swap3A_874] {strides = array<i32>} : memref<32xf32, #tpu.memory_space<vmem>>, vector<16xf32>,
      %swap3A_876 = vector.shape_cast %swap3A_875 : vector<16xf32> to vector<16xf32>
      %swap3A_877 = vector.shape_cast %select_n3A_824 : vector<16xf32> to vector<16xf32>
      tpu.vector_store %arg29[%swap3A_874], %swap3A_877 {strides = array<i32>} : memref<32xf32, #tpu.memory_space<vmem>>, vector<16xf32>,
      %swap3A_878 = arith.constant 16 : index
      %swap3A_879 = tpu.vector_load %arg29[%swap3A_878] {strides = array<i32>} : memref<32xf32, #tpu.memory_space<vmem>>, vector<16xf32>,
      %swap3A_880 = vector.shape_cast %swap3A_879 : vector<16xf32> to vector<16xf32>
      %swap3A_881 = vector.shape_cast %select_n3A_824 : vector<16xf32> to vector<16xf32>
      tpu.vector_store %arg29[%swap3A_878], %swap3A_881 {strides = array<i32>} : memref<32xf32, #tpu.memory_space<vmem>>, vector<16xf32>,
      %get3A_882 = arith.constant 2 : index
      %get3A_883 = tpu.vector_load %arg29[%get3A_882] {strides = array<i32>} : memref<32xf32, #tpu.memory_space<vmem>>, vector<16xf32>,
      %get3A_884 = vector.shape_cast %get3A_883 : vector<16xf32> to vector<16xf32>
      %swap3A_885 = arith.constant 0 : index
      %swap3A_886 = tpu.vector_load %arg30[%swap3A_885] {strides = array<i32>} : memref<32xi32, #tpu.memory_space<vmem>>, vector<16xi32>,
      %swap3A_887 = vector.shape_cast %swap3A_886 : vector<16xi32> to vector<16xi32>
      %swap3A_888 = vector.shape_cast %select_n3A_825 : vector<16xi32> to vector<16xi32>
      tpu.vector_store %arg30[%swap3A_885], %swap3A_888 {strides = array<i32>} : memref<32xi32, #tpu.memory_space<vmem>>, vector<16xi32>,
      %swap3A_889 = arith.constant 16 : index
      %swap3A_890 = tpu.vector_load %arg30[%swap3A_889] {strides = array<i32>} : memref<32xi32, #tpu.memory_space<vmem>>, vector<16xi32>,
      %swap3A_891 = vector.shape_cast %swap3A_890 : vector<16xi32> to vector<16xi32>
      %swap3A_892 = vector.shape_cast %select_n3A_825 : vector<16xi32> to vector<16xi32>
      tpu.vector_store %arg30[%swap3A_889], %swap3A_892 {strides = array<i32>} : memref<32xi32, #tpu.memory_space<vmem>>, vector<16xi32>,
      %get3A_893 = arith.constant 2 : index
      %get3A_894 = tpu.vector_load %arg30[%get3A_893] {strides = array<i32>} : memref<32xi32, #tpu.memory_space<vmem>>, vector<16xi32>,
      %get3A_895 = vector.shape_cast %get3A_894 : vector<16xi32> to vector<16xi32>
      %gt3A_896 = arith.cmpf ogt, %get3A_884, %select_n3A_824 : vector<16xf32>
      %eq3A_897 = arith.cmpf oeq, %get3A_884, %select_n3A_824 : vector<16xf32>
      %lt3A_898 = arith.cmpi slt, %get3A_895, %select_n3A_825 : vector<16xi32>
      %and3A_899 = arith.andi %eq3A_897, %lt3A_898 : vector<16xi1>
      %or3A_900 = arith.ori %gt3A_896, %and3A_899 : vector<16xi1>
      %select_n3A_901 = arith.select %or3A_900, %get3A_884, %select_n3A_824 : vector<16xi1>, vector<16xf32>
      %select_n3A_902 = arith.select %or3A_900, %get3A_895, %select_n3A_825 : vector<16xi1>, vector<16xi32>
      %swap3A_903 = arith.constant 0 : index
      %swap3A_904 = tpu.vector_load %arg29[%swap3A_903] {strides = array<i32>} : memref<32xf32, #tpu.memory_space<vmem>>, vector<16xf32>,
      %swap3A_905 = vector.shape_cast %swap3A_904 : vector<16xf32> to vector<16xf32>
      %swap3A_906 = vector.shape_cast %select_n3A_837 : vector<16xf32> to vector<16xf32>
      tpu.vector_store %arg29[%swap3A_903], %swap3A_906 {strides = array<i32>} : memref<32xf32, #tpu.memory_space<vmem>>, vector<16xf32>,
      %swap3A_907 = arith.constant 16 : index
      %swap3A_908 = tpu.vector_load %arg29[%swap3A_907] {strides = array<i32>} : memref<32xf32, #tpu.memory_space<vmem>>, vector<16xf32>,
      %swap3A_909 = vector.shape_cast %swap3A_908 : vector<16xf32> to vector<16xf32>
      %swap3A_910 = vector.shape_cast %select_n3A_837 : vector<16xf32> to vector<16xf32>
      tpu.vector_store %arg29[%swap3A_907], %swap3A_910 {strides = array<i32>} : memref<32xf32, #tpu.memory_space<vmem>>, vector<16xf32>,
      %get3A_911 = arith.constant 2 : index
      %get3A_912 = tpu.vector_load %arg29[%get3A_911] {strides = array<i32>} : memref<32xf32, #tpu.memory_space<vmem>>, vector<16xf32>,
      %get3A_913 = vector.shape_cast %get3A_912 : vector<16xf32> to vector<16xf32>
      %select_n3A_914 = arith.select %or3A_900, %get3A_913, %select_n3A_837 : vector<16xi1>, vector<16xf32>
      %swap3A_915 = arith.constant 0 : index
      %swap3A_916 = tpu.vector_load %arg29[%swap3A_915] {strides = array<i32>} : memref<32xf32, #tpu.memory_space<vmem>>, vector<16xf32>,
      %swap3A_917 = vector.shape_cast %swap3A_916 : vector<16xf32> to vector<16xf32>
      %swap3A_918 = vector.shape_cast %select_n3A_849 : vector<16xf32> to vector<16xf32>
      tpu.vector_store %arg29[%swap3A_915], %swap3A_918 {strides = array<i32>} : memref<32xf32, #tpu.memory_space<vmem>>, vector<16xf32>,
      %swap3A_919 = arith.constant 16 : index
      %swap3A_920 = tpu.vector_load %arg29[%swap3A_919] {strides = array<i32>} : memref<32xf32, #tpu.memory_space<vmem>>, vector<16xf32>,
      %swap3A_921 = vector.shape_cast %swap3A_920 : vector<16xf32> to vector<16xf32>
      %swap3A_922 = vector.shape_cast %select_n3A_849 : vector<16xf32> to vector<16xf32>
      tpu.vector_store %arg29[%swap3A_919], %swap3A_922 {strides = array<i32>} : memref<32xf32, #tpu.memory_space<vmem>>, vector<16xf32>,
      %get3A_923 = arith.constant 2 : index
      %get3A_924 = tpu.vector_load %arg29[%get3A_923] {strides = array<i32>} : memref<32xf32, #tpu.memory_space<vmem>>, vector<16xf32>,
      %get3A_925 = vector.shape_cast %get3A_924 : vector<16xf32> to vector<16xf32>
      %select_n3A_926 = arith.select %or3A_900, %get3A_925, %select_n3A_849 : vector<16xi1>, vector<16xf32>
      %swap3A_927 = arith.constant 0 : index
      %swap3A_928 = tpu.vector_load %arg29[%swap3A_927] {strides = array<i32>} : memref<32xf32, #tpu.memory_space<vmem>>, vector<16xf32>,
      %swap3A_929 = vector.shape_cast %swap3A_928 : vector<16xf32> to vector<16xf32>
      %swap3A_930 = vector.shape_cast %select_n3A_861 : vector<16xf32> to vector<16xf32>
      tpu.vector_store %arg29[%swap3A_927], %swap3A_930 {strides = array<i32>} : memref<32xf32, #tpu.memory_space<vmem>>, vector<16xf32>,
      %swap3A_931 = arith.constant 16 : index
      %swap3A_932 = tpu.vector_load %arg29[%swap3A_931] {strides = array<i32>} : memref<32xf32, #tpu.memory_space<vmem>>, vector<16xf32>,
      %swap3A_933 = vector.shape_cast %swap3A_932 : vector<16xf32> to vector<16xf32>
      %swap3A_934 = vector.shape_cast %select_n3A_861 : vector<16xf32> to vector<16xf32>
      tpu.vector_store %arg29[%swap3A_931], %swap3A_934 {strides = array<i32>} : memref<32xf32, #tpu.memory_space<vmem>>, vector<16xf32>,
      %get3A_935 = arith.constant 2 : index
      %get3A_936 = tpu.vector_load %arg29[%get3A_935] {strides = array<i32>} : memref<32xf32, #tpu.memory_space<vmem>>, vector<16xf32>,
      %get3A_937 = vector.shape_cast %get3A_936 : vector<16xf32> to vector<16xf32>
      %select_n3A_938 = arith.select %or3A_900, %get3A_937, %select_n3A_861 : vector<16xi1>, vector<16xf32>
      %swap3A_939 = arith.constant 0 : index
      %swap3A_940 = tpu.vector_load %arg29[%swap3A_939] {strides = array<i32>} : memref<32xf32, #tpu.memory_space<vmem>>, vector<16xf32>,
      %swap3A_941 = vector.shape_cast %swap3A_940 : vector<16xf32> to vector<16xf32>
      %swap3A_942 = vector.shape_cast %select_n3A_873 : vector<16xf32> to vector<16xf32>
      tpu.vector_store %arg29[%swap3A_939], %swap3A_942 {strides = array<i32>} : memref<32xf32, #tpu.memory_space<vmem>>, vector<16xf32>,
      %swap3A_943 = arith.constant 16 : index
      %swap3A_944 = tpu.vector_load %arg29[%swap3A_943] {strides = array<i32>} : memref<32xf32, #tpu.memory_space<vmem>>, vector<16xf32>,
      %swap3A_945 = vector.shape_cast %swap3A_944 : vector<16xf32> to vector<16xf32>
      %swap3A_946 = vector.shape_cast %select_n3A_873 : vector<16xf32> to vector<16xf32>
      tpu.vector_store %arg29[%swap3A_943], %swap3A_946 {strides = array<i32>} : memref<32xf32, #tpu.memory_space<vmem>>, vector<16xf32>,
      %get3A_947 = arith.constant 2 : index
      %get3A_948 = tpu.vector_load %arg29[%get3A_947] {strides = array<i32>} : memref<32xf32, #tpu.memory_space<vmem>>, vector<16xf32>,
      %get3A_949 = vector.shape_cast %get3A_948 : vector<16xf32> to vector<16xf32>
      %select_n3A_950 = arith.select %or3A_900, %get3A_949, %select_n3A_873 : vector<16xi1>, vector<16xf32>
      %swap3A_951 = arith.constant 0 : index
      %swap3A_952 = tpu.vector_load %arg29[%swap3A_951] {strides = array<i32>} : memref<32xf32, #tpu.memory_space<vmem>>, vector<16xf32>,
      %swap3A_953 = vector.shape_cast %swap3A_952 : vector<16xf32> to vector<16xf32>
      %swap3A_954 = vector.shape_cast %select_n3A_901 : vector<16xf32> to vector<16xf32>
      tpu.vector_store %arg29[%swap3A_951], %swap3A_954 {strides = array<i32>} : memref<32xf32, #tpu.memory_space<vmem>>, vector<16xf32>,
      %swap3A_955 = arith.constant 16 : index
      %swap3A_956 = tpu.vector_load %arg29[%swap3A_955] {strides = array<i32>} : memref<32xf32, #tpu.memory_space<vmem>>, vector<16xf32>,
      %swap3A_957 = vector.shape_cast %swap3A_956 : vector<16xf32> to vector<16xf32>
      %swap3A_958 = vector.shape_cast %select_n3A_901 : vector<16xf32> to vector<16xf32>
      tpu.vector_store %arg29[%swap3A_955], %swap3A_958 {strides = array<i32>} : memref<32xf32, #tpu.memory_space<vmem>>, vector<16xf32>,
      %get3A_959 = arith.constant 1 : index
      %get3A_960 = tpu.vector_load %arg29[%get3A_959] {strides = array<i32>} : memref<32xf32, #tpu.memory_space<vmem>>, vector<16xf32>,
      %get3A_961 = vector.shape_cast %get3A_960 : vector<16xf32> to vector<16xf32>
      %swap3A_962 = arith.constant 0 : index
      %swap3A_963 = tpu.vector_load %arg30[%swap3A_962] {strides = array<i32>} : memref<32xi32, #tpu.memory_space<vmem>>, vector<16xi32>,
      %swap3A_964 = vector.shape_cast %swap3A_963 : vector<16xi32> to vector<16xi32>
      %swap3A_965 = vector.shape_cast %select_n3A_902 : vector<16xi32> to vector<16xi32>
      tpu.vector_store %arg30[%swap3A_962], %swap3A_965 {strides = array<i32>} : memref<32xi32, #tpu.memory_space<vmem>>, vector<16xi32>,
      %swap3A_966 = arith.constant 16 : index
      %swap3A_967 = tpu.vector_load %arg30[%swap3A_966] {strides = array<i32>} : memref<32xi32, #tpu.memory_space<vmem>>, vector<16xi32>,
      %swap3A_968 = vector.shape_cast %swap3A_967 : vector<16xi32> to vector<16xi32>
      %swap3A_969 = vector.shape_cast %select_n3A_902 : vector<16xi32> to vector<16xi32>
      tpu.vector_store %arg30[%swap3A_966], %swap3A_969 {strides = array<i32>} : memref<32xi32, #tpu.memory_space<vmem>>, vector<16xi32>,
      %get3A_970 = arith.constant 1 : index
      %get3A_971 = tpu.vector_load %arg30[%get3A_970] {strides = array<i32>} : memref<32xi32, #tpu.memory_space<vmem>>, vector<16xi32>,
      %get3A_972 = vector.shape_cast %get3A_971 : vector<16xi32> to vector<16xi32>
      %gt3A_973 = arith.cmpf ogt, %get3A_961, %select_n3A_901 : vector<16xf32>
      %eq3A_974 = arith.cmpf oeq, %get3A_961, %select_n3A_901 : vector<16xf32>
      %lt3A_975 = arith.cmpi slt, %get3A_972, %select_n3A_902 : vector<16xi32>
      %and3A_976 = arith.andi %eq3A_974, %lt3A_975 : vector<16xi1>
      %or3A_977 = arith.ori %gt3A_973, %and3A_976 : vector<16xi1>
      %select_n3A_978 = arith.select %or3A_977, %get3A_961, %select_n3A_901 : vector<16xi1>, vector<16xf32>
      %select_n3A_979 = arith.select %or3A_977, %get3A_972, %select_n3A_902 : vector<16xi1>, vector<16xi32>
      %swap3A_980 = arith.constant 0 : index
      %swap3A_981 = tpu.vector_load %arg29[%swap3A_980] {strides = array<i32>} : memref<32xf32, #tpu.memory_space<vmem>>, vector<16xf32>,
      %swap3A_982 = vector.shape_cast %swap3A_981 : vector<16xf32> to vector<16xf32>
      %swap3A_983 = vector.shape_cast %select_n3A_914 : vector<16xf32> to vector<16xf32>
      tpu.vector_store %arg29[%swap3A_980], %swap3A_983 {strides = array<i32>} : memref<32xf32, #tpu.memory_space<vmem>>, vector<16xf32>,
      %swap3A_984 = arith.constant 16 : index
      %swap3A_985 = tpu.vector_load %arg29[%swap3A_984] {strides = array<i32>} : memref<32xf32, #tpu.memory_space<vmem>>, vector<16xf32>,
      %swap3A_986 = vector.shape_cast %swap3A_985 : vector<16xf32> to vector<16xf32>
      %swap3A_987 = vector.shape_cast %select_n3A_914 : vector<16xf32> to vector<16xf32>
      tpu.vector_store %arg29[%swap3A_984], %swap3A_987 {strides = array<i32>} : memref<32xf32, #tpu.memory_space<vmem>>, vector<16xf32>,
      %get3A_988 = arith.constant 1 : index
      %get3A_989 = tpu.vector_load %arg29[%get3A_988] {strides = array<i32>} : memref<32xf32, #tpu.memory_space<vmem>>, vector<16xf32>,
      %get3A_990 = vector.shape_cast %get3A_989 : vector<16xf32> to vector<16xf32>
      %select_n3A_991 = arith.select %or3A_977, %get3A_990, %select_n3A_914 : vector<16xi1>, vector<16xf32>
      %swap3A_992 = arith.constant 0 : index
      %swap3A_993 = tpu.vector_load %arg29[%swap3A_992] {strides = array<i32>} : memref<32xf32, #tpu.memory_space<vmem>>, vector<16xf32>,
      %swap3A_994 = vector.shape_cast %swap3A_993 : vector<16xf32> to vector<16xf32>
      %swap3A_995 = vector.shape_cast %select_n3A_926 : vector<16xf32> to vector<16xf32>
      tpu.vector_store %arg29[%swap3A_992], %swap3A_995 {strides = array<i32>} : memref<32xf32, #tpu.memory_space<vmem>>, vector<16xf32>,
      %swap3A_996 = arith.constant 16 : index
      %swap3A_997 = tpu.vector_load %arg29[%swap3A_996] {strides = array<i32>} : memref<32xf32, #tpu.memory_space<vmem>>, vector<16xf32>,
      %swap3A_998 = vector.shape_cast %swap3A_997 : vector<16xf32> to vector<16xf32>
      %swap3A_999 = vector.shape_cast %select_n3A_926 : vector<16xf32> to vector<16xf32>
      tpu.vector_store %arg29[%swap3A_996], %swap3A_999 {strides = array<i32>} : memref<32xf32, #tpu.memory_space<vmem>>, vector<16xf32>,
      %get3A_1000 = arith.constant 1 : index
      %get3A_1001 = tpu.vector_load %arg29[%get3A_1000] {strides = array<i32>} : memref<32xf32, #tpu.memory_space<vmem>>, vector<16xf32>,
      %get3A_1002 = vector.shape_cast %get3A_1001 : vector<16xf32> to vector<16xf32>
      %select_n3A_1003 = arith.select %or3A_977, %get3A_1002, %select_n3A_926 : vector<16xi1>, vector<16xf32>
      %swap3A_1004 = arith.constant 0 : index
      %swap3A_1005 = tpu.vector_load %arg29[%swap3A_1004] {strides = array<i32>} : memref<32xf32, #tpu.memory_space<vmem>>, vector<16xf32>,
      %swap3A_1006 = vector.shape_cast %swap3A_1005 : vector<16xf32> to vector<16xf32>
      %swap3A_1007 = vector.shape_cast %select_n3A_938 : vector<16xf32> to vector<16xf32>
      tpu.vector_store %arg29[%swap3A_1004], %swap3A_1007 {strides = array<i32>} : memref<32xf32, #tpu.memory_space<vmem>>, vector<16xf32>,
      %swap3A_1008 = arith.constant 16 : index
      %swap3A_1009 = tpu.vector_load %arg29[%swap3A_1008] {strides = array<i32>} : memref<32xf32, #tpu.memory_space<vmem>>, vector<16xf32>,
      %swap3A_1010 = vector.shape_cast %swap3A_1009 : vector<16xf32> to vector<16xf32>
      %swap3A_1011 = vector.shape_cast %select_n3A_938 : vector<16xf32> to vector<16xf32>
      tpu.vector_store %arg29[%swap3A_1008], %swap3A_1011 {strides = array<i32>} : memref<32xf32, #tpu.memory_space<vmem>>, vector<16xf32>,
      %get3A_1012 = arith.constant 1 : index
      %get3A_1013 = tpu.vector_load %arg29[%get3A_1012] {strides = array<i32>} : memref<32xf32, #tpu.memory_space<vmem>>, vector<16xf32>,
      %get3A_1014 = vector.shape_cast %get3A_1013 : vector<16xf32> to vector<16xf32>
      %select_n3A_1015 = arith.select %or3A_977, %get3A_1014, %select_n3A_938 : vector<16xi1>, vector<16xf32>
      %swap3A_1016 = arith.constant 0 : index
      %swap3A_1017 = tpu.vector_load %arg29[%swap3A_1016] {strides = array<i32>} : memref<32xf32, #tpu.memory_space<vmem>>, vector<16xf32>,
      %swap3A_1018 = vector.shape_cast %swap3A_1017 : vector<16xf32> to vector<16xf32>
      %swap3A_1019 = vector.shape_cast %select_n3A_950 : vector<16xf32> to vector<16xf32>
      tpu.vector_store %arg29[%swap3A_1016], %swap3A_1019 {strides = array<i32>} : memref<32xf32, #tpu.memory_space<vmem>>, vector<16xf32>,
      %swap3A_1020 = arith.constant 16 : index
      %swap3A_1021 = tpu.vector_load %arg29[%swap3A_1020] {strides = array<i32>} : memref<32xf32, #tpu.memory_space<vmem>>, vector<16xf32>,
      %swap3A_1022 = vector.shape_cast %swap3A_1021 : vector<16xf32> to vector<16xf32>
      %swap3A_1023 = vector.shape_cast %select_n3A_950 : vector<16xf32> to vector<16xf32>
      tpu.vector_store %arg29[%swap3A_1020], %swap3A_1023 {strides = array<i32>} : memref<32xf32, #tpu.memory_space<vmem>>, vector<16xf32>,
      %get3A_1024 = arith.constant 1 : index
      %get3A_1025 = tpu.vector_load %arg29[%get3A_1024] {strides = array<i32>} : memref<32xf32, #tpu.memory_space<vmem>>, vector<16xf32>,
      %get3A_1026 = vector.shape_cast %get3A_1025 : vector<16xf32> to vector<16xf32>
      %select_n3A_1027 = arith.select %or3A_977, %get3A_1026, %select_n3A_950 : vector<16xi1>, vector<16xf32>
      %add3A_1028 = arith.constant 1 : i32
      %add3A_1029 = arith.addi %scan3A_600, %add3A_1028 : i32
      %jit3A_1030 = arith.constant 2 : i32
      %div3A_1031 = arith.divsi %add3A_1029, %jit3A_1030 : i32
      %sign3A_1032 = arith.constant 0 : i32
      %sign3A_1033 = arith.cmpi sgt, %add3A_1029, %sign3A_1032 : i32
      %sign3A_1034 = arith.extui %sign3A_1033 : i1 to i32
      %sign3A_1035 = arith.constant 0 : i32
      %sign3A_1036 = arith.cmpi slt, %add3A_1029, %sign3A_1035 : i32
      %sign3A_1037 = arith.extui %sign3A_1036 : i1 to i32
      %sign3A_1038 = arith.subi %sign3A_1034, %sign3A_1037 : i32
      %sign3A_1039 = arith.constant 0 : i32
      %sign3A_1040 = arith.cmpi sgt, %jit3A_1030, %sign3A_1039 : i32
      %sign3A_1041 = arith.extui %sign3A_1040 : i1 to i32
      %sign3A_1042 = arith.constant 0 : i32
      %sign3A_1043 = arith.cmpi slt, %jit3A_1030, %sign3A_1042 : i32
      %sign3A_1044 = arith.extui %sign3A_1043 : i1 to i32
      %sign3A_1045 = arith.subi %sign3A_1041, %sign3A_1044 : i32
      %ne3A_1046 = arith.cmpi ne, %sign3A_1038, %sign3A_1045 : i32
      %rem3A_1047 = arith.remsi %add3A_1029, %jit3A_1030 : i32
      %ne3A_1048 = arith.constant 0 : i32
      %ne3A_1049 = arith.cmpi ne, %rem3A_1047, %ne3A_1048 : i32
      %and3A_1050 = arith.andi %ne3A_1046, %ne3A_1049 : i1
      %sub3A_1051 = arith.constant 1 : i32
      %sub3A_1052 = arith.subi %div3A_1031, %sub3A_1051 : i32
      %select_n3A_1053 = arith.select %and3A_1050, %sub3A_1052, %div3A_1031 : i32
      %mul3A_1054 = arith.constant 2 : i32
      %mul3A_1055 = arith.muli %select_n3A_1053, %mul3A_1054 : i32
      %sub3A_1056 = arith.subi %add3A_1029, %mul3A_1055 : i32
      %swap3A_1057 = arith.constant 0 : index
      %swap3A_1058 = tpu.vector_load %arg31[%swap3A_1057] {strides = array<i32>} : memref<80xf32, #tpu.memory_space<vmem>>, vector<16xf32>,
      %swap3A_1059 = vector.shape_cast %swap3A_1058 : vector<16xf32> to vector<16xf32>
      %swap3A_1060 = vector.shape_cast %select_n3A_978 : vector<16xf32> to vector<16xf32>
      tpu.vector_store %arg31[%swap3A_1057], %swap3A_1060 {strides = array<i32>} : memref<80xf32, #tpu.memory_space<vmem>>, vector<16xf32>,
      %swap3A_1061 = arith.constant 16 : index
      %swap3A_1062 = tpu.vector_load %arg31[%swap3A_1061] {strides = array<i32>} : memref<80xf32, #tpu.memory_space<vmem>>, vector<16xf32>,
      %swap3A_1063 = vector.shape_cast %swap3A_1062 : vector<16xf32> to vector<16xf32>
      %swap3A_1064 = vector.shape_cast %select_n3A_991 : vector<16xf32> to vector<16xf32>
      tpu.vector_store %arg31[%swap3A_1061], %swap3A_1064 {strides = array<i32>} : memref<80xf32, #tpu.memory_space<vmem>>, vector<16xf32>,
      %swap3A_1065 = arith.constant 32 : index
      %swap3A_1066 = tpu.vector_load %arg31[%swap3A_1065] {strides = array<i32>} : memref<80xf32, #tpu.memory_space<vmem>>, vector<16xf32>,
      %swap3A_1067 = vector.shape_cast %swap3A_1066 : vector<16xf32> to vector<16xf32>
      %swap3A_1068 = vector.shape_cast %select_n3A_1003 : vector<16xf32> to vector<16xf32>
      tpu.vector_store %arg31[%swap3A_1065], %swap3A_1068 {strides = array<i32>} : memref<80xf32, #tpu.memory_space<vmem>>, vector<16xf32>,
      %swap3A_1069 = arith.constant 48 : index
      %swap3A_1070 = tpu.vector_load %arg31[%swap3A_1069] {strides = array<i32>} : memref<80xf32, #tpu.memory_space<vmem>>, vector<16xf32>,
      %swap3A_1071 = vector.shape_cast %swap3A_1070 : vector<16xf32> to vector<16xf32>
      %swap3A_1072 = vector.shape_cast %select_n3A_1015 : vector<16xf32> to vector<16xf32>
      tpu.vector_store %arg31[%swap3A_1069], %swap3A_1072 {strides = array<i32>} : memref<80xf32, #tpu.memory_space<vmem>>, vector<16xf32>,
      %swap3A_1073 = arith.constant 64 : index
      %swap3A_1074 = tpu.vector_load %arg31[%swap3A_1073] {strides = array<i32>} : memref<80xf32, #tpu.memory_space<vmem>>, vector<16xf32>,
      %swap3A_1075 = vector.shape_cast %swap3A_1074 : vector<16xf32> to vector<16xf32>
      %swap3A_1076 = vector.shape_cast %select_n3A_1027 : vector<16xf32> to vector<16xf32>
      tpu.vector_store %arg31[%swap3A_1073], %swap3A_1076 {strides = array<i32>} : memref<80xf32, #tpu.memory_space<vmem>>, vector<16xf32>,
      %swap3A_1077 = arith.constant 0 : index
      %swap3A_1078 = tpu.vector_load %arg33[%swap3A_1077] {strides = array<i32>} : memref<16xi32, #tpu.memory_space<vmem>>, vector<16xi32>,
      %swap3A_1079 = vector.shape_cast %swap3A_1078 : vector<16xi32> to vector<16xi32>
      %swap3A_1080 = vector.shape_cast %select_n3A_979 : vector<16xi32> to vector<16xi32>
      tpu.vector_store %arg33[%swap3A_1077], %swap3A_1080 {strides = array<i32>} : memref<16xi32, #tpu.memory_space<vmem>>, vector<16xi32>,
      %mul3A_1081 = arith.constant 16 : i32
      %mul3A_1082 = arith.muli %sub3A_1056, %mul3A_1081 : i32
      %add3A_1083 = arith.addi %mul3A_1082, %arg1 : i32
      %mul3A_1084 = arith.constant 5 : i32
      %mul3A_1085 = arith.muli %add3A_1083, %mul3A_1084 : i32
      %mul3A_1086 = arith.constant 16 : i32
      %mul3A_1087 = arith.muli %mul3A_1085, %mul3A_1086 : i32
      "tpu.region"() ({
        %run_scoped3A = tpu.sem_alloc : memref<!tpu.dma_semaphore, #tpu.memory_space<semaphore_mem>>
        %dma_start3A = tpu.memref_slice %arg35[%mul3A_1087] : memref<2560xf32, #tpu.memory_space<vmem_shared>> -> memref<80xf32, #tpu.memory_space<vmem_shared>>
        %dma_start3A_1224 = tpu.memref_slice %arg35[%mul3A_1087] : memref<2560xf32, #tpu.memory_space<vmem_shared>> -> memref<80xf32, #tpu.memory_space<vmem_shared>>
        tpu.enqueue_dma source(%arg31 : memref<80xf32, #tpu.memory_space<vmem>>) target(%dma_start3A_1224 : memref<80xf32, #tpu.memory_space<vmem_shared>>) target_semaphore(%run_scoped3A : memref<!tpu.dma_semaphore, #tpu.memory_space<semaphore_mem>>)
        %dma_wait3A = tpu.memref_slice %arg35[%mul3A_1087] : memref<2560xf32, #tpu.memory_space<vmem_shared>> -> memref<80xf32, #tpu.memory_space<vmem_shared>>
        %dma_wait3A_1225 = tpu.memref_slice %arg35[%mul3A_1087] : memref<2560xf32, #tpu.memory_space<vmem_shared>> -> memref<80xf32, #tpu.memory_space<vmem_shared>>
        tpu.wait_dma2 semaphore(%run_scoped3A : memref<!tpu.dma_semaphore, #tpu.memory_space<semaphore_mem>>) src(%arg31 : memref<80xf32, #tpu.memory_space<vmem>>) dst(%dma_wait3A_1225 : memref<80xf32, #tpu.memory_space<vmem_shared>>)
        tpu.yield
      }) : () -> ()
      %mul3A_1088 = arith.constant 16 : i32
      %mul3A_1089 = arith.muli %add3A_1083, %mul3A_1088 : i32
      "tpu.region"() ({
        %run_scoped3A = tpu.sem_alloc : memref<!tpu.dma_semaphore, #tpu.memory_space<semaphore_mem>>
        %dma_start3A = tpu.memref_slice %arg36[%mul3A_1089] : memref<512xi32, #tpu.memory_space<vmem_shared>> -> memref<16xi32, #tpu.memory_space<vmem_shared>>
        %dma_start3A_1224 = tpu.memref_slice %arg36[%mul3A_1089] : memref<512xi32, #tpu.memory_space<vmem_shared>> -> memref<16xi32, #tpu.memory_space<vmem_shared>>
        tpu.enqueue_dma source(%arg33 : memref<16xi32, #tpu.memory_space<vmem>>) target(%dma_start3A_1224 : memref<16xi32, #tpu.memory_space<vmem_shared>>) target_semaphore(%run_scoped3A : memref<!tpu.dma_semaphore, #tpu.memory_space<semaphore_mem>>)
        %dma_wait3A = tpu.memref_slice %arg36[%mul3A_1089] : memref<512xi32, #tpu.memory_space<vmem_shared>> -> memref<16xi32, #tpu.memory_space<vmem_shared>>
        %dma_wait3A_1225 = tpu.memref_slice %arg36[%mul3A_1089] : memref<512xi32, #tpu.memory_space<vmem_shared>> -> memref<16xi32, #tpu.memory_space<vmem_shared>>
        tpu.wait_dma2 semaphore(%run_scoped3A : memref<!tpu.dma_semaphore, #tpu.memory_space<semaphore_mem>>) src(%arg33 : memref<16xi32, #tpu.memory_space<vmem>>) dst(%dma_wait3A_1225 : memref<16xi32, #tpu.memory_space<vmem_shared>>)
        tpu.yield
      }) : () -> ()
      %barrier3A_1090 = arith.constant 0 : index
      tpu.barrier barrier_id(%barrier3A_1090)
      %mul3A_1091 = arith.constant 16 : i32
      %mul3A_1092 = arith.muli %sub3A_1056, %mul3A_1091 : i32
      %xor3A_1093 = arith.constant 1 : i32
      %xor3A_1094 = arith.xori %arg1, %xor3A_1093 : i32
      %add3A_1095 = arith.addi %mul3A_1092, %xor3A_1094 : i32
      %mul3A_1096 = arith.constant 5 : i32
      %mul3A_1097 = arith.muli %add3A_1095, %mul3A_1096 : i32
      %mul3A_1098 = arith.constant 16 : i32
      %mul3A_1099 = arith.muli %mul3A_1097, %mul3A_1098 : i32
      "tpu.region"() ({
        %run_scoped3A = tpu.sem_alloc : memref<!tpu.dma_semaphore, #tpu.memory_space<semaphore_mem>>
        %dma_start3A = tpu.memref_slice %arg35[%mul3A_1099] : memref<2560xf32, #tpu.memory_space<vmem_shared>> -> memref<80xf32, #tpu.memory_space<vmem_shared>>
        %dma_start3A_1224 = tpu.memref_slice %arg35[%mul3A_1099] : memref<2560xf32, #tpu.memory_space<vmem_shared>> -> memref<80xf32, #tpu.memory_space<vmem_shared>>
        tpu.enqueue_dma source(%dma_start3A_1224 : memref<80xf32, #tpu.memory_space<vmem_shared>>) target(%arg32 : memref<80xf32, #tpu.memory_space<vmem>>) target_semaphore(%run_scoped3A : memref<!tpu.dma_semaphore, #tpu.memory_space<semaphore_mem>>)
        %dma_wait3A = tpu.memref_slice %arg35[%mul3A_1099] : memref<2560xf32, #tpu.memory_space<vmem_shared>> -> memref<80xf32, #tpu.memory_space<vmem_shared>>
        %dma_wait3A_1225 = tpu.memref_slice %arg35[%mul3A_1099] : memref<2560xf32, #tpu.memory_space<vmem_shared>> -> memref<80xf32, #tpu.memory_space<vmem_shared>>
        tpu.wait_dma2 semaphore(%run_scoped3A : memref<!tpu.dma_semaphore, #tpu.memory_space<semaphore_mem>>) src(%dma_wait3A_1225 : memref<80xf32, #tpu.memory_space<vmem_shared>>) dst(%arg32 : memref<80xf32, #tpu.memory_space<vmem>>)
        tpu.yield
      }) : () -> ()
      %mul3A_1100 = arith.constant 16 : i32
      %mul3A_1101 = arith.muli %add3A_1095, %mul3A_1100 : i32
      "tpu.region"() ({
        %run_scoped3A = tpu.sem_alloc : memref<!tpu.dma_semaphore, #tpu.memory_space<semaphore_mem>>
        %dma_start3A = tpu.memref_slice %arg36[%mul3A_1101] : memref<512xi32, #tpu.memory_space<vmem_shared>> -> memref<16xi32, #tpu.memory_space<vmem_shared>>
        %dma_start3A_1224 = tpu.memref_slice %arg36[%mul3A_1101] : memref<512xi32, #tpu.memory_space<vmem_shared>> -> memref<16xi32, #tpu.memory_space<vmem_shared>>
        tpu.enqueue_dma source(%dma_start3A_1224 : memref<16xi32, #tpu.memory_space<vmem_shared>>) target(%arg34 : memref<16xi32, #tpu.memory_space<vmem>>) target_semaphore(%run_scoped3A : memref<!tpu.dma_semaphore, #tpu.memory_space<semaphore_mem>>)
        %dma_wait3A = tpu.memref_slice %arg36[%mul3A_1101] : memref<512xi32, #tpu.memory_space<vmem_shared>> -> memref<16xi32, #tpu.memory_space<vmem_shared>>
        %dma_wait3A_1225 = tpu.memref_slice %arg36[%mul3A_1101] : memref<512xi32, #tpu.memory_space<vmem_shared>> -> memref<16xi32, #tpu.memory_space<vmem_shared>>
        tpu.wait_dma2 semaphore(%run_scoped3A : memref<!tpu.dma_semaphore, #tpu.memory_space<semaphore_mem>>) src(%dma_wait3A_1225 : memref<16xi32, #tpu.memory_space<vmem_shared>>) dst(%arg34 : memref<16xi32, #tpu.memory_space<vmem>>)
        tpu.yield
      }) : () -> ()
      %get3A_1102 = arith.constant 0 : index
      %get3A_1103 = tpu.vector_load %arg32[%get3A_1102] {strides = array<i32>} : memref<80xf32, #tpu.memory_space<vmem>>, vector<16xf32>,
      %get3A_1104 = vector.shape_cast %get3A_1103 : vector<16xf32> to vector<16xf32>
      %get3A_1105 = arith.constant 16 : index
      %get3A_1106 = tpu.vector_load %arg32[%get3A_1105] {strides = array<i32>} : memref<80xf32, #tpu.memory_space<vmem>>, vector<16xf32>,
      %get3A_1107 = vector.shape_cast %get3A_1106 : vector<16xf32> to vector<16xf32>
      %get3A_1108 = arith.constant 32 : index
      %get3A_1109 = tpu.vector_load %arg32[%get3A_1108] {strides = array<i32>} : memref<80xf32, #tpu.memory_space<vmem>>, vector<16xf32>,
      %get3A_1110 = vector.shape_cast %get3A_1109 : vector<16xf32> to vector<16xf32>
      %get3A_1111 = arith.constant 48 : index
      %get3A_1112 = tpu.vector_load %arg32[%get3A_1111] {strides = array<i32>} : memref<80xf32, #tpu.memory_space<vmem>>, vector<16xf32>,
      %get3A_1113 = vector.shape_cast %get3A_1112 : vector<16xf32> to vector<16xf32>
      %get3A_1114 = arith.constant 64 : index
      %get3A_1115 = tpu.vector_load %arg32[%get3A_1114] {strides = array<i32>} : memref<80xf32, #tpu.memory_space<vmem>>, vector<16xf32>,
      %get3A_1116 = vector.shape_cast %get3A_1115 : vector<16xf32> to vector<16xf32>
      %get3A_1117 = arith.constant 0 : index
      %get3A_1118 = tpu.vector_load %arg34[%get3A_1117] {strides = array<i32>} : memref<16xi32, #tpu.memory_space<vmem>>, vector<16xi32>,
      %get3A_1119 = vector.shape_cast %get3A_1118 : vector<16xi32> to vector<16xi32>
      %gt3A_1120 = arith.cmpf ogt, %get3A_1104, %select_n3A_978 : vector<16xf32>
      %eq3A_1121 = arith.cmpf oeq, %get3A_1104, %select_n3A_978 : vector<16xf32>
      %lt3A_1122 = arith.cmpi slt, %get3A_1119, %select_n3A_979 : vector<16xi32>
      %and3A_1123 = arith.andi %eq3A_1121, %lt3A_1122 : vector<16xi1>
      %or3A_1124 = arith.ori %gt3A_1120, %and3A_1123 : vector<16xi1>
      %select_n3A_1125 = arith.select %or3A_1124, %get3A_1104, %select_n3A_978 : vector<16xi1>, vector<16xf32>
      %select_n3A_1126 = arith.select %or3A_1124, %get3A_1119, %select_n3A_979 : vector<16xi1>, vector<16xi32>
      %select_n3A_1127 = arith.select %or3A_1124, %get3A_1107, %select_n3A_991 : vector<16xi1>, vector<16xf32>
      %select_n3A_1128 = arith.select %or3A_1124, %get3A_1110, %select_n3A_1003 : vector<16xi1>, vector<16xf32>
      %select_n3A_1129 = arith.select %or3A_1124, %get3A_1113, %select_n3A_1015 : vector<16xi1>, vector<16xf32>
      %select_n3A_1130 = arith.select %or3A_1124, %get3A_1116, %select_n3A_1027 : vector<16xi1>, vector<16xf32>
      %mul3A_1131 = arith.constant 16 : i32
      %mul3A_1132 = arith.muli %sub3A_1056, %mul3A_1131 : i32
      %xor3A_1133 = arith.constant 2 : i32
      %xor3A_1134 = arith.xori %arg1, %xor3A_1133 : i32
      %add3A_1135 = arith.addi %mul3A_1132, %xor3A_1134 : i32
      %mul3A_1136 = arith.constant 5 : i32
      %mul3A_1137 = arith.muli %add3A_1135, %mul3A_1136 : i32
      %mul3A_1138 = arith.constant 16 : i32
      %mul3A_1139 = arith.muli %mul3A_1137, %mul3A_1138 : i32
      "tpu.region"() ({
        %run_scoped3A = tpu.sem_alloc : memref<!tpu.dma_semaphore, #tpu.memory_space<semaphore_mem>>
        %dma_start3A = tpu.memref_slice %arg35[%mul3A_1139] : memref<2560xf32, #tpu.memory_space<vmem_shared>> -> memref<80xf32, #tpu.memory_space<vmem_shared>>
        %dma_start3A_1224 = tpu.memref_slice %arg35[%mul3A_1139] : memref<2560xf32, #tpu.memory_space<vmem_shared>> -> memref<80xf32, #tpu.memory_space<vmem_shared>>
        tpu.enqueue_dma source(%dma_start3A_1224 : memref<80xf32, #tpu.memory_space<vmem_shared>>) target(%arg32 : memref<80xf32, #tpu.memory_space<vmem>>) target_semaphore(%run_scoped3A : memref<!tpu.dma_semaphore, #tpu.memory_space<semaphore_mem>>)
        %dma_wait3A = tpu.memref_slice %arg35[%mul3A_1139] : memref<2560xf32, #tpu.memory_space<vmem_shared>> -> memref<80xf32, #tpu.memory_space<vmem_shared>>
        %dma_wait3A_1225 = tpu.memref_slice %arg35[%mul3A_1139] : memref<2560xf32, #tpu.memory_space<vmem_shared>> -> memref<80xf32, #tpu.memory_space<vmem_shared>>
        tpu.wait_dma2 semaphore(%run_scoped3A : memref<!tpu.dma_semaphore, #tpu.memory_space<semaphore_mem>>) src(%dma_wait3A_1225 : memref<80xf32, #tpu.memory_space<vmem_shared>>) dst(%arg32 : memref<80xf32, #tpu.memory_space<vmem>>)
        tpu.yield
      }) : () -> ()
      %mul3A_1140 = arith.constant 16 : i32
      %mul3A_1141 = arith.muli %add3A_1135, %mul3A_1140 : i32
      "tpu.region"() ({
        %run_scoped3A = tpu.sem_alloc : memref<!tpu.dma_semaphore, #tpu.memory_space<semaphore_mem>>
        %dma_start3A = tpu.memref_slice %arg36[%mul3A_1141] : memref<512xi32, #tpu.memory_space<vmem_shared>> -> memref<16xi32, #tpu.memory_space<vmem_shared>>
        %dma_start3A_1224 = tpu.memref_slice %arg36[%mul3A_1141] : memref<512xi32, #tpu.memory_space<vmem_shared>> -> memref<16xi32, #tpu.memory_space<vmem_shared>>
        tpu.enqueue_dma source(%dma_start3A_1224 : memref<16xi32, #tpu.memory_space<vmem_shared>>) target(%arg34 : memref<16xi32, #tpu.memory_space<vmem>>) target_semaphore(%run_scoped3A : memref<!tpu.dma_semaphore, #tpu.memory_space<semaphore_mem>>)
        %dma_wait3A = tpu.memref_slice %arg36[%mul3A_1141] : memref<512xi32, #tpu.memory_space<vmem_shared>> -> memref<16xi32, #tpu.memory_space<vmem_shared>>
        %dma_wait3A_1225 = tpu.memref_slice %arg36[%mul3A_1141] : memref<512xi32, #tpu.memory_space<vmem_shared>> -> memref<16xi32, #tpu.memory_space<vmem_shared>>
        tpu.wait_dma2 semaphore(%run_scoped3A : memref<!tpu.dma_semaphore, #tpu.memory_space<semaphore_mem>>) src(%dma_wait3A_1225 : memref<16xi32, #tpu.memory_space<vmem_shared>>) dst(%arg34 : memref<16xi32, #tpu.memory_space<vmem>>)
        tpu.yield
      }) : () -> ()
      %get3A_1142 = arith.constant 0 : index
      %get3A_1143 = tpu.vector_load %arg32[%get3A_1142] {strides = array<i32>} : memref<80xf32, #tpu.memory_space<vmem>>, vector<16xf32>,
      %get3A_1144 = vector.shape_cast %get3A_1143 : vector<16xf32> to vector<16xf32>
      %get3A_1145 = arith.constant 16 : index
      %get3A_1146 = tpu.vector_load %arg32[%get3A_1145] {strides = array<i32>} : memref<80xf32, #tpu.memory_space<vmem>>, vector<16xf32>,
      %get3A_1147 = vector.shape_cast %get3A_1146 : vector<16xf32> to vector<16xf32>
      %get3A_1148 = arith.constant 32 : index
      %get3A_1149 = tpu.vector_load %arg32[%get3A_1148] {strides = array<i32>} : memref<80xf32, #tpu.memory_space<vmem>>, vector<16xf32>,
      %get3A_1150 = vector.shape_cast %get3A_1149 : vector<16xf32> to vector<16xf32>
      %get3A_1151 = arith.constant 48 : index
      %get3A_1152 = tpu.vector_load %arg32[%get3A_1151] {strides = array<i32>} : memref<80xf32, #tpu.memory_space<vmem>>, vector<16xf32>,
      %get3A_1153 = vector.shape_cast %get3A_1152 : vector<16xf32> to vector<16xf32>
      %get3A_1154 = arith.constant 64 : index
      %get3A_1155 = tpu.vector_load %arg32[%get3A_1154] {strides = array<i32>} : memref<80xf32, #tpu.memory_space<vmem>>, vector<16xf32>,
      %get3A_1156 = vector.shape_cast %get3A_1155 : vector<16xf32> to vector<16xf32>
      %get3A_1157 = arith.constant 0 : index
      %get3A_1158 = tpu.vector_load %arg34[%get3A_1157] {strides = array<i32>} : memref<16xi32, #tpu.memory_space<vmem>>, vector<16xi32>,
      %get3A_1159 = vector.shape_cast %get3A_1158 : vector<16xi32> to vector<16xi32>
      %gt3A_1160 = arith.cmpf ogt, %get3A_1144, %select_n3A_1125 : vector<16xf32>
      %eq3A_1161 = arith.cmpf oeq, %get3A_1144, %select_n3A_1125 : vector<16xf32>
      %lt3A_1162 = arith.cmpi slt, %get3A_1159, %select_n3A_1126 : vector<16xi32>
      %and3A_1163 = arith.andi %eq3A_1161, %lt3A_1162 : vector<16xi1>
      %or3A_1164 = arith.ori %gt3A_1160, %and3A_1163 : vector<16xi1>
      %select_n3A_1165 = arith.select %or3A_1164, %get3A_1144, %select_n3A_1125 : vector<16xi1>, vector<16xf32>
      %select_n3A_1166 = arith.select %or3A_1164, %get3A_1159, %select_n3A_1126 : vector<16xi1>, vector<16xi32>
      %select_n3A_1167 = arith.select %or3A_1164, %get3A_1147, %select_n3A_1127 : vector<16xi1>, vector<16xf32>
      %select_n3A_1168 = arith.select %or3A_1164, %get3A_1150, %select_n3A_1128 : vector<16xi1>, vector<16xf32>
      %select_n3A_1169 = arith.select %or3A_1164, %get3A_1153, %select_n3A_1129 : vector<16xi1>, vector<16xf32>
      %select_n3A_1170 = arith.select %or3A_1164, %get3A_1156, %select_n3A_1130 : vector<16xi1>, vector<16xf32>
      %mul3A_1171 = arith.constant 16 : i32
      %mul3A_1172 = arith.muli %sub3A_1056, %mul3A_1171 : i32
      %xor3A_1173 = arith.constant 3 : i32
      %xor3A_1174 = arith.xori %arg1, %xor3A_1173 : i32
      %add3A_1175 = arith.addi %mul3A_1172, %xor3A_1174 : i32
      %mul3A_1176 = arith.constant 5 : i32
      %mul3A_1177 = arith.muli %add3A_1175, %mul3A_1176 : i32
      %mul3A_1178 = arith.constant 16 : i32
      %mul3A_1179 = arith.muli %mul3A_1177, %mul3A_1178 : i32
      "tpu.region"() ({
        %run_scoped3A = tpu.sem_alloc : memref<!tpu.dma_semaphore, #tpu.memory_space<semaphore_mem>>
        %dma_start3A = tpu.memref_slice %arg35[%mul3A_1179] : memref<2560xf32, #tpu.memory_space<vmem_shared>> -> memref<80xf32, #tpu.memory_space<vmem_shared>>
        %dma_start3A_1224 = tpu.memref_slice %arg35[%mul3A_1179] : memref<2560xf32, #tpu.memory_space<vmem_shared>> -> memref<80xf32, #tpu.memory_space<vmem_shared>>
        tpu.enqueue_dma source(%dma_start3A_1224 : memref<80xf32, #tpu.memory_space<vmem_shared>>) target(%arg32 : memref<80xf32, #tpu.memory_space<vmem>>) target_semaphore(%run_scoped3A : memref<!tpu.dma_semaphore, #tpu.memory_space<semaphore_mem>>)
        %dma_wait3A = tpu.memref_slice %arg35[%mul3A_1179] : memref<2560xf32, #tpu.memory_space<vmem_shared>> -> memref<80xf32, #tpu.memory_space<vmem_shared>>
        %dma_wait3A_1225 = tpu.memref_slice %arg35[%mul3A_1179] : memref<2560xf32, #tpu.memory_space<vmem_shared>> -> memref<80xf32, #tpu.memory_space<vmem_shared>>
        tpu.wait_dma2 semaphore(%run_scoped3A : memref<!tpu.dma_semaphore, #tpu.memory_space<semaphore_mem>>) src(%dma_wait3A_1225 : memref<80xf32, #tpu.memory_space<vmem_shared>>) dst(%arg32 : memref<80xf32, #tpu.memory_space<vmem>>)
        tpu.yield
      }) : () -> ()
      %mul3A_1180 = arith.constant 16 : i32
      %mul3A_1181 = arith.muli %add3A_1175, %mul3A_1180 : i32
      "tpu.region"() ({
        %run_scoped3A = tpu.sem_alloc : memref<!tpu.dma_semaphore, #tpu.memory_space<semaphore_mem>>
        %dma_start3A = tpu.memref_slice %arg36[%mul3A_1181] : memref<512xi32, #tpu.memory_space<vmem_shared>> -> memref<16xi32, #tpu.memory_space<vmem_shared>>
        %dma_start3A_1224 = tpu.memref_slice %arg36[%mul3A_1181] : memref<512xi32, #tpu.memory_space<vmem_shared>> -> memref<16xi32, #tpu.memory_space<vmem_shared>>
        tpu.enqueue_dma source(%dma_start3A_1224 : memref<16xi32, #tpu.memory_space<vmem_shared>>) target(%arg34 : memref<16xi32, #tpu.memory_space<vmem>>) target_semaphore(%run_scoped3A : memref<!tpu.dma_semaphore, #tpu.memory_space<semaphore_mem>>)
        %dma_wait3A = tpu.memref_slice %arg36[%mul3A_1181] : memref<512xi32, #tpu.memory_space<vmem_shared>> -> memref<16xi32, #tpu.memory_space<vmem_shared>>
        %dma_wait3A_1225 = tpu.memref_slice %arg36[%mul3A_1181] : memref<512xi32, #tpu.memory_space<vmem_shared>> -> memref<16xi32, #tpu.memory_space<vmem_shared>>
        tpu.wait_dma2 semaphore(%run_scoped3A : memref<!tpu.dma_semaphore, #tpu.memory_space<semaphore_mem>>) src(%dma_wait3A_1225 : memref<16xi32, #tpu.memory_space<vmem_shared>>) dst(%arg34 : memref<16xi32, #tpu.memory_space<vmem>>)
        tpu.yield
      }) : () -> ()
      %get3A_1182 = arith.constant 0 : index
      %get3A_1183 = tpu.vector_load %arg32[%get3A_1182] {strides = array<i32>} : memref<80xf32, #tpu.memory_space<vmem>>, vector<16xf32>,
      %get3A_1184 = vector.shape_cast %get3A_1183 : vector<16xf32> to vector<16xf32>
      %get3A_1185 = arith.constant 16 : index
      %get3A_1186 = tpu.vector_load %arg32[%get3A_1185] {strides = array<i32>} : memref<80xf32, #tpu.memory_space<vmem>>, vector<16xf32>,
      %get3A_1187 = vector.shape_cast %get3A_1186 : vector<16xf32> to vector<16xf32>
      %get3A_1188 = arith.constant 32 : index
      %get3A_1189 = tpu.vector_load %arg32[%get3A_1188] {strides = array<i32>} : memref<80xf32, #tpu.memory_space<vmem>>, vector<16xf32>,
      %get3A_1190 = vector.shape_cast %get3A_1189 : vector<16xf32> to vector<16xf32>
      %get3A_1191 = arith.constant 48 : index
      %get3A_1192 = tpu.vector_load %arg32[%get3A_1191] {strides = array<i32>} : memref<80xf32, #tpu.memory_space<vmem>>, vector<16xf32>,
      %get3A_1193 = vector.shape_cast %get3A_1192 : vector<16xf32> to vector<16xf32>
      %get3A_1194 = arith.constant 64 : index
      %get3A_1195 = tpu.vector_load %arg32[%get3A_1194] {strides = array<i32>} : memref<80xf32, #tpu.memory_space<vmem>>, vector<16xf32>,
      %get3A_1196 = vector.shape_cast %get3A_1195 : vector<16xf32> to vector<16xf32>
      %get3A_1197 = arith.constant 0 : index
      %get3A_1198 = tpu.vector_load %arg34[%get3A_1197] {strides = array<i32>} : memref<16xi32, #tpu.memory_space<vmem>>, vector<16xi32>,
      %get3A_1199 = vector.shape_cast %get3A_1198 : vector<16xi32> to vector<16xi32>
      %gt3A_1200 = arith.cmpf ogt, %get3A_1184, %select_n3A_1165 : vector<16xf32>
      %eq3A_1201 = arith.cmpf oeq, %get3A_1184, %select_n3A_1165 : vector<16xf32>
      %lt3A_1202 = arith.cmpi slt, %get3A_1199, %select_n3A_1166 : vector<16xi32>
      %and3A_1203 = arith.andi %eq3A_1201, %lt3A_1202 : vector<16xi1>
      %or3A_1204 = arith.ori %gt3A_1200, %and3A_1203 : vector<16xi1>
      %select_n3A_1205 = arith.select %or3A_1204, %get3A_1184, %select_n3A_1165 : vector<16xi1>, vector<16xf32>
      %select_n3A_1206 = arith.select %or3A_1204, %get3A_1199, %select_n3A_1166 : vector<16xi1>, vector<16xi32>
      %select_n3A_1207 = arith.select %or3A_1204, %get3A_1187, %select_n3A_1167 : vector<16xi1>, vector<16xf32>
      %select_n3A_1208 = arith.select %or3A_1204, %get3A_1190, %select_n3A_1168 : vector<16xi1>, vector<16xf32>
      %select_n3A_1209 = arith.select %or3A_1204, %get3A_1193, %select_n3A_1169 : vector<16xi1>, vector<16xf32>
      %select_n3A_1210 = arith.select %or3A_1204, %get3A_1196, %select_n3A_1170 : vector<16xi1>, vector<16xf32>
      %jit3A_1211 = arith.constant 1.000000e+00 : f32
      %jit3A_1212 = arith.constant 0.000000e+00 : f32
      %select_n3A_1213 = arith.select %or3A_668, %jit3A_1211, %jit3A_1212 : f32
      %broadcast_in_dim3A_1214 = vector.broadcast %select_n3A_1213 : f32 to vector<16xf32>
      %sub3A_1215 = arith.constant 1.000000e+00 : f32
      %sub3A_1216 = vector.broadcast %sub3A_1215 : f32 to vector<16xf32>
      %sub3A_1217 = arith.subf %sub3A_1216, %broadcast_in_dim3A_1214 : vector<16xf32>
      %mul3A_1218 = arith.mulf %select_n3A_647, %sub3A_1217 : vector<16xf32>
      %sub3A_1219 = arith.subf %mul3A_1218, %broadcast_in_dim3A_1214 : vector<16xf32>
      %mul3A_1220 = arith.mulf %select_n3A_651, %sub3A_1217 : vector<16xf32>
      %mul3A_1221 = arith.mulf %select_n3A_655, %sub3A_1217 : vector<16xf32>
      %mul3A_1222 = arith.mulf %select_n3A_659, %sub3A_1217 : vector<16xf32>
      %mul3A_1223 = arith.mulf %select_n3A_663, %sub3A_1217 : vector<16xf32>
      scf.yield %select_n3A_1205, %select_n3A_1206, %select_n3A_1207, %select_n3A_1208, %select_n3A_1209, %select_n3A_1210, %sub3A_1219, %mul3A_1220, %mul3A_1221, %mul3A_1222, %mul3A_1223 : vector<16xf32>, vector<16xi32>, vector<16xf32>, vector<16xf32>, vector<16xf32>, vector<16xf32>, vector<16xf32>, vector<16xf32>, vector<16xf32>, vector<16xf32>, vector<16xf32>
    }
    %scan3A_596 = arith.constant 100 : i32
    %eq3A_597 = arith.constant 0 : i32
    %eq3A_598 = arith.cmpi eq, %sub3A_17, %eq3A_597 : i32
    %convert_element_type3A = arith.extui %eq3A_598 : i1 to i32
    %cond3A = arith.constant 0 : i32
    %cond3A_599 = arith.cmpi ne, %convert_element_type3A, %cond3A : i32
    scf.if %cond3A_599 {
      %mul3A_600 = arith.constant 112 : i32
      %mul3A_601 = arith.muli %add3A, %mul3A_600 : i32
      "tpu.region"() ({
        %run_scoped3A = tpu.sem_alloc : memref<!tpu.dma_semaphore, #tpu.memory_space<semaphore_mem>>
        %dma_start3A = tpu.memref_slice %arg5[%mul3A_601] : memref<896xf32, #tpu.memory_space<hbm>> -> memref<112xf32, #tpu.memory_space<hbm>>
        %dma_start3A_610 = tpu.memref_slice %arg5[%mul3A_601] : memref<896xf32, #tpu.memory_space<hbm>> -> memref<112xf32, #tpu.memory_space<hbm>>
        tpu.enqueue_dma source(%arg24 : memref<112xf32, #tpu.memory_space<vmem>>) target(%dma_start3A_610 : memref<112xf32, #tpu.memory_space<hbm>>) target_semaphore(%run_scoped3A : memref<!tpu.dma_semaphore, #tpu.memory_space<semaphore_mem>>)
        %dma_wait3A = tpu.memref_slice %arg5[%mul3A_601] : memref<896xf32, #tpu.memory_space<hbm>> -> memref<112xf32, #tpu.memory_space<hbm>>
        %dma_wait3A_611 = tpu.memref_slice %arg5[%mul3A_601] : memref<896xf32, #tpu.memory_space<hbm>> -> memref<112xf32, #tpu.memory_space<hbm>>
        tpu.wait_dma2 semaphore(%run_scoped3A : memref<!tpu.dma_semaphore, #tpu.memory_space<semaphore_mem>>) src(%arg24 : memref<112xf32, #tpu.memory_space<vmem>>) dst(%dma_wait3A_611 : memref<112xf32, #tpu.memory_space<hbm>>)
        tpu.yield
      }) : () -> ()
      %mul3A_602 = arith.constant 112 : i32
      %mul3A_603 = arith.muli %add3A, %mul3A_602 : i32
      "tpu.region"() ({
        %run_scoped3A = tpu.sem_alloc : memref<!tpu.dma_semaphore, #tpu.memory_space<semaphore_mem>>
        %dma_start3A = tpu.memref_slice %arg6[%mul3A_603] : memref<896xf32, #tpu.memory_space<hbm>> -> memref<112xf32, #tpu.memory_space<hbm>>
        %dma_start3A_610 = tpu.memref_slice %arg6[%mul3A_603] : memref<896xf32, #tpu.memory_space<hbm>> -> memref<112xf32, #tpu.memory_space<hbm>>
        tpu.enqueue_dma source(%arg25 : memref<112xf32, #tpu.memory_space<vmem>>) target(%dma_start3A_610 : memref<112xf32, #tpu.memory_space<hbm>>) target_semaphore(%run_scoped3A : memref<!tpu.dma_semaphore, #tpu.memory_space<semaphore_mem>>)
        %dma_wait3A = tpu.memref_slice %arg6[%mul3A_603] : memref<896xf32, #tpu.memory_space<hbm>> -> memref<112xf32, #tpu.memory_space<hbm>>
        %dma_wait3A_611 = tpu.memref_slice %arg6[%mul3A_603] : memref<896xf32, #tpu.memory_space<hbm>> -> memref<112xf32, #tpu.memory_space<hbm>>
        tpu.wait_dma2 semaphore(%run_scoped3A : memref<!tpu.dma_semaphore, #tpu.memory_space<semaphore_mem>>) src(%arg25 : memref<112xf32, #tpu.memory_space<vmem>>) dst(%dma_wait3A_611 : memref<112xf32, #tpu.memory_space<hbm>>)
        tpu.yield
      }) : () -> ()
      %mul3A_604 = arith.constant 112 : i32
      %mul3A_605 = arith.muli %add3A, %mul3A_604 : i32
      "tpu.region"() ({
        %run_scoped3A = tpu.sem_alloc : memref<!tpu.dma_semaphore, #tpu.memory_space<semaphore_mem>>
        %dma_start3A = tpu.memref_slice %arg7[%mul3A_605] : memref<896xf32, #tpu.memory_space<hbm>> -> memref<112xf32, #tpu.memory_space<hbm>>
        %dma_start3A_610 = tpu.memref_slice %arg7[%mul3A_605] : memref<896xf32, #tpu.memory_space<hbm>> -> memref<112xf32, #tpu.memory_space<hbm>>
        tpu.enqueue_dma source(%arg26 : memref<112xf32, #tpu.memory_space<vmem>>) target(%dma_start3A_610 : memref<112xf32, #tpu.memory_space<hbm>>) target_semaphore(%run_scoped3A : memref<!tpu.dma_semaphore, #tpu.memory_space<semaphore_mem>>)
        %dma_wait3A = tpu.memref_slice %arg7[%mul3A_605] : memref<896xf32, #tpu.memory_space<hbm>> -> memref<112xf32, #tpu.memory_space<hbm>>
        %dma_wait3A_611 = tpu.memref_slice %arg7[%mul3A_605] : memref<896xf32, #tpu.memory_space<hbm>> -> memref<112xf32, #tpu.memory_space<hbm>>
        tpu.wait_dma2 semaphore(%run_scoped3A : memref<!tpu.dma_semaphore, #tpu.memory_space<semaphore_mem>>) src(%arg26 : memref<112xf32, #tpu.memory_space<vmem>>) dst(%dma_wait3A_611 : memref<112xf32, #tpu.memory_space<hbm>>)
        tpu.yield
      }) : () -> ()
      %mul3A_606 = arith.constant 112 : i32
      %mul3A_607 = arith.muli %add3A, %mul3A_606 : i32
      "tpu.region"() ({
        %run_scoped3A = tpu.sem_alloc : memref<!tpu.dma_semaphore, #tpu.memory_space<semaphore_mem>>
        %dma_start3A = tpu.memref_slice %arg8[%mul3A_607] : memref<896xf32, #tpu.memory_space<hbm>> -> memref<112xf32, #tpu.memory_space<hbm>>
        %dma_start3A_610 = tpu.memref_slice %arg8[%mul3A_607] : memref<896xf32, #tpu.memory_space<hbm>> -> memref<112xf32, #tpu.memory_space<hbm>>
        tpu.enqueue_dma source(%arg27 : memref<112xf32, #tpu.memory_space<vmem>>) target(%dma_start3A_610 : memref<112xf32, #tpu.memory_space<hbm>>) target_semaphore(%run_scoped3A : memref<!tpu.dma_semaphore, #tpu.memory_space<semaphore_mem>>)
        %dma_wait3A = tpu.memref_slice %arg8[%mul3A_607] : memref<896xf32, #tpu.memory_space<hbm>> -> memref<112xf32, #tpu.memory_space<hbm>>
        %dma_wait3A_611 = tpu.memref_slice %arg8[%mul3A_607] : memref<896xf32, #tpu.memory_space<hbm>> -> memref<112xf32, #tpu.memory_space<hbm>>
        tpu.wait_dma2 semaphore(%run_scoped3A : memref<!tpu.dma_semaphore, #tpu.memory_space<semaphore_mem>>) src(%arg27 : memref<112xf32, #tpu.memory_space<vmem>>) dst(%dma_wait3A_611 : memref<112xf32, #tpu.memory_space<hbm>>)
        tpu.yield
      }) : () -> ()
      %mul3A_608 = arith.constant 112 : i32
      %mul3A_609 = arith.muli %add3A, %mul3A_608 : i32
      "tpu.region"() ({
        %run_scoped3A = tpu.sem_alloc : memref<!tpu.dma_semaphore, #tpu.memory_space<semaphore_mem>>
        %dma_start3A = tpu.memref_slice %arg9[%mul3A_609] : memref<896xf32, #tpu.memory_space<hbm>> -> memref<112xf32, #tpu.memory_space<hbm>>
        %dma_start3A_610 = tpu.memref_slice %arg9[%mul3A_609] : memref<896xf32, #tpu.memory_space<hbm>> -> memref<112xf32, #tpu.memory_space<hbm>>
        tpu.enqueue_dma source(%arg28 : memref<112xf32, #tpu.memory_space<vmem>>) target(%dma_start3A_610 : memref<112xf32, #tpu.memory_space<hbm>>) target_semaphore(%run_scoped3A : memref<!tpu.dma_semaphore, #tpu.memory_space<semaphore_mem>>)
        %dma_wait3A = tpu.memref_slice %arg9[%mul3A_609] : memref<896xf32, #tpu.memory_space<hbm>> -> memref<112xf32, #tpu.memory_space<hbm>>
        %dma_wait3A_611 = tpu.memref_slice %arg9[%mul3A_609] : memref<896xf32, #tpu.memory_space<hbm>> -> memref<112xf32, #tpu.memory_space<hbm>>
        tpu.wait_dma2 semaphore(%run_scoped3A : memref<!tpu.dma_semaphore, #tpu.memory_space<semaphore_mem>>) src(%arg28 : memref<112xf32, #tpu.memory_space<vmem>>) dst(%dma_wait3A_611 : memref<112xf32, #tpu.memory_space<hbm>>)
        tpu.yield
      }) : () -> ()
    } else {
    }
    return
  }
}

module attributes {stable_mosaic.version = 14 : i64} {
  func.func @_nms_tc_body(%arg0: memref<32x5120xf32, #tpu.memory_space<vmem>>, %arg1: memref<32x5120xf32, #tpu.memory_space<vmem>>, %arg2: memref<32x5120xf32, #tpu.memory_space<vmem>>, %arg3: memref<32x5120xf32, #tpu.memory_space<vmem>>, %arg4: memref<32x5120xf32, #tpu.memory_space<vmem>>, %arg5: memref<32x5120xf32, #tpu.memory_space<vmem>>, %arg6: memref<32x5120xf32, #tpu.memory_space<vmem>>, %arg7: memref<32x5120xf32, #tpu.memory_space<vmem>>, %arg8: memref<32x5120xf32, #tpu.memory_space<vmem>>, %arg9: memref<32x128xf32, #tpu.memory_space<vmem>>, %arg10: memref<32x128xf32, #tpu.memory_space<vmem>>, %arg11: memref<32x128xf32, #tpu.memory_space<vmem>>, %arg12: memref<32x128xf32, #tpu.memory_space<vmem>>, %arg13: memref<32x128xf32, #tpu.memory_space<vmem>>, %arg14: memref<32x5120xf32, #tpu.memory_space<vmem>>, %arg15: memref<32x5120xf32, #tpu.memory_space<vmem>>, %arg16: memref<32x5120xf32, #tpu.memory_space<vmem>>, %arg17: memref<32x5120xf32, #tpu.memory_space<vmem>>, %arg18: memref<32x5120xf32, #tpu.memory_space<vmem>>, %arg19: memref<32x5120xf32, #tpu.memory_space<vmem>>) attributes {dimension_semantics = [], scalar_prefetch = 0 : i64, scratch_operands = 6 : i64, tpu.core_type = #tpu.core_type<tc>} {
    %get3A = arith.constant 0 : index
    %get3A_0 = arith.constant 0 : index
    %get3A_1 = vector.load %arg4[%get3A, %get3A_0] : memref<32x5120xf32, #tpu.memory_space<vmem>>, vector<32x5120xf32>
    %get3A_2 = arith.constant 0 : index
    %get3A_3 = arith.constant 0 : index
    %get3A_4 = vector.load %arg2[%get3A_2, %get3A_3] : memref<32x5120xf32, #tpu.memory_space<vmem>>, vector<32x5120xf32>
    %sub3A = arith.subf %get3A_1, %get3A_4 : vector<32x5120xf32>
    %add3A = arith.constant 1.000000e+00 : f32
    %add3A_5 = vector.broadcast %add3A : f32 to vector<32x5120xf32>
    %add3A_6 = arith.addf %sub3A, %add3A_5 : vector<32x5120xf32>
    %get3A_7 = arith.constant 0 : index
    %get3A_8 = arith.constant 0 : index
    %get3A_9 = vector.load %arg3[%get3A_7, %get3A_8] : memref<32x5120xf32, #tpu.memory_space<vmem>>, vector<32x5120xf32>
    %get3A_10 = arith.constant 0 : index
    %get3A_11 = arith.constant 0 : index
    %get3A_12 = vector.load %arg1[%get3A_10, %get3A_11] : memref<32x5120xf32, #tpu.memory_space<vmem>>, vector<32x5120xf32>
    %sub3A_13 = arith.subf %get3A_9, %get3A_12 : vector<32x5120xf32>
    %add3A_14 = arith.constant 1.000000e+00 : f32
    %add3A_15 = vector.broadcast %add3A_14 : f32 to vector<32x5120xf32>
    %add3A_16 = arith.addf %sub3A_13, %add3A_15 : vector<32x5120xf32>
    %get3A_17 = arith.constant 0 : index
    %get3A_18 = arith.constant 0 : index
    %get3A_19 = vector.load %arg2[%get3A_17, %get3A_18] : memref<32x5120xf32, #tpu.memory_space<vmem>>, vector<32x5120xf32>
    %div3A = arith.constant 2.000000e+00 : f32
    %div3A_20 = vector.broadcast %div3A : f32 to vector<32x5120xf32>
    %div3A_21 = arith.divf %add3A_6, %div3A_20 : vector<32x5120xf32>
    %add3A_22 = arith.addf %get3A_19, %div3A_21 : vector<32x5120xf32>
    %get3A_23 = arith.constant 0 : index
    %get3A_24 = arith.constant 0 : index
    %get3A_25 = vector.load %arg1[%get3A_23, %get3A_24] : memref<32x5120xf32, #tpu.memory_space<vmem>>, vector<32x5120xf32>
    %div3A_26 = arith.constant 2.000000e+00 : f32
    %div3A_27 = vector.broadcast %div3A_26 : f32 to vector<32x5120xf32>
    %div3A_28 = arith.divf %add3A_16, %div3A_27 : vector<32x5120xf32>
    %add3A_29 = arith.addf %get3A_25, %div3A_28 : vector<32x5120xf32>
    %get3A_30 = arith.constant 0 : index
    %get3A_31 = arith.constant 0 : index
    %get3A_32 = vector.load %arg5[%get3A_30, %get3A_31] : memref<32x5120xf32, #tpu.memory_space<vmem>>, vector<32x5120xf32>
    %div3A_33 = arith.constant 1.000000e+01 : f32
    %div3A_34 = vector.broadcast %div3A_33 : f32 to vector<32x5120xf32>
    %div3A_35 = arith.divf %get3A_32, %div3A_34 : vector<32x5120xf32>
    %mul3A = arith.mulf %div3A_35, %add3A_6 : vector<32x5120xf32>
    %add3A_36 = arith.addf %mul3A, %add3A_22 : vector<32x5120xf32>
    %get3A_37 = arith.constant 0 : index
    %get3A_38 = arith.constant 0 : index
    %get3A_39 = vector.load %arg6[%get3A_37, %get3A_38] : memref<32x5120xf32, #tpu.memory_space<vmem>>, vector<32x5120xf32>
    %div3A_40 = arith.constant 1.000000e+01 : f32
    %div3A_41 = vector.broadcast %div3A_40 : f32 to vector<32x5120xf32>
    %div3A_42 = arith.divf %get3A_39, %div3A_41 : vector<32x5120xf32>
    %mul3A_43 = arith.mulf %div3A_42, %add3A_16 : vector<32x5120xf32>
    %add3A_44 = arith.addf %mul3A_43, %add3A_29 : vector<32x5120xf32>
    %get3A_45 = arith.constant 0 : index
    %get3A_46 = arith.constant 0 : index
    %get3A_47 = vector.load %arg7[%get3A_45, %get3A_46] : memref<32x5120xf32, #tpu.memory_space<vmem>>, vector<32x5120xf32>
    %div3A_48 = arith.constant 5.000000e+00 : f32
    %div3A_49 = vector.broadcast %div3A_48 : f32 to vector<32x5120xf32>
    %div3A_50 = arith.divf %get3A_47, %div3A_49 : vector<32x5120xf32>
    %exp3A = math.exp %div3A_50 : vector<32x5120xf32>
    %mul3A_51 = arith.mulf %exp3A, %add3A_6 : vector<32x5120xf32>
    %get3A_52 = arith.constant 0 : index
    %get3A_53 = arith.constant 0 : index
    %get3A_54 = vector.load %arg8[%get3A_52, %get3A_53] : memref<32x5120xf32, #tpu.memory_space<vmem>>, vector<32x5120xf32>
    %div3A_55 = arith.constant 5.000000e+00 : f32
    %div3A_56 = vector.broadcast %div3A_55 : f32 to vector<32x5120xf32>
    %div3A_57 = arith.divf %get3A_54, %div3A_56 : vector<32x5120xf32>
    %exp3A_58 = math.exp %div3A_57 : vector<32x5120xf32>
    %mul3A_59 = arith.mulf %exp3A_58, %add3A_16 : vector<32x5120xf32>
    %mul3A_60 = arith.constant 5.000000e-01 : f32
    %mul3A_61 = vector.broadcast %mul3A_60 : f32 to vector<32x5120xf32>
    %mul3A_62 = arith.mulf %mul3A_61, %mul3A_51 : vector<32x5120xf32>
    %sub3A_63 = arith.subf %add3A_36, %mul3A_62 : vector<32x5120xf32>
    %jit3A = arith.constant 0.000000e+00 : f32
    %jit3A_64 = arith.constant 1.332000e+03 : f32
    %max3A = vector.broadcast %jit3A : f32 to vector<32x5120xf32>
    %max3A_65 = arith.maximumf %max3A, %sub3A_63 : vector<32x5120xf32>
    %min3A = vector.broadcast %jit3A_64 : f32 to vector<32x5120xf32>
    %min3A_66 = arith.minimumf %min3A, %max3A_65 : vector<32x5120xf32>
    %mul3A_67 = arith.constant 5.000000e-01 : f32
    %mul3A_68 = vector.broadcast %mul3A_67 : f32 to vector<32x5120xf32>
    %mul3A_69 = arith.mulf %mul3A_68, %mul3A_59 : vector<32x5120xf32>
    %sub3A_70 = arith.subf %add3A_44, %mul3A_69 : vector<32x5120xf32>
    %jit3A_71 = arith.constant 0.000000e+00 : f32
    %jit3A_72 = arith.constant 7.990000e+02 : f32
    %max3A_73 = vector.broadcast %jit3A_71 : f32 to vector<32x5120xf32>
    %max3A_74 = arith.maximumf %max3A_73, %sub3A_70 : vector<32x5120xf32>
    %min3A_75 = vector.broadcast %jit3A_72 : f32 to vector<32x5120xf32>
    %min3A_76 = arith.minimumf %min3A_75, %max3A_74 : vector<32x5120xf32>
    %mul3A_77 = arith.constant 5.000000e-01 : f32
    %mul3A_78 = vector.broadcast %mul3A_77 : f32 to vector<32x5120xf32>
    %mul3A_79 = arith.mulf %mul3A_78, %mul3A_51 : vector<32x5120xf32>
    %add3A_80 = arith.addf %add3A_36, %mul3A_79 : vector<32x5120xf32>
    %jit3A_81 = arith.constant 0.000000e+00 : f32
    %jit3A_82 = arith.constant 1.332000e+03 : f32
    %max3A_83 = vector.broadcast %jit3A_81 : f32 to vector<32x5120xf32>
    %max3A_84 = arith.maximumf %max3A_83, %add3A_80 : vector<32x5120xf32>
    %min3A_85 = vector.broadcast %jit3A_82 : f32 to vector<32x5120xf32>
    %min3A_86 = arith.minimumf %min3A_85, %max3A_84 : vector<32x5120xf32>
    %mul3A_87 = arith.constant 5.000000e-01 : f32
    %mul3A_88 = vector.broadcast %mul3A_87 : f32 to vector<32x5120xf32>
    %mul3A_89 = arith.mulf %mul3A_88, %mul3A_59 : vector<32x5120xf32>
    %add3A_90 = arith.addf %add3A_44, %mul3A_89 : vector<32x5120xf32>
    %jit3A_91 = arith.constant 0.000000e+00 : f32
    %jit3A_92 = arith.constant 7.990000e+02 : f32
    %max3A_93 = vector.broadcast %jit3A_91 : f32 to vector<32x5120xf32>
    %max3A_94 = arith.maximumf %max3A_93, %add3A_90 : vector<32x5120xf32>
    %min3A_95 = vector.broadcast %jit3A_92 : f32 to vector<32x5120xf32>
    %min3A_96 = arith.minimumf %min3A_95, %max3A_94 : vector<32x5120xf32>
    %swap3A = arith.constant 0 : index
    %swap3A_97 = arith.constant 0 : index
    %swap3A_98 = vector.load %arg15[%swap3A, %swap3A_97] : memref<32x5120xf32, #tpu.memory_space<vmem>>, vector<32x5120xf32>
    tpu.vector_store %arg15[%swap3A, %swap3A_97], %min3A_76 {strides = array<i32>} : memref<32x5120xf32, #tpu.memory_space<vmem>>, vector<32x5120xf32>,
    %swap3A_99 = arith.constant 0 : index
    %swap3A_100 = arith.constant 0 : index
    %swap3A_101 = vector.load %arg16[%swap3A_99, %swap3A_100] : memref<32x5120xf32, #tpu.memory_space<vmem>>, vector<32x5120xf32>
    tpu.vector_store %arg16[%swap3A_99, %swap3A_100], %min3A_66 {strides = array<i32>} : memref<32x5120xf32, #tpu.memory_space<vmem>>, vector<32x5120xf32>,
    %swap3A_102 = arith.constant 0 : index
    %swap3A_103 = arith.constant 0 : index
    %swap3A_104 = vector.load %arg17[%swap3A_102, %swap3A_103] : memref<32x5120xf32, #tpu.memory_space<vmem>>, vector<32x5120xf32>
    tpu.vector_store %arg17[%swap3A_102, %swap3A_103], %min3A_96 {strides = array<i32>} : memref<32x5120xf32, #tpu.memory_space<vmem>>, vector<32x5120xf32>,
    %swap3A_105 = arith.constant 0 : index
    %swap3A_106 = arith.constant 0 : index
    %swap3A_107 = vector.load %arg18[%swap3A_105, %swap3A_106] : memref<32x5120xf32, #tpu.memory_space<vmem>>, vector<32x5120xf32>
    tpu.vector_store %arg18[%swap3A_105, %swap3A_106], %min3A_86 {strides = array<i32>} : memref<32x5120xf32, #tpu.memory_space<vmem>>, vector<32x5120xf32>,
    %sub3A_108 = arith.subf %min3A_96, %min3A_76 : vector<32x5120xf32>
    %sub3A_109 = arith.subf %min3A_86, %min3A_66 : vector<32x5120xf32>
    %mul3A_110 = arith.mulf %sub3A_108, %sub3A_109 : vector<32x5120xf32>
    %swap3A_111 = arith.constant 0 : index
    %swap3A_112 = arith.constant 0 : index
    %swap3A_113 = vector.load %arg19[%swap3A_111, %swap3A_112] : memref<32x5120xf32, #tpu.memory_space<vmem>>, vector<32x5120xf32>
    tpu.vector_store %arg19[%swap3A_111, %swap3A_112], %mul3A_110 {strides = array<i32>} : memref<32x5120xf32, #tpu.memory_space<vmem>>, vector<32x5120xf32>,
    %iota3A = tpu.iota {dimensions = array<i32: 1>} : vector<32x5120xi32>
    %get3A_114 = arith.constant 0 : index
    %get3A_115 = arith.constant 0 : index
    %get3A_116 = vector.load %arg0[%get3A_114, %get3A_115] : memref<32x5120xf32, #tpu.memory_space<vmem>>, vector<32x5120xf32>
    %lt3A = arith.constant 5000 : i32
    %lt3A_117 = vector.broadcast %lt3A : i32 to vector<32x5120xi32>
    %lt3A_118 = arith.cmpi slt, %iota3A, %lt3A_117 : vector<32x5120xi32>
    %gt3A = arith.constant 5.000000e-02 : f32
    %gt3A_119 = vector.broadcast %gt3A : f32 to vector<32x5120xf32>
    %gt3A_120 = arith.cmpf ogt, %get3A_116, %gt3A_119 : vector<32x5120xf32>
    %and3A = arith.andi %lt3A_118, %gt3A_120 : vector<32x5120xi1>
    %jit3A_121 = arith.constant -1.000000e+10 : f32
    %broadcast_in_dim3A = vector.broadcast %jit3A_121 : f32 to vector<32x5120xf32>
    %select_n3A = arith.select %and3A, %get3A_116, %broadcast_in_dim3A : vector<32x5120xi1>, vector<32x5120xf32>
    %swap3A_122 = arith.constant 0 : index
    %swap3A_123 = arith.constant 0 : index
    %swap3A_124 = vector.load %arg14[%swap3A_122, %swap3A_123] : memref<32x5120xf32, #tpu.memory_space<vmem>>, vector<32x5120xf32>
    tpu.vector_store %arg14[%swap3A_122, %swap3A_123], %select_n3A {strides = array<i32>} : memref<32x5120xf32, #tpu.memory_space<vmem>>, vector<32x5120xf32>,
    %iota3A_125 = tpu.iota {dimensions = array<i32: 1>} : vector<32x128xi32>
    %broadcast_in_dim3A_126 = arith.constant -1.000000e+00 : f32
    %broadcast_in_dim3A_127 = vector.broadcast %broadcast_in_dim3A_126 : f32 to vector<32x128xf32>
    %broadcast_in_dim3A_128 = arith.constant 0.000000e+00 : f32
    %broadcast_in_dim3A_129 = vector.broadcast %broadcast_in_dim3A_128 : f32 to vector<32x128xf32>
    %broadcast_in_dim3A_130 = arith.constant 0.000000e+00 : f32
    %broadcast_in_dim3A_131 = vector.broadcast %broadcast_in_dim3A_130 : f32 to vector<32x128xf32>
    %broadcast_in_dim3A_132 = arith.constant 0.000000e+00 : f32
    %broadcast_in_dim3A_133 = vector.broadcast %broadcast_in_dim3A_132 : f32 to vector<32x128xf32>
    %broadcast_in_dim3A_134 = arith.constant 0.000000e+00 : f32
    %broadcast_in_dim3A_135 = vector.broadcast %broadcast_in_dim3A_134 : f32 to vector<32x128xf32>
    %scan3A = arith.constant 0 : i32
    %scan3A_136 = arith.constant 100 : i32
    %scan3A_137 = arith.addi %scan3A, %scan3A_136 : i32
    %scan3A_138 = arith.constant 1 : i32
    %scan3A_139:5 = scf.for %scan3A_156 = %scan3A to %scan3A_137 step %scan3A_138 iter_args(%scan3A_157 = %broadcast_in_dim3A_127, %scan3A_158 = %broadcast_in_dim3A_129, %scan3A_159 = %broadcast_in_dim3A_131, %scan3A_160 = %broadcast_in_dim3A_133, %scan3A_161 = %broadcast_in_dim3A_135) -> (vector<32x128xf32>, vector<32x128xf32>, vector<32x128xf32>, vector<32x128xf32>, vector<32x128xf32>)  : i32 {
      %get3A_162 = arith.constant 0 : index
      %get3A_163 = arith.constant 0 : index
      %get3A_164 = vector.load %arg14[%get3A_162, %get3A_163] : memref<32x5120xf32, #tpu.memory_space<vmem>>, vector<32x5120xf32>
      %reduce_max3A = arith.constant dense<0xFF800000> : vector<32xf32>
      %reduce_max3A_165 = vector.multi_reduction <maximumf>, %get3A_164, %reduce_max3A [1] : vector<32x5120xf32> to vector<32xf32>
      %broadcast_in_dim3A_166 = vector.shape_cast %reduce_max3A_165 : vector<32xf32> to vector<32x1xf32>
      %eq3A = vector.broadcast %broadcast_in_dim3A_166 : vector<32x1xf32> to vector<32x5120xf32>
      %eq3A_167 = arith.cmpf oeq, %get3A_164, %eq3A : vector<32x5120xf32>
      %jit3A_168 = arith.constant 5120 : i32
      %broadcast_in_dim3A_169 = vector.broadcast %jit3A_168 : i32 to vector<32x5120xi32>
      %select_n3A_170 = arith.select %eq3A_167, %iota3A, %broadcast_in_dim3A_169 : vector<32x5120xi1>, vector<32x5120xi32>
      %reduce_min3A = arith.constant dense<2147483647> : vector<32xi32>
      %reduce_min3A_171 = vector.multi_reduction <minsi>, %select_n3A_170, %reduce_min3A [1] : vector<32x5120xi32> to vector<32xi32>
      %broadcast_in_dim3A_172 = vector.shape_cast %reduce_min3A_171 : vector<32xi32> to vector<32x1xi32>
      %eq3A_173 = vector.broadcast %broadcast_in_dim3A_172 : vector<32x1xi32> to vector<32x5120xi32>
      %eq3A_174 = arith.cmpi eq, %iota3A, %eq3A_173 : vector<32x5120xi32>
      %convert_element_type3A = arith.extui %eq3A_174 : vector<32x5120xi1> to vector<32x5120xi32>
      %convert_element_type3A_175 = arith.sitofp %convert_element_type3A : vector<32x5120xi32> to vector<32x5120xf32>
      %get3A_176 = arith.constant 0 : index
      %get3A_177 = arith.constant 0 : index
      %get3A_178 = vector.load %arg15[%get3A_176, %get3A_177] : memref<32x5120xf32, #tpu.memory_space<vmem>>, vector<32x5120xf32>
      %get3A_179 = arith.constant 0 : index
      %get3A_180 = arith.constant 0 : index
      %get3A_181 = vector.load %arg16[%get3A_179, %get3A_180] : memref<32x5120xf32, #tpu.memory_space<vmem>>, vector<32x5120xf32>
      %get3A_182 = arith.constant 0 : index
      %get3A_183 = arith.constant 0 : index
      %get3A_184 = vector.load %arg17[%get3A_182, %get3A_183] : memref<32x5120xf32, #tpu.memory_space<vmem>>, vector<32x5120xf32>
      %get3A_185 = arith.constant 0 : index
      %get3A_186 = arith.constant 0 : index
      %get3A_187 = vector.load %arg18[%get3A_185, %get3A_186] : memref<32x5120xf32, #tpu.memory_space<vmem>>, vector<32x5120xf32>
      %mul3A_188 = arith.mulf %get3A_178, %convert_element_type3A_175 : vector<32x5120xf32>
      %reduce_sum3A = arith.constant dense<0.000000e+00> : vector<32xf32>
      %reduce_sum3A_189 = vector.multi_reduction <add>, %mul3A_188, %reduce_sum3A [1] : vector<32x5120xf32> to vector<32xf32>
      %broadcast_in_dim3A_190 = vector.shape_cast %reduce_sum3A_189 : vector<32xf32> to vector<32x1xf32>
      %mul3A_191 = arith.mulf %get3A_181, %convert_element_type3A_175 : vector<32x5120xf32>
      %reduce_sum3A_192 = arith.constant dense<0.000000e+00> : vector<32xf32>
      %reduce_sum3A_193 = vector.multi_reduction <add>, %mul3A_191, %reduce_sum3A_192 [1] : vector<32x5120xf32> to vector<32xf32>
      %broadcast_in_dim3A_194 = vector.shape_cast %reduce_sum3A_193 : vector<32xf32> to vector<32x1xf32>
      %mul3A_195 = arith.mulf %get3A_184, %convert_element_type3A_175 : vector<32x5120xf32>
      %reduce_sum3A_196 = arith.constant dense<0.000000e+00> : vector<32xf32>
      %reduce_sum3A_197 = vector.multi_reduction <add>, %mul3A_195, %reduce_sum3A_196 [1] : vector<32x5120xf32> to vector<32xf32>
      %broadcast_in_dim3A_198 = vector.shape_cast %reduce_sum3A_197 : vector<32xf32> to vector<32x1xf32>
      %mul3A_199 = arith.mulf %get3A_187, %convert_element_type3A_175 : vector<32x5120xf32>
      %reduce_sum3A_200 = arith.constant dense<0.000000e+00> : vector<32xf32>
      %reduce_sum3A_201 = vector.multi_reduction <add>, %mul3A_199, %reduce_sum3A_200 [1] : vector<32x5120xf32> to vector<32xf32>
      %broadcast_in_dim3A_202 = vector.shape_cast %reduce_sum3A_201 : vector<32xf32> to vector<32x1xf32>
      %max3A_203 = vector.broadcast %broadcast_in_dim3A_190 : vector<32x1xf32> to vector<32x5120xf32>
      %max3A_204 = arith.maximumf %max3A_203, %get3A_178 : vector<32x5120xf32>
      %max3A_205 = vector.broadcast %broadcast_in_dim3A_194 : vector<32x1xf32> to vector<32x5120xf32>
      %max3A_206 = arith.maximumf %max3A_205, %get3A_181 : vector<32x5120xf32>
      %min3A_207 = vector.broadcast %broadcast_in_dim3A_198 : vector<32x1xf32> to vector<32x5120xf32>
      %min3A_208 = arith.minimumf %min3A_207, %get3A_184 : vector<32x5120xf32>
      %min3A_209 = vector.broadcast %broadcast_in_dim3A_202 : vector<32x1xf32> to vector<32x5120xf32>
      %min3A_210 = arith.minimumf %min3A_209, %get3A_187 : vector<32x5120xf32>
      %sub3A_211 = arith.subf %min3A_208, %max3A_204 : vector<32x5120xf32>
      %max3A_212 = arith.constant 0.000000e+00 : f32
      %max3A_213 = vector.broadcast %max3A_212 : f32 to vector<32x5120xf32>
      %max3A_214 = arith.maximumf %sub3A_211, %max3A_213 : vector<32x5120xf32>
      %sub3A_215 = arith.subf %min3A_210, %max3A_206 : vector<32x5120xf32>
      %max3A_216 = arith.constant 0.000000e+00 : f32
      %max3A_217 = vector.broadcast %max3A_216 : f32 to vector<32x5120xf32>
      %max3A_218 = arith.maximumf %sub3A_215, %max3A_217 : vector<32x5120xf32>
      %mul3A_219 = arith.mulf %max3A_214, %max3A_218 : vector<32x5120xf32>
      %sub3A_220 = arith.subf %broadcast_in_dim3A_198, %broadcast_in_dim3A_190 : vector<32x1xf32>
      %sub3A_221 = arith.subf %broadcast_in_dim3A_202, %broadcast_in_dim3A_194 : vector<32x1xf32>
      %mul3A_222 = arith.mulf %sub3A_220, %sub3A_221 : vector<32x1xf32>
      %get3A_223 = arith.constant 0 : index
      %get3A_224 = arith.constant 0 : index
      %get3A_225 = vector.load %arg19[%get3A_223, %get3A_224] : memref<32x5120xf32, #tpu.memory_space<vmem>>, vector<32x5120xf32>
      %add3A_226 = vector.broadcast %mul3A_222 : vector<32x1xf32> to vector<32x5120xf32>
      %add3A_227 = arith.addf %add3A_226, %get3A_225 : vector<32x5120xf32>
      %sub3A_228 = arith.subf %add3A_227, %mul3A_219 : vector<32x5120xf32>
      %add3A_229 = arith.constant 9.99999993E-9 : f32
      %add3A_230 = vector.broadcast %add3A_229 : f32 to vector<32x5120xf32>
      %add3A_231 = arith.addf %sub3A_228, %add3A_230 : vector<32x5120xf32>
      %div3A_232 = arith.divf %mul3A_219, %add3A_231 : vector<32x5120xf32>
      %gt3A_233 = arith.constant 5.000000e-01 : f32
      %gt3A_234 = vector.broadcast %gt3A_233 : f32 to vector<32x5120xf32>
      %gt3A_235 = arith.cmpf ogt, %div3A_232, %gt3A_234 : vector<32x5120xf32>
      %or3A = arith.ori %gt3A_235, %eq3A_174 : vector<32x5120xi1>
      %jit3A_236 = arith.constant -1.000000e+10 : f32
      %broadcast_in_dim3A_237 = vector.broadcast %jit3A_236 : f32 to vector<32x5120xf32>
      %select_n3A_238 = arith.select %or3A, %broadcast_in_dim3A_237, %get3A_164 : vector<32x5120xi1>, vector<32x5120xf32>
      %swap3A_239 = arith.constant 0 : index
      %swap3A_240 = arith.constant 0 : index
      %swap3A_241 = vector.load %arg14[%swap3A_239, %swap3A_240] : memref<32x5120xf32, #tpu.memory_space<vmem>>, vector<32x5120xf32>
      tpu.vector_store %arg14[%swap3A_239, %swap3A_240], %select_n3A_238 {strides = array<i32>} : memref<32x5120xf32, #tpu.memory_space<vmem>>, vector<32x5120xf32>,
      %gt3A_242 = arith.constant -5.000000e+09 : f32
      %gt3A_243 = vector.broadcast %gt3A_242 : f32 to vector<32x1xf32>
      %gt3A_244 = arith.cmpf ogt, %broadcast_in_dim3A_166, %gt3A_243 : vector<32x1xf32>
      %eq3A_245 = vector.broadcast %scan3A_156 : i32 to vector<32x128xi32>
      %eq3A_246 = arith.cmpi eq, %iota3A_125, %eq3A_245 : vector<32x128xi32>
      %jit3A_247 = arith.constant 0.000000e+00 : f32
      %broadcast_in_dim3A_248 = vector.broadcast %jit3A_247 : f32 to vector<32x1xf32>
      %select_n3A_249 = arith.select %gt3A_244, %broadcast_in_dim3A_166, %broadcast_in_dim3A_248 : vector<32x1xi1>, vector<32x1xf32>
      %broadcast_in_dim3A_250 = vector.shape_cast %select_n3A_249 : vector<32x1xf32> to vector<32x1xf32>
      %broadcast_in_dim3A_251 = vector.broadcast %broadcast_in_dim3A_250 : vector<32x1xf32> to vector<32x128xf32>
      %select_n3A_252 = arith.select %eq3A_246, %broadcast_in_dim3A_251, %scan3A_157 : vector<32x128xi1>, vector<32x128xf32>
      %jit3A_253 = arith.constant 0.000000e+00 : f32
      %broadcast_in_dim3A_254 = vector.broadcast %jit3A_253 : f32 to vector<32x1xf32>
      %select_n3A_255 = arith.select %gt3A_244, %broadcast_in_dim3A_190, %broadcast_in_dim3A_254 : vector<32x1xi1>, vector<32x1xf32>
      %broadcast_in_dim3A_256 = vector.shape_cast %select_n3A_255 : vector<32x1xf32> to vector<32x1xf32>
      %broadcast_in_dim3A_257 = vector.broadcast %broadcast_in_dim3A_256 : vector<32x1xf32> to vector<32x128xf32>
      %select_n3A_258 = arith.select %eq3A_246, %broadcast_in_dim3A_257, %scan3A_158 : vector<32x128xi1>, vector<32x128xf32>
      %jit3A_259 = arith.constant 0.000000e+00 : f32
      %broadcast_in_dim3A_260 = vector.broadcast %jit3A_259 : f32 to vector<32x1xf32>
      %select_n3A_261 = arith.select %gt3A_244, %broadcast_in_dim3A_194, %broadcast_in_dim3A_260 : vector<32x1xi1>, vector<32x1xf32>
      %broadcast_in_dim3A_262 = vector.shape_cast %select_n3A_261 : vector<32x1xf32> to vector<32x1xf32>
      %broadcast_in_dim3A_263 = vector.broadcast %broadcast_in_dim3A_262 : vector<32x1xf32> to vector<32x128xf32>
      %select_n3A_264 = arith.select %eq3A_246, %broadcast_in_dim3A_263, %scan3A_159 : vector<32x128xi1>, vector<32x128xf32>
      %jit3A_265 = arith.constant 0.000000e+00 : f32
      %broadcast_in_dim3A_266 = vector.broadcast %jit3A_265 : f32 to vector<32x1xf32>
      %select_n3A_267 = arith.select %gt3A_244, %broadcast_in_dim3A_198, %broadcast_in_dim3A_266 : vector<32x1xi1>, vector<32x1xf32>
      %broadcast_in_dim3A_268 = vector.shape_cast %select_n3A_267 : vector<32x1xf32> to vector<32x1xf32>
      %broadcast_in_dim3A_269 = vector.broadcast %broadcast_in_dim3A_268 : vector<32x1xf32> to vector<32x128xf32>
      %select_n3A_270 = arith.select %eq3A_246, %broadcast_in_dim3A_269, %scan3A_160 : vector<32x128xi1>, vector<32x128xf32>
      %jit3A_271 = arith.constant 0.000000e+00 : f32
      %broadcast_in_dim3A_272 = vector.broadcast %jit3A_271 : f32 to vector<32x1xf32>
      %select_n3A_273 = arith.select %gt3A_244, %broadcast_in_dim3A_202, %broadcast_in_dim3A_272 : vector<32x1xi1>, vector<32x1xf32>
      %broadcast_in_dim3A_274 = vector.shape_cast %select_n3A_273 : vector<32x1xf32> to vector<32x1xf32>
      %broadcast_in_dim3A_275 = vector.broadcast %broadcast_in_dim3A_274 : vector<32x1xf32> to vector<32x128xf32>
      %select_n3A_276 = arith.select %eq3A_246, %broadcast_in_dim3A_275, %scan3A_161 : vector<32x128xi1>, vector<32x128xf32>
      scf.yield %select_n3A_252, %select_n3A_258, %select_n3A_264, %select_n3A_270, %select_n3A_276 : vector<32x128xf32>, vector<32x128xf32>, vector<32x128xf32>, vector<32x128xf32>, vector<32x128xf32>
    }
    %scan3A_140 = arith.constant 100 : i32
    %swap3A_141 = arith.constant 0 : index
    %swap3A_142 = arith.constant 0 : index
    %swap3A_143 = vector.load %arg9[%swap3A_141, %swap3A_142] : memref<32x128xf32, #tpu.memory_space<vmem>>, vector<32x128xf32>
    tpu.vector_store %arg9[%swap3A_141, %swap3A_142], %scan3A_139#0 {strides = array<i32>} : memref<32x128xf32, #tpu.memory_space<vmem>>, vector<32x128xf32>,
    %swap3A_144 = arith.constant 0 : index
    %swap3A_145 = arith.constant 0 : index
    %swap3A_146 = vector.load %arg10[%swap3A_144, %swap3A_145] : memref<32x128xf32, #tpu.memory_space<vmem>>, vector<32x128xf32>
    tpu.vector_store %arg10[%swap3A_144, %swap3A_145], %scan3A_139#1 {strides = array<i32>} : memref<32x128xf32, #tpu.memory_space<vmem>>, vector<32x128xf32>,
    %swap3A_147 = arith.constant 0 : index
    %swap3A_148 = arith.constant 0 : index
    %swap3A_149 = vector.load %arg11[%swap3A_147, %swap3A_148] : memref<32x128xf32, #tpu.memory_space<vmem>>, vector<32x128xf32>
    tpu.vector_store %arg11[%swap3A_147, %swap3A_148], %scan3A_139#2 {strides = array<i32>} : memref<32x128xf32, #tpu.memory_space<vmem>>, vector<32x128xf32>,
    %swap3A_150 = arith.constant 0 : index
    %swap3A_151 = arith.constant 0 : index
    %swap3A_152 = vector.load %arg12[%swap3A_150, %swap3A_151] : memref<32x128xf32, #tpu.memory_space<vmem>>, vector<32x128xf32>
    tpu.vector_store %arg12[%swap3A_150, %swap3A_151], %scan3A_139#3 {strides = array<i32>} : memref<32x128xf32, #tpu.memory_space<vmem>>, vector<32x128xf32>,
    %swap3A_153 = arith.constant 0 : index
    %swap3A_154 = arith.constant 0 : index
    %swap3A_155 = vector.load %arg13[%swap3A_153, %swap3A_154] : memref<32x128xf32, #tpu.memory_space<vmem>>, vector<32x128xf32>
    tpu.vector_store %arg13[%swap3A_153, %swap3A_154], %scan3A_139#4 {strides = array<i32>} : memref<32x128xf32, #tpu.memory_space<vmem>>, vector<32x128xf32>,
    return
  }
}

</mosaic_0001>

<sc_bundles>
// kernel: kernel.5.cloned.1.call-start
scs
__scs_entry_jumppad:
0x0: {  	(pc) =	sbr.rel $0x88, $3  }
0x1: {  	(tag) =	ssettag $0x0;
	lr =	simm.s32 $0x1  }
0x2: {  	[smem:$0x3F9E] =	sst lr;
	_ =	strace $0xD0000000  }
0x3: {  	_ = 	snop  }
0x4: {  	_ = 	snop  }
0x5: {  	_ = 	snop  }
0x6: {  	_ = 	snop  }
0x7: {  	_ = 	snop  }
__scs_overlays_trampoline_lowered:
0x8: {  	[smem:$0x3FAD] =	sst s0  }
0x9: {  	[smem:$0x3FAE] =	sst s1  }
0xa: {  	[smem:$0x3FAF] =	sst s2  }
0xb: {  	[smem:$0x3FB0] =	sst s3  }
0xc: {  	[smem:$0x3FB1] =	sst s4  }
0xd: {  	[smem:$0x3FB2] =	sst s5  }
0xe: {  	[smem:$0x3FB3] =	sst s6  }
0xf: {  	[smem:$0x3FB4] =	sst s7  }
0x10: {  	[smem:$0x3FB5] =	sst s8  }
0x11: {  	[smem:$0x3FB6] =	sst s9;
	s0 =	simm.s32 @!p0 $0x0  }
0x12: {  	s1 =	sld [smem:$0x3F9C];
	s0 =	simm.s32 @p0 $0x1  }
0x13: {  	[smem:$0x3FB7] =	sst s0;
	s0 =	simm.s32 @!p1 $0x0  }
0x14: {  	s2 =	sld [smem:$0x3F9B];
	s0 =	simm.s32 @p1 $0x1  }
0x15: {  	[smem:$0x3FB8] =	sst s0;
	s0 =	simm.s32 @!p2 $0x0  }
0x16: {  	s3 =	sld [smem:$0x3FDB];
	s0 =	simm.s32 @p2 $0x1  }
0x17: {  	s4 =	simm.s32 $0x1BF5;
	[smem:$0x3FBA] =	sst s0  }
0x18: {  	s0 =	sld [smem:$0x3F9D];
	_ =	swait.ge [sflag:s4], $0x0  }
0x19: {  	s7 =	sld [smem:$0x3F9E]  }
0x1a: {  	s8 =	sadd.s32 $0xFFFFE003, lr  }
0x1b: {  	s9 =	sadd.s32 $0xFFFFFEF7, lr;
	s5 =	simm.s32 $0xFFFFFFFF;
	p2 =	slt.u32 s8, $0xFFFFF086  }
0x1c: {  	p1 =	slt.u32 s9, $0xF7A;
	s5 =	simm.s32 @!p2 $0x0  }
0x1d: {  	s5 =	simm.s32 @p1 $0x1;
	p0 =	seq.s32 s7, s2  }
0x1e: {  	s7 =	smul.u32 @!p0 $0xF7A, s2;
	p2 =	seq.s32 @!p0 s5, $0x0  }
0x1f: {  	s9 =	smul.u32 $0xF7A, s1;
	s8 =	simm.s32 @!p0 $0x1BF5;
	p2 =	por !p2, p0  }
0x20: {  	[sflag:s8] =	ssyncset.s32 @!p0 $0xFFFFF086;
	s6 =	sadd.s32 @!p0 s3, s7;
	s7 =	simm.s32 @!p0 $0x108  }
0x21: {  	s3 =	sadd.s32 s3, s9;
	s6 =	sadd.s32 @!p0 $0x88, s6;
	s7 =	simm.s32 @p2 $0x1082  }
0x22: {  	[simem:s7], [sflag:s8] =	dma.local @!p0 [hbm:s6], $0xF7A  }
0x23: {  	s9 =	sor.u32 $0xD0000000, s2;
	s6 =	simm.s32 $0x108;
	_ =	swait.ge @!p0 [sflag:s8], $0x0  }
0x24: {  	s3 =	sadd.s32 $0x88, s3;
	s6 =	simm.s32 @!p1 $0x1082;
	[sflag:s4] =	ssyncset.s32 $0xFFFFF086  }
0x25: {  	[simem:s6], [sflag:s4] =	dma.local [hbm:s3], $0xF7A  }
0x26: {  	[smem:$0x3F9E] =	sst s1;
	(tag) =	ssettag s2;
	_ =	strace s9  }
0x27: {  	s1 =	sld [smem:$0x3FAE]  }
0x28: {  	s2 =	sld [smem:$0x3FAF]  }
0x29: {  	s4 =	sld [smem:$0x3FB1]  }
0x2a: {  	p0 =	seq.s32 s5, $0x0;
	s5 =	sld [smem:$0x3FB2]  }
0x2b: {  	s6 =	sld [smem:$0x3FB3]  }
0x2c: {  	s7 =	sld [smem:$0x3FB4]  }
0x2d: {  	s3 =	simm.s32 $0x108;
	s8 =	sld [smem:$0x3FB5]  }
0x2e: {  	s3 =	simm.s32 @!p0 $0x1082;
	s9 =	sld [smem:$0x3FB6]  }
0x2f: {  	lr =	sadd.s32 s0, s3;
	s0 =	sld [smem:$0x3FAD]  }
0x30: {  	s3 =	sld [smem:$0x3FB0]  }
0x31: {  	[smem:$0x3FB9] =	sst s10  }
0x32: {  	s10 =	sld [smem:$0x3FB7];
	_ =	sdelay $0x3  }
0x33: {  	p0 =	seq.s32 s10, $0x1;
	s10 =	sld [smem:$0x3FB9];
	_ =	sdelay $0x3  }
0x34: {  	[smem:$0x3FB9] =	sst s10  }
0x35: {  	s10 =	sld [smem:$0x3FB8];
	_ =	sdelay $0x3  }
0x36: {  	p1 =	seq.s32 s10, $0x1;
	s10 =	sld [smem:$0x3FB9];
	_ =	sdelay $0x3  }
0x37: {  	[smem:$0x3FB9] =	sst s10  }
0x38: {  	s10 =	sld [smem:$0x3FBA]  }
0x39: {  	_ = 	snop;
	(pc) =	sbr.ind lr, $3  }
0x3a: {  	_ = 	snop  }
0x3b: {  	_ = 	snop  }
0x3c: {  	p2 =	seq.s32 s10, $0x1;
	s10 =	sld [smem:$0x3FB9]  }
0x3d: {  	_ =	shalt  }
0x3e: {  	_ =	shalt  }
0x3f: {  	_ =	shalt  }
0x40: {  	_ =	shalt  }
0x41: {  	_ =	shalt  }
0x42: {  	_ =	shalt  }
0x43: {  	_ =	shalt  }
0x44: {  	_ =	shalt  }
0x45: {  	_ =	shalt  }
0x46: {  	_ =	shalt  }
0x47: {  	_ =	shalt  }
0x48: {  	_ =	shalt  }
0x49: {  	_ =	shalt  }
0x4a: {  	_ =	shalt  }
0x4b: {  	_ =	shalt  }
0x4c: {  	_ =	shalt  }
0x4d: {  	_ =	shalt  }
0x4e: {  	_ =	shalt  }
0x4f: {  	_ =	shalt  }
0x50: {  	_ =	shalt  }
0x51: {  	_ =	shalt  }
0x52: {  	_ =	shalt  }
0x53: {  	_ =	shalt  }
0x54: {  	_ =	shalt  }
0x55: {  	_ =	shalt  }
0x56: {  	_ =	shalt  }
0x57: {  	_ =	shalt  }
0x58: {  	_ =	shalt  }
0x59: {  	_ =	shalt  }
0x5a: {  	_ =	shalt  }
0x5b: {  	_ =	shalt  }
0x5c: {  	_ =	shalt  }
0x5d: {  	_ =	shalt  }
0x5e: {  	_ =	shalt  }
0x5f: {  	_ =	shalt  }
0x60: {  	_ =	shalt  }
0x61: {  	_ =	shalt  }
0x62: {  	_ =	shalt  }
0x63: {  	_ =	shalt  }
0x64: {  	_ =	shalt  }
0x65: {  	_ =	shalt  }
0x66: {  	_ =	shalt  }
0x67: {  	_ =	shalt  }
0x68: {  	_ =	shalt  }
0x69: {  	_ =	shalt  }
0x6a: {  	_ =	shalt  }
0x6b: {  	_ =	shalt  }
0x6c: {  	_ =	shalt  }
0x6d: {  	_ =	shalt  }
0x6e: {  	_ =	shalt  }
0x6f: {  	_ =	shalt  }
0x70: {  	_ =	shalt  }
0x71: {  	_ =	shalt  }
0x72: {  	_ =	shalt  }
0x73: {  	_ =	shalt  }
0x74: {  	_ =	shalt  }
0x75: {  	_ =	shalt  }
0x76: {  	_ =	shalt  }
0x77: {  	_ =	shalt  }
0x78: {  	_ =	shalt  }
0x79: {  	_ =	shalt  }
0x7a: {  	_ =	shalt  }
0x7b: {  	_ =	shalt  }
0x7c: {  	_ =	shalt  }
0x7d: {  	_ =	shalt  }
0x7e: {  	_ =	shalt  }
0x7f: {  	_ =	shalt  }
0x80: {  	_ =	shalt  }
0x81: {  	_ =	shalt  }
0x82: {  	_ =	shalt  }
0x83: {  	_ =	shalt  }
0x84: {  	_ =	shalt  }
0x85: {  	_ =	shalt  }
0x86: {  	_ =	shalt  }
0x87: {  	_ =	shalt  }
.Lfunc_end0:
.L_simem_size_0:
called_computation_lowered:
.L_overlay_start_0:
0x88: {  	s2 =	sld [smem:$0x3FD9]  }
0x89: {  	s3 =	sld [smem:$0x3FFE];
	_ =	sdelay $0x1  }
0x8a: {  	s1 =	srdreg.scid  }
0x8b: {  	s0 =	sand.u32 $0x1, s1  }
0x8c: {  	s14 =	sshll.u32 s0, $0xA;
	s2 =	sadd.s32 s3, s2  }
0x8d: {  	s2 =	sadd.s32 s2, s14  }
0x8e: {  	[smem:$0x3FC5] =	sst s2  }
0x8f: {  	_ = 	snop  }
0x90: {  	s2 =	sld [smem:$0x3FD0];
	_ =	sdelay $0x2  }
0x91: {  	s15 =	simm.s32 $0xA;
	s4 =	simm.s32 $0x10  }
0x92: {  	[smem:s4], [sflag:s15] =	dma.local [hbm:s2], $0x1  }
0x93: {  	_ =	swait.eq [sflag:s15], $0x1  }
0x94: {  	[sflag:s15] =	ssyncset.done $0x0  }
0x95: {  	s16 =	sld [smem:$0x10];
	[sflag:s15] =	ssyncadd.s32 $0xFFFFFFFF  }
0x96: {  	s17 =	sld [smem:$0x14];
	(tm) =	ssettm $0x1  }
0x97: {  	s18 =	sld [smem:$0x3FFB];
	_ =	sdelay $0x3  }
0x98: {  	_ =	strace s18  }
0x99: {  	s4 =	sld [smem:$0x3FFC];
	_ =	sdelay $0x3  }
0x9a: {  	_ =	strace s4  }
0x9b: {  	s4 =	sld [smem:$0x3FFD];
	_ =	sdelay $0x3  }
0x9c: {  	_ =	strace s4  }
0x9d: {  	_ =	strace $0x8FFFFFFF  }
0x9e: {  	s19 =	sld [smem:$0x3FDB];
	_ =	sdelay $0x1  }
0x9f: {  	s5 =	simm.s32 $_scs_section_size  }
0xa0: {  	s6 =	simm.s32 $_size__tile_overlayer_lowered;
	s7 =	simm.s32 $_tile_overlayer_lowered  }
0xa1: {  	s22 =	simm.s32 $0x1BFF;
	s21 =	sshll.u32 s7, $0x1;
	s4 =	sadd.s32 s5, s19  }
0xa2: {  	s8 =	simm.s32 $0x0;
	s20 =	sshll.u32 s6, $0x1;
	s6 =	sadd.s32 s21, s4  }
0xa3: {  	[timem:s8], [sflag:s22] =	dma.local [hbm:s6], s20  }
0xa4: {  	_ =	swait.ge [sflag:s22], s20  }
0xa5: {  	s5 =	ssub.s32 $0x0, s20;
	[sflag:s22] =	ssyncset.done $0x0  }
0xa6: {  	[sflag:s22] =	ssyncadd.s32 s5;
	_ =	sdelay $0x1  }
0xa7: {  	s23 =	simm.s32 $0x1B8B  }
0xa8: {  	_ =	swait.ge [sflag:s23], $0x1  }
0xa9: {  	[sflag:s23] =	ssyncset.done $0x0  }
0xaa: {  	s25 =	simm.s32 $0x1B8E;
	s24 =	sld [smem:$0x3FFE];
	[sflag:s23] =	ssyncadd.s32 $0xFFFFFFFF  }
0xab: {  	s26 =	simm.s32 $execute0_lowered;
	[smem:$0x3FD2] =	sst s25  }
0xac: {  	s6 =	sshll.u32 s26, $0x1;
	_ =	strace $0x80000046;
	[dreg:$0x1] =	wrdreg $0xFFFFFFFF  }
0xad: {  	s28 =	simm.s32 $_size_execute0_lowered;
	s4 =	sadd.s32 s4, s6;
	[dreg:$0x0] =	wrdreg $0x0  }
0xae: {  	s6 =	sshll.u32 s28, $0x1;
	[dreg:$0x2] =	wrdreg s4  }
0xaf: {  	[dreg:$0x3] =	wrdreg s6  }
0xb0: {  	[dreg:$0x4] =	wrdreg $0xC0  }
0xb1: {  	_ =	task [dreg:s8], $0x5FFFF  }
0xb2: {  	[dreg:$0x1] =	wrdreg $0xFFFFFFFF  }
0xb3: {  	[dreg:$0x0] =	wrdreg $0x60  }
0xb4: {  	[dreg:$0x2] =	wrdreg s24  }
0xb5: {  	[dreg:$0x3] =	wrdreg s17  }
0xb6: {  	[dreg:$0x4] =	wrdreg s16  }
0xb7: {  	[dreg:$0x5] =	wrdreg $0x4B800  }
0xb8: {  	[dreg:$0x6] =	wrdreg $0x4C200  }
0xb9: {  	[dreg:$0x7] =	wrdreg $0x9  }
0xba: {  	_ =	task.clear_ibuf [dreg:s8], $0x8FFFF;
	_ =	strace $0x90000046  }
0xbb: {  	s29 =	simm.s32 $0x9;
	_ =	strace $0x80000048  }
0xbc: {  	_ =	swait.ge [sflag:s29], $0x1  }
0xbd: {  	[sflag:s29] =	ssyncadd.s32 $0xFFFFFFFF  }
0xbe: {  	_ =	strace $0x90000048  }
0xbf: {  	_ =	sfence  }
0xc0: {  	s30 =	sld [smem:$0x0];
	_ =	sdelay $0x2  }
0xc1: {  	s31 =	sshll.u32 s1, $0xD;
	s1 =	sshrl.u32 s1, $0x2  }
0xc2: {  	s3 =	sand.u32 $0x4000, s31;
	s1 =	sadd.s32 s1, s30  }
0xc3: {  	s0 =	sor.u32 s3, s0;
	s1 =	sshll.u32 s1, $0x11  }
0xc4: {  	s0 =	sor.u32 s1, s0  }
0xc5: {  	s0 =	sadd.s32 $0x8F2B, s0  }
0xc6: {  	[sflag:s0] =	ssyncadd.remote.s32 $0x1  }
0xc7: {  	_ =	sfence.sel $0xFFFF  }
0xc8: {  	[dreg:$0x0] =	wrdreg $0xFFFFFFFF;
	(pc) =	sbr.abs _section_cstart, $3  }
0xc9: {  	[dreg:$0x1] =	wrdreg $0xFFFFFFFF  }
0xca: {  	_ =	task.clear_ibuf [dreg:s8], $0x2FFFF;
	_ =	strace $0x9FFFFFFF  }
0xcb: {  	(tm) =	ssettm $0x7FFFFFFF  }
tec
execute0_lowered:
.L_overlay_start_1:
0x0: {  	(tag) =	ssettag $0x1  }
0x1: {  	s1 =	rddreg [dreg:$0x0]  }
0x2: {  	s3 =	rddreg [dreg:$0x1]  }
0x3: {  	s2 =	srdreg.scid;
	s0 =	stileid.u32  }
0x4: {  	s6 =	rddreg [dreg:$0x2];
	s7 =	sand.u32 $0x1, s2;
	s4 =	sshrl.u32 s0, $0x2  }
0x5: {  	s8 =	sand.u32 $0x3, s0;
	s2 =	rddreg [dreg:$0x3];
	s23 =	smul.u32 $0x140, s0  }
0x6: {  	s26 =	sshll.u32 s0, $0x4;
	s5 =	sshll.u32 s7, $0x2;
	s18 =	smul.u32 $0x500, s8  }
0x7: {  	s7 =	ssub.s32 $0x2, s7;
	p0 =	sne.s32 s8, $0x0;
	s9 =	sor.u32 s4, s5  }
0x8: {  	s8 =	simm.s32 $0x4980;
	s4 =	rddreg [dreg:$0x4];
	s10 =	smul.u32 $0x1400, s9  }
0x9: {  	s5 =	simm.s32 $0x0;
	s20 =	sshrl.u32 s7, $0x1;
	s11 =	smul.u32 $0x5000, s9  }
0xa: {  	[smem:$0x7FF] =	sst s5;
	s12 =	smul.u32 $0xE, s9;
	s13 =	sshrl.u32 s18, $0x3  }
0xb: {  	s9 =	sxor.u32 $0x1, s0;
	s16 =	sadd.s32 s26, s4;
	_ =	strace $0x80000047  }
0xc: {  	s14 =	smul.u32 $0x140, s9;
	[dreg:$0xc] =	wrdreg s16;
	s10 =	sadd.s32 s18, s10  }
0xd: {  	s11 =	sor.u32 s18, s11;
	s6 =	sadd.s32 s6, s12;
	s10 =	sshrl.u32 s10, $0x3  }
0xe: {  	s11 =	sshrl.u32 s11, $0x3;
	s14 =	sshrl.u32 s14, $0x2;
	[dreg:$0xe] =	wrdreg s6  }
0xf: {  	s6 =	simm.s32 $0x1;
	s17 =	sadd.s32 s10, s1;
	s19 =	sadd.s32 s11, s1  }
0x10: {  	s1 =	sadd.s32 s12, s1;
	s11 =	ssub.s32 s7, s20;
	s7 =	sadd.s32 s3, s13  }
0x11: {  	s3 =	sshrl.u32 s23, $0x2;
	s13 =	sxor.u32 $0x2, s0;
	s12 =	simm.s32 $0x4B00  }
0x12: {  	v0 =	vimm.f32 $2.000000000e+00;
	s21 =	sadd.s32 $0x1E00, s17;
	s22 =	sadd.s32 $0x8200, s19;
	s24 =	sadd.s32 $0x8480, s19  }
0x13: {  	v62 =	vimm.f32 $1.000000000e+01;
	(erf) = vrcp.f32 v0;
	s25 =	sadd.s32 $0x8700, s19;
	s10 =	sadd.s32 $0x8980, s19;
	[dreg:$0x6] =	wrdreg s21  }
0x14: {  	v63 =	vimm.f32 $5.000000000e+00;
	(erf) = vrcp.f32 v62;
	s15 =	smul.u32 $0x140, s13;
	s3 =	sadd.s32 s3, s2;
	[dreg:$0x7] =	wrdreg s22  }
0x15: {  	(erf) = vrcp.f32 v63;
	s17 =	sadd.s32 s14, s2;
	s19 =	sshll.u32 s9, $0x4;
	[dreg:$0x8] =	wrdreg s24  }
0x16: {  	s28 =	sadd.s32 $0x21800, s1;
	s29 =	smax.u32 s11, $0x1;
	[dreg:$0x9] =	wrdreg s25  }
0x17: {  	s30 =	sadd.s32 $0x280, s7;
	s31 =	sadd.s32 $0x500, s7;
	[dreg:$0xa] =	wrdreg s10  }
0x18: {  	s11 =	simm.s32 $0x4A00;
	s14 =	simm.s32 $0x0;
	[dreg:$0xb] =	wrdreg s3  }
0x19: {  	[dreg:$0xd] =	wrdreg s17;
	s17 =	sxor.u32 $0x3, s0;
	s21 =	sshll.u32 s13, $0x4  }
0x1a: {  	s3 =	sadd.s32 s19, s4;
	s10 =	simm.s32 $0x4A80;
	s20 =	sshrl.u32 s15, $0x2  }
0x1b: {  	s22 =	smul.u32 $0x140, s17;
	[dreg:$0xf] =	wrdreg s3;
	s24 =	sadd.s32 s21, s4  }
0x1c: {  	s26 =	sshll.u32 s17, $0x4;
	s23 =	sadd.s32 s20, s2;
	[dreg:$0x11] =	wrdreg s24;
	v32 =	vpop (erf)  }
0x1d: {  	s24 =	sadd.s32 $0x21200, s1;
	[dreg:$0x10] =	wrdreg s23;
	s25 =	sshrl.u32 s22, $0x2;
	v33 =	vpop (erf);
	[tilespmem:$0x1FFD0] =	vst v32  }
0x1e: {  	s23 =	sadd.s32 s26, s4;
	s26 =	sadd.s32 $0x21600, s1;
	s3 =	sadd.s32 s25, s2;
	v34 =	vpop (erf);
	[tilespmem:$0x1FFE0] =	vst v33  }
0x1f: {  	v40 =	vlaneseq.u32;
	s25 =	sadd.s32 $0x21400, s1;
	s1 =	sadd.s32 $0x780, s7;
	[dreg:$0x12] =	wrdreg s3;
	[tilespmem:$0x1FFF0] =	vst v34  }
.LBB2_1:
0x20: {  	s3 =	rddreg [dreg:$0x6]  }
0x21: {  	[tilespmem:s5], [sflag:$0x1] =	stream.linear.gather [hbm4b:s3+s5], $0x500, $0x38;
	[tilespmem:$0x4C40] =	vst v63  }
0x22: {  	_ =	swait.ge [sflag:s6], $0x500  }
0x23: {  	[sflag:s6] =	ssyncset.done $0x0  }
0x24: {  	s16 =	simm.s32 $0x500;
	[sflag:s6] =	ssyncadd.s32 $0xFFFFFB00  }
0x25: {  	[tilespmem:s16], [sflag:$0x1] =	stream.linear.gather [hbm4b:s7+s5], $0x500, $0x38;
	[tilespmem:$0x4C40] =	vst v63  }
0x26: {  	_ =	swait.ge [sflag:s6], $0x500  }
0x27: {  	[sflag:s6] =	ssyncset.done $0x0  }
0x28: {  	s19 =	simm.s32 $0xA00;
	[sflag:s6] =	ssyncadd.s32 $0xFFFFFB00  }
0x29: {  	[tilespmem:s19], [sflag:$0x1] =	stream.linear.gather [hbm4b:s30+s5], $0x500, $0x38;
	[tilespmem:$0x4C40] =	vst v63  }
0x2a: {  	_ =	swait.ge [sflag:s6], $0x500  }
0x2b: {  	[sflag:s6] =	ssyncset.done $0x0  }
0x2c: {  	s20 =	simm.s32 $0xF00;
	[sflag:s6] =	ssyncadd.s32 $0xFFFFFB00  }
0x2d: {  	[tilespmem:s20], [sflag:$0x1] =	stream.linear.gather [hbm4b:s31+s5], $0x500, $0x38;
	[tilespmem:$0x4C40] =	vst v63  }
0x2e: {  	_ =	swait.ge [sflag:s6], $0x500  }
0x2f: {  	[sflag:s6] =	ssyncset.done $0x0  }
0x30: {  	s21 =	simm.s32 $0x1400;
	[sflag:s6] =	ssyncadd.s32 $0xFFFFFB00  }
0x31: {  	[tilespmem:s21], [sflag:$0x1] =	stream.linear.gather [hbm4b:s1+s5], $0x500, $0x38;
	[tilespmem:$0x4C40] =	vst v63  }
0x32: {  	_ =	swait.ge [sflag:s6], $0x500  }
0x33: {  	[sflag:s6] =	ssyncset.done $0x0  }
0x34: {  	s15 =	simm.s32 $0x1900;
	s22 =	rddreg [dreg:$0x7];
	[sflag:s6] =	ssyncadd.s32 $0xFFFFFB00  }
0x35: {  	[tilespmem:s15], [sflag:$0x1] =	stream.linear.gather [hbm4b:s22+s5], $0x500, $0x38;
	[tilespmem:$0x4C40] =	vst v63  }
0x36: {  	_ =	swait.ge [sflag:s6], $0x500  }
0x37: {  	[sflag:s6] =	ssyncset.done $0x0  }
0x38: {  	s16 =	simm.s32 $0x1E00;
	s15 =	rddreg [dreg:$0x8];
	[sflag:s6] =	ssyncadd.s32 $0xFFFFFB00  }
0x39: {  	[tilespmem:s16], [sflag:$0x1] =	stream.linear.gather [hbm4b:s15+s5], $0x500, $0x38;
	[tilespmem:$0x4C40] =	vst v63  }
0x3a: {  	_ =	swait.ge [sflag:s6], $0x500  }
0x3b: {  	[sflag:s6] =	ssyncset.done $0x0  }
0x3c: {  	s20 =	simm.s32 $0x2300;
	s19 =	rddreg [dreg:$0x9];
	[sflag:s6] =	ssyncadd.s32 $0xFFFFFB00  }
0x3d: {  	[tilespmem:s20], [sflag:$0x1] =	stream.linear.gather [hbm4b:s19+s5], $0x500, $0x38;
	[tilespmem:$0x4C40] =	vst v63  }
0x3e: {  	_ =	swait.ge [sflag:s6], $0x500  }
0x3f: {  	[sflag:s6] =	ssyncset.done $0x0  }
0x40: {  	s22 =	simm.s32 $0x2800;
	s21 =	rddreg [dreg:$0xa];
	[sflag:s6] =	ssyncadd.s32 $0xFFFFFB00  }
0x41: {  	[tilespmem:s22], [sflag:$0x1] =	stream.linear.gather [hbm4b:s21+s5], $0x500, $0x38;
	[tilespmem:$0x4C40] =	vst v63  }
0x42: {  	_ =	swait.ge [sflag:s6], $0x500  }
0x43: {  	[sflag:s6] =	ssyncset.done $0x0  }
0x44: {  	s15 =	simm.s32 $0x0;
	[sflag:s6] =	ssyncadd.s32 $0xFFFFFB00  }
0x45: {  	v0 =	vld [tilespmem:s15+$0x2300]  }
0x46: {  	v1 =	vld [tilespmem:s15+$0x2800]  }
0x47: {  	v2 =	vld [tilespmem:s15+$0x500]  }
0x48: {  	v3 =	vld [tilespmem:s15+$0xA00]  }
0x49: {  	v4 =	vld [tilespmem:s15+$0xF00]  }
0x4a: {  	v6 =	vld [tilespmem:s15+$0x0]  }
0x4b: {  	v5 =	vld [tilespmem:s15+$0x1400];
	v0 =	vmul.f32 v0, v34  }
0x4c: {  	v1 =	vmul.f32 v1, v34  }
0x4d: {  	v12 =	vor.u32 s18, v40;
	v0 =	vmul.f32 $1.442695020e+00, v0  }
0x4e: {  	vm1 =	vlt.u32 v12, $0x1388;
	v8 =	vld [tilespmem:s15+$0x1E00];
	v1 =	vmul.f32 $1.442695020e+00, v1  }
0x4f: {  	v7 =	vld [tilespmem:s15+$0x1900];
	vm0 =	vgt.f32 v6, $5.000000070e-02;
	(erf) = vpow2.f32 v0;
	v0 =	vsub.f32 v4, v2  }
0x50: {  	vm0 =	vmand vm1, vm0;
	(erf) = vpow2.f32 v1;
	v1 =	vsub.f32 v5, v3  }
0x51: {  	v4 =	vnsel vm0, $0xD01502F9, v6;
	v0 =	vadd.f32 $1.000000000e+00, v0  }
0x52: {  	s3 =	simm.s32 $0x10;
	[tilespmem:s15+$0x0] =	vst v4;
	v1 =	vadd.f32 $1.000000000e+00, v1  }
0x53: {  	v6 =	vmul.f32 v8, v33;
	v13 =	vld [tilespmem:s3+$0x0];
	v8 =	vmul.f32 v0, v32  }
0x54: {  	v5 =	vmul.f32 v7, v33;
	v7 =	vimm.f32 $-2.000000000e+10;
	v9 =	vmul.f32 v1, v32  }
0x55: {  	v10 =	vimm.s32 $0x0;
	vm0 =	vgt.f32 v4, v7;
	v14 =	vld [tilespmem:s3+$0x2800];
	v2 =	vadd.f32 v8, v2  }
0x56: {  	v4 =	vsel vm0, v4, v7;
	v6 =	vmul.f32 v6, v0;
	v3 =	vadd.f32 v9, v3;
	v9 =	vld [tilespmem:s3+$0x2300]  }
0x57: {  	vm0 =	vmmov vm0;
	v11 =	vmul.f32 v1, v5;
	v5 =	vimm.f32 $0.0e+00  }
0x58: {  	s16 =	sadd.s32 $0x10, s18;
	v8 =	vsel vm0, v12, v10;
	v10 =	vld [tilespmem:s3+$0xF00];
	vm1 =	vgt.f32 v13, $5.000000070e-02;
	v6 =	vadd.f32 v6, v2;
	v7 =	vpop (erf)  }
0x59: {  	v15 =	vadd.f32 v3, v11;
	v11 =	vld [tilespmem:s3+$0x500];
	v1 =	vmul.f32 v7, v1;
	v2 =	vpop (erf);
	v7 =	vor.u32 s16, v40  }
0x5a: {  	v14 =	vmul.f32 v14, v34;
	v0 =	vmul.f32 v2, v0;
	vm2 =	vlt.u32 v7, $0x1388  }
0x5b: {  	[tilespmem:$0x1FFC0] =	vst v12;
	v12 =	vld [tilespmem:s3+$0xA00];
	v16 =	vmul.f32 $5.000000000e-01, v1;
	v2 =	vmul.f32 v9, v34;
	vm1 =	vmand vm2, vm1  }
0x5c: {  	v17 =	vmul.f32 $1.442695020e+00, v14;
	v9 =	vmul.f32 $5.000000000e-01, v0;
	v18 =	vnsel vm1, $0xD01502F9, v13;
	v0 =	vld [tilespmem:s3+$0x1400]  }
0x5d: {  	v1 =	vsub.f32 v15, v16;
	v19 =	vmul.f32 $1.442695020e+00, v2;
	vm1 =	vgt.f32 v18, v4  }
0x5e: {  	v2 =	vld [tilespmem:s3+$0x1900];
	v15 =	vadd.f32 v16, v15;
	v16 =	vsub.f32 v10, v11;
	v10 =	vimm.f32 $0.0e+00  }
0x5f: {  	v13 =	vld [tilespmem:s3+$0x1E00];
	v3 =	vsub.f32 v6, v9;
	v4 =	vsel vm1, v18, v4;
	v14 =	vadd.f32 v9, v6  }
0x60: {  	s20 =	simm.s32 $0x80;
	s19 =	simm.s32 $0xC0;
	s21 =	simm.s32 $0x100;
	[tilespmem:s3+$0x0] =	vst v18;
	v9 =	vimm.f32 $0.0e+00;
	v6 =	vimm.f32 $0.0e+00;
	(erf) = vpow2.f32 v19  }
.LBB2_2:
0x61: {  	v0 =	vsub.f32 v0, v12;
	(erf) = vpow2.f32 v17  }
0x62: {  	p1 =	sne.s32 s21, $0x13C0;
	v1 =	vmax.f32 v1, $0.0e+00;
	vm2 =	vmmov vm0;
	vm0 =	vmmov vm1  }
0x63: {  	v3 =	vmax.f32 v3, $0.0e+00;
	v16 =	vadd.f32 $1.000000000e+00, v16;
	v2 =	vmul.f32 v2, v33  }
0x64: {  	v15 =	vmax.f32 v15, $0.0e+00;
	v0 =	vadd.f32 $1.000000000e+00, v0;
	v13 =	vmul.f32 v13, v33  }
0x65: {  	v1 =	vmin.f32 v1, $1.332000000e+03;
	v14 =	vmax.f32 v14, $0.0e+00;
	v17 =	vmul.f32 v16, v32  }
0x66: {  	v3 =	vmin.f32 v3, $7.990000000e+02;
	v18 =	vmul.f32 v0, v32;
	v2 =	vmul.f32 v0, v2;
	[tilespmem:s15+$0x3200] =	vst v1  }
0x67: {  	s22 =	sshra.s32 s20, $0x2;
	s20 =	smov.u32 s19;
	s19 =	smov.u32 s21;
	v15 =	vmin.f32 v15, $1.332000000e+03;
	v13 =	vmul.f32 v13, v16;
	v11 =	vadd.f32 v17, v11;
	[tilespmem:s15+$0x2D00] =	vst v3  }
0x68: {  	v14 =	vmin.f32 v14, $7.990000000e+02;
	v17 =	vld [tilespmem:s22+$0x0];
	v12 =	vadd.f32 v18, v12;
	[tilespmem:s15+$0x3C00] =	vst v15;
	v18 =	vsub.f32 v15, v1  }
0x69: {  	v5 =	vsel vm2, v3, v5;
	v19 =	vld [tilespmem:s22+$0x2300];
	v20 =	vadd.f32 v13, v11;
	[tilespmem:s15+$0x3700] =	vst v14;
	v13 =	vsub.f32 v14, v3  }
0x6a: {  	v10 =	vsel vm2, v1, v10;
	v9 =	vsel vm2, v14, v9;
	v3 =	vld [tilespmem:s22+$0x2800];
	v21 =	vadd.f32 v12, v2;
	v2 =	vpop (erf)  }
0x6b: {  	s16 =	sadd.s32 $0x10, s16;
	v6 =	vsel vm2, v15, v6;
	v11 =	vld [tilespmem:s22+$0x500];
	v0 =	vmul.f32 v2, v0;
	v1 =	vpop (erf);
	v2 =	vmul.f32 v13, v18  }
0x6c: {  	v8 =	vsel vm0, v7, v8;
	v7 =	vor.u32 s16, v40;
	v12 =	vld [tilespmem:s22+$0xA00];
	v1 =	vmul.f32 v1, v16  }
0x6d: {  	vm2 =	vlt.u32 v7, $0x1388;
	v14 =	vld [tilespmem:s22+$0xF00];
	vm1 =	vgt.f32 v17, $5.000000070e-02;
	v15 =	vmul.f32 $5.000000000e-01, v0;
	[tilespmem:s15+$0x4100] =	vst v2;
	s15 =	smov.u32 s3;
	s3 =	smov.u32 s22  }
.Ltmp0:
0x6e: {  	v0 =	vld [tilespmem:s3+$0x1400];
	v16 =	vmul.f32 v19, v34;
	vm1 =	vmand vm2, vm1;
	v18 =	vmul.f32 $5.000000000e-01, v1;
	(pc) =	sbr.rel @p1 .LBB2_2-.Ltmp0, $4  }
0x6f: {  	v2 =	vld [tilespmem:s3+$0x1900];
	v19 =	vmul.f32 v3, v34;
	v22 =	vnsel vm1, $0xD01502F9, v17;
	v1 =	vsub.f32 v21, v15  }
0x70: {  	v13 =	vld [tilespmem:s3+$0x1E00];
	v23 =	vmul.f32 $1.442695020e+00, v16;
	[tilespmem:s3+$0x0] =	vst v22;
	vm1 =	vgt.f32 v22, v4;
	v3 =	vsub.f32 v20, v18  }
0x71: {  	v15 =	vadd.f32 v15, v21;
	v17 =	vmul.f32 $1.442695020e+00, v19;
	v4 =	vsel vm1, v22, v4  }
0x72: {  	s21 =	sadd.s32 $0x40, s21;
	v16 =	vsub.f32 v14, v11;
	(erf) = vpow2.f32 v23;
	v14 =	vadd.f32 v18, v20  }
0x73: {  	(erf) = vpow2.f32 v17;
	_ =	sdelay $0x1  }
0x74: {  	v1 =	vmax.f32 v1, $0.0e+00  }
0x75: {  	v0 =	vsub.f32 v0, v12;
	v3 =	vmax.f32 v3, $0.0e+00;
	v1 =	vmin.f32 v1, $1.332000000e+03  }
0x76: {  	v3 =	vmin.f32 v3, $7.990000000e+02;
	v46 =	vadd.f32 $1.000000000e+00, v16;
	v18 =	vmul.f32 v2, v33  }
0x77: {  	v2 =	vmax.f32 v14, $0.0e+00;
	[tilespmem:s15+$0x3200] =	vst v1;
	v45 =	vadd.f32 $1.000000000e+00, v0;
	v0 =	vmax.f32 v15, $0.0e+00  }
0x78: {  	s20 =	sshra.s32 s20, $0x2;
	[tilespmem:s15+$0x2D00] =	vst v3;
	v13 =	vmul.f32 v13, v33;
	v2 =	vmin.f32 v2, $7.990000000e+02;
	v0 =	vmin.f32 v0, $1.332000000e+03  }
0x79: {  	v47 =	vld [tilespmem:s20+$0x0];
	v20 =	vmul.f32 v46, v32;
	v22 =	vsub.f32 v2, v3;
	v48 =	vmul.f32 v45, v32;
	[tilespmem:s15+$0x3C00] =	vst v0  }
0x7a: {  	v18 =	vmul.f32 v45, v18;
	v21 =	vsub.f32 v0, v1;
	v13 =	vmul.f32 v13, v46;
	v19 =	vld [tilespmem:s20+$0x2300];
	[tilespmem:s15+$0x3700] =	vst v2;
	v50 =	vpop (erf)  }
0x7b: {  	s16 =	sadd.s32 $0x10, s16;
	v11 =	vadd.f32 v20, v11;
	v49 =	vadd.f32 v48, v12;
	v23 =	vld [tilespmem:s20+$0x2800];
	v14 =	vmul.f32 v50, v45;
	v51 =	vpop (erf)  }
0x7c: {  	v54 =	vmul.f32 v22, v21;
	v12 =	vor.u32 s16, v40;
	v15 =	vmul.f32 v51, v46  }
0x7d: {  	v11 =	vadd.f32 v13, v11;
	v53 =	vadd.f32 v49, v18;
	v14 =	vmul.f32 $5.000000000e-01, v14  }
0x7e: {  	v52 =	vld [tilespmem:s20+$0x500];
	vm3 =	vlt.u32 v12, $0x1388;
	vm2 =	vgt.f32 v47, $5.000000070e-02;
	v24 =	vmul.f32 $5.000000000e-01, v15  }
0x7f: {  	v55 =	vld [tilespmem:s20+$0xA00];
	vm2 =	vmand vm3, vm2;
	v19 =	vmul.f32 v19, v34;
	v57 =	vsub.f32 v53, v14  }
0x80: {  	v56 =	vld [tilespmem:s20+$0xF00];
	[tilespmem:s15+$0x4100] =	vst v54;
	v23 =	vmul.f32 v23, v34;
	v15 =	vnsel vm2, $0xD01502F9, v47;
	v25 =	vsub.f32 v11, v24  }
0x81: {  	v18 =	vld [tilespmem:s20+$0x1400];
	v19 =	vmul.f32 $1.442695020e+00, v19;
	v14 =	vadd.f32 v14, v53;
	v13 =	vmax.f32 v57, $0.0e+00  }
0x82: {  	v26 =	vld [tilespmem:s20+$0x1900];
	[tilespmem:s20+$0x0] =	vst v15;
	v24 =	vadd.f32 v24, v11;
	v59 =	vmax.f32 v25, $0.0e+00;
	v13 =	vmin.f32 v13, $1.332000000e+03  }
0x83: {  	v58 =	vld [tilespmem:s20+$0x1E00];
	v61 =	vmul.f32 $1.442695020e+00, v23;
	v60 =	vmax.f32 v14, $0.0e+00;
	v17 =	vmin.f32 v59, $7.990000000e+02;
	[tilespmem:s3+$0x3200] =	vst v13  }
0x84: {  	s19 =	sshra.s32 s19, $0x2;
	(erf) = vpow2.f32 v19;
	v11 =	vmin.f32 v60, $1.332000000e+03;
	v62 =	vmax.f32 v24, $0.0e+00;
	[tilespmem:s3+$0x2D00] =	vst v17  }
0x85: {  	v22 =	vsub.f32 v56, v52;
	(erf) = vpow2.f32 v61;
	v14 =	vmin.f32 v62, $7.990000000e+02;
	v23 =	vld [tilespmem:s19+$0x0];
	[tilespmem:s3+$0x3C00] =	vst v11  }
0x86: {  	v63 =	vld [tilespmem:s19+$0x2300];
	[tilespmem:s3+$0x3700] =	vst v14  }
0x87: {  	v22 =	vadd.f32 $1.000000000e+00, v22;
	v18 =	vsub.f32 v18, v55;
	v35 =	vld [tilespmem:s19+$0x2800]  }
0x88: {  	v37 =	vsub.f32 v11, v13;
	v27 =	vsub.f32 v14, v17  }
0x89: {  	v36 =	vmul.f32 v26, v33;
	v16 =	vmul.f32 v58, v33;
	v18 =	vadd.f32 $1.000000000e+00, v18  }
0x8a: {  	s21 =	sadd.s32 $0x10, s16;
	v28 =	vmul.f32 v22, v32;
	v26 =	vmul.f32 v27, v37;
	v30 =	vld [tilespmem:s19+$0x500]  }
0x8b: {  	v49 =	vor.u32 s21, v40;
	v29 =	vmul.f32 v18, v32;
	v38 =	vld [tilespmem:s19+$0xA00];
	v19 =	vmul.f32 v63, v34  }
0x8c: {  	vm14 =	vlt.u32 v49, $0x1388;
	v16 =	vmul.f32 v16, v22;
	v31 =	vld [tilespmem:s19+$0xF00];
	[tilespmem:s3+$0x4100] =	vst v26;
	v24 =	vmul.f32 v35, v34  }
0x8d: {  	v25 =	vmul.f32 v18, v36;
	v21 =	vadd.f32 v29, v55;
	v39 =	vpop (erf);
	v42 =	vld [tilespmem:s19+$0x1400];
	v19 =	vmul.f32 $1.442695020e+00, v19  }
0x8e: {  	v20 =	vadd.f32 v28, v52;
	v18 =	vmul.f32 v39, v18;
	v41 =	vpop (erf);
	v24 =	vmul.f32 $1.442695020e+00, v24  }
0x8f: {  	v43 =	vadd.f32 v21, v25;
	v45 =	vld [tilespmem:s19+$0x1900];
	v22 =	vmul.f32 v41, v22;
	(erf) = vpow2.f32 v19  }
0x90: {  	vm13 =	vgt.f32 v23, $5.000000070e-02;
	v18 =	vmul.f32 $5.000000000e-01, v18;
	(erf) = vpow2.f32 v24  }
0x91: {  	v16 =	vadd.f32 v16, v20;
	v47 =	vld [tilespmem:s19+$0x1E00];
	vm2 =	vmand vm14, vm13;
	v48 =	vsub.f32 v31, v30  }
0x92: {  	v44 =	vmul.f32 $5.000000000e-01, v22;
	v46 =	vsub.f32 v43, v18;
	v29 =	vsub.f32 v42, v38  }
0x93: {  	v62 =	vnsel vm2, $0xD01502F9, v23;
	v18 =	vadd.f32 v18, v43;
	v51 =	vadd.f32 $1.000000000e+00, v48  }
0x94: {  	v21 =	vmul.f32 v45, v33;
	v50 =	vsub.f32 v16, v44;
	v16 =	vadd.f32 v44, v16  }
0x95: {  	v52 =	vmax.f32 v46, $0.0e+00;
	v53 =	vadd.f32 $1.000000000e+00, v29;
	v55 =	vmul.f32 v51, v32  }
0x96: {  	v24 =	vmul.f32 v47, v33;
	v18 =	vmax.f32 v18, $0.0e+00;
	v54 =	vmax.f32 v50, $0.0e+00  }
0x97: {  	v20 =	vmin.f32 v52, $1.332000000e+03;
	v16 =	vmax.f32 v16, $0.0e+00;
	v29 =	vmul.f32 v53, v32  }
0x98: {  	v18 =	vmin.f32 v18, $1.332000000e+03;
	v28 =	vadd.f32 v55, v30;
	v21 =	vmul.f32 v53, v21;
	v56 =	vpop (erf)  }
0x99: {  	v24 =	vmul.f32 v24, v51;
	v27 =	vadd.f32 v29, v38;
	v57 =	vpop (erf);
	v22 =	vmul.f32 v56, v53  }
0x9a: {  	v25 =	vmin.f32 v54, $7.990000000e+02;
	v16 =	vmin.f32 v16, $7.990000000e+02;
	v19 =	vmul.f32 v57, v51  }
0x9b: {  	v58 =	vsub.f32 v18, v20;
	v21 =	vadd.f32 v27, v21;
	v22 =	vmul.f32 $5.000000000e-01, v22  }
0x9c: {  	[tilespmem:s19+$0x0] =	vst v62;
	v59 =	vsub.f32 v16, v25;
	v24 =	vadd.f32 v24, v28;
	v19 =	vmul.f32 $5.000000000e-01, v19  }
0x9d: {  	[tilespmem:s20+$0x3200] =	vst v20;
	v60 =	vsub.f32 v21, v22;
	v21 =	vadd.f32 v22, v21  }
0x9e: {  	[tilespmem:s20+$0x3C00] =	vst v18;
	v61 =	vsub.f32 v24, v19;
	v19 =	vadd.f32 v19, v24  }
0x9f: {  	[tilespmem:s20+$0x2D00] =	vst v25;
	v63 =	vmul.f32 v59, v58;
	v31 =	vmax.f32 v60, $0.0e+00;
	v21 =	vmax.f32 v21, $0.0e+00  }
0xa0: {  	[tilespmem:s20+$0x3700] =	vst v16;
	v32 =	vmax.f32 v61, $0.0e+00;
	v24 =	vmin.f32 v31, $1.332000000e+03;
	v19 =	vmax.f32 v19, $0.0e+00  }
0xa1: {  	[tilespmem:s20+$0x4100] =	vst v63;
	v21 =	vmin.f32 v21, $1.332000000e+03;
	v27 =	vmin.f32 v32, $7.990000000e+02;
	v19 =	vmin.f32 v19, $7.990000000e+02  }
0xa2: {  	v33 =	vsub.f32 v21, v24;
	[tilespmem:s19+$0x3200] =	vst v24;
	v34 =	vsub.f32 v19, v27  }
0xa3: {  	vm15 =	vgt.f32 v15, v4;
	[tilespmem:s19+$0x3C00] =	vst v21  }
0xa4: {  	vm0 =	vmmov vm0;
	v4 =	vsel vm15, v15, v4;
	[tilespmem:s19+$0x2D00] =	vst v27;
	v23 =	vmul.f32 v34, v33  }
0xa5: {  	vm1 =	vmmov vm1;
	v3 =	vsel vm0, v3, v5;
	vm6 =	vgt.f32 v62, v4;
	[tilespmem:s19+$0x3700] =	vst v19  }
0xa6: {  	v5 =	vsel vm1, v7, v8;
	vm2 =	vmmov vm15;
	v4 =	vsel vm6, v62, v4;
	[tilespmem:s19+$0x4100] =	vst v23  }
0xa7: {  	v5 =	vsel vm2, v12, v5;
	vm3 =	vmmov vm6;
	[tilespmem:$0x4880] =	vst v4  }
0xa8: {  	vm1 =	vmmov vm1;
	v5 =	vsel vm3, v49, v5;
	[tilespmem:$0x4890] =	vst v4  }
0xa9: {  	v3 =	vsel vm1, v17, v3;
	vm2 =	vmmov vm2;
	[tilespmem:$0x4900] =	vst v5  }
0xaa: {  	v1 =	vsel vm0, v1, v10;
	vm3 =	vmmov vm3;
	v3 =	vsel vm2, v25, v3;
	[tilespmem:$0x4910] =	vst v5;
	v7 =	vld [tilespmem:$0x4888]  }
0xab: {  	v1 =	vsel vm1, v13, v1;
	v3 =	vsel vm3, v27, v3;
	v36 =	vld [tilespmem:$0x4908]  }
0xac: {  	v2 =	vsel vm0, v2, v9;
	v1 =	vsel vm2, v20, v1;
	[tilespmem:$0x4880] =	vst v3  }
0xad: {  	v2 =	vsel vm1, v14, v2;
	v1 =	vsel vm3, v24, v1;
	[tilespmem:$0x4890] =	vst v3  }
0xae: {  	v0 =	vsel vm0, v0, v6;
	v2 =	vsel vm2, v16, v2;
	v35 =	vld [tilespmem:$0x4888];
	[tilespmem:$0x4880] =	vst v1  }
0xaf: {  	v0 =	vsel vm1, v11, v0;
	v2 =	vsel vm3, v19, v2;
	[tilespmem:$0x4890] =	vst v1  }
0xb0: {  	v0 =	vsel vm2, v18, v0;
	v6 =	vld [tilespmem:$0x4888];
	[tilespmem:$0x4880] =	vst v2;
	vm7 =	veq.f32 v7, v4;
	vm8 =	vlt.s32 v36, v5  }
0xb1: {  	v0 =	vsel vm3, v21, v0;
	[tilespmem:$0x4890] =	vst v2;
	vm9 =	vgt.f32 v7, v4;
	vm0 =	vmand vm7, vm8  }
0xb2: {  	v37 =	vld [tilespmem:$0x4888];
	[tilespmem:$0x4880] =	vst v0;
	vm0 =	vmor vm9, vm0  }
0xb3: {  	[tilespmem:$0x4890] =	vst v0;
	v4 =	vsel vm0, v7, v4  }
0xb4: {  	v7 =	vld [tilespmem:$0x4888];
	[tilespmem:$0x4880] =	vst v4  }
0xb5: {  	v5 =	vsel vm0, v36, v5;
	[tilespmem:$0x4890] =	vst v4  }
0xb6: {  	[tilespmem:$0x4900] =	vst v5  }
0xb7: {  	[tilespmem:$0x4910] =	vst v5;
	v38 =	vld [tilespmem:$0x4884]  }
0xb8: {  	v3 =	vsel vm0, v35, v3;
	v39 =	vld [tilespmem:$0x4904]  }
0xb9: {  	[tilespmem:$0x4880] =	vst v3  }
0xba: {  	v1 =	vsel vm0, v6, v1;
	[tilespmem:$0x4890] =	vst v3  }
0xbb: {  	v6 =	vld [tilespmem:$0x4884];
	[tilespmem:$0x4880] =	vst v1  }
0xbc: {  	v2 =	vsel vm0, v37, v2;
	[tilespmem:$0x4890] =	vst v1  }
0xbd: {  	v41 =	vld [tilespmem:$0x4884];
	[tilespmem:$0x4880] =	vst v2;
	vm10 =	veq.f32 v38, v4;
	vm11 =	vlt.s32 v39, v5  }
0xbe: {  	[tilespmem:$0x4890] =	vst v2;
	v0 =	vsel vm0, v7, v0;
	vm12 =	vgt.f32 v38, v4;
	vm0 =	vmand vm10, vm11  }
0xbf: {  	v7 =	vld [tilespmem:$0x4884];
	[tilespmem:$0x4880] =	vst v0;
	vm0 =	vmor vm12, vm0  }
0xc0: {  	[tilespmem:$0x4890] =	vst v0;
	v4 =	vsel vm0, v38, v4  }
0xc1: {  	v42 =	vld [tilespmem:$0x4884];
	[tilespmem:$0x4880] =	vst v4  }
0xc2: {  	v5 =	vsel vm0, v39, v5;
	[tilespmem:$0x4890] =	vst v4  }
0xc3: {  	[tilespmem:$0x4900] =	vst v5  }
0xc4: {  	v3 =	vsel vm0, v6, v3;
	[tilespmem:$0x4910] =	vst v5;
	v6 =	vld [tilespmem:$0x4882]  }
0xc5: {  	v44 =	vld [tilespmem:$0x4902]  }
0xc6: {  	[tilespmem:$0x4880] =	vst v3  }
0xc7: {  	v1 =	vsel vm0, v41, v1;
	[tilespmem:$0x4890] =	vst v3  }
0xc8: {  	v43 =	vld [tilespmem:$0x4882];
	[tilespmem:$0x4880] =	vst v1  }
0xc9: {  	v2 =	vsel vm0, v7, v2;
	[tilespmem:$0x4890] =	vst v1  }
0xca: {  	v7 =	vld [tilespmem:$0x4882];
	[tilespmem:$0x4880] =	vst v2;
	vm13 =	veq.f32 v6, v4;
	vm14 =	vlt.s32 v44, v5  }
0xcb: {  	v0 =	vsel vm0, v42, v0;
	[tilespmem:$0x4890] =	vst v2;
	vm15 =	vgt.f32 v6, v4;
	vm0 =	vmand vm13, vm14  }
0xcc: {  	v45 =	vld [tilespmem:$0x4882];
	[tilespmem:$0x4880] =	vst v0;
	vm0 =	vmor vm15, vm0  }
0xcd: {  	[tilespmem:$0x4890] =	vst v0;
	v4 =	vsel vm0, v6, v4  }
0xce: {  	v6 =	vld [tilespmem:$0x4882];
	[tilespmem:$0x4880] =	vst v4  }
0xcf: {  	v5 =	vsel vm0, v44, v5;
	[tilespmem:$0x4890] =	vst v4  }
0xd0: {  	[tilespmem:$0x4900] =	vst v5  }
0xd1: {  	v3 =	vsel vm0, v43, v3;
	[tilespmem:$0x4910] =	vst v5;
	v46 =	vld [tilespmem:$0x4881]  }
0xd2: {  	[tilespmem:$0x4880] =	vst v3;
	v47 =	vld [tilespmem:$0x4901]  }
0xd3: {  	v1 =	vsel vm0, v7, v1;
	[tilespmem:$0x4890] =	vst v3  }
0xd4: {  	v7 =	vld [tilespmem:$0x4881];
	[tilespmem:$0x4880] =	vst v1  }
0xd5: {  	v2 =	vsel vm0, v45, v2;
	[tilespmem:$0x4890] =	vst v1  }
0xd6: {  	v48 =	vld [tilespmem:$0x4881];
	[tilespmem:$0x4880] =	vst v2  }
0xd7: {  	[tilespmem:$0x4890] =	vst v2;
	v0 =	vsel vm0, v6, v0;
	vm4 =	veq.f32 v46, v4;
	vm5 =	vlt.s32 v47, v5  }
0xd8: {  	v6 =	vld [tilespmem:$0x4881];
	[tilespmem:$0x4880] =	vst v0;
	vm6 =	vgt.f32 v46, v4;
	vm0 =	vmand vm4, vm5  }
0xd9: {  	[tilespmem:$0x4890] =	vst v0;
	vm0 =	vmor vm6, vm0  }
0xda: {  	v49 =	vld [tilespmem:$0x4881];
	v4 =	vsel vm0, v46, v4  }
0xdb: {  	v3 =	vsel vm0, v7, v3;
	[tilespmem:$0x4980] =	vst v4  }
0xdc: {  	v1 =	vsel vm0, v48, v1;
	[tilespmem:$0x4990] =	vst v3  }
0xdd: {  	v2 =	vsel vm0, v6, v2;
	[tilespmem:$0x49A0] =	vst v1  }
0xde: {  	v5 =	vsel vm0, v47, v5;
	[tilespmem:$0x49B0] =	vst v2  }
0xdf: {  	[tilespmem:$0x4A80] =	vst v5;
	v0 =	vsel vm0, v49, v0  }
0xe0: {  	s22 =	rddreg [dreg:$0xb];
	[tilespmem:$0x49C0] =	vst v0  }
0xe1: {  	[spmem:s22] =	stream.linear.scatter [tilespmem:s8], [sflag:$0x1], $0x50, $0x38;
	[tilespmem:$0x4C40] =	vst v63  }
0xe2: {  	_ =	swait.ge [sflag:s6], $0x50  }
0xe3: {  	[sflag:s6] =	ssyncset.done $0x0  }
0xe4: {  	s15 =	rddreg [dreg:$0xc];
	[sflag:s6] =	ssyncadd.s32 $0xFFFFFFB0  }
0xe5: {  	[spmem:s15] =	stream.linear.scatter [tilespmem:s10], [sflag:$0x1], $0x10, $0x38;
	[tilespmem:$0x4C40] =	vst v63  }
0xe6: {  	_ =	swait.ge [sflag:s6], $0x10  }
0xe7: {  	[sflag:s6] =	ssyncset.done $0x0  }
0xe8: {  	[sflag:s6] =	ssyncadd.s32 $0xFFFFFFF0  }
0xe9: {  	[bflag:$0x0] =	sbarrier.arrive $0xFFFF  }
0xea: {  	s16 =	rddreg [dreg:$0xd]  }
0xeb: {  	[tilespmem:s11], [sflag:$0x1] =	stream.linear.gather [spmem:s16], $0x50, $0x38;
	[tilespmem:$0x4C40] =	vst v63  }
0xec: {  	_ =	swait.ge [sflag:s6], $0x50  }
0xed: {  	[sflag:s6] =	ssyncset.done $0x0  }
0xee: {  	s19 =	rddreg [dreg:$0xf];
	[sflag:s6] =	ssyncadd.s32 $0xFFFFFFB0  }
0xef: {  	[tilespmem:s12], [sflag:$0x1] =	stream.linear.gather [spmem:s19], $0x10, $0x38;
	[tilespmem:$0x4C40] =	vst v63  }
0xf0: {  	_ =	swait.ge [sflag:s6], $0x10  }
0xf1: {  	[sflag:s6] =	ssyncset.done $0x0  }
0xf2: {  	[sflag:s6] =	ssyncadd.s32 $0xFFFFFFF0  }
0xf3: {  	v6 =	vld [tilespmem:$0x4A00]  }
0xf4: {  	v7 =	vld [tilespmem:$0x4A10]  }
0xf5: {  	v50 =	vld [tilespmem:$0x4A20]  }
0xf6: {  	v51 =	vld [tilespmem:$0x4A30]  }
0xf7: {  	s20 =	rddreg [dreg:$0x10];
	v52 =	vld [tilespmem:$0x4A40]  }
0xf8: {  	v53 =	vld [tilespmem:$0x4B00];
	[tilespmem:s11], [sflag:$0x1] =	stream.linear.gather [spmem:s20], $0x50, $0x38  }
0xf9: {  	_ =	swait.ge [sflag:s6], $0x50  }
0xfa: {  	[sflag:s6] =	ssyncset.done $0x0  }
0xfb: {  	s21 =	rddreg [dreg:$0x11];
	[sflag:s6] =	ssyncadd.s32 $0xFFFFFFB0  }
0xfc: {  	[tilespmem:s12], [sflag:$0x1] =	stream.linear.gather [spmem:s21], $0x10, $0x38;
	[tilespmem:$0x4C40] =	vst v63  }
0xfd: {  	_ =	swait.ge [sflag:s6], $0x10  }
0xfe: {  	[sflag:s6] =	ssyncset.done $0x0  }
0xff: {  	[sflag:s6] =	ssyncadd.s32 $0xFFFFFFF0  }
0x100: {  	v54 =	vld [tilespmem:$0x4A00]  }
0x101: {  	v55 =	vld [tilespmem:$0x4A10]  }
0x102: {  	v56 =	vld [tilespmem:$0x4A20]  }
0x103: {  	v57 =	vld [tilespmem:$0x4A30]  }
0x104: {  	s22 =	rddreg [dreg:$0x12];
	v58 =	vld [tilespmem:$0x4A40]  }
0x105: {  	v59 =	vld [tilespmem:$0x4B00];
	[tilespmem:s11], [sflag:$0x1] =	stream.linear.gather [spmem:s22], $0x50, $0x38  }
0x106: {  	_ =	swait.ge [sflag:s6], $0x50  }
0x107: {  	[sflag:s6] =	ssyncset.done $0x0  }
0x108: {  	[sflag:s6] =	ssyncadd.s32 $0xFFFFFFB0  }
0x109: {  	[tilespmem:s12], [sflag:$0x1] =	stream.linear.gather [spmem:s23], $0x10, $0x38;
	[tilespmem:$0x4C40] =	vst v63  }
0x10a: {  	_ =	swait.ge [sflag:s6], $0x10  }
0x10b: {  	vm7 =	veq.f32 v6, v4;
	vm8 =	vlt.s32 v53, v5;
	[sflag:s6] =	ssyncset.done $0x0  }
0x10c: {  	vm9 =	vgt.f32 v6, v4;
	vm0 =	vmand vm7, vm8;
	[sflag:s6] =	ssyncadd.s32 $0xFFFFFFF0  }
0x10d: {  	vm0 =	vmor vm9, vm0;
	v60 =	vld [tilespmem:$0x4A00]  }
0x10e: {  	v4 =	vsel vm0, v6, v4;
	v5 =	vsel vm0, v53, v5;
	v6 =	vld [tilespmem:$0x4B00]  }
0x10f: {  	vm10 =	veq.f32 v54, v4;
	vm11 =	vlt.s32 v59, v5  }
0x110: {  	vm12 =	vgt.f32 v54, v4;
	vm1 =	vmand vm10, vm11  }
0x111: {  	v3 =	vsel vm0, v7, v3;
	vm1 =	vmor vm12, vm1  }
0x112: {  	v1 =	vsel vm0, v50, v1;
	v61 =	vld [tilespmem:$0x4A10];
	v4 =	vsel vm1, v54, v4;
	v5 =	vsel vm1, v59, v5  }
0x113: {  	v2 =	vsel vm0, v51, v2;
	v7 =	vld [tilespmem:$0x4A20];
	vm13 =	veq.f32 v60, v4;
	vm14 =	vlt.s32 v6, v5  }
0x114: {  	v0 =	vsel vm0, v52, v0;
	v62 =	vld [tilespmem:$0x4A30];
	vm15 =	vgt.f32 v60, v4;
	vm0 =	vmand vm13, vm14  }
0x115: {  	v63 =	vld [tilespmem:$0x4A40];
	v3 =	vsel vm1, v55, v3;
	vm0 =	vmor vm15, vm0  }
0x116: {  	v10 =	vsel vm1, v58, v0;
	v0 =	vsel vm0, v60, v4;
	v4 =	vsel vm0, v6, v5  }
0x117: {  	v1 =	vsel vm1, v56, v1;
	v3 =	vsel vm0, v61, v3;
	[tilespmem:$0x1FF70] =	vst v4  }
0x118: {  	v2 =	vsel vm1, v57, v2;
	v1 =	vsel vm0, v7, v1;
	[tilespmem:$0x1FF80] =	vst v3  }
0x119: {  	[tilespmem:$0x1FF90] =	vst v1;
	v1 =	vsel vm0, v62, v2  }
0x11a: {  	v5 =	vimm.f32 $-1.000000000e+00;
	v2 =	vimm.f32 $0.0e+00;
	[tilespmem:$0x1FFA0] =	vst v1;
	v1 =	vsel vm0, v63, v10  }
0x11b: {  	s15 =	simm.s32 $0x0;
	v3 =	vimm.f32 $0.0e+00;
	v4 =	vimm.f32 $0.0e+00;
	[tilespmem:$0x1FFB0] =	vst v1;
	v1 =	vimm.f32 $0.0e+00  }
.LBB2_4:
0x11c: {  	v33 =	vld [tilespmem:$0x1FF80]  }
0x11d: {  	v22 =	vld [tilespmem:$0x1FF90]  }
0x11e: {  	s3 =	sand.u32 $0xF, s15;
	v29 =	vld [tilespmem:$0x1FFA0]  }
0x11f: {  	vm0 =	vgt.f32 v0, $-5.000000000e+09;
	p2 =	seq.s32 s15, $0x63;
	v26 =	vld [tilespmem:$0x1FFB0];
	v6 =	vmov s3;
	p1 =	seq.s32 s3, $0xF  }
0x120: {  	v0 =	vnsel vm0, $0x0, v0;
	vm1 =	veq.s32 v6, v40;
	p1 =	por p2, p1  }
0x121: {  	v5 =	vsel vm1, v0, v5;
	s3 =	sand.u32 @p1 $0x70, s15;
	v0 =	vnsel vm0, $0x0, v33  }
0x122: {  	[tilespmem:s3+$0x4600] =	vst @p1 v5;
	v4 =	vsel vm1, v0, v4;
	v0 =	vnsel vm0, $0x0, v22  }
0x123: {  	v3 =	vsel vm1, v0, v3;
	v0 =	vnsel vm0, $0x0, v29;
	[tilespmem:s3+$0x4680] =	vst @p1 v4  }
0x124: {  	v2 =	vsel vm1, v0, v2;
	v0 =	vnsel vm0, $0x0, v26;
	[tilespmem:s3+$0x4700] =	vst @p1 v3  }
0x125: {  	v0 =	vsel vm1, v0, v1;
	[tilespmem:s3+$0x4780] =	vst @p1 v2  }
0x126: {  	s21 =	simm.s32 $0x0;
	[tilespmem:s3+$0x4800] =	vst @p1 v0  }
0x127: {  	[tilespmem:$0x1FE70] =	vst v0;
	v0 =	vld [tilespmem:s21+$0x4100]  }
0x128: {  	v1 =	vld [tilespmem:s21+$0x4110]  }
0x129: {  	[tilespmem:$0x1FE60] =	vst v2;
	v2 =	vld [tilespmem:s21+$0x4120]  }
0x12a: {  	[tilespmem:$0x1FE30] =	vst v5;
	v5 =	vld [tilespmem:s21+$0x2D00]  }
0x12b: {  	v6 =	vld [tilespmem:s21+$0x3200]  }
0x12c: {  	v16 =	vld [tilespmem:s21+$0x3700]  }
0x12d: {  	v18 =	vld [tilespmem:s21+$0x3C00]  }
0x12e: {  	v7 =	vld [tilespmem:s21+$0x2D10]  }
0x12f: {  	[tilespmem:$0x1FE40] =	vst v4;
	v8 =	vld [tilespmem:s21+$0x3210]  }
0x130: {  	[tilespmem:$0x1FE50] =	vst v3;
	v9 =	vld [tilespmem:s21+$0x3710]  }
0x131: {  	v4 =	vsub.f32 v26, v22;
	v3 =	vsub.f32 v29, v33;
	v10 =	vld [tilespmem:s21+$0x3C10];
	[tilespmem:$0x1FE80] =	vst v5  }
0x132: {  	v11 =	vld [tilespmem:s21+$0x2D20];
	[tilespmem:$0x1FE90] =	vst v18  }
0x133: {  	v19 =	vmul.f32 v4, v3;
	v12 =	vld [tilespmem:s21+$0x3220];
	[tilespmem:$0x1FEA0] =	vst v7  }
0x134: {  	v55 =	vimm.s32 $0x0;
	v13 =	vld [tilespmem:s21+$0x3720];
	[tilespmem:$0x1FEB0] =	vst v8  }
0x135: {  	v60 =	vimm.f32 $0.0e+00;
	v59 =	vimm.f32 $0.0e+00;
	v14 =	vld [tilespmem:s21+$0x3C20];
	v0 =	vadd.f32 v0, v19;
	[tilespmem:$0x1FEC0] =	vst v9  }
0x136: {  	v15 =	vld [tilespmem:s21+$0x2D30];
	v3 =	vmax.f32 v33, v5;
	v1 =	vadd.f32 v1, v19;
	v2 =	vadd.f32 v2, v19;
	[tilespmem:$0x1FED0] =	vst v10  }
0x137: {  	v54 =	vimm.f32 $0.0e+00;
	v17 =	vld [tilespmem:s21+$0x3230];
	v39 =	vmovc v6;
	v4 =	vmax.f32 v22, v6;
	v35 =	vmovc v16;
	v5 =	vmin.f32 v29, v16;
	[tilespmem:$0x1FEE0] =	vst v11  }
0x138: {  	v6 =	vmin.f32 v26, v18;
	v7 =	vmax.f32 v33, v7;
	v8 =	vmax.f32 v22, v8;
	[tilespmem:$0x1FEF0] =	vst v12  }
0x139: {  	v9 =	vmin.f32 v29, v9;
	v10 =	vmin.f32 v26, v10;
	v11 =	vmax.f32 v33, v11;
	[tilespmem:$0x1FF00] =	vst v13  }
0x13a: {  	v16 =	vld [tilespmem:s21+$0x3730];
	v12 =	vmax.f32 v22, v12;
	v13 =	vmin.f32 v29, v13;
	[tilespmem:$0x1FF10] =	vst v14;
	v14 =	vmin.f32 v26, v14  }
0x13b: {  	v18 =	vld [tilespmem:s21+$0x3C30];
	[tilespmem:$0x1FF20] =	vst v15;
	v15 =	vmax.f32 v33, v15;
	v3 =	vsub.f32 v5, v3;
	v4 =	vsub.f32 v6, v4  }
0x13c: {  	s16 =	simm.s32 $0x40;
	v42 =	vld [tilespmem:$0x1FFC0];
	v5 =	vmax.f32 v22, v17;
	v6 =	vsub.f32 v9, v7;
	v7 =	vsub.f32 v10, v8  }
0x13d: {  	v37 =	vld [tilespmem:s16+$0x2D00];
	v9 =	vsub.f32 v13, v11;
	v3 =	vmax.f32 v3, $0.0e+00;
	v4 =	vmax.f32 v4, $0.0e+00  }
0x13e: {  	v30 =	vld [tilespmem:s16+$0x3200];
	v10 =	vsub.f32 v14, v12;
	v6 =	vmax.f32 v6, $0.0e+00;
	v3 =	vmul.f32 v4, v3  }
0x13f: {  	v27 =	vld [tilespmem:s16+$0x3700];
	v4 =	vmax.f32 v7, $0.0e+00;
	v7 =	vmax.f32 v9, $0.0e+00;
	v8 =	vmin.f32 v29, v16  }
0x140: {  	v23 =	vld [tilespmem:s16+$0x3C00];
	v11 =	vmin.f32 v26, v18;
	v4 =	vmul.f32 v4, v6;
	v6 =	vmax.f32 v10, $0.0e+00  }
0x141: {  	v5 =	vsub.f32 v11, v5;
	v11 =	vld [tilespmem:s21+$0x4130];
	v0 =	vsub.f32 v0, v3;
	v7 =	vmul.f32 v6, v7  }
0x142: {  	v51 =	vimm.f32 $0.0e+00;
	v36 =	vld [tilespmem:s16+$0x3210];
	v8 =	vsub.f32 v8, v15;
	v1 =	vsub.f32 v1, v4  }
0x143: {  	v52 =	vimm.f32 $0.0e+00;
	v31 =	vld [tilespmem:s16+$0x3710];
	v0 =	vadd.f32 $9.999999930e-09, v0;
	v2 =	vsub.f32 v2, v7  }
0x144: {  	v45 =	vimm.f32 $0.0e+00;
	v28 =	vld [tilespmem:s16+$0x3C10];
	v8 =	vmax.f32 v8, $0.0e+00;
	v1 =	vadd.f32 $9.999999930e-09, v1  }
0x145: {  	v44 =	vld [tilespmem:s16+$0x3720];
	v5 =	vmax.f32 v5, $0.0e+00;
	v2 =	vadd.f32 $9.999999930e-09, v2;
	(erf) = vrcp.f32 v0  }
0x146: {  	v47 =	vld [tilespmem:s16+$0x3220];
	v8 =	vmul.f32 v5, v8;
	v5 =	vadd.f32 v11, v19;
	(erf) = vrcp.f32 v1  }
0x147: {  	v41 =	vimm.f32 $0.0e+00;
	v56 =	vimm.f32 $0.0e+00;
	v43 =	vld [tilespmem:s16+$0x3C20];
	(erf) = vrcp.f32 v2  }
0x148: {  	v48 =	vimm.f32 $0.0e+00;
	v46 =	vimm.f32 $0.0e+00;
	v12 =	vld [tilespmem:$0x1FF70];
	v5 =	vsub.f32 v5, v8  }
0x149: {  	[tilespmem:$0x1FF30] =	vst v17;
	v20 =	vmax.f32 v22, v36;
	v21 =	vmin.f32 v29, v31;
	v25 =	vmin.f32 v26, v28;
	v9 =	vld [tilespmem:s16+$0x4100]  }
0x14a: {  	v32 =	vmin.f32 v29, v44;
	v17 =	vmin.f32 v29, v27;
	[tilespmem:$0x1FF40] =	vst v16;
	v10 =	vld [tilespmem:s16+$0x4110];
	v5 =	vadd.f32 $9.999999930e-09, v5  }
0x14b: {  	[tilespmem:$0x1FF50] =	vst v18;
	v16 =	vmax.f32 v22, v30;
	v18 =	vmin.f32 v26, v23;
	v0 =	vld [tilespmem:s16+$0x4120];
	v2 =	vlaneseq.u32  }
0x14c: {  	s19 =	sadd.s32 $0x10, s18;
	s22 =	sadd.s32 $0x20, s18;
	v38 =	vld [tilespmem:s16+$0x2D10];
	v22 =	vmax.f32 v22, v47;
	v29 =	vmin.f32 v26, v43;
	(erf) = vrcp.f32 v5  }
0x14d: {  	s20 =	sadd.s32 $0x30, s18;
	vm0 =	veq.s32 v42, v12;
	v6 =	vor.u32 s22, v40;
	v5 =	vor.u32 s19, v40;
	v40 =	vld [tilespmem:s16+$0x2D20]  }
0x14e: {  	v15 =	vmax.f32 v33, v37;
	vm2 =	veq.s32 v6, v12;
	v62 =	vor.u32 s20, v2;
	v2 =	vpop (erf)  }
0x14f: {  	v14 =	vld [tilespmem:s21+$0x0];
	v13 =	vadd.f32 v10, v19;
	v11 =	vadd.f32 v9, v19;
	vm4 =	veq.s32 v62, v12;
	v9 =	vpop (erf)  }
0x150: {  	vm1 =	veq.s32 v5, v12;
	v12 =	vadd.f32 v0, v19;
	v2 =	vmul.f32 v2, v3;
	v3 =	vld [tilespmem:s21+$0x10];
	v0 =	vpop (erf)  }
0x151: {  	v1 =	vimm.f32 $-2.000000000e+10;
	v4 =	vmul.f32 v9, v4;
	v0 =	vmul.f32 v0, v7  }
0x152: {  	[tilespmem:$0x1FF60] =	vst v19;
	v10 =	vld [tilespmem:s21+$0x20];
	v19 =	vmax.f32 v33, v38;
	vm3 =	vgt.f32 v2, $5.000000000e-01;
	v24 =	vmax.f32 v33, v40  }
0x153: {  	vm5 =	vgt.f32 v4, $5.000000000e-01;
	vm0 =	vmor vm0, vm3;
	vm3 =	vgt.f32 v0, $5.000000000e-01  }
0x154: {  	vm1 =	vmor vm1, vm5;
	v0 =	vsel vm0, $0xD01502F9, v14;
	v14 =	vmovc v42;
	v42 =	vimm.f32 $0.0e+00  }
0x155: {  	v2 =	vld [tilespmem:s21+$0x30];
	vm0 =	vmor vm2, vm3;
	v3 =	vsel vm1, $0xD01502F9, v3;
	[tilespmem:s21+$0x0] =	vst v0;
	vm3 =	vgt.f32 v0, v1;
	v9 =	vpop (erf)  }
0x156: {  	vm2 =	vgt.f32 v3, v1;
	v61 =	vld [tilespmem:s16+$0x2D30];
	v49 =	vsel vm3, v0, v1;
	v7 =	vmul.f32 v9, v8  }
0x157: {  	v4 =	vsel vm0, $0xD01502F9, v10;
	v0 =	vimm.f32 $0.0e+00;
	v50 =	vsel vm2, v3, v1  }
0x158: {  	vm1 =	vgt.f32 v4, v1;
	v8 =	vimm.f32 $0.0e+00;
	vm6 =	vgt.f32 v7, $5.000000000e-01  }
0x159: {  	[tilespmem:s21+$0x10] =	vst v3;
	v9 =	vimm.f32 $0.0e+00;
	v3 =	vimm.s32 $0x0;
	vm4 =	vmor vm4, vm6  }
0x15a: {  	v63 =	vld [tilespmem:s16+$0x3230];
	[tilespmem:s21+$0x20] =	vst v4;
	v53 =	vsel vm1, v4, v1;
	v7 =	vimm.f32 $0.0e+00;
	v10 =	vsel vm4, $0xD01502F9, v2  }
0x15b: {  	v4 =	vld [tilespmem:s16+$0x3730];
	v26 =	vmax.f32 v33, v61;
	v2 =	vimm.s32 $0x0;
	vm0 =	vgt.f32 v10, v1;
	[tilespmem:s21+$0x30] =	vst v10  }
0x15c: {  	s3 =	smov.u32 s18;
	s19 =	simm.s32 $0x200;
	v57 =	vsel vm0, v10, v1;
	v1 =	vimm.f32 $0.0e+00;
	v10 =	vimm.s32 $0x0;
	v58 =	vld [tilespmem:s16+$0x3C30]  }
.LBB2_5:
0x15d: {  	v2 =	vsel vm2, v5, v2;
	v5 =	vld [tilespmem:$0x1FEA0];
	_ =	sdelay $0x4  }
0x15e: {  	v1 =	vsel vm2, v5, v1;
	v5 =	vmov v38  }
0x15f: {  	[tilespmem:$0x1FEA0] =	vst v5;
	v5 =	vld [tilespmem:$0x1FEB0];
	_ =	sdelay $0x4  }
0x160: {  	v60 =	vsel vm2, v5, v60;
	v5 =	vld [tilespmem:$0x1FEC0];
	_ =	sdelay $0x4  }
0x161: {  	v59 =	vsel vm2, v5, v59;
	v5 =	vmov v31  }
0x162: {  	[tilespmem:$0x1FEC0] =	vst v5;
	v5 =	vld [tilespmem:$0x1FED0];
	_ =	sdelay $0x4  }
0x163: {  	v54 =	vsel vm2, v5, v54;
	v5 =	vld [tilespmem:$0x1FEE0];
	_ =	sdelay $0x4  }
0x164: {  	v51 =	vsel vm1, v5, v51;
	v5 =	vmov v28  }
0x165: {  	[tilespmem:$0x1FED0] =	vst v5;
	v5 =	vld [tilespmem:$0x1FEF0];
	_ =	sdelay $0x4  }
0x166: {  	v52 =	vsel vm1, v5, v52;
	v5 =	vld [tilespmem:$0x1FF00];
	_ =	sdelay $0x4  }
0x167: {  	v45 =	vsel vm1, v5, v45;
	v5 =	vld [tilespmem:$0x1FF10]  }
0x168: {  	v33 =	vld [tilespmem:$0x1FF90]  }
0x169: {  	v15 =	vsub.f32 v17, v15;
	v34 =	vld [tilespmem:$0x1FFA0]  }
0x16a: {  	v16 =	vsub.f32 v18, v16;
	v22 =	vsub.f32 v29, v22;
	v29 =	vld [tilespmem:$0x1FFB0]  }
0x16b: {  	v18 =	vsub.f32 v21, v19;
	v19 =	vsub.f32 v25, v20;
	v55 =	vsel vm3, v14, v55;
	v25 =	vld [tilespmem:$0x1FF60];
	s20 =	sshra.s32 s19, $0x2  }
0x16c: {  	v8 =	vsel vm3, v39, v8;
	v39 =	vmovc v30;
	v30 =	vld [tilespmem:s20+$0x3200];
	v41 =	vsel vm1, v5, v41;
	v5 =	vmov v40  }
0x16d: {  	v9 =	vsel vm3, v35, v9;
	v14 =	vmax.f32 v15, $0.0e+00;
	v15 =	vmax.f32 v16, $0.0e+00;
	[tilespmem:$0x1FEE0] =	vst v5;
	v5 =	vld [tilespmem:$0x1FF20]  }
0x16e: {  	v35 =	vmovc v27;
	v27 =	vld [tilespmem:s20+$0x3700];
	v16 =	vmax.f32 v18, $0.0e+00;
	v18 =	vmul.f32 v15, v14;
	v14 =	vmax.f32 v19, $0.0e+00  }
0x16f: {  	v21 =	vsub.f32 v32, v24;
	v19 =	vmul.f32 v14, v16;
	v14 =	vmax.f32 v22, $0.0e+00;
	v22 =	vmovc v44;
	v44 =	vld [tilespmem:s20+$0x3720]  }
0x170: {  	v17 =	vmax.f32 v33, v63;
	v24 =	vmin.f32 v29, v58;
	v11 =	vsub.f32 v11, v18;
	v38 =	vld [tilespmem:s20+$0x2D10]  }
0x171: {  	v20 =	vmin.f32 v34, v4;
	v17 =	vsub.f32 v24, v17;
	v24 =	vld [tilespmem:s16+$0x4130];
	v13 =	vsub.f32 v13, v19  }
0x172: {  	v20 =	vsub.f32 v20, v26;
	v11 =	vadd.f32 $9.999999930e-09, v11;
	v56 =	vsel vm0, v5, v56;
	v5 =	vld [tilespmem:$0x1FF30]  }
0x173: {  	v15 =	vmax.f32 v21, $0.0e+00;
	v26 =	vld [tilespmem:$0x1FF80];
	v13 =	vadd.f32 $9.999999930e-09, v13  }
0x174: {  	v16 =	vmax.f32 v20, $0.0e+00;
	v20 =	vmul.f32 v14, v15;
	v15 =	vld [tilespmem:$0x1FE80];
	(erf) = vrcp.f32 v11  }
0x175: {  	v14 =	vmax.f32 v17, $0.0e+00;
	v17 =	vld [tilespmem:s20+$0x4120];
	(erf) = vrcp.f32 v13  }
0x176: {  	v21 =	vmul.f32 v14, v16;
	v16 =	vld [tilespmem:s20+$0x4110]  }
0x177: {  	v13 =	vld [tilespmem:$0x1FE90];
	v14 =	vadd.f32 v24, v25;
	v48 =	vsel vm0, v5, v48;
	v5 =	vmov v47  }
0x178: {  	v12 =	vsub.f32 v12, v20;
	[tilespmem:$0x1FEF0] =	vst v5;
	v5 =	vld [tilespmem:$0x1FF40]  }
0x179: {  	v11 =	vmov v36;
	v36 =	vld [tilespmem:s20+$0x3210];
	v14 =	vsub.f32 v14, v21  }
0x17a: {  	v12 =	vadd.f32 $9.999999930e-09, v12;
	v7 =	vsel vm3, v15, v7;
	v15 =	vmov v37;
	v37 =	vld [tilespmem:s20+$0x2D00]  }
0x17b: {  	[tilespmem:$0x1FE80] =	vst v15;
	v15 =	vld [tilespmem:s20+$0x4100];
	v14 =	vadd.f32 $9.999999930e-09, v14  }
0x17c: {  	v3 =	vsel vm1, v6, v3;
	v6 =	vmovc v4;
	(erf) = vrcp.f32 v12;
	v12 =	vld [tilespmem:$0x1FF70];
	v0 =	vsel vm3, v13, v0  }
0x17d: {  	[tilespmem:$0x1FEB0] =	vst v11;
	v13 =	vmov v23;
	(erf) = vrcp.f32 v14;
	v4 =	vpop (erf);
	v46 =	vsel vm0, v5, v46;
	v5 =	vld [tilespmem:$0x1FF50]  }
0x17e: {  	v10 =	vsel vm0, v62, v10;
	s3 =	sadd.s32 $0x40, s3;
	v23 =	vld [tilespmem:s20+$0x3C00];
	[tilespmem:$0x1FF00] =	vst v22;
	v22 =	vpop (erf)  }
0x17f: {  	s22 =	sadd.s32 $0x30, s3;
	v24 =	vmovc v61;
	v11 =	vlaneseq.u32;
	[tilespmem:$0x1FE90] =	vst v13;
	v31 =	vld [tilespmem:s20+$0x3710];
	v4 =	vmul.f32 v4, v18;
	v19 =	vmul.f32 v22, v19  }
0x180: {  	v32 =	vmin.f32 v34, v44;
	v62 =	vor.u32 s22, v11;
	v14 =	vor.u32 s3, v11;
	v13 =	vmovc v63;
	v40 =	vld [tilespmem:s20+$0x2D20];
	[tilespmem:$0x1FF20] =	vst v24  }
0x181: {  	vm4 =	vgt.f32 v4, $5.000000000e-01;
	vm2 =	veq.s32 v62, v12;
	vm5 =	vgt.f32 v19, $5.000000000e-01;
	v24 =	vld [tilespmem:s16+$0x0];
	[tilespmem:$0x1FF30] =	vst v13  }
0x182: {  	s21 =	sadd.s32 $0x10, s3;
	v4 =	vld [tilespmem:s16+$0x30];
	v13 =	vadd.f32 v16, v25;
	v42 =	vsel vm0, v5, v42;
	v5 =	vmovc v43;
	vm0 =	veq.s32 v14, v12  }
0x183: {  	v28 =	vld [tilespmem:s20+$0x3C10];
	v16 =	vmax.f32 v33, v30;
	[tilespmem:$0x1FF10] =	vst v5;
	v5 =	vor.u32 s21, v11;
	s21 =	sadd.s32 $0x20, s3;
	vm0 =	vmor vm0, vm4  }
0x184: {  	v22 =	vld [tilespmem:s16+$0x10];
	[tilespmem:$0x1FF40] =	vst v6;
	vm1 =	veq.s32 v5, v12;
	v6 =	vor.u32 s21, v11;
	v11 =	vadd.f32 v15, v25  }
0x185: {  	v47 =	vld [tilespmem:s20+$0x3220];
	v15 =	vmax.f32 v26, v37;
	vm3 =	veq.s32 v6, v12;
	v12 =	vadd.f32 v17, v25;
	v25 =	vpop (erf)  }
0x186: {  	v19 =	vsel vm0, $0xD01502F9, v24;
	v24 =	vmax.f32 v26, v40;
	v18 =	vpop (erf);
	v20 =	vmul.f32 v25, v20;
	v25 =	vld [tilespmem:s16+$0x20]  }
0x187: {  	v43 =	vld [tilespmem:s20+$0x3C20];
	v17 =	vmin.f32 v34, v27;
	[tilespmem:s16+$0x0] =	vst v19;
	v21 =	vmul.f32 v18, v21;
	v18 =	vmov v58  }
0x188: {  	vm0 =	vmor vm1, vm5;
	[tilespmem:$0x1FF50] =	vst v18;
	v18 =	vmin.f32 v29, v23;
	vm4 =	vgt.f32 v20, $5.000000000e-01  }
0x189: {  	v61 =	vld [tilespmem:s20+$0x2D30];
	vm6 =	vgt.f32 v21, $5.000000000e-01;
	vm1 =	vmor vm3, vm4;
	vm3 =	vgt.f32 v19, v49  }
0x18a: {  	p2 =	sne.s32 s19, $0x1300;
	v20 =	vsel vm0, $0xD01502F9, v22;
	vm0 =	vmor vm2, vm6;
	v49 =	vsel vm3, v19, v49  }
.Ltmp1:
0x18b: {  	vm2 =	vgt.f32 v20, v50;
	v19 =	vmax.f32 v26, v38;
	v21 =	vsel vm1, $0xD01502F9, v25;
	(pc) =	sbr.rel @p2 .LBB2_5-.Ltmp1, $4  }
0x18c: {  	[tilespmem:s16+$0x10] =	vst v20;
	v50 =	vsel vm2, v20, v50;
	v22 =	vsel vm0, $0xD01502F9, v4;
	v20 =	vmax.f32 v33, v36  }
0x18d: {  	v63 =	vld [tilespmem:s20+$0x3230];
	v25 =	vmin.f32 v29, v28;
	v29 =	vmin.f32 v29, v43;
	[tilespmem:s16+$0x20] =	vst v21;
	vm1 =	vgt.f32 v21, v53  }
0x18e: {  	v26 =	vmax.f32 v26, v61;
	vm0 =	vgt.f32 v22, v57;
	v4 =	vld [tilespmem:s20+$0x3730];
	v53 =	vsel vm1, v21, v53;
	[tilespmem:s16+$0x30] =	vst v22;
	s16 =	smov.u32 s20  }
0x18f: {  	s19 =	sadd.s32 $0x100, s19;
	v21 =	vmin.f32 v34, v31;
	v57 =	vsel vm0, v22, v57;
	v22 =	vmax.f32 v33, v47;
	v58 =	vld [tilespmem:s16+$0x3C30]  }
0x190: {  	v33 =	vsub.f32 v21, v19;
	v34 =	vsub.f32 v25, v20;
	v25 =	vld [tilespmem:$0x1FFA0]  }
0x191: {  	v15 =	vsub.f32 v17, v15;
	v19 =	vsub.f32 v32, v24;
	v24 =	vld [tilespmem:$0x1FFB0]  }
0x192: {  	v16 =	vsub.f32 v18, v16;
	v17 =	vmax.f32 v33, $0.0e+00;
	v33 =	vld [tilespmem:$0x1FF90]  }
0x193: {  	v32 =	vsub.f32 v29, v22;
	v15 =	vmax.f32 v15, $0.0e+00  }
0x194: {  	v16 =	vmax.f32 v16, $0.0e+00;
	v18 =	vmax.f32 v34, $0.0e+00;
	v19 =	vmax.f32 v19, $0.0e+00  }
0x195: {  	v34 =	vld [tilespmem:s16+$0x4130];
	v21 =	vmax.f32 v32, $0.0e+00;
	v15 =	vmul.f32 v16, v15;
	v16 =	vmul.f32 v18, v17  }
0x196: {  	v19 =	vmul.f32 v21, v19;
	v20 =	vmin.f32 v25, v4;
	v22 =	vmin.f32 v24, v58;
	v25 =	vld [tilespmem:$0x1FF60]  }
0x197: {  	v11 =	vsub.f32 v11, v15;
	v13 =	vsub.f32 v13, v16;
	v17 =	vmax.f32 v33, v63  }
0x198: {  	v20 =	vsub.f32 v20, v26;
	v17 =	vsub.f32 v22, v17  }
0x199: {  	v12 =	vsub.f32 v12, v19;
	v11 =	vadd.f32 $9.999999930e-09, v11  }
0x19a: {  	v13 =	vadd.f32 $9.999999930e-09, v13;
	v20 =	vmax.f32 v20, $0.0e+00;
	v17 =	vmax.f32 v17, $0.0e+00  }
0x19b: {  	(erf) = vrcp.f32 v11;
	v18 =	vadd.f32 v34, v25;
	v17 =	vmul.f32 v17, v20  }
0x19c: {  	v26 =	vadd.f32 $9.999999930e-09, v12  }
0x19d: {  	(erf) = vrcp.f32 v13;
	v29 =	vsub.f32 v18, v17  }
0x19e: {  	v9 =	vsel vm3, v35, v9;
	v35 =	vld [tilespmem:$0x1FEA0];
	(erf) = vrcp.f32 v26  }
0x19f: {  	v33 =	vld [tilespmem:$0x1FE80];
	v32 =	vadd.f32 $9.999999930e-09, v29  }
0x1a0: {  	v34 =	vld [tilespmem:$0x1FE90]  }
0x1a1: {  	v8 =	vsel vm3, v39, v8;
	v25 =	vld [tilespmem:$0x1FF70];
	(erf) = vrcp.f32 v32  }
0x1a2: {  	v2 =	vsel vm2, v5, v2;
	v3 =	vsel vm1, v6, v3;
	s3 =	sadd.s32 $0x40, s3;
	v10 =	vsel vm0, v62, v10  }
0x1a3: {  	v39 =	vld [tilespmem:s16+$0x0];
	s19 =	sadd.s32 $0x10, s3;
	s20 =	sadd.s32 $0x20, s3;
	v1 =	vsel vm2, v35, v1;
	v11 =	vsel vm3, v14, v55;
	v55 =	vlaneseq.u32  }
0x1a4: {  	v62 =	vor.u32 s3, v55;
	v24 =	vor.u32 s19, v55;
	v26 =	vor.u32 s20, v55;
	v20 =	vld [tilespmem:$0x1FEF0];
	v5 =	vpop (erf)  }
0x1a5: {  	v7 =	vsel vm3, v33, v7;
	v0 =	vsel vm3, v34, v0;
	v5 =	vmul.f32 v5, v15  }
0x1a6: {  	s3 =	sadd.s32 $0x30, s3;
	vm4 =	veq.s32 v62, v25;
	vm5 =	veq.s32 v24, v25;
	v29 =	vld [tilespmem:s16+$0x20];
	vm6 =	veq.s32 v26, v25;
	v6 =	vpop (erf)  }
0x1a7: {  	v32 =	vor.u32 s3, v55;
	v6 =	vmul.f32 v6, v16;
	v22 =	vpop (erf);
	vm12 =	vgt.f32 v5, $5.000000000e-01;
	v5 =	vld [tilespmem:s16+$0x10]  }
0x1a8: {  	vm13 =	veq.s32 v32, v25;
	v14 =	vmul.f32 v22, v19;
	vm3 =	vmor vm4, vm12  }
0x1a9: {  	v15 =	vsel vm1, v20, v52;
	vm7 =	vgt.f32 v6, $5.000000000e-01;
	v12 =	vsel vm3, $0xD01502F9, v39  }
0x1aa: {  	v34 =	vld [tilespmem:s16+$0x30];
	vm8 =	vgt.f32 v14, $5.000000000e-01;
	vm5 =	vmor vm5, vm7;
	vm3 =	vgt.f32 v12, v49;
	v33 =	vpop (erf)  }
0x1ab: {  	vm6 =	vmor vm6, vm8;
	v6 =	vsel vm3, v62, v11;
	v17 =	vmul.f32 v33, v17  }
0x1ac: {  	v35 =	vsel vm6, $0xD01502F9, v29;
	v49 =	vsel vm3, v12, v49;
	v5 =	vsel vm5, $0xD01502F9, v5  }
0x1ad: {  	vm5 =	vgt.f32 v35, v53;
	vm4 =	vgt.f32 v5, v50;
	vm9 =	vgt.f32 v17, $5.000000000e-01  }
0x1ae: {  	v3 =	vsel vm5, v26, v3;
	v55 =	vsel vm5, v35, v53;
	vm14 =	vmor vm13, vm9  }
0x1af: {  	v25 =	vld [tilespmem:$0x1FF00];
	v2 =	vsel vm4, v24, v2;
	v50 =	vsel vm4, v5, v50;
	v39 =	vsel vm14, $0xD01502F9, v34  }
0x1b0: {  	v21 =	vld [tilespmem:$0x1FF20];
	vm15 =	vgt.f32 v50, v49;
	vm12 =	veq.f32 v50, v49;
	vm6 =	vgt.f32 v39, v57  }
0x1b1: {  	v19 =	vld [tilespmem:$0x1FED0];
	vm13 =	vlt.s32 v2, v6;
	v10 =	vsel vm6, v32, v10;
	v57 =	vsel vm6, v39, v57  }
0x1b2: {  	v62 =	vld [tilespmem:$0x1FEB0];
	vm8 =	vmand vm12, vm13;
	vm14 =	veq.f32 v57, v55;
	vm10 =	vlt.s32 v10, v3  }
0x1b3: {  	v17 =	vld [tilespmem:$0x1FEC0];
	vm7 =	vmor vm15, vm8;
	vm15 =	vgt.f32 v57, v55;
	vm9 =	vmand vm14, vm10  }
0x1b4: {  	v13 =	vsel vm1, v25, v45;
	v14 =	vsel vm7, v50, v49;
	vm8 =	vmor vm15, vm9  }
0x1b5: {  	v2 =	vsel vm7, v2, v6;
	v6 =	vsel vm8, v57, v55;
	v3 =	vsel vm8, v10, v3  }
0x1b6: {  	v11 =	vsel vm0, v21, v56;
	[tilespmem:s16+$0x10] =	vst v5;
	v5 =	vld [tilespmem:$0x1FEE0];
	vm12 =	veq.f32 v6, v14;
	vm13 =	vlt.s32 v3, v2  }
0x1b7: {  	[tilespmem:s16+$0x0] =	vst v12;
	v12 =	vsel vm2, v19, v54;
	vm15 =	vgt.f32 v6, v14;
	vm14 =	vmand vm12, vm13  }
0x1b8: {  	v18 =	vsel vm2, v62, v60;
	v10 =	vsel vm2, v17, v59;
	vm2 =	vmor vm15, vm14  }
0x1b9: {  	v7 =	vsel vm3, v37, v7;
	v9 =	vsel vm3, v27, v9;
	[tilespmem:s16+$0x20] =	vst v35;
	v2 =	vsel vm2, v3, v2;
	v3 =	vld [tilespmem:$0x1FF30]  }
0x1ba: {  	v0 =	vsel vm3, v23, v0;
	v26 =	vld [tilespmem:$0x1FF40];
	v27 =	vsel vm5, v44, v13;
	[tilespmem:s16+$0x30] =	vst v39;
	v6 =	vsel vm2, v6, v14  }
0x1bb: {  	v1 =	vsel vm4, v38, v1;
	v5 =	vsel vm1, v5, v51;
	v11 =	vsel vm6, v61, v11;
	[tilespmem:$0x4880] =	vst v6  }
0x1bc: {  	v1 =	vsel vm7, v1, v7;
	v7 =	vsel vm3, v30, v8;
	v30 =	vld [tilespmem:$0x1FF10];
	v5 =	vsel vm5, v40, v5;
	[tilespmem:$0x4890] =	vst v6  }
0x1bd: {  	v24 =	vsel vm5, v47, v15;
	v5 =	vsel vm8, v11, v5;
	v10 =	vsel vm4, v31, v10;
	v31 =	vld [tilespmem:$0x1FF50];
	[tilespmem:$0x4900] =	vst v2  }
0x1be: {  	v33 =	vsel vm4, v28, v12;
	v1 =	vsel vm2, v5, v1;
	[tilespmem:$0x4910] =	vst v2;
	v5 =	vld [tilespmem:$0x4888];
	v3 =	vsel vm0, v3, v48  }
0x1bf: {  	v22 =	vsel vm4, v36, v18;
	v8 =	vsel vm0, v26, v46;
	v29 =	vld [tilespmem:$0x4908];
	v3 =	vsel vm6, v63, v3  }
0x1c0: {  	v7 =	vsel vm7, v22, v7;
	v4 =	vsel vm6, v4, v8;
	[tilespmem:$0x4880] =	vst v1;
	v3 =	vsel vm8, v3, v24  }
0x1c1: {  	v0 =	vsel vm7, v33, v0;
	v4 =	vsel vm8, v4, v27;
	[tilespmem:$0x4890] =	vst v1;
	v3 =	vsel vm2, v3, v7  }
0x1c2: {  	v13 =	vsel vm1, v30, v41;
	v9 =	vsel vm7, v10, v9;
	v10 =	vsel vm0, v31, v42;
	v7 =	vld [tilespmem:$0x4888];
	[tilespmem:$0x4880] =	vst v3  }
0x1c3: {  	v34 =	vsel vm5, v43, v13;
	v4 =	vsel vm2, v4, v9;
	v10 =	vsel vm6, v58, v10;
	[tilespmem:$0x4890] =	vst v3  }
0x1c4: {  	v10 =	vsel vm8, v10, v34;
	vm7 =	veq.f32 v5, v6;
	vm8 =	vlt.s32 v29, v2;
	v32 =	vld [tilespmem:$0x4888];
	[tilespmem:$0x4880] =	vst v4  }
0x1c5: {  	v0 =	vsel vm2, v10, v0;
	vm9 =	vgt.f32 v5, v6;
	vm0 =	vmand vm7, vm8;
	[tilespmem:$0x4890] =	vst v4  }
0x1c6: {  	vm0 =	vmor vm9, vm0;
	v35 =	vld [tilespmem:$0x4888];
	[tilespmem:$0x4880] =	vst v0  }
0x1c7: {  	v2 =	vsel vm0, v29, v2;
	[tilespmem:$0x4890] =	vst v0  }
0x1c8: {  	[tilespmem:$0x4900] =	vst v2  }
0x1c9: {  	v5 =	vsel vm0, v5, v6;
	[tilespmem:$0x4910] =	vst v2  }
0x1ca: {  	v6 =	vld [tilespmem:$0x4888];
	[tilespmem:$0x4880] =	vst v5  }
0x1cb: {  	[tilespmem:$0x4890] =	vst v5;
	v37 =	vld [tilespmem:$0x4904]  }
0x1cc: {  	v1 =	vsel vm0, v7, v1;
	v7 =	vld [tilespmem:$0x4884]  }
0x1cd: {  	[tilespmem:$0x4880] =	vst v1  }
0x1ce: {  	[tilespmem:$0x4890] =	vst v1;
	v3 =	vsel vm0, v32, v3  }
0x1cf: {  	v36 =	vld [tilespmem:$0x4884];
	[tilespmem:$0x4880] =	vst v3  }
0x1d0: {  	[tilespmem:$0x4890] =	vst v3;
	v4 =	vsel vm0, v35, v4  }
0x1d1: {  	v38 =	vld [tilespmem:$0x4884];
	[tilespmem:$0x4880] =	vst v4;
	vm11 =	vlt.s32 v37, v2;
	vm10 =	veq.f32 v7, v5  }
0x1d2: {  	[tilespmem:$0x4890] =	vst v4;
	v0 =	vsel vm0, v6, v0;
	vm12 =	vgt.f32 v7, v5;
	vm0 =	vmand vm10, vm11  }
0x1d3: {  	v6 =	vld [tilespmem:$0x4884];
	[tilespmem:$0x4880] =	vst v0;
	vm0 =	vmor vm12, vm0  }
0x1d4: {  	[tilespmem:$0x4890] =	vst v0;
	v5 =	vsel vm0, v7, v5  }
0x1d5: {  	v7 =	vld [tilespmem:$0x4884];
	[tilespmem:$0x4880] =	vst v5  }
0x1d6: {  	v2 =	vsel vm0, v37, v2;
	[tilespmem:$0x4890] =	vst v5  }
0x1d7: {  	[tilespmem:$0x4900] =	vst v2  }
0x1d8: {  	[tilespmem:$0x4910] =	vst v2;
	v39 =	vld [tilespmem:$0x4882]  }
0x1d9: {  	v1 =	vsel vm0, v36, v1;
	v41 =	vld [tilespmem:$0x4902]  }
0x1da: {  	[tilespmem:$0x4880] =	vst v1  }
0x1db: {  	v3 =	vsel vm0, v38, v3;
	[tilespmem:$0x4890] =	vst v1  }
0x1dc: {  	v40 =	vld [tilespmem:$0x4882];
	[tilespmem:$0x4880] =	vst v3  }
0x1dd: {  	v4 =	vsel vm0, v6, v4;
	[tilespmem:$0x4890] =	vst v3  }
0x1de: {  	v6 =	vld [tilespmem:$0x4882];
	[tilespmem:$0x4880] =	vst v4;
	vm13 =	veq.f32 v39, v5;
	vm14 =	vlt.s32 v41, v2  }
0x1df: {  	[tilespmem:$0x4890] =	vst v4;
	v0 =	vsel vm0, v7, v0;
	vm15 =	vgt.f32 v39, v5;
	vm0 =	vmand vm13, vm14  }
0x1e0: {  	v7 =	vld [tilespmem:$0x4882];
	[tilespmem:$0x4880] =	vst v0;
	vm0 =	vmor vm15, vm0  }
0x1e1: {  	[tilespmem:$0x4890] =	vst v0;
	v5 =	vsel vm0, v39, v5  }
0x1e2: {  	v42 =	vld [tilespmem:$0x4882];
	[tilespmem:$0x4880] =	vst v5  }
0x1e3: {  	v2 =	vsel vm0, v41, v2;
	[tilespmem:$0x4890] =	vst v5  }
0x1e4: {  	[tilespmem:$0x4900] =	vst v2  }
0x1e5: {  	v1 =	vsel vm0, v40, v1;
	[tilespmem:$0x4910] =	vst v2;
	v43 =	vld [tilespmem:$0x4881]  }
0x1e6: {  	[tilespmem:$0x4880] =	vst v1;
	v44 =	vld [tilespmem:$0x4901]  }
0x1e7: {  	v3 =	vsel vm0, v6, v3;
	[tilespmem:$0x4890] =	vst v1  }
0x1e8: {  	v6 =	vld [tilespmem:$0x4881];
	[tilespmem:$0x4880] =	vst v3  }
0x1e9: {  	v4 =	vsel vm0, v7, v4;
	[tilespmem:$0x4890] =	vst v3  }
0x1ea: {  	v7 =	vld [tilespmem:$0x4881];
	[tilespmem:$0x4880] =	vst v4  }
0x1eb: {  	v0 =	vsel vm0, v42, v0;
	[tilespmem:$0x4890] =	vst v4;
	vm4 =	veq.f32 v43, v5;
	vm5 =	vlt.s32 v44, v2  }
0x1ec: {  	v45 =	vld [tilespmem:$0x4881];
	[tilespmem:$0x4880] =	vst v0;
	vm6 =	vgt.f32 v43, v5;
	vm0 =	vmand vm4, vm5  }
0x1ed: {  	s15 =	sadd.s32 $0x1, s15;
	[tilespmem:$0x4890] =	vst v0;
	vm0 =	vmor vm6, vm0  }
0x1ee: {  	s21 =	sshll.u32 s15, $0x4;
	v46 =	vld [tilespmem:$0x4881];
	v5 =	vsel vm0, v43, v5  }
0x1ef: {  	s3 =	sand.u32 $0x10, s21;
	v1 =	vsel vm0, v6, v1;
	[tilespmem:$0x4980] =	vst v5  }
0x1f0: {  	s22 =	sor.u32 s0, s3;
	v3 =	vsel vm0, v7, v3;
	[tilespmem:$0x4990] =	vst v1  }
0x1f1: {  	s20 =	smul.u32 $0x140, s22;
	v4 =	vsel vm0, v45, v4;
	[tilespmem:$0x49A0] =	vst v3  }
0x1f2: {  	v2 =	vsel vm0, v44, v2;
	[tilespmem:$0x49B0] =	vst v4  }
0x1f3: {  	s19 =	sshrl.u32 s20, $0x2;
	v0 =	vsel vm0, v46, v0;
	[tilespmem:$0x4A80] =	vst v2  }
0x1f4: {  	s19 =	sadd.s32 s19, s2;
	[tilespmem:$0x49C0] =	vst v0  }
0x1f5: {  	[spmem:s19] =	stream.linear.scatter [tilespmem:s8], [sflag:$0x1], $0x50, $0x38;
	[tilespmem:$0x4C40] =	vst v63  }
0x1f6: {  	_ =	swait.ge [sflag:s6], $0x50  }
0x1f7: {  	s16 =	sshll.u32 s22, $0x4;
	[sflag:s6] =	ssyncset.done $0x0  }
0x1f8: {  	s21 =	sor.u32 s9, s3;
	s16 =	sadd.s32 s16, s4;
	[sflag:s6] =	ssyncadd.s32 $0xFFFFFFB0  }
0x1f9: {  	[spmem:s16] =	stream.linear.scatter [tilespmem:s10], [sflag:$0x1], $0x10, $0x38;
	[tilespmem:$0x4C40] =	vst v63  }
0x1fa: {  	s22 =	smul.u32 $0x140, s21;
	_ =	swait.ge [sflag:s6], $0x10  }
0x1fb: {  	[sflag:s6] =	ssyncset.done $0x0  }
0x1fc: {  	s19 =	sshrl.u32 s22, $0x2;
	[sflag:s6] =	ssyncadd.s32 $0xFFFFFFF0  }
0x1fd: {  	s19 =	sadd.s32 s19, s2;
	[bflag:$0x0] =	sbarrier.arrive $0xFFFF  }
0x1fe: {  	[tilespmem:s11], [sflag:$0x1] =	stream.linear.gather [spmem:s19], $0x50, $0x38;
	[tilespmem:$0x4C40] =	vst v63  }
0x1ff: {  	_ =	swait.ge [sflag:s6], $0x50  }
0x200: {  	s16 =	sshll.u32 s21, $0x4;
	[sflag:s6] =	ssyncset.done $0x0  }
0x201: {  	s16 =	sadd.s32 s16, s4;
	[sflag:s6] =	ssyncadd.s32 $0xFFFFFFB0  }
0x202: {  	[tilespmem:s12], [sflag:$0x1] =	stream.linear.gather [spmem:s16], $0x10, $0x38;
	[tilespmem:$0x4C40] =	vst v63  }
0x203: {  	_ =	swait.ge [sflag:s6], $0x10  }
0x204: {  	[sflag:s6] =	ssyncset.done $0x0  }
0x205: {  	[sflag:s6] =	ssyncadd.s32 $0xFFFFFFF0  }
0x206: {  	s20 =	sor.u32 s13, s3;
	v6 =	vld [tilespmem:$0x4A00]  }
0x207: {  	s21 =	smul.u32 $0x140, s20;
	v7 =	vld [tilespmem:$0x4A10]  }
0x208: {  	v47 =	vld [tilespmem:$0x4A20]  }
0x209: {  	s19 =	sshrl.u32 s21, $0x2;
	v48 =	vld [tilespmem:$0x4A30]  }
0x20a: {  	s19 =	sadd.s32 s19, s2;
	v49 =	vld [tilespmem:$0x4A40]  }
0x20b: {  	v50 =	vld [tilespmem:$0x4B00];
	[tilespmem:s11], [sflag:$0x1] =	stream.linear.gather [spmem:s19], $0x50, $0x38  }
0x20c: {  	_ =	swait.ge [sflag:s6], $0x50  }
0x20d: {  	s16 =	sshll.u32 s20, $0x4;
	[sflag:s6] =	ssyncset.done $0x0  }
0x20e: {  	s16 =	sadd.s32 s16, s4;
	[sflag:s6] =	ssyncadd.s32 $0xFFFFFFB0  }
0x20f: {  	[tilespmem:s12], [sflag:$0x1] =	stream.linear.gather [spmem:s16], $0x10, $0x38;
	[tilespmem:$0x4C40] =	vst v63  }
0x210: {  	_ =	swait.ge [sflag:s6], $0x10  }
0x211: {  	[sflag:s6] =	ssyncset.done $0x0  }
0x212: {  	[sflag:s6] =	ssyncadd.s32 $0xFFFFFFF0  }
0x213: {  	s3 =	sor.u32 s17, s3;
	v51 =	vld [tilespmem:$0x4A00]  }
0x214: {  	s22 =	smul.u32 $0x140, s3;
	v52 =	vld [tilespmem:$0x4A10]  }
0x215: {  	v53 =	vld [tilespmem:$0x4A20]  }
0x216: {  	s16 =	sshrl.u32 s22, $0x2;
	v54 =	vld [tilespmem:$0x4A30]  }
0x217: {  	s16 =	sadd.s32 s16, s2;
	v55 =	vld [tilespmem:$0x4A40]  }
0x218: {  	v56 =	vld [tilespmem:$0x4B00];
	[tilespmem:s11], [sflag:$0x1] =	stream.linear.gather [spmem:s16], $0x50, $0x38  }
0x219: {  	_ =	swait.ge [sflag:s6], $0x50  }
0x21a: {  	s3 =	sshll.u32 s3, $0x4;
	[sflag:s6] =	ssyncset.done $0x0  }
0x21b: {  	s3 =	sadd.s32 s3, s4;
	[sflag:s6] =	ssyncadd.s32 $0xFFFFFFB0  }
0x21c: {  	[tilespmem:s12], [sflag:$0x1] =	stream.linear.gather [spmem:s3], $0x10, $0x38;
	[tilespmem:$0x4C40] =	vst v63  }
0x21d: {  	vm7 =	veq.f32 v6, v5;
	vm8 =	vlt.s32 v50, v2;
	_ =	swait.ge [sflag:s6], $0x10  }
0x21e: {  	vm9 =	vgt.f32 v6, v5;
	vm0 =	vmand vm7, vm8;
	[sflag:s6] =	ssyncset.done $0x0  }
0x21f: {  	vm0 =	vmor vm9, vm0;
	[sflag:s6] =	ssyncadd.s32 $0xFFFFFFF0  }
0x220: {  	v5 =	vsel vm0, v6, v5;
	v6 =	vld [tilespmem:$0x4A00]  }
0x221: {  	v2 =	vsel vm0, v50, v2;
	v57 =	vld [tilespmem:$0x4B00]  }
0x222: {  	vm10 =	veq.f32 v51, v5;
	vm11 =	vlt.s32 v56, v2  }
0x223: {  	vm12 =	vgt.f32 v51, v5;
	vm1 =	vmand vm10, vm11  }
0x224: {  	v1 =	vsel vm0, v7, v1;
	vm1 =	vmor vm12, vm1  }
0x225: {  	v3 =	vsel vm0, v47, v3;
	v7 =	vld [tilespmem:$0x4A10];
	v5 =	vsel vm1, v51, v5;
	v2 =	vsel vm1, v56, v2  }
0x226: {  	v4 =	vsel vm0, v48, v4;
	v58 =	vld [tilespmem:$0x4A20];
	vm13 =	veq.f32 v6, v5;
	vm14 =	vlt.s32 v57, v2  }
0x227: {  	v0 =	vsel vm0, v49, v0;
	v59 =	vld [tilespmem:$0x4A30];
	vm15 =	vgt.f32 v6, v5;
	vm0 =	vmand vm13, vm14  }
0x228: {  	v60 =	vld [tilespmem:$0x4A40];
	vm0 =	vmor vm15, vm0  }
0x229: {  	v1 =	vsel vm1, v52, v1;
	v2 =	vsel vm0, v57, v2  }
0x22a: {  	v3 =	vsel vm1, v53, v3;
	v1 =	vsel vm0, v7, v1;
	[tilespmem:$0x1FF70] =	vst v2  }
0x22b: {  	v4 =	vsel vm1, v54, v4;
	[tilespmem:$0x1FF80] =	vst v1;
	v1 =	vsel vm0, v58, v3  }
0x22c: {  	v62 =	vsel vm1, v55, v0;
	[tilespmem:$0x1FF90] =	vst v1;
	v1 =	vsel vm0, v59, v4  }
0x22d: {  	s3 =	simm.f32 $1.000000000e+00;
	v2 =	vsel vm0, v60, v62;
	[tilespmem:$0x1FFA0] =	vst v1;
	v1 =	vld [tilespmem:$0x1FE30]  }
0x22e: {  	s3 =	simm.s32 @!p1 $0x0;
	[tilespmem:$0x1FFB0] =	vst v2;
	v2 =	vld [tilespmem:$0x1FE40]  }
0x22f: {  	v61 =	vmov s3  }
0x230: {  	v63 =	vsub.f32 $1.000000000e+00, v61;
	_ =	sdelay $0x1  }
0x231: {  	v1 =	vmul.f32 v1, v63  }
0x232: {  	v4 =	vmul.f32 v2, v63;
	v2 =	vld [tilespmem:$0x1FE50]  }
0x233: {  	v0 =	vsel vm0, v6, v5;
	v5 =	vsub.f32 v1, v61;
	v1 =	vld [tilespmem:$0x1FE60];
	_ =	sdelay $0x4  }
0x234: {  	p1 =	sne.s32 s15, $0x64;
	v3 =	vmul.f32 v2, v63;
	v2 =	vmul.f32 v1, v63;
	v1 =	vld [tilespmem:$0x1FE70]  }
.Ltmp2:
0x235: {  	_ = 	snop;
	(pc) =	sbr.rel @p1 .LBB2_4-.Ltmp2, $2  }
0x236: {  	_ =	sdelay $0x2  }
0x237: {  	v40 =	vlaneseq.u32;
	v1 =	vmul.f32 v1, v63  }
0x238: {  	s3 =	simm.s32 @!p0 $0x0;
	s15 =	simm.s32 @!p0 $0x4600;
	s16 =	rddreg [dreg:$0xe]  }
0x239: {  	[hbm4b:s16+s3] =	stream.linear.scatter @!p0 [tilespmem:s15], [sflag:$0x1], $0x70, $0x38;
	[tilespmem:$0x4C40] =	vst v63  }
0x23a: {  	s15 =	simm.s32 @!p0 $0x1  }
0x23b: {  	_ =	swait.ge @!p0 [sflag:s15], $0x70  }
0x23c: {  	[sflag:s15] =	ssyncset.done @!p0 $0x0  }
0x23d: {  	s16 =	simm.s32 @!p0 $0x4680;
	[sflag:s15] =	ssyncadd.s32 @!p0 $0xFFFFFF90  }
0x23e: {  	[hbm4b:s24+s3] =	stream.linear.scatter @!p0 [tilespmem:s16], [sflag:$0x1], $0x70, $0x38;
	[tilespmem:$0x4C40] =	vst v63  }
0x23f: {  	_ =	swait.ge @!p0 [sflag:s15], $0x70  }
0x240: {  	[sflag:s15] =	ssyncset.done @!p0 $0x0  }
0x241: {  	s16 =	simm.s32 @!p0 $0x4700;
	[sflag:s15] =	ssyncadd.s32 @!p0 $0xFFFFFF90  }
0x242: {  	[hbm4b:s25+s3] =	stream.linear.scatter @!p0 [tilespmem:s16], [sflag:$0x1], $0x70, $0x38;
	[tilespmem:$0x4C40] =	vst v63  }
0x243: {  	_ =	swait.ge @!p0 [sflag:s15], $0x70  }
0x244: {  	[sflag:s15] =	ssyncset.done @!p0 $0x0  }
0x245: {  	s16 =	simm.s32 @!p0 $0x4780;
	[sflag:s15] =	ssyncadd.s32 @!p0 $0xFFFFFF90  }
0x246: {  	[hbm4b:s26+s3] =	stream.linear.scatter @!p0 [tilespmem:s16], [sflag:$0x1], $0x70, $0x38;
	[tilespmem:$0x4C40] =	vst v63  }
0x247: {  	_ =	swait.ge @!p0 [sflag:s15], $0x70  }
0x248: {  	s14 =	sadd.s32 $0x1, s14;
	[sflag:s15] =	ssyncset.done @!p0 $0x0  }
0x249: {  	p1 =	sne.s32 s14, s29;
	s16 =	simm.s32 @!p0 $0x4800;
	[sflag:s15] =	ssyncadd.s32 @!p0 $0xFFFFFF90  }
0x24a: {  	[hbm4b:s28+s3] =	stream.linear.scatter @!p0 [tilespmem:s16], [sflag:$0x1], $0x70, $0x38;
	[tilespmem:$0x4C40] =	vst v63  }
.Ltmp3:
0x24b: {  	_ = 	snop;
	(pc) =	sbr.rel @p1 .LBB2_1-.Ltmp3, $4  }
0x24c: {  	_ =	swait.ge @!p0 [sflag:s15], $0x70  }
0x24d: {  	v33 =	vld [tilespmem:$0x1FFE0]  }
0x24e: {  	[sflag:s15] =	ssyncset.done @!p0 $0x0;
	v32 =	vld [tilespmem:$0x1FFD0]  }
0x24f: {  	v34 =	vld [tilespmem:$0x1FFF0];
	[sflag:s15] =	ssyncadd.s32 @!p0 $0xFFFFFF90  }
0x250: {  	_ =	sfence.sel $0x180000  }
0x251: {  	[bflag:$0x0] =	sbarrier.arrive $0xFFFF  }
0x252: {  	_ =	strace $0x90000047  }
0x253: {  	[bflag:$0x2] =	sbarrier.arrive $0xFFFF  }
0x254: {  	p0 =	sne.s32 s0, $0x0;
	s0 =	rddreg [dreg:$0x5]  }
0x255: {  	s0 =	sadd.s32 @!p0 $0x100000, s0  }
0x256: {  	[sflag:s0] =	ssyncadd.tile.s32 @!p0 $0x1;
	_ =	shalt  }
.Lfunc_end2:
_tile_overlayer_lowered:
.L_overlay_start_2:
0x257: {  	(tag) =	ssettag $0x2  }
0x258: {  	s0 =	rddreg [dreg:$0x0];
	s2 =	stileid.u32  }
0x259: {  	s1 =	rddreg [dreg:$0x1];
	p0 =	sne.s32 s2, $0x0  }
0x25a: {  	s3 =	rddreg [dreg:$0x2];
	[bflag:$0x3] =	sbarrier.arrive $0xFFFF;
	s2 =	simm.s32 @!p0 $0x1C01  }
0x25b: {  	[timem:s3], [sflag:s2] =	dma.local @!p0 [hbm:s0], s1  }
0x25c: {  	s0 =	simm.s32 @!p0 $0x1  }
0x25d: {  	_ =	swait.ge @!p0 [sflag:s0], s1  }
0x25e: {  	s1 =	ssub.s32 @!p0 $0x0, s1;
	[sflag:s0] =	ssyncset.done @!p0 $0x0  }
0x25f: {  	[sflag:s0] =	ssyncadd.s32 @!p0 s1  }
0x260: {  	[bflag:$0x3] =	sbarrier.arrive $0xFFFF  }
0x261: {  	_ =	shalt  }

// kernel: kernel.8.cloned.1.call-start
scs
__scs_entry_jumppad:
0x0: {  	(pc) =	sbr.rel $0x88, $3  }
0x1: {  	(tag) =	ssettag $0x0;
	lr =	simm.s32 $0x1  }
0x2: {  	[smem:$0x3F9E] =	sst lr;
	_ =	strace $0xD0000000  }
0x3: {  	_ = 	snop  }
0x4: {  	_ = 	snop  }
0x5: {  	_ = 	snop  }
0x6: {  	_ = 	snop  }
0x7: {  	_ = 	snop  }
__scs_overlays_trampoline_lowered:
0x8: {  	[smem:$0x3FAD] =	sst s0  }
0x9: {  	[smem:$0x3FAE] =	sst s1  }
0xa: {  	[smem:$0x3FAF] =	sst s2  }
0xb: {  	[smem:$0x3FB0] =	sst s3  }
0xc: {  	[smem:$0x3FB1] =	sst s4  }
0xd: {  	[smem:$0x3FB2] =	sst s5  }
0xe: {  	[smem:$0x3FB3] =	sst s6  }
0xf: {  	[smem:$0x3FB4] =	sst s7  }
0x10: {  	[smem:$0x3FB5] =	sst s8  }
0x11: {  	[smem:$0x3FB6] =	sst s9;
	s0 =	simm.s32 @!p0 $0x0  }
0x12: {  	s1 =	sld [smem:$0x3F9C];
	s0 =	simm.s32 @p0 $0x1  }
0x13: {  	[smem:$0x3FB7] =	sst s0;
	s0 =	simm.s32 @!p1 $0x0  }
0x14: {  	s2 =	sld [smem:$0x3F9B];
	s0 =	simm.s32 @p1 $0x1  }
0x15: {  	[smem:$0x3FB8] =	sst s0;
	s0 =	simm.s32 @!p2 $0x0  }
0x16: {  	s3 =	sld [smem:$0x3FDB];
	s0 =	simm.s32 @p2 $0x1  }
0x17: {  	s4 =	simm.s32 $0x1BF5;
	[smem:$0x3FBA] =	sst s0  }
0x18: {  	s0 =	sld [smem:$0x3F9D];
	_ =	swait.ge [sflag:s4], $0x0  }
0x19: {  	s7 =	sld [smem:$0x3F9E]  }
0x1a: {  	s8 =	sadd.s32 $0xFFFFE003, lr  }
0x1b: {  	s9 =	sadd.s32 $0xFFFFFEF7, lr;
	s5 =	simm.s32 $0xFFFFFFFF;
	p2 =	slt.u32 s8, $0xFFFFF086  }
0x1c: {  	p1 =	slt.u32 s9, $0xF7A;
	s5 =	simm.s32 @!p2 $0x0  }
0x1d: {  	s5 =	simm.s32 @p1 $0x1;
	p0 =	seq.s32 s7, s2  }
0x1e: {  	s7 =	smul.u32 @!p0 $0xF7A, s2;
	p2 =	seq.s32 @!p0 s5, $0x0  }
0x1f: {  	s9 =	smul.u32 $0xF7A, s1;
	s8 =	simm.s32 @!p0 $0x1BF5;
	p2 =	por !p2, p0  }
0x20: {  	[sflag:s8] =	ssyncset.s32 @!p0 $0xFFFFF086;
	s6 =	sadd.s32 @!p0 s3, s7;
	s7 =	simm.s32 @!p0 $0x108  }
0x21: {  	s3 =	sadd.s32 s3, s9;
	s6 =	sadd.s32 @!p0 $0x88, s6;
	s7 =	simm.s32 @p2 $0x1082  }
0x22: {  	[simem:s7], [sflag:s8] =	dma.local @!p0 [hbm:s6], $0xF7A  }
0x23: {  	s9 =	sor.u32 $0xD0000000, s2;
	s6 =	simm.s32 $0x108;
	_ =	swait.ge @!p0 [sflag:s8], $0x0  }
0x24: {  	s3 =	sadd.s32 $0x88, s3;
	s6 =	simm.s32 @!p1 $0x1082;
	[sflag:s4] =	ssyncset.s32 $0xFFFFF086  }
0x25: {  	[simem:s6], [sflag:s4] =	dma.local [hbm:s3], $0xF7A  }
0x26: {  	[smem:$0x3F9E] =	sst s1;
	(tag) =	ssettag s2;
	_ =	strace s9  }
0x27: {  	s1 =	sld [smem:$0x3FAE]  }
0x28: {  	s2 =	sld [smem:$0x3FAF]  }
0x29: {  	s4 =	sld [smem:$0x3FB1]  }
0x2a: {  	p0 =	seq.s32 s5, $0x0;
	s5 =	sld [smem:$0x3FB2]  }
0x2b: {  	s6 =	sld [smem:$0x3FB3]  }
0x2c: {  	s7 =	sld [smem:$0x3FB4]  }
0x2d: {  	s3 =	simm.s32 $0x108;
	s8 =	sld [smem:$0x3FB5]  }
0x2e: {  	s3 =	simm.s32 @!p0 $0x1082;
	s9 =	sld [smem:$0x3FB6]  }
0x2f: {  	lr =	sadd.s32 s0, s3;
	s0 =	sld [smem:$0x3FAD]  }
0x30: {  	s3 =	sld [smem:$0x3FB0]  }
0x31: {  	[smem:$0x3FB9] =	sst s10  }
0x32: {  	s10 =	sld [smem:$0x3FB7];
	_ =	sdelay $0x3  }
0x33: {  	p0 =	seq.s32 s10, $0x1;
	s10 =	sld [smem:$0x3FB9];
	_ =	sdelay $0x3  }
0x34: {  	[smem:$0x3FB9] =	sst s10  }
0x35: {  	s10 =	sld [smem:$0x3FB8];
	_ =	sdelay $0x3  }
0x36: {  	p1 =	seq.s32 s10, $0x1;
	s10 =	sld [smem:$0x3FB9];
	_ =	sdelay $0x3  }
0x37: {  	[smem:$0x3FB9] =	sst s10  }
0x38: {  	s10 =	sld [smem:$0x3FBA]  }
0x39: {  	_ = 	snop;
	(pc) =	sbr.ind lr, $3  }
0x3a: {  	_ = 	snop  }
0x3b: {  	_ = 	snop  }
0x3c: {  	p2 =	seq.s32 s10, $0x1;
	s10 =	sld [smem:$0x3FB9]  }
0x3d: {  	_ =	shalt  }
0x3e: {  	_ =	shalt  }
0x3f: {  	_ =	shalt  }
0x40: {  	_ =	shalt  }
0x41: {  	_ =	shalt  }
0x42: {  	_ =	shalt  }
0x43: {  	_ =	shalt  }
0x44: {  	_ =	shalt  }
0x45: {  	_ =	shalt  }
0x46: {  	_ =	shalt  }
0x47: {  	_ =	shalt  }
0x48: {  	_ =	shalt  }
0x49: {  	_ =	shalt  }
0x4a: {  	_ =	shalt  }
0x4b: {  	_ =	shalt  }
0x4c: {  	_ =	shalt  }
0x4d: {  	_ =	shalt  }
0x4e: {  	_ =	shalt  }
0x4f: {  	_ =	shalt  }
0x50: {  	_ =	shalt  }
0x51: {  	_ =	shalt  }
0x52: {  	_ =	shalt  }
0x53: {  	_ =	shalt  }
0x54: {  	_ =	shalt  }
0x55: {  	_ =	shalt  }
0x56: {  	_ =	shalt  }
0x57: {  	_ =	shalt  }
0x58: {  	_ =	shalt  }
0x59: {  	_ =	shalt  }
0x5a: {  	_ =	shalt  }
0x5b: {  	_ =	shalt  }
0x5c: {  	_ =	shalt  }
0x5d: {  	_ =	shalt  }
0x5e: {  	_ =	shalt  }
0x5f: {  	_ =	shalt  }
0x60: {  	_ =	shalt  }
0x61: {  	_ =	shalt  }
0x62: {  	_ =	shalt  }
0x63: {  	_ =	shalt  }
0x64: {  	_ =	shalt  }
0x65: {  	_ =	shalt  }
0x66: {  	_ =	shalt  }
0x67: {  	_ =	shalt  }
0x68: {  	_ =	shalt  }
0x69: {  	_ =	shalt  }
0x6a: {  	_ =	shalt  }
0x6b: {  	_ =	shalt  }
0x6c: {  	_ =	shalt  }
0x6d: {  	_ =	shalt  }
0x6e: {  	_ =	shalt  }
0x6f: {  	_ =	shalt  }
0x70: {  	_ =	shalt  }
0x71: {  	_ =	shalt  }
0x72: {  	_ =	shalt  }
0x73: {  	_ =	shalt  }
0x74: {  	_ =	shalt  }
0x75: {  	_ =	shalt  }
0x76: {  	_ =	shalt  }
0x77: {  	_ =	shalt  }
0x78: {  	_ =	shalt  }
0x79: {  	_ =	shalt  }
0x7a: {  	_ =	shalt  }
0x7b: {  	_ =	shalt  }
0x7c: {  	_ =	shalt  }
0x7d: {  	_ =	shalt  }
0x7e: {  	_ =	shalt  }
0x7f: {  	_ =	shalt  }
0x80: {  	_ =	shalt  }
0x81: {  	_ =	shalt  }
0x82: {  	_ =	shalt  }
0x83: {  	_ =	shalt  }
0x84: {  	_ =	shalt  }
0x85: {  	_ =	shalt  }
0x86: {  	_ =	shalt  }
0x87: {  	_ =	shalt  }
.Lfunc_end0:
.L_simem_size_0:
called_computation.1_lowered:
.L_overlay_start_0:
0x88: {  	s2 =	sld [smem:$0x3FD9]  }
0x89: {  	s3 =	sld [smem:$0x3FFE];
	_ =	sdelay $0x1  }
0x8a: {  	s1 =	srdreg.scid  }
0x8b: {  	s0 =	sand.u32 $0x1, s1  }
0x8c: {  	s14 =	sshll.u32 s0, $0xA;
	s2 =	sadd.s32 s3, s2  }
0x8d: {  	s2 =	sadd.s32 s2, s14  }
0x8e: {  	[smem:$0x3FC5] =	sst s2  }
0x8f: {  	_ = 	snop  }
0x90: {  	s2 =	sld [smem:$0x3FD0];
	_ =	sdelay $0x2  }
0x91: {  	s15 =	simm.s32 $0xA;
	s4 =	simm.s32 $0x10  }
0x92: {  	[smem:s4], [sflag:s15] =	dma.local [hbm:s2], $0x1  }
0x93: {  	_ =	swait.eq [sflag:s15], $0x1  }
0x94: {  	s16 =	sld [smem:$0x10]  }
0x95: {  	s17 =	sld [smem:$0x11]  }
0x96: {  	s5 =	sld [smem:$0x12];
	[sflag:s15] =	ssyncset.done $0x0  }
0x97: {  	s6 =	sld [smem:$0x13];
	[sflag:s15] =	ssyncadd.s32 $0xFFFFFFFF  }
0x98: {  	s18 =	sld [smem:$0x14];
	(tm) =	ssettm $0x1  }
0x99: {  	s7 =	sld [smem:$0x3FFB];
	_ =	sdelay $0x3  }
0x9a: {  	_ =	strace s7  }
0x9b: {  	s7 =	sld [smem:$0x3FFC];
	_ =	sdelay $0x3  }
0x9c: {  	_ =	strace s7  }
0x9d: {  	s7 =	sld [smem:$0x3FFD];
	_ =	sdelay $0x3  }
0x9e: {  	_ =	strace s7  }
0x9f: {  	_ =	strace $0x8FFFFFFF  }
0xa0: {  	s19 =	sld [smem:$0x3FDB];
	_ =	sdelay $0x1  }
0xa1: {  	s8 =	simm.s32 $_scs_section_size  }
0xa2: {  	s9 =	simm.s32 $_size__tile_overlayer_lowered;
	s10 =	simm.s32 $_tile_overlayer_lowered  }
0xa3: {  	s22 =	simm.s32 $0x1BFF;
	s21 =	sshll.u32 s10, $0x1;
	s7 =	sadd.s32 s8, s19  }
0xa4: {  	s11 =	simm.s32 $0x0;
	s20 =	sshll.u32 s9, $0x1;
	s9 =	sadd.s32 s21, s7  }
0xa5: {  	[timem:s11], [sflag:s22] =	dma.local [hbm:s9], s20  }
0xa6: {  	_ =	swait.ge [sflag:s22], s20  }
0xa7: {  	s8 =	ssub.s32 $0x0, s20;
	[sflag:s22] =	ssyncset.done $0x0  }
0xa8: {  	[sflag:s22] =	ssyncadd.s32 s8;
	_ =	sdelay $0x1  }
0xa9: {  	s23 =	simm.s32 $0x1B8B  }
0xaa: {  	_ =	swait.ge [sflag:s23], $0x1  }
0xab: {  	[sflag:s23] =	ssyncset.done $0x0  }
0xac: {  	s25 =	simm.s32 $0x1B8E;
	s24 =	sld [smem:$0x3FFE];
	[sflag:s23] =	ssyncadd.s32 $0xFFFFFFFF  }
0xad: {  	s26 =	simm.s32 $execute0_lowered;
	[smem:$0x3FD2] =	sst s25  }
0xae: {  	s9 =	sshll.u32 s26, $0x1;
	_ =	strace $0x80000049;
	[dreg:$0x1] =	wrdreg $0xFFFFFFFF  }
0xaf: {  	s28 =	simm.s32 $_size_execute0_lowered;
	s7 =	sadd.s32 s7, s9;
	[dreg:$0x0] =	wrdreg $0x0  }
0xb0: {  	s9 =	sshll.u32 s28, $0x1;
	[dreg:$0x2] =	wrdreg s7  }
0xb1: {  	[dreg:$0x3] =	wrdreg s9  }
0xb2: {  	[dreg:$0x4] =	wrdreg $0xC0  }
0xb3: {  	_ =	task [dreg:s11], $0x5FFFF  }
0xb4: {  	[dreg:$0x1] =	wrdreg $0xFFFFFFFF  }
0xb5: {  	[dreg:$0x0] =	wrdreg $0x60  }
0xb6: {  	[dreg:$0x2] =	wrdreg s18  }
0xb7: {  	[dreg:$0x3] =	wrdreg s24  }
0xb8: {  	[dreg:$0x4] =	wrdreg s5  }
0xb9: {  	[dreg:$0x5] =	wrdreg s17  }
0xba: {  	[dreg:$0x6] =	wrdreg s16  }
0xbb: {  	[dreg:$0x7] =	wrdreg s6  }
0xbc: {  	[dreg:$0x8] =	wrdreg $0x9  }
0xbd: {  	_ =	task.clear_ibuf [dreg:s11], $0x9FFFF;
	_ =	strace $0x90000049  }
0xbe: {  	s29 =	simm.s32 $0x9;
	_ =	strace $0x8000004B  }
0xbf: {  	_ =	swait.ge [sflag:s29], $0x1  }
0xc0: {  	[sflag:s29] =	ssyncadd.s32 $0xFFFFFFFF  }
0xc1: {  	_ =	strace $0x9000004B  }
0xc2: {  	_ =	sfence  }
0xc3: {  	s30 =	sld [smem:$0x0];
	_ =	sdelay $0x2  }
0xc4: {  	s31 =	sshll.u32 s1, $0xD;
	s1 =	sshrl.u32 s1, $0x2  }
0xc5: {  	s3 =	sand.u32 $0x4000, s31;
	s1 =	sadd.s32 s1, s30  }
0xc6: {  	s0 =	sor.u32 s3, s0;
	s1 =	sshll.u32 s1, $0x11  }
0xc7: {  	s0 =	sor.u32 s1, s0  }
0xc8: {  	s0 =	sadd.s32 $0x8F2B, s0  }
0xc9: {  	[sflag:s0] =	ssyncadd.remote.s32 $0x1  }
0xca: {  	_ =	sfence.sel $0xFFFF  }
0xcb: {  	[dreg:$0x0] =	wrdreg $0xFFFFFFFF;
	(pc) =	sbr.abs _section_cstart, $3  }
0xcc: {  	[dreg:$0x1] =	wrdreg $0xFFFFFFFF  }
0xcd: {  	_ =	task.clear_ibuf [dreg:s11], $0x2FFFF;
	_ =	strace $0x9FFFFFFF  }
0xce: {  	(tm) =	ssettm $0x7FFFFFFF  }
0xcf: {  	_ =	shalt  }
tec
execute0_lowered:
.L_overlay_start_1:
0x0: {  	(tag) =	ssettag $0x1  }
0x1: {  	s0 =	rddreg [dreg:$0x0];
	s3 =	stileid.u32  }
0x2: {  	s2 =	rddreg [dreg:$0x1];
	p0 =	sne.s32 s3, $0x0  }
.Ltmp0:
0x3: {  	s6 =	rddreg [dreg:$0x2];
	(pc) =	sbr.rel @p0 .LBB2_7-.Ltmp0, $4  }
0x4: {  	s7 =	rddreg [dreg:$0x3]  }
0x5: {  	s8 =	rddreg [dreg:$0x4];
	s1 =	simm.s32 $0x0  }
0x6: {  	[smem:$0x7FF] =	sst s1  }
0x7: {  	s12 =	rddreg [dreg:$0x5];
	_ =	strace $0x8000004A  }
0x8: {  	s4 =	srdreg.scid  }
0x9: {  	s3 =	sshll.u32 s3, $0x1;
	s24 =	simm.s32 $0x2F00;
	s11 =	sand.u32 $0x1, s4  }
0xa: {  	s25 =	simm.s32 $0x2F80;
	s26 =	simm.s32 $0x3000;
	s3 =	sor.u32 s11, s3  }
0xb: {  	s28 =	simm.s32 $0x0;
	s15 =	ssub.s32 $0x2, s11;
	s13 =	smul.u32 $0x118, s3  }
0xc: {  	s16 =	sshll.u32 s11, $0x1;
	s9 =	smul.u32 $0xE, s3;
	s17 =	sshrl.u32 s15, $0x1  }
0xd: {  	s29 =	simm.s32 $0x0;
	s12 =	sadd.s32 s12, s16;
	s31 =	ssub.s32 s15, s17  }
0xe: {  	s15 =	simm.s32 $0x1;
	s5 =	sadd.s32 s13, s2;
	s14 =	sadd.s32 s9, s2  }
0xf: {  	s6 =	sadd.s32 s6, s9;
	s7 =	sadd.s32 s7, s9;
	s8 =	sadd.s32 s8, s9  }
0x10: {  	s13 =	sadd.s32 s0, s13;
	s2 =	sadd.s32 $0x1E00, s5;
	s3 =	sadd.s32 $0x2200, s5  }
0x11: {  	s4 =	sadd.s32 $0x2600, s5;
	s5 =	sadd.s32 $0x2A00, s5;
	s9 =	sadd.s32 $0x2E00, s14  }
0x12: {  	v0 =	vlaneseq.u32;
	v1 =	vimm.s32 $0x0;
	v2 =	vimm.f32 $0.0e+00;
	s10 =	sadd.s32 $0x3000, s14;
	s11 =	sadd.s32 $0x3200, s14;
	s14 =	smax.u32 s31, $0x1  }
.LBB2_2:
0x13: {  	[tilespmem:s29], [sflag:$0x1] =	stream.linear.gather [hbm4b:s13+s29], $0x8C0, $0x38;
	[tilespmem:$0x3180] =	vst v63  }
0x14: {  	_ =	swait.ge [sflag:s15], $0x8C0  }
0x15: {  	[sflag:s15] =	ssyncset.done $0x0  }
0x16: {  	s0 =	simm.s32 $0x900;
	[sflag:s15] =	ssyncadd.s32 $0xFFFFF740  }
0x17: {  	[tilespmem:s0], [sflag:$0x1] =	stream.linear.gather [hbm4b:s2+s29], $0x8C0, $0x38;
	[tilespmem:$0x3180] =	vst v63  }
0x18: {  	_ =	swait.ge [sflag:s15], $0x8C0  }
0x19: {  	[sflag:s15] =	ssyncset.done $0x0  }
0x1a: {  	s22 =	simm.s32 $0x1200;
	[sflag:s15] =	ssyncadd.s32 $0xFFFFF740  }
0x1b: {  	[tilespmem:s22], [sflag:$0x1] =	stream.linear.gather [hbm4b:s3+s29], $0x8C0, $0x38;
	[tilespmem:$0x3180] =	vst v63  }
0x1c: {  	_ =	swait.ge [sflag:s15], $0x8C0  }
0x1d: {  	[sflag:s15] =	ssyncset.done $0x0  }
0x1e: {  	s23 =	simm.s32 $0x1B00;
	[sflag:s15] =	ssyncadd.s32 $0xFFFFF740  }
0x1f: {  	[tilespmem:s23], [sflag:$0x1] =	stream.linear.gather [hbm4b:s4+s29], $0x8C0, $0x38;
	[tilespmem:$0x3180] =	vst v63  }
0x20: {  	_ =	swait.ge [sflag:s15], $0x8C0  }
0x21: {  	[sflag:s15] =	ssyncset.done $0x0  }
0x22: {  	s31 =	simm.s32 $0x2400;
	[sflag:s15] =	ssyncadd.s32 $0xFFFFF740  }
0x23: {  	[tilespmem:s31], [sflag:$0x1] =	stream.linear.gather [hbm4b:s5+s29], $0x8C0, $0x38;
	[tilespmem:$0x3180] =	vst v63  }
0x24: {  	v10 =	vimm.f32 $3.399999950e+38;
	v11 =	vimm.s32 $0xFFFFFFFF;
	v4 =	vimm.f32 $0.0e+00;
	_ =	swait.ge [sflag:s15], $0x8C0  }
0x25: {  	v6 =	vimm.f32 $0.0e+00;
	v5 =	vimm.f32 $0.0e+00;
	v7 =	vimm.f32 $0.0e+00;
	[sflag:s15] =	ssyncset.done $0x0  }
0x26: {  	v8 =	vimm.f32 $0.0e+00;
	v9 =	vimm.f32 $0.0e+00;
	v3 =	vimm.s32 $0x0;
	s30 =	simm.s32 $0x0;
	[sflag:s15] =	ssyncadd.s32 $0xFFFFF740  }
.LBB2_3:
0x27: {  	s0 =	smul.u32 $0x25, s29;
	_ =	sdelay $0x1  }
0x28: {  	s0 =	sshrl.u32 s0, $0x8  }
0x29: {  	s16 =	ssub.s32 $0x0, s0  }
0x2a: {  	s16 =	sand.u32 $0xFE, s16  }
0x2b: {  	v12 =	vld [tilespmem:s29+$0x0];
	s16 =	sshrl.u32 s16, $0x1  }
0x2c: {  	s0 =	sadd.s32 s0, s16  }
0x2d: {  	s17 =	simm.s32 $0x1;
	s0 =	sand.u32 $0xFC, s0  }
0x2e: {  	s21 =	simm.s32 $0x900;
	s20 =	smul.u32 $0x25, s17;
	s0 =	sshrl.u32 s0, $0x2  }
0x2f: {  	v18 =	vor.u32 s29, v0;
	s18 =	simm.s32 $0x1200;
	v15 =	vld [tilespmem:s21+$0x0];
	v14 =	vmov s0  }
0x30: {  	vm1 =	vgt.s32 v18, v11;
	s17 =	simm.s32 $0x1B00;
	v16 =	vld [tilespmem:s18+$0x0];
	vm0 =	veq.f32 v12, v10;
	s16 =	sshrl.u32 s20, $0x8;
	v14 =	vcvt.s32.f32 v14  }
0x31: {  	v13 =	vimm.f32 $-4.000000000e+00;
	v17 =	vld [tilespmem:s17+$0x0];
	vm2 =	vlt.f32 v12, v10;
	vm0 =	vmand vm1, vm0;
	s22 =	ssub.s32 $0x1, s16;
	s0 =	simm.s32 $0x2400  }
0x32: {  	s21 =	simm.s32 $0x10;
	vm1 =	vgt.f32 v12, v13;
	vm0 =	vmor vm2, vm0;
	s19 =	sand.u32 $0xFE, s22;
	v20 =	vbroadcast v14, $0x0;
	v14 =	vld [tilespmem:s0+$0x0]  }
0x33: {  	v19 =	vimm.s32 $0x0;
	s31 =	simm.s32 $0x2;
	v21 =	vimm.f32 $0.0e+00;
	s18 =	simm.s32 $0x910;
	v23 =	vld [tilespmem:s21+$0x0];
	vm0 =	vmand vm1, vm0;
	s23 =	sshrl.u32 s19, $0x1  }
0x34: {  	s20 =	smul.u32 $0x25, s31;
	s22 =	simm.s32 $0x3;
	v22 =	vsel vm0, v12, v13;
	v19 =	vsel vm0, v18, v19;
	v18 =	vimm.f32 $0.0e+00;
	s19 =	sadd.s32 s16, s23  }
0x35: {  	v13 =	vimm.f32 $0.0e+00;
	s16 =	simm.s32 $0x1210;
	s23 =	simm.s32 $0x0;
	s19 =	sand.u32 $0xFC, s19;
	v12 =	vsel vm0, v20, v2;
	v20 =	vimm.f32 $0.0e+00  }
.LBB2_4:
0x36: {  	p1 =	sne.s32 s22, $0x8B;
	s19 =	sshrl.u32 s19, $0x2;
	v21 =	vsel vm0, v15, v21;
	v15 =	vld [tilespmem:s18+$0x0];
	v20 =	vsel vm0, v16, v20;
	v18 =	vsel vm0, v17, v18;
	s23 =	sadd.s32 $0x10, s23  }
0x37: {  	s17 =	sadd.s32 $0x10, s17;
	s20 =	sshrl.u32 s20, $0x8;
	v24 =	vor.u32 s23, v0;
	v17 =	vmov s19;
	v16 =	vld [tilespmem:s16+$0x0];
	v13 =	vsel vm0, v14, v13  }
.Ltmp1:
0x38: {  	s0 =	sadd.s32 $0x10, s0;
	s19 =	ssub.s32 s31, s20;
	v25 =	vcvt.s32.f32 v17;
	vm0 =	veq.f32 v23, v10;
	vm1 =	vgt.s32 v24, v11;
	v17 =	vld [tilespmem:s17+$0x0];
	v26 =	vmovc v23;
	(pc) =	sbr.rel @p1 .LBB2_4-.Ltmp1, $4  }
0x39: {  	s21 =	sadd.s32 $0x10, s21;
	s31 =	smov.u32 s22;
	s19 =	sand.u32 $0xFE, s19;
	vm2 =	vlt.f32 v26, v10;
	vm0 =	vmand vm1, vm0;
	v14 =	vld [tilespmem:s0+$0x0]  }
0x3a: {  	vm1 =	vgt.f32 v26, v22;
	v23 =	vld [tilespmem:s21+$0x0];
	s19 =	sshrl.u32 s19, $0x1;
	v25 =	vbroadcast v25, $0x0;
	vm0 =	vmor vm2, vm0  }
0x3b: {  	s18 =	sadd.s32 $0x10, s18;
	s16 =	sadd.s32 $0x10, s16;
	s19 =	sadd.s32 s20, s19;
	vm0 =	vmand vm1, vm0  }
0x3c: {  	s22 =	sadd.s32 $0x1, s22;
	s20 =	smul.u32 $0x25, s31;
	s19 =	sand.u32 $0xFC, s19;
	v22 =	vsel vm0, v26, v22;
	v19 =	vsel vm0, v24, v19;
	v12 =	vsel vm0, v25, v12  }
0x3d: {  	s21 =	sadd.s32 $0x10, s21  }
0x3e: {  	s22 =	sadd.s32 $0x10, s23;
	v24 =	vld [tilespmem:s21+$0x0]  }
0x3f: {  	v25 =	vor.u32 s22, v0  }
0x40: {  	vm1 =	veq.f32 v23, v10;
	vm2 =	vgt.s32 v25, v11  }
0x41: {  	v26 =	vld [tilespmem:s18+$0x0];
	s23 =	sadd.s32 $0x10, s22;
	vm3 =	vlt.f32 v23, v10;
	vm1 =	vmand vm2, vm1  }
0x42: {  	v27 =	vld [tilespmem:s16+$0x0];
	s17 =	sadd.s32 $0x10, s17;
	vm9 =	vgt.f32 v23, v22;
	v29 =	vor.u32 s23, v0;
	vm1 =	vmor vm3, vm1  }
0x43: {  	s0 =	sadd.s32 $0x10, s0;
	v28 =	vld [tilespmem:s17+$0x0];
	vm11 =	vgt.s32 v29, v11;
	vm1 =	vmand vm9, vm1;
	vm10 =	veq.f32 v24, v10  }
0x44: {  	v30 =	vld [tilespmem:s0+$0x0];
	s22 =	sadd.s32 $0x10, s18;
	v11 =	vsel vm1, v23, v22;
	vm12 =	vlt.f32 v24, v10;
	vm2 =	vmand vm11, vm10  }
0x45: {  	s21 =	sadd.s32 $0x10, s17;
	v61 =	vld [tilespmem:s22+$0x0];
	vm13 =	vgt.f32 v24, v11;
	vm2 =	vmor vm12, vm2  }
0x46: {  	s0 =	sadd.s32 $0x10, s0;
	v62 =	vld [tilespmem:s21+$0x0];
	vm2 =	vmand vm13, vm2  }
0x47: {  	s23 =	sadd.s32 $0x10, s16;
	v63 =	vld [tilespmem:s0+$0x0];
	s22 =	sshrl.u32 s20, $0x8;
	v11 =	vsel vm2, v24, v11  }
0x48: {  	v10 =	vld [tilespmem:s23+$0x0];
	v19 =	vsel vm1, v25, v19;
	s23 =	ssub.s32 s31, s22;
	[tilespmem:$0x3080] =	vst v11  }
0x49: {  	v15 =	vsel vm0, v15, v21;
	s16 =	sand.u32 $0xFE, s23;
	v19 =	vsel vm2, v29, v19;
	[tilespmem:$0x3090] =	vst v11  }
0x4a: {  	v15 =	vsel vm1, v26, v15;
	s16 =	sshrl.u32 s16, $0x1;
	[tilespmem:$0x3100] =	vst v19  }
0x4b: {  	v16 =	vsel vm0, v16, v20;
	s0 =	sadd.s32 s22, s16;
	v15 =	vsel vm2, v61, v15;
	[tilespmem:$0x3110] =	vst v19  }
0x4c: {  	v16 =	vsel vm1, v27, v16;
	s31 =	sshrl.u32 s19, $0x2;
	s0 =	sand.u32 $0xFC, s0;
	v26 =	vld [tilespmem:$0x3088];
	[tilespmem:$0x3080] =	vst v15  }
0x4d: {  	v17 =	vsel vm0, v17, v18;
	v31 =	vmov s31;
	v10 =	vsel vm2, v10, v16;
	s0 =	sshrl.u32 s0, $0x2;
	[tilespmem:$0x3090] =	vst v15;
	v35 =	vld [tilespmem:$0x3108]  }
0x4e: {  	v17 =	vsel vm1, v28, v17;
	v33 =	vcvt.s32.f32 v31;
	v34 =	vmov s0;
	v29 =	vld [tilespmem:$0x3088];
	[tilespmem:$0x3080] =	vst v10  }
0x4f: {  	v13 =	vsel vm0, v14, v13;
	v17 =	vsel vm2, v62, v17;
	[tilespmem:$0x3090] =	vst v10;
	v18 =	vcvt.s32.f32 v34  }
0x50: {  	v13 =	vsel vm1, v30, v13;
	v14 =	vbroadcast v33, $0x0;
	v32 =	vld [tilespmem:$0x3088];
	[tilespmem:$0x3080] =	vst v17  }
0x51: {  	v13 =	vsel vm2, v63, v13;
	[tilespmem:$0x3090] =	vst v17;
	v18 =	vbroadcast v18, $0x0  }
0x52: {  	v12 =	vsel vm1, v14, v12;
	v36 =	vld [tilespmem:$0x3088];
	[tilespmem:$0x3080] =	vst v13;
	vm14 =	veq.f32 v26, v11;
	vm15 =	vlt.s32 v35, v19  }
0x53: {  	[tilespmem:$0x3090] =	vst v13;
	v12 =	vsel vm2, v18, v12;
	vm4 =	vgt.f32 v26, v11;
	vm0 =	vmand vm14, vm15  }
0x54: {  	v37 =	vld [tilespmem:$0x3088];
	[tilespmem:$0x3080] =	vst v12;
	vm0 =	vmor vm4, vm0  }
0x55: {  	[tilespmem:$0x3090] =	vst v12;
	v11 =	vsel vm0, v26, v11  }
0x56: {  	v38 =	vld [tilespmem:$0x3088];
	[tilespmem:$0x3080] =	vst v11  }
0x57: {  	v19 =	vsel vm0, v35, v19;
	[tilespmem:$0x3090] =	vst v11  }
0x58: {  	[tilespmem:$0x3100] =	vst v19  }
0x59: {  	v15 =	vsel vm0, v29, v15;
	[tilespmem:$0x3110] =	vst v19  }
0x5a: {  	v39 =	vld [tilespmem:$0x3084];
	[tilespmem:$0x3080] =	vst v15  }
0x5b: {  	v10 =	vsel vm0, v32, v10;
	[tilespmem:$0x3090] =	vst v15;
	v42 =	vld [tilespmem:$0x3104]  }
0x5c: {  	v40 =	vld [tilespmem:$0x3084];
	[tilespmem:$0x3080] =	vst v10  }
0x5d: {  	v17 =	vsel vm0, v36, v17;
	[tilespmem:$0x3090] =	vst v10  }
0x5e: {  	v41 =	vld [tilespmem:$0x3084];
	[tilespmem:$0x3080] =	vst v17  }
0x5f: {  	v13 =	vsel vm0, v37, v13;
	[tilespmem:$0x3090] =	vst v17  }
0x60: {  	v43 =	vld [tilespmem:$0x3084];
	[tilespmem:$0x3080] =	vst v13;
	vm5 =	veq.f32 v39, v11;
	vm6 =	vlt.s32 v42, v19  }
0x61: {  	v12 =	vsel vm0, v38, v12;
	[tilespmem:$0x3090] =	vst v13;
	vm7 =	vgt.f32 v39, v11;
	vm0 =	vmand vm5, vm6  }
0x62: {  	v44 =	vld [tilespmem:$0x3084];
	[tilespmem:$0x3080] =	vst v12;
	vm0 =	vmor vm7, vm0  }
0x63: {  	[tilespmem:$0x3090] =	vst v12;
	v11 =	vsel vm0, v39, v11  }
0x64: {  	v45 =	vld [tilespmem:$0x3084];
	[tilespmem:$0x3080] =	vst v11  }
0x65: {  	v19 =	vsel vm0, v42, v19;
	[tilespmem:$0x3090] =	vst v11  }
0x66: {  	[tilespmem:$0x3100] =	vst v19  }
0x67: {  	v15 =	vsel vm0, v40, v15;
	[tilespmem:$0x3110] =	vst v19  }
0x68: {  	v46 =	vld [tilespmem:$0x3082];
	[tilespmem:$0x3080] =	vst v15  }
0x69: {  	v10 =	vsel vm0, v41, v10;
	[tilespmem:$0x3090] =	vst v15;
	v49 =	vld [tilespmem:$0x3102]  }
0x6a: {  	v47 =	vld [tilespmem:$0x3082];
	[tilespmem:$0x3080] =	vst v10  }
0x6b: {  	v14 =	vsel vm0, v43, v17;
	[tilespmem:$0x3090] =	vst v10  }
0x6c: {  	v48 =	vld [tilespmem:$0x3082];
	[tilespmem:$0x3080] =	vst v14  }
0x6d: {  	v13 =	vsel vm0, v44, v13;
	[tilespmem:$0x3090] =	vst v14  }
0x6e: {  	v50 =	vld [tilespmem:$0x3082];
	[tilespmem:$0x3080] =	vst v13;
	vm8 =	veq.f32 v46, v11;
	vm9 =	vlt.s32 v49, v19  }
0x6f: {  	v16 =	vsel vm0, v45, v12;
	[tilespmem:$0x3090] =	vst v13;
	vm10 =	vgt.f32 v46, v11;
	vm0 =	vmand vm8, vm9  }
0x70: {  	v51 =	vld [tilespmem:$0x3082];
	[tilespmem:$0x3080] =	vst v16;
	vm0 =	vmor vm10, vm0  }
0x71: {  	[tilespmem:$0x3090] =	vst v16;
	v20 =	vsel vm0, v46, v11  }
0x72: {  	v52 =	vld [tilespmem:$0x3082];
	[tilespmem:$0x3080] =	vst v20  }
0x73: {  	v11 =	vsel vm0, v49, v19;
	[tilespmem:$0x3090] =	vst v20  }
0x74: {  	[tilespmem:$0x3100] =	vst v11  }
0x75: {  	v15 =	vsel vm0, v47, v15;
	[tilespmem:$0x3110] =	vst v11  }
0x76: {  	v53 =	vld [tilespmem:$0x3081];
	[tilespmem:$0x3080] =	vst v15  }
0x77: {  	v17 =	vsel vm0, v48, v10;
	[tilespmem:$0x3090] =	vst v15;
	v57 =	vld [tilespmem:$0x3101]  }
0x78: {  	v54 =	vld [tilespmem:$0x3081];
	[tilespmem:$0x3080] =	vst v17  }
0x79: {  	v14 =	vsel vm0, v50, v14;
	[tilespmem:$0x3090] =	vst v17  }
0x7a: {  	v55 =	vld [tilespmem:$0x3081];
	[tilespmem:$0x3080] =	vst v14  }
0x7b: {  	v13 =	vsel vm0, v51, v13;
	[tilespmem:$0x3090] =	vst v14  }
0x7c: {  	v56 =	vld [tilespmem:$0x3081];
	[tilespmem:$0x3080] =	vst v13  }
0x7d: {  	v16 =	vsel vm0, v52, v16;
	[tilespmem:$0x3090] =	vst v13;
	vm11 =	veq.f32 v53, v20;
	vm12 =	vlt.s32 v57, v11  }
0x7e: {  	v58 =	vld [tilespmem:$0x3081];
	[tilespmem:$0x3080] =	vst v16;
	vm13 =	vgt.f32 v53, v20;
	vm0 =	vmand vm11, vm12  }
0x7f: {  	p1 =	seq.s32 s30, $0x63;
	s0 =	sand.u32 $0xF, s30;
	[tilespmem:$0x3090] =	vst v16;
	vm0 =	vmor vm13, vm0  }
0x80: {  	v60 =	vmov s0;
	p2 =	sne.s32 @!p1 s0, $0xF;
	v59 =	vld [tilespmem:$0x3081];
	v10 =	vsel vm0, v53, v20  }
0x81: {  	s0 =	simm.f32 $0.0e+00;
	p1 =	por p1, !p2;
	vm15 =	veq.s32 v60, v0;
	v15 =	vsel vm0, v54, v15;
	vm14 =	vgt.f32 v10, $0.0e+00  }
0x82: {  	s0 =	sand.u32 @p1 $0x70, s30;
	v17 =	vsel vm0, v55, v17;
	v9 =	vsel vm15, v10, v9;
	v15 =	vnsel vm14, $0x0, v15  }
0x83: {  	v14 =	vsel vm0, v56, v14;
	v17 =	vnsel vm14, $0x0, v17;
	[tilespmem:s0+$0x2F00] =	vst @p1 v9;
	v8 =	vsel vm15, v15, v8  }
0x84: {  	v13 =	vsel vm0, v58, v13;
	v14 =	vnsel vm14, $0x0, v14;
	v7 =	vsel vm15, v17, v7;
	[tilespmem:s0+$0x2D00] =	vst @p1 v8  }
0x85: {  	v16 =	vsel vm0, v59, v16;
	v13 =	vnsel vm14, $0x0, v13;
	v5 =	vsel vm15, v14, v5;
	[tilespmem:s0+$0x2D80] =	vst @p1 v7  }
0x86: {  	v61 =	vnsel vm14, $0x0, v16;
	v6 =	vsel vm15, v13, v6;
	[tilespmem:s0+$0x2E00] =	vst @p1 v5  }
0x87: {  	v4 =	vsel vm15, v61, v4;
	[tilespmem:s0+$0x2E80] =	vst @p1 v6  }
0x88: {  	[tilespmem:s0+$0x2F80] =	vst @p1 v4;
	s0 =	simm.f32 @p1 $1.000000000e+00  }
0x89: {  	v62 =	vmov s0  }
0x8a: {  	s30 =	sadd.s32 $0x1, s30;
	v13 =	vsub.f32 $1.000000000e+00, v62  }
0x8b: {  	p1 =	sne.s32 s30, $0x64  }
.Ltmp2:
0x8c: {  	v13 =	vbroadcast v13, $0x0;
	(pc) =	sbr.rel @p1 .LBB2_3-.Ltmp2, $4  }
0x8d: {  	_ = 	snop  }
0x8e: {  	v11 =	vsel vm0, v57, v11;
	v9 =	vmul.f32 v13, v9;
	v8 =	vmul.f32 v13, v8  }
0x8f: {  	v63 =	vsel vm14, $0x1, v1;
	v7 =	vmul.f32 v13, v7;
	v5 =	vmul.f32 v13, v5  }
0x90: {  	v3 =	vadd.s32 v63, v3;
	v6 =	vmul.f32 v13, v6;
	v4 =	vmul.f32 v13, v4  }
0x91: {  	[tilespmem:$0x3000] =	vst v3;
	s0 =	simm.s32 $0x2D00  }
0x92: {  	[hbm4b:s6+s1] =	stream.linear.scatter [tilespmem:s0], [sflag:$0x1], $0x70, $0x38;
	[tilespmem:$0x3180] =	vst v63  }
0x93: {  	_ =	swait.ge [sflag:s15], $0x70  }
0x94: {  	[sflag:s15] =	ssyncset.done $0x0  }
0x95: {  	s23 =	simm.s32 $0x2D80;
	[sflag:s15] =	ssyncadd.s32 $0xFFFFFF90  }
0x96: {  	[hbm4b:s7+s1] =	stream.linear.scatter [tilespmem:s23], [sflag:$0x1], $0x70, $0x38;
	[tilespmem:$0x3180] =	vst v63  }
0x97: {  	_ =	swait.ge [sflag:s15], $0x70  }
0x98: {  	[sflag:s15] =	ssyncset.done $0x0  }
0x99: {  	s30 =	simm.s32 $0x2E00;
	[sflag:s15] =	ssyncadd.s32 $0xFFFFFF90  }
0x9a: {  	[hbm4b:s8+s1] =	stream.linear.scatter [tilespmem:s30], [sflag:$0x1], $0x70, $0x38;
	[tilespmem:$0x3180] =	vst v63  }
0x9b: {  	_ =	swait.ge [sflag:s15], $0x70  }
0x9c: {  	[sflag:s15] =	ssyncset.done $0x0  }
0x9d: {  	s31 =	simm.s32 $0x2E80;
	[sflag:s15] =	ssyncadd.s32 $0xFFFFFF90  }
0x9e: {  	[hbm4b:s9+s1] =	stream.linear.scatter [tilespmem:s31], [sflag:$0x1], $0x70, $0x38;
	[tilespmem:$0x3180] =	vst v63  }
0x9f: {  	_ =	swait.ge [sflag:s15], $0x70  }
0xa0: {  	[sflag:s15] =	ssyncset.done $0x0  }
0xa1: {  	[sflag:s15] =	ssyncadd.s32 $0xFFFFFF90  }
0xa2: {  	[hbm4b:s10+s1] =	stream.linear.scatter [tilespmem:s24], [sflag:$0x1], $0x70, $0x38;
	[tilespmem:$0x3180] =	vst v63  }
0xa3: {  	_ =	swait.ge [sflag:s15], $0x70  }
0xa4: {  	[sflag:s15] =	ssyncset.done $0x0  }
0xa5: {  	[sflag:s15] =	ssyncadd.s32 $0xFFFFFF90  }
0xa6: {  	[hbm4b:s11+s1] =	stream.linear.scatter [tilespmem:s25], [sflag:$0x1], $0x70, $0x38;
	[tilespmem:$0x3180] =	vst v63  }
0xa7: {  	s28 =	sadd.s32 $0x1, s28;
	_ =	swait.ge [sflag:s15], $0x70  }
0xa8: {  	p1 =	sne.s32 s28, s14;
	[sflag:s15] =	ssyncset.done $0x0  }
.Ltmp3:
0xa9: {  	[sflag:s15] =	ssyncadd.s32 $0xFFFFFF90;
	(pc) =	sbr.rel @p1 .LBB2_2-.Ltmp3, $4  }
0xaa: {  	[hbm4b:s12+s1] =	stream.linear.scatter [tilespmem:s26], [sflag:$0x1], $0x10, $0x38;
	[tilespmem:$0x3180] =	vst v63  }
0xab: {  	_ =	swait.ge [sflag:s15], $0x10  }
0xac: {  	[sflag:s15] =	ssyncset.done $0x0  }
0xad: {  	[sflag:s15] =	ssyncadd.s32 $0xFFFFFFF0  }
.LBB2_7:
0xae: {  	_ =	sfence.sel $0x180000  }
0xaf: {  	[bflag:$0x0] =	sbarrier.arrive $0xFFFF  }
0xb0: {  	_ =	strace $0x9000004A  }
0xb1: {  	[bflag:$0x2] =	sbarrier.arrive $0xFFFF  }
0xb2: {  	s0 =	rddreg [dreg:$0x6]  }
0xb3: {  	s0 =	sadd.s32 @!p0 $0x100000, s0  }
0xb4: {  	[sflag:s0] =	ssyncadd.tile.s32 @!p0 $0x1;
	_ =	shalt  }
.Lfunc_end2:
_tile_overlayer_lowered:
.L_overlay_start_2:
0xb5: {  	(tag) =	ssettag $0x2  }
0xb6: {  	s0 =	rddreg [dreg:$0x0];
	s2 =	stileid.u32  }
0xb7: {  	s1 =	rddreg [dreg:$0x1];
	p0 =	sne.s32 s2, $0x0  }
0xb8: {  	s3 =	rddreg [dreg:$0x2];
	[bflag:$0x3] =	sbarrier.arrive $0xFFFF;
	s2 =	simm.s32 @!p0 $0x1C01  }
0xb9: {  	[timem:s3], [sflag:s2] =	dma.local @!p0 [hbm:s0], s1  }
0xba: {  	s0 =	simm.s32 @!p0 $0x1  }
0xbb: {  	_ =	swait.ge @!p0 [sflag:s0], s1  }
0xbc: {  	s1 =	ssub.s32 @!p0 $0x0, s1;
	[sflag:s0] =	ssyncset.done @!p0 $0x0  }
0xbd: {  	[sflag:s0] =	ssyncadd.s32 @!p0 s1  }
0xbe: {  	[bflag:$0x3] =	sbarrier.arrive $0xFFFF  }
0xbf: {  	_ =	shalt  }

</sc_bundles>
